<compile_context>
chip_gen: v7x
topology: tpu7x:2x2x1
jax: 0.10.2.dev20260603
libtpu: 0.0.44.dev20260713+nightly
codegen_flags: <defaults>
</compile_context>

<pallas_src>
import functools

import jax
import jax.numpy as jnp
from jax import lax
from jax.experimental import pallas as pl
from jax.experimental.pallas import tpu as pltpu
from jax.experimental.pallas import tpu_sc as plsc

N = 10240
E = 163840
D = 128
OD2 = 256
NTOW = 2
NC, NS = 2, 16
W = 128
EPT = E // NS
NWIN = EPT // W
RPT = N // NS
DEPTH = 2
CH = 16
NCHUNK = NWIN // CH
BNS = 0.9999950000374996


def _deg_body(dsts2, ones_h, zrow_h, deg, dstt, onesv, zv, acc):
    c = lax.axis_index("c")
    s = lax.axis_index("s")
    pltpu.sync_copy(ones_h, onesv)
    pltpu.sync_copy(zrow_h, zv)
    pltpu.sync_copy(zv, acc.at[pl.ds(s * RPT, RPT)])
    tb = (c * NS + s) * NWIN
    pltpu.sync_copy(dsts2.at[pl.ds(tb, NWIN)], dstt)
    plsc.subcore_barrier()

    def body(w, carry):
        pltpu.sync_copy(onesv, acc.at[dstt.at[w]], add=True)
        return carry

    lax.fori_loop(0, NWIN, body, 0)
    plsc.subcore_barrier()
    pltpu.sync_copy(acc.at[pl.ds(s * RPT, RPT)],
                    deg.at[pl.ds(c * N + s * RPT, RPT)])


def _spmm_body(xs, srcs2, dsts2, y, srct, dstt, rows, acc, sems):
    c = lax.axis_index("c")
    s = lax.axis_index("s")
    rbase = s * RPT
    pltpu.sync_copy(xs.at[pl.ds(c * N + rbase, RPT)],
                    acc.at[pl.ds(rbase, RPT)])
    plsc.subcore_barrier()
    tb = (c * NS + s) * NWIN

    def chunk_body(ch, carry):
        pltpu.sync_copy(srcs2.at[pl.ds(tb + ch * CH, CH)], srct)
        pltpu.sync_copy(dsts2.at[pl.ds(tb + ch * CH, CH)], dstt)
        for k in range(DEPTH - 1):
            pltpu.async_copy(xs.at[srct.at[k]], rows[k], sems[k])
        for w in range(CH):
            b = w % DEPTH
            nb = (b + DEPTH - 1) % DEPTH
            if w + DEPTH - 1 < CH:
                pltpu.async_copy(xs.at[srct.at[w + DEPTH - 1]],
                                 rows[nb], sems[nb])
            pltpu.make_async_copy(xs.at[srct.at[w]], rows[b], sems[b]).wait()
            pltpu.sync_copy(rows[b], acc.at[dstt.at[w]], add=True)
        return carry

    lax.fori_loop(0, NCHUNK, chunk_body, 0)
    plsc.subcore_barrier()
    pltpu.sync_copy(acc.at[pl.ds(rbase, RPT)], y.at[pl.ds(c * N + rbase, RPT)])


@functools.cache
def _sc_kernels():
    mesh = plsc.VectorSubcoreMesh(
        core_axis_name="c", subcore_axis_name="s",
        num_cores=NC, num_subcores=NS)
    deg = pl.kernel(
        _deg_body,
        out_type=jax.ShapeDtypeStruct((NTOW * N,), jnp.float32),
        mesh=mesh,
        scratch_types=[
            pltpu.VMEM((NWIN, W), jnp.int32),
            pltpu.VMEM((W,), jnp.float32),
            pltpu.VMEM((RPT,), jnp.float32),
            pltpu.VMEM_SHARED((N,), jnp.float32),
        ],
    )
    spmm = pl.kernel(
        _spmm_body,
        out_type=jax.ShapeDtypeStruct((NTOW * N, D), jnp.float32),
        mesh=mesh,
        scratch_types=[
            pltpu.VMEM((CH, W), jnp.int32),
            pltpu.VMEM((CH, W), jnp.int32),
            [pltpu.VMEM((W, D), jnp.float32) for _ in range(DEPTH)],
            pltpu.VMEM_SHARED((N, D), jnp.float32),
            [pltpu.SemaphoreType.DMA for _ in range(DEPTH)],
        ],
    )
    return deg, spmm



def _cell_body(cell, Wr1, br1, Wr2, br2, Wr3, br3, Wq, cv_out, q_out):
    x = cell[...]
    nrm = jnp.sqrt(jnp.sum(x * x, axis=1, keepdims=True))
    x = x / jnp.maximum(nrm, 1e-12)
    x = jnp.maximum(
        jnp.dot(x, Wr1[...], preferred_element_type=jnp.float32) + br1[...], 0.0)
    x = jnp.maximum(
        jnp.dot(x, Wr2[...], preferred_element_type=jnp.float32) + br2[...], 0.0)
    cv = jnp.dot(x, Wr3[...], preferred_element_type=jnp.float32) + br3[...]
    cv_out[...] = cv
    q_out[...] = jnp.dot(cv, Wq[...], preferred_element_type=jnp.float32)


def _pre_body(x, Wc1, deg, u1, dinv_out):
    dinv = 1.0 / jnp.sqrt(deg[...] + 1.0)
    t = jnp.dot(x[...], Wc1[...], preferred_element_type=jnp.float32)
    u1[...] = t * dinv
    dinv_out[...] = dinv


def _mid1_body(y, dinv, bc1, Wc2, u2):
    h = jnp.maximum(y[...] * dinv[...] + bc1[...], 0.0)
    u2[...] = jnp.dot(h, Wc2[...], preferred_element_type=jnp.float32) * dinv[...]


def _mid2_body(y, dinv, bc2, u3):
    h = jnp.maximum(y[...] * dinv[...] + bc2[...], 0.0)
    u3[...] = h * dinv[...]


def _head_body(y, dinv, Wc3, bc3, g2, bt2, Wk, Wv, q, ctx_out, pool_out):
    agg = y[...] * dinv[...]
    h3 = jnp.dot(agg, Wc3[...], preferred_element_type=jnp.float32) + bc3[...]
    h3 = jnp.maximum(g2[...] * h3 * BNS + bt2[...], 0.0)
    pool_out[...] = jnp.max(h3.reshape(32, 40, OD2), axis=1)
    K = jnp.dot(h3, Wk[...], preferred_element_type=jnp.float32)
    V = jnp.dot(h3, Wv[...], preferred_element_type=jnp.float32)
    qb = q[...]
    ctxs = []
    for h in range(4):
        Kh = K[:, h * 64:(h + 1) * 64].reshape(32, 40, 64)
        Vh = V[:, h * 64:(h + 1) * 64].reshape(32, 40, 64)
        qh = qb[:, h * 64:(h + 1) * 64]
        s = jnp.sum(Kh * qh[:, None, :], axis=-1) * 0.0625
        m = jnp.max(s, axis=-1, keepdims=True)
        e = jnp.exp(s - m)
        p = e / jnp.sum(e, axis=-1, keepdims=True)
        ctxs.append(jnp.sum(p[:, :, None] * Vh, axis=1))
    ctx_out[...] = jnp.concatenate(ctxs, axis=1)


def _final_body(ctx, pool, cv, Wg1p, Wg1, bg1, g4, bt4, Wf1, bf1, Wo, bo, out):
    ctxa = ctx[...]
    poola = pool[...]
    ctxs = ctxa[0:256] + ctxa[256:512]
    pools = poola[0:256] + poola[256:512]
    drug = (jnp.dot(ctxs, Wg1p[...], preferred_element_type=jnp.float32)
            + jnp.dot(pools, Wg1[...], preferred_element_type=jnp.float32)
            + 2.0 * bg1[...])
    xc = jnp.concatenate([drug, cv[...]], axis=1)
    nrm = jnp.sqrt(jnp.sum(xc * xc, axis=1, keepdims=True))
    xc = xc / jnp.maximum(nrm, 1e-12)
    xc = jnp.maximum(g4[...] * xc * BNS + bt4[...], 0.0)
    xc = jnp.maximum(
        jnp.dot(xc, Wf1[...], preferred_element_type=jnp.float32) + bf1[...], 0.0)
    out[...] = jnp.dot(xc, Wo[...], preferred_element_type=jnp.float32) + bo[...]


def _full(shape):
    return pl.BlockSpec(shape, lambda *_: tuple(0 for _ in shape))


_cell = pl.pallas_call(
    _cell_body,
    out_shape=[jax.ShapeDtypeStruct((256, OD2), jnp.float32),
               jax.ShapeDtypeStruct((256, OD2), jnp.float32)],
)

_pre = pl.pallas_call(
    _pre_body,
    grid=(NTOW * N // 256,),
    in_specs=[pl.BlockSpec((256, 78), lambda i: (i, 0)),
              _full((78, D)),
              pl.BlockSpec((256, 1), lambda i: (i, 0))],
    out_specs=[pl.BlockSpec((256, D), lambda i: (i, 0)),
               pl.BlockSpec((256, 1), lambda i: (i, 0))],
    out_shape=[jax.ShapeDtypeStruct((NTOW * N, D), jnp.float32),
               jax.ShapeDtypeStruct((NTOW * N, 1), jnp.float32)],
)

_mid1 = pl.pallas_call(
    _mid1_body,
    grid=(NTOW * N // 256,),
    in_specs=[pl.BlockSpec((256, D), lambda i: (i, 0)),
              pl.BlockSpec((256, 1), lambda i: (i, 0)),
              _full((1, D)),
              _full((D, D))],
    out_specs=pl.BlockSpec((256, D), lambda i: (i, 0)),
    out_shape=jax.ShapeDtypeStruct((NTOW * N, D), jnp.float32),
)

_mid2 = pl.pallas_call(
    _mid2_body,
    grid=(NTOW * N // 256,),
    in_specs=[pl.BlockSpec((256, D), lambda i: (i, 0)),
              pl.BlockSpec((256, 1), lambda i: (i, 0)),
              _full((1, D))],
    out_specs=pl.BlockSpec((256, D), lambda i: (i, 0)),
    out_shape=jax.ShapeDtypeStruct((NTOW * N, D), jnp.float32),
)

_head = pl.pallas_call(
    _head_body,
    grid=(16,),
    in_specs=[pl.BlockSpec((1280, D), lambda i: (i, 0)),
              pl.BlockSpec((1280, 1), lambda i: (i, 0)),
              _full((D, OD2)),
              _full((1, OD2)),
              _full((1, OD2)),
              _full((1, OD2)),
              _full((OD2, OD2)),
              _full((OD2, OD2)),
              pl.BlockSpec((32, OD2), lambda i: (i % 8, 0))],
    out_specs=[pl.BlockSpec((32, OD2), lambda i: (i, 0)),
               pl.BlockSpec((32, OD2), lambda i: (i, 0))],
    out_shape=[jax.ShapeDtypeStruct((512, OD2), jnp.float32),
               jax.ShapeDtypeStruct((512, OD2), jnp.float32)],
)

_final = pl.pallas_call(
    _final_body,
    out_shape=jax.ShapeDtypeStruct((256, 2), jnp.float32),
)


def kernel(x1, x2, cell, edge_index1, edge_index2, batch1, batch2,
           Wc1, bc1, Wc2, bc2, Wc3, bc3, g2, bt2, g4, bt4,
           Wr1, br1, Wr2, br2, Wr3, br3, Wq, Wk, Wv, Wg1, bg1, Wf1, bf1,
           Wo, bo):
    srcs = jnp.concatenate([edge_index1[0], edge_index2[0] + N]).reshape(-1, W)
    dsts = jnp.concatenate([edge_index1[1], edge_index2[1]]).reshape(-1, W)
    x12 = jnp.concatenate([x1, x2], axis=0)
    ones_h = jnp.ones((W,), jnp.float32)
    zrow_h = jnp.zeros((RPT,), jnp.float32)

    _deg, _spmm = _sc_kernels()
    deg = _deg(dsts, ones_h, zrow_h).reshape(NTOW * N, 1)
    cv, q = _cell(cell, Wr1, br1.reshape(1, -1), Wr2, br2.reshape(1, -1),
                  Wr3, br3.reshape(1, -1), Wq)
    u1, dinv = _pre(x12, Wc1, deg)
    y1 = _spmm(u1, srcs, dsts)
    u2 = _mid1(y1, dinv, bc1.reshape(1, -1), Wc2)
    y2 = _spmm(u2, srcs, dsts)
    u3 = _mid2(y2, dinv, bc2.reshape(1, -1))
    y3 = _spmm(u3, srcs, dsts)
    Wg1p = Wg1.reshape(64, 4, OD2).transpose(1, 0, 2).reshape(OD2, OD2)
    ctx, pool = _head(y3, dinv, Wc3, bc3.reshape(1, -1),
                      g2.reshape(1, -1), bt2.reshape(1, -1), Wk, Wv, q)
    return _final(ctx, pool, cv, Wg1p, Wg1, bg1.reshape(1, -1),
                  g4.reshape(1, -1), bt4.reshape(1, -1), Wf1,
                  bf1.reshape(1, -1), Wo, bo.reshape(1, -1))

# --- scband reference (transcript-rebuilt; emitter-appended) ---
"""Pipeline reference for scband-mpffpsdc-25383256719657 (READ-ONLY COPY).

The authoritative reference and input builder live on the scoring server;
editing this copy changes nothing except your own understanding.
"""

import jax, jax.numpy as jnp
import numpy as np

B, L = 256, 40
N = B * L
E = 163840
D_XD, D_XT, OD = 78, 954, 128


def _gcn(x, src, dst, W, b, n):
    # PyG GCNConv (normalize=True, add_self_loops already folded into src/dst)
    h = x @ W
    ones = jnp.ones(src.shape[0], dtype=x.dtype)
    deg = jax.ops.segment_sum(ones, dst, num_segments=n)
    dinv = jnp.where(deg > 0, 1.0 / jnp.sqrt(deg), 0.0)
    norm = dinv[src] * dinv[dst]
    out = jax.ops.segment_sum(h[src] * norm[:, None], dst, num_segments=n)
    return out + b


def _bn_eval(x, g, b):
    # BatchNorm1d in eval mode with fresh running stats (mean=0, var=1)
    return g * x / jnp.sqrt(1.0 + 1e-5) + b


def _l2norm(x):
    return x / jnp.maximum(jnp.linalg.norm(x, axis=1, keepdims=True), 1e-12)


def setup_inputs(seed: int = 0):
    key = jax.random.key(seed)
    ks = jax.random.split(key, 40)

    def w(i, shape, s=0.05):
        return jax.random.normal(ks[i], shape, jnp.float32) * s

    inp = {}
    inp['x1'] = jax.random.normal(ks[0], (N, D_XD), jnp.float32)
    inp['x2'] = jax.random.normal(ks[1], (N, D_XD), jnp.float32)
    inp['cell'] = jax.random.normal(ks[2], (B, D_XT), jnp.float32)
    inp['edge_index1'] = jax.random.randint(ks[3], (2, E), 0, N, dtype=jnp.int32)
    inp['edge_index2'] = jax.random.randint(ks[4], (2, E), 0, N, dtype=jnp.int32)
    inp['batch1'] = jnp.repeat(jnp.arange(B, dtype=jnp.int32), L)
    inp['batch2'] = jnp.repeat(jnp.arange(B, dtype=jnp.int32), L)
    inp['Wc1'] = w(5, (D_XD, OD)); inp['bc1'] = w(6, (OD,))
    inp['Wc2'] = w(7, (OD, OD)); inp['bc2'] = w(8, (OD,))
    inp['Wc3'] = w(9, (OD, 2 * OD)); inp['bc3'] = w(10, (2 * OD,))
    inp['g2'] = jnp.ones((2 * OD,), jnp.float32); inp['bt2'] = jnp.zeros((2 * OD,), jnp.float32)
    inp['g4'] = jnp.ones((4 * OD,), jnp.float32); inp['bt4'] = jnp.zeros((4 * OD,), jnp.float32)
    inp['Wr1'] = w(11, (D_XT, 512)); inp['br1'] = w(12, (512,))
    inp['Wr2'] = w(13, (512, 256)); inp['br2'] = w(14, (256,))
    inp['Wr3'] = w(15, (256, 2 * OD)); inp['br3'] = w(16, (2 * OD,))
    inp['Wq'] = w(17, (2 * OD, 2 * OD))
    inp['Wk'] = w(18, (2 * OD, 2 * OD))
    inp['Wv'] = w(19, (2 * OD, 2 * OD))
    inp['Wg1'] = w(20, (2 * OD, 2 * OD)); inp['bg1'] = w(21, (2 * OD,))
    inp['Wf1'] = w(22, (4 * OD, 512)); inp['bf1'] = w(23, (512,))
    inp['Wo'] = w(24, (512, 2)); inp['bo'] = w(25, (2,))
    return inp


def reference(x1, x2, cell, edge_index1, edge_index2, batch1, batch2,
              Wc1, bc1, Wc2, bc2, Wc3, bc3, g2, bt2, g4, bt4,
              Wr1, br1, Wr2, br2, Wr3, br3, Wq, Wk, Wv, Wg1, bg1, Wf1, bf1, Wo, bo):
    n = x1.shape[0]
    nb = cell.shape[0]
    maxlen = n // nb  # equal-sized graphs -> padd() == reshape
    relu = jax.nn.relu
    sl = jnp.arange(n, dtype=edge_index1.dtype)
    s1 = jnp.concatenate([edge_index1[0], sl]); d1 = jnp.concatenate([edge_index1[1], sl])
    s2 = jnp.concatenate([edge_index2[0], sl]); d2 = jnp.concatenate([edge_index2[1], sl])
    # drug1 GCN tower (shared for both drugs, as in the torch forward)
    h1 = relu(_gcn(x1, s1, d1, Wc1, bc1, n))
    h1 = relu(_gcn(h1, s1, d1, Wc2, bc2, n))
    h1 = relu(_bn_eval(_gcn(h1, s1, d1, Wc3, bc3, n), g2, bt2))
    h2 = relu(_gcn(x2, s2, d2, Wc1, bc1, n))
    h2 = relu(_gcn(h2, s2, d2, Wc2, bc2, n))
    h2 = relu(_bn_eval(_gcn(h2, s2, d2, Wc3, bc3, n), g2, bt2))
    # cell line reduction MLP
    cv = _l2norm(cell)
    cv = relu(cv @ Wr1 + br1)
    cv = relu(cv @ Wr2 + br2)
    cv = cv @ Wr3 + br3
    # global max pool
    A = jax.ops.segment_max(h1, batch1, num_segments=nb)
    Bp = jax.ops.segment_max(h2, batch2, num_segments=nb)
    XA = h1.reshape(nb, maxlen, 2 * OD)
    XB = h2.reshape(nb, maxlen, 2 * OD)
    Q = (cv @ Wq).reshape(nb, 4, 64)[..., None]  # [B,4,64,1]

    def attn(X):
        K = (X @ Wk).reshape(nb, -1, 4, 64).transpose(0, 2, 1, 3)
        V = (X @ Wv).reshape(nb, -1, 4, 64).transpose(0, 2, 1, 3)
        sc = jnp.matmul(K, Q) / np.sqrt(2.0 * OD)
        sc = jax.nn.softmax(sc.reshape(nb, 4, 1, -1), axis=-1)
        ctx = jnp.matmul(sc, V).reshape(nb, 4, 64)
        return ctx.transpose(0, 2, 1).reshape(nb, -1)

    attena = attn(XA) + A
    attena = attena @ Wg1 + bg1
    attenb = attn(XB) + Bp
    attenb = attenb @ Wg1 + bg1
    drug = attena + attenb
    xc = jnp.concatenate([drug, cv], axis=1)
    xc = _l2norm(xc)
    # dropout is identity in eval mode
    xc = relu(_bn_eval(xc, g4, bt4))
    xc = relu(xc @ Wf1 + bf1)
    return xc @ Wo + bo

if __name__ == "__main__":
    import jax
    _d = setup_inputs()
    print(jax.jit(kernel)(*tuple(_d.values())))

</pallas_src>

<mosaic_0001>
#map = affine_map<(d0, d1) -> (0, 0)>
module attributes {stable_mosaic.version = 14 : i64} {
  func.func @_spmm_body(%arg0: i32, %arg1: i32, %arg2: memref<20480x128xf32, #tpu.memory_space<hbm>>, %arg3: memref<2560x128xi32, #tpu.memory_space<hbm>>, %arg4: memref<2560x128xi32, #tpu.memory_space<hbm>>, %arg5: memref<20480x128xf32, #tpu.memory_space<hbm>>, %arg6: memref<16x128xi32, #tpu.memory_space<vmem>>, %arg7: memref<16x128xi32, #tpu.memory_space<vmem>>, %arg8: memref<128x128xf32, #tpu.memory_space<vmem>>, %arg9: memref<128x128xf32, #tpu.memory_space<vmem>>, %arg10: memref<10240x128xf32, #tpu.memory_space<vmem_shared>>, %arg11: memref<!tpu.dma_semaphore, #tpu.memory_space<semaphore_mem>>, %arg12: memref<!tpu.dma_semaphore, #tpu.memory_space<semaphore_mem>>) attributes {dimension_semantics = [#tpu.dimension_semantics<core_parallel>, #tpu.dimension_semantics<subcore_parallel>], iteration_bounds = array<i64: 2, 16>, scalar_prefetch = 0 : i64, scratch_operands = 7 : i64, tpu.core_type = #tpu.core_type<sc_vector_subcore>, window_params = [{transform_indices = #map}, {transform_indices = #map}, {transform_indices = #map}, {transform_indices = #map}]} {
    %mul3A = arith.constant 640 : i32
    %mul3A_0 = arith.muli %arg1, %mul3A : i32
    %mul3A_1 = arith.constant 10240 : i32
    %mul3A_2 = arith.muli %arg0, %mul3A_1 : i32
    %add3A = arith.addi %mul3A_2, %mul3A_0 : i32
    "tpu.region"() ({
      %run_scoped3A = tpu.sem_alloc : memref<!tpu.dma_semaphore, #tpu.memory_space<semaphore_mem>>
      %dma_start3A = arith.constant 0 : i32
      %dma_start3A_17 = tpu.memref_slice %arg10[%mul3A_0, %dma_start3A] : memref<10240x128xf32, #tpu.memory_space<vmem_shared>> -> memref<640x128xf32, #tpu.memory_space<vmem_shared>>
      %dma_start3A_18 = arith.constant 0 : i32
      %dma_start3A_19 = tpu.memref_slice %arg2[%add3A, %dma_start3A_18] : memref<20480x128xf32, #tpu.memory_space<hbm>> -> memref<640x128xf32, #tpu.memory_space<hbm>>
      tpu.enqueue_dma source(%dma_start3A_19 : memref<640x128xf32, #tpu.memory_space<hbm>>) target(%dma_start3A_17 : memref<640x128xf32, #tpu.memory_space<vmem_shared>>) target_semaphore(%run_scoped3A : memref<!tpu.dma_semaphore, #tpu.memory_space<semaphore_mem>>)
      %dma_wait3A = arith.constant 0 : i32
      %dma_wait3A_20 = tpu.memref_slice %arg10[%mul3A_0, %dma_wait3A] : memref<10240x128xf32, #tpu.memory_space<vmem_shared>> -> memref<640x128xf32, #tpu.memory_space<vmem_shared>>
      %dma_wait3A_21 = arith.constant 0 : i32
      %dma_wait3A_22 = tpu.memref_slice %arg2[%add3A, %dma_wait3A_21] : memref<20480x128xf32, #tpu.memory_space<hbm>> -> memref<640x128xf32, #tpu.memory_space<hbm>>
      tpu.wait_dma2 semaphore(%run_scoped3A : memref<!tpu.dma_semaphore, #tpu.memory_space<semaphore_mem>>) src(%dma_wait3A_22 : memref<640x128xf32, #tpu.memory_space<hbm>>) dst(%dma_wait3A_20 : memref<640x128xf32, #tpu.memory_space<vmem_shared>>)
      tpu.yield
    }) : () -> ()
    %barrier3A = arith.constant 0 : index
    tpu.barrier barrier_id(%barrier3A)
    %mul3A_3 = arith.constant 16 : i32
    %mul3A_4 = arith.muli %arg0, %mul3A_3 : i32
    %add3A_5 = arith.addi %mul3A_4, %arg1 : i32
    %mul3A_6 = arith.constant 80 : i32
    %mul3A_7 = arith.muli %add3A_5, %mul3A_6 : i32
    %scan3A = arith.constant 0 : i32
    %scan3A_8 = arith.constant 0 : i32
    %scan3A_9 = arith.constant 5 : i32
    %scan3A_10 = arith.addi %scan3A_8, %scan3A_9 : i32
    %scan3A_11 = arith.constant 1 : i32
    scf.for %scan3A_17 = %scan3A_8 to %scan3A_10 step %scan3A_11  : i32 {
      %mul3A_18 = arith.constant 16 : i32
      %mul3A_19 = arith.muli %scan3A_17, %mul3A_18 : i32
      %add3A_20 = arith.addi %mul3A_7, %mul3A_19 : i32
      "tpu.region"() ({
        %run_scoped3A_261 = tpu.sem_alloc : memref<!tpu.dma_semaphore, #tpu.memory_space<semaphore_mem>>
        %dma_start3A_262 = arith.constant 0 : i32
        %dma_start3A_263 = tpu.memref_slice %arg3[%add3A_20, %dma_start3A_262] : memref<2560x128xi32, #tpu.memory_space<hbm>> -> memref<16x128xi32, #tpu.memory_space<hbm>>
        %dma_start3A_264 = arith.constant 0 : i32
        %dma_start3A_265 = tpu.memref_slice %arg3[%add3A_20, %dma_start3A_264] : memref<2560x128xi32, #tpu.memory_space<hbm>> -> memref<16x128xi32, #tpu.memory_space<hbm>>
        tpu.enqueue_dma source(%dma_start3A_265 : memref<16x128xi32, #tpu.memory_space<hbm>>) target(%arg6 : memref<16x128xi32, #tpu.memory_space<vmem>>) target_semaphore(%run_scoped3A_261 : memref<!tpu.dma_semaphore, #tpu.memory_space<semaphore_mem>>)
        %dma_wait3A_266 = arith.constant 0 : i32
        %dma_wait3A_267 = tpu.memref_slice %arg3[%add3A_20, %dma_wait3A_266] : memref<2560x128xi32, #tpu.memory_space<hbm>> -> memref<16x128xi32, #tpu.memory_space<hbm>>
        %dma_wait3A_268 = arith.constant 0 : i32
        %dma_wait3A_269 = tpu.memref_slice %arg3[%add3A_20, %dma_wait3A_268] : memref<2560x128xi32, #tpu.memory_space<hbm>> -> memref<16x128xi32, #tpu.memory_space<hbm>>
        tpu.wait_dma2 semaphore(%run_scoped3A_261 : memref<!tpu.dma_semaphore, #tpu.memory_space<semaphore_mem>>) src(%dma_wait3A_269 : memref<16x128xi32, #tpu.memory_space<hbm>>) dst(%arg6 : memref<16x128xi32, #tpu.memory_space<vmem>>)
        tpu.yield
      }) : () -> ()
      %mul3A_21 = arith.constant 16 : i32
      %mul3A_22 = arith.muli %scan3A_17, %mul3A_21 : i32
      %add3A_23 = arith.addi %mul3A_7, %mul3A_22 : i32
      "tpu.region"() ({
        %run_scoped3A_261 = tpu.sem_alloc : memref<!tpu.dma_semaphore, #tpu.memory_space<semaphore_mem>>
        %dma_start3A_262 = arith.constant 0 : i32
        %dma_start3A_263 = tpu.memref_slice %arg4[%add3A_23, %dma_start3A_262] : memref<2560x128xi32, #tpu.memory_space<hbm>> -> memref<16x128xi32, #tpu.memory_space<hbm>>
        %dma_start3A_264 = arith.constant 0 : i32
        %dma_start3A_265 = tpu.memref_slice %arg4[%add3A_23, %dma_start3A_264] : memref<2560x128xi32, #tpu.memory_space<hbm>> -> memref<16x128xi32, #tpu.memory_space<hbm>>
        tpu.enqueue_dma source(%dma_start3A_265 : memref<16x128xi32, #tpu.memory_space<hbm>>) target(%arg7 : memref<16x128xi32, #tpu.memory_space<vmem>>) target_semaphore(%run_scoped3A_261 : memref<!tpu.dma_semaphore, #tpu.memory_space<semaphore_mem>>)
        %dma_wait3A_266 = arith.constant 0 : i32
        %dma_wait3A_267 = tpu.memref_slice %arg4[%add3A_23, %dma_wait3A_266] : memref<2560x128xi32, #tpu.memory_space<hbm>> -> memref<16x128xi32, #tpu.memory_space<hbm>>
        %dma_wait3A_268 = arith.constant 0 : i32
        %dma_wait3A_269 = tpu.memref_slice %arg4[%add3A_23, %dma_wait3A_268] : memref<2560x128xi32, #tpu.memory_space<hbm>> -> memref<16x128xi32, #tpu.memory_space<hbm>>
        tpu.wait_dma2 semaphore(%run_scoped3A_261 : memref<!tpu.dma_semaphore, #tpu.memory_space<semaphore_mem>>) src(%dma_wait3A_269 : memref<16x128xi32, #tpu.memory_space<hbm>>) dst(%arg7 : memref<16x128xi32, #tpu.memory_space<vmem>>)
        tpu.yield
      }) : () -> ()
      %dma_start3A = arith.constant 0 : i32
      %dma_start3A_24 = arith.constant 0 : i32
      %dma_start3A_25 = tpu.memref_slice %arg6[%dma_start3A, %dma_start3A_24] : memref<16x128xi32, #tpu.memory_space<vmem>> -> memref<1x128xi32, #tpu.memory_space<vmem>>
      %dma_start3A_26 = tpu.memref_squeeze %dma_start3A_25 : memref<1x128xi32, #tpu.memory_space<vmem>> -> memref<128xi32, #tpu.memory_space<vmem>>
      %dma_start3A_27 = arith.constant 0 : i32
      %dma_start3A_28 = arith.constant 0 : i32
      %dma_start3A_29 = tpu.memref_slice %arg2[%dma_start3A_27, %dma_start3A_28] : memref<20480x128xf32, #tpu.memory_space<hbm>> -> memref<20480x128xf32, #tpu.memory_space<hbm>>
      tpu.enqueue_indirect_dma source(%dma_start3A_29 : memref<20480x128xf32, #tpu.memory_space<hbm>>) target(%arg8 : memref<128x128xf32, #tpu.memory_space<vmem>>) offsets(%dma_start3A_26 : memref<128xi32, #tpu.memory_space<vmem>>) semaphore(%arg11 : memref<!tpu.dma_semaphore, #tpu.memory_space<semaphore_mem>>)
      %dma_start3A_30 = arith.constant 1 : i32
      %dma_start3A_31 = arith.constant 0 : i32
      %dma_start3A_32 = tpu.memref_slice %arg6[%dma_start3A_30, %dma_start3A_31] : memref<16x128xi32, #tpu.memory_space<vmem>> -> memref<1x128xi32, #tpu.memory_space<vmem>>
      %dma_start3A_33 = tpu.memref_squeeze %dma_start3A_32 : memref<1x128xi32, #tpu.memory_space<vmem>> -> memref<128xi32, #tpu.memory_space<vmem>>
      %dma_start3A_34 = arith.constant 0 : i32
      %dma_start3A_35 = arith.constant 0 : i32
      %dma_start3A_36 = tpu.memref_slice %arg2[%dma_start3A_34, %dma_start3A_35] : memref<20480x128xf32, #tpu.memory_space<hbm>> -> memref<20480x128xf32, #tpu.memory_space<hbm>>
      tpu.enqueue_indirect_dma source(%dma_start3A_36 : memref<20480x128xf32, #tpu.memory_space<hbm>>) target(%arg9 : memref<128x128xf32, #tpu.memory_space<vmem>>) offsets(%dma_start3A_33 : memref<128xi32, #tpu.memory_space<vmem>>) semaphore(%arg12 : memref<!tpu.dma_semaphore, #tpu.memory_space<semaphore_mem>>)
      %dma_wait3A = arith.constant 0 : i32
      %dma_wait3A_37 = arith.constant 0 : i32
      %dma_wait3A_38 = tpu.memref_slice %arg6[%dma_wait3A, %dma_wait3A_37] : memref<16x128xi32, #tpu.memory_space<vmem>> -> memref<1x128xi32, #tpu.memory_space<vmem>>
      %dma_wait3A_39 = tpu.memref_squeeze %dma_wait3A_38 : memref<1x128xi32, #tpu.memory_space<vmem>> -> memref<128xi32, #tpu.memory_space<vmem>>
      %dma_wait3A_40 = arith.constant 0 : i32
      %dma_wait3A_41 = arith.constant 0 : i32
      %dma_wait3A_42 = tpu.memref_slice %arg2[%dma_wait3A_40, %dma_wait3A_41] : memref<20480x128xf32, #tpu.memory_space<hbm>> -> memref<20480x128xf32, #tpu.memory_space<hbm>>
      tpu.wait_indirect_dma semaphore(%arg11 : memref<!tpu.dma_semaphore, #tpu.memory_space<semaphore_mem>>) src(%dma_wait3A_42 : memref<20480x128xf32, #tpu.memory_space<hbm>>) dst(%arg8 : memref<128x128xf32, #tpu.memory_space<vmem>>)
      %run_scoped3A = arith.constant 0 : i32
      "tpu.region"() ({
        %run_scoped3A_261 = tpu.sem_alloc : memref<!tpu.dma_semaphore, #tpu.memory_space<semaphore_mem>>
        %dma_start3A_262 = arith.constant 0 : i32
        %dma_start3A_263 = tpu.memref_slice %arg7[%run_scoped3A, %dma_start3A_262] : memref<16x128xi32, #tpu.memory_space<vmem>> -> memref<1x128xi32, #tpu.memory_space<vmem>>
        %dma_start3A_264 = tpu.memref_squeeze %dma_start3A_263 : memref<1x128xi32, #tpu.memory_space<vmem>> -> memref<128xi32, #tpu.memory_space<vmem>>
        %dma_start3A_265 = arith.constant 0 : i32
        %dma_start3A_266 = arith.constant 0 : i32
        %dma_start3A_267 = tpu.memref_slice %arg10[%dma_start3A_265, %dma_start3A_266] : memref<10240x128xf32, #tpu.memory_space<vmem_shared>> -> memref<10240x128xf32, #tpu.memory_space<vmem_shared>>
        tpu.enqueue_indirect_dma source(%arg8 : memref<128x128xf32, #tpu.memory_space<vmem>>) target(%dma_start3A_267 : memref<10240x128xf32, #tpu.memory_space<vmem_shared>>) offsets(%dma_start3A_264 : memref<128xi32, #tpu.memory_space<vmem>>) semaphore(%run_scoped3A_261 : memref<!tpu.dma_semaphore, #tpu.memory_space<semaphore_mem>>) {add = true}
        %dma_wait3A_268 = arith.constant 0 : i32
        %dma_wait3A_269 = tpu.memref_slice %arg7[%run_scoped3A, %dma_wait3A_268] : memref<16x128xi32, #tpu.memory_space<vmem>> -> memref<1x128xi32, #tpu.memory_space<vmem>>
        %dma_wait3A_270 = tpu.memref_squeeze %dma_wait3A_269 : memref<1x128xi32, #tpu.memory_space<vmem>> -> memref<128xi32, #tpu.memory_space<vmem>>
        %dma_wait3A_271 = arith.constant 0 : i32
        %dma_wait3A_272 = arith.constant 0 : i32
        %dma_wait3A_273 = tpu.memref_slice %arg10[%dma_wait3A_271, %dma_wait3A_272] : memref<10240x128xf32, #tpu.memory_space<vmem_shared>> -> memref<10240x128xf32, #tpu.memory_space<vmem_shared>>
        tpu.wait_indirect_dma semaphore(%run_scoped3A_261 : memref<!tpu.dma_semaphore, #tpu.memory_space<semaphore_mem>>) src(%arg8 : memref<128x128xf32, #tpu.memory_space<vmem>>) dst(%dma_wait3A_273 : memref<10240x128xf32, #tpu.memory_space<vmem_shared>>)
        tpu.yield
      }) : () -> ()
      %dma_start3A_43 = arith.constant 2 : i32
      %dma_start3A_44 = arith.constant 0 : i32
      %dma_start3A_45 = tpu.memref_slice %arg6[%dma_start3A_43, %dma_start3A_44] : memref<16x128xi32, #tpu.memory_space<vmem>> -> memref<1x128xi32, #tpu.memory_space<vmem>>
      %dma_start3A_46 = tpu.memref_squeeze %dma_start3A_45 : memref<1x128xi32, #tpu.memory_space<vmem>> -> memref<128xi32, #tpu.memory_space<vmem>>
      %dma_start3A_47 = arith.constant 0 : i32
      %dma_start3A_48 = arith.constant 0 : i32
      %dma_start3A_49 = tpu.memref_slice %arg2[%dma_start3A_47, %dma_start3A_48] : memref<20480x128xf32, #tpu.memory_space<hbm>> -> memref<20480x128xf32, #tpu.memory_space<hbm>>
      tpu.enqueue_indirect_dma source(%dma_start3A_49 : memref<20480x128xf32, #tpu.memory_space<hbm>>) target(%arg8 : memref<128x128xf32, #tpu.memory_space<vmem>>) offsets(%dma_start3A_46 : memref<128xi32, #tpu.memory_space<vmem>>) semaphore(%arg11 : memref<!tpu.dma_semaphore, #tpu.memory_space<semaphore_mem>>)
      %dma_wait3A_50 = arith.constant 1 : i32
      %dma_wait3A_51 = arith.constant 0 : i32
      %dma_wait3A_52 = tpu.memref_slice %arg6[%dma_wait3A_50, %dma_wait3A_51] : memref<16x128xi32, #tpu.memory_space<vmem>> -> memref<1x128xi32, #tpu.memory_space<vmem>>
      %dma_wait3A_53 = tpu.memref_squeeze %dma_wait3A_52 : memref<1x128xi32, #tpu.memory_space<vmem>> -> memref<128xi32, #tpu.memory_space<vmem>>
      %dma_wait3A_54 = arith.constant 0 : i32
      %dma_wait3A_55 = arith.constant 0 : i32
      %dma_wait3A_56 = tpu.memref_slice %arg2[%dma_wait3A_54, %dma_wait3A_55] : memref<20480x128xf32, #tpu.memory_space<hbm>> -> memref<20480x128xf32, #tpu.memory_space<hbm>>
      tpu.wait_indirect_dma semaphore(%arg12 : memref<!tpu.dma_semaphore, #tpu.memory_space<semaphore_mem>>) src(%dma_wait3A_56 : memref<20480x128xf32, #tpu.memory_space<hbm>>) dst(%arg9 : memref<128x128xf32, #tpu.memory_space<vmem>>)
      %run_scoped3A_57 = arith.constant 1 : i32
      "tpu.region"() ({
        %run_scoped3A_261 = tpu.sem_alloc : memref<!tpu.dma_semaphore, #tpu.memory_space<semaphore_mem>>
        %dma_start3A_262 = arith.constant 0 : i32
        %dma_start3A_263 = tpu.memref_slice %arg7[%run_scoped3A_57, %dma_start3A_262] : memref<16x128xi32, #tpu.memory_space<vmem>> -> memref<1x128xi32, #tpu.memory_space<vmem>>
        %dma_start3A_264 = tpu.memref_squeeze %dma_start3A_263 : memref<1x128xi32, #tpu.memory_space<vmem>> -> memref<128xi32, #tpu.memory_space<vmem>>
        %dma_start3A_265 = arith.constant 0 : i32
        %dma_start3A_266 = arith.constant 0 : i32
        %dma_start3A_267 = tpu.memref_slice %arg10[%dma_start3A_265, %dma_start3A_266] : memref<10240x128xf32, #tpu.memory_space<vmem_shared>> -> memref<10240x128xf32, #tpu.memory_space<vmem_shared>>
        tpu.enqueue_indirect_dma source(%arg9 : memref<128x128xf32, #tpu.memory_space<vmem>>) target(%dma_start3A_267 : memref<10240x128xf32, #tpu.memory_space<vmem_shared>>) offsets(%dma_start3A_264 : memref<128xi32, #tpu.memory_space<vmem>>) semaphore(%run_scoped3A_261 : memref<!tpu.dma_semaphore, #tpu.memory_space<semaphore_mem>>) {add = true}
        %dma_wait3A_268 = arith.constant 0 : i32
        %dma_wait3A_269 = tpu.memref_slice %arg7[%run_scoped3A_57, %dma_wait3A_268] : memref<16x128xi32, #tpu.memory_space<vmem>> -> memref<1x128xi32, #tpu.memory_space<vmem>>
        %dma_wait3A_270 = tpu.memref_squeeze %dma_wait3A_269 : memref<1x128xi32, #tpu.memory_space<vmem>> -> memref<128xi32, #tpu.memory_space<vmem>>
        %dma_wait3A_271 = arith.constant 0 : i32
        %dma_wait3A_272 = arith.constant 0 : i32
        %dma_wait3A_273 = tpu.memref_slice %arg10[%dma_wait3A_271, %dma_wait3A_272] : memref<10240x128xf32, #tpu.memory_space<vmem_shared>> -> memref<10240x128xf32, #tpu.memory_space<vmem_shared>>
        tpu.wait_indirect_dma semaphore(%run_scoped3A_261 : memref<!tpu.dma_semaphore, #tpu.memory_space<semaphore_mem>>) src(%arg9 : memref<128x128xf32, #tpu.memory_space<vmem>>) dst(%dma_wait3A_273 : memref<10240x128xf32, #tpu.memory_space<vmem_shared>>)
        tpu.yield
      }) : () -> ()
      %dma_start3A_58 = arith.constant 3 : i32
      %dma_start3A_59 = arith.constant 0 : i32
      %dma_start3A_60 = tpu.memref_slice %arg6[%dma_start3A_58, %dma_start3A_59] : memref<16x128xi32, #tpu.memory_space<vmem>> -> memref<1x128xi32, #tpu.memory_space<vmem>>
      %dma_start3A_61 = tpu.memref_squeeze %dma_start3A_60 : memref<1x128xi32, #tpu.memory_space<vmem>> -> memref<128xi32, #tpu.memory_space<vmem>>
      %dma_start3A_62 = arith.constant 0 : i32
      %dma_start3A_63 = arith.constant 0 : i32
      %dma_start3A_64 = tpu.memref_slice %arg2[%dma_start3A_62, %dma_start3A_63] : memref<20480x128xf32, #tpu.memory_space<hbm>> -> memref<20480x128xf32, #tpu.memory_space<hbm>>
      tpu.enqueue_indirect_dma source(%dma_start3A_64 : memref<20480x128xf32, #tpu.memory_space<hbm>>) target(%arg9 : memref<128x128xf32, #tpu.memory_space<vmem>>) offsets(%dma_start3A_61 : memref<128xi32, #tpu.memory_space<vmem>>) semaphore(%arg12 : memref<!tpu.dma_semaphore, #tpu.memory_space<semaphore_mem>>)
      %dma_wait3A_65 = arith.constant 2 : i32
      %dma_wait3A_66 = arith.constant 0 : i32
      %dma_wait3A_67 = tpu.memref_slice %arg6[%dma_wait3A_65, %dma_wait3A_66] : memref<16x128xi32, #tpu.memory_space<vmem>> -> memref<1x128xi32, #tpu.memory_space<vmem>>
      %dma_wait3A_68 = tpu.memref_squeeze %dma_wait3A_67 : memref<1x128xi32, #tpu.memory_space<vmem>> -> memref<128xi32, #tpu.memory_space<vmem>>
      %dma_wait3A_69 = arith.constant 0 : i32
      %dma_wait3A_70 = arith.constant 0 : i32
      %dma_wait3A_71 = tpu.memref_slice %arg2[%dma_wait3A_69, %dma_wait3A_70] : memref<20480x128xf32, #tpu.memory_space<hbm>> -> memref<20480x128xf32, #tpu.memory_space<hbm>>
      tpu.wait_indirect_dma semaphore(%arg11 : memref<!tpu.dma_semaphore, #tpu.memory_space<semaphore_mem>>) src(%dma_wait3A_71 : memref<20480x128xf32, #tpu.memory_space<hbm>>) dst(%arg8 : memref<128x128xf32, #tpu.memory_space<vmem>>)
      %run_scoped3A_72 = arith.constant 2 : i32
      "tpu.region"() ({
        %run_scoped3A_261 = tpu.sem_alloc : memref<!tpu.dma_semaphore, #tpu.memory_space<semaphore_mem>>
        %dma_start3A_262 = arith.constant 0 : i32
        %dma_start3A_263 = tpu.memref_slice %arg7[%run_scoped3A_72, %dma_start3A_262] : memref<16x128xi32, #tpu.memory_space<vmem>> -> memref<1x128xi32, #tpu.memory_space<vmem>>
        %dma_start3A_264 = tpu.memref_squeeze %dma_start3A_263 : memref<1x128xi32, #tpu.memory_space<vmem>> -> memref<128xi32, #tpu.memory_space<vmem>>
        %dma_start3A_265 = arith.constant 0 : i32
        %dma_start3A_266 = arith.constant 0 : i32
        %dma_start3A_267 = tpu.memref_slice %arg10[%dma_start3A_265, %dma_start3A_266] : memref<10240x128xf32, #tpu.memory_space<vmem_shared>> -> memref<10240x128xf32, #tpu.memory_space<vmem_shared>>
        tpu.enqueue_indirect_dma source(%arg8 : memref<128x128xf32, #tpu.memory_space<vmem>>) target(%dma_start3A_267 : memref<10240x128xf32, #tpu.memory_space<vmem_shared>>) offsets(%dma_start3A_264 : memref<128xi32, #tpu.memory_space<vmem>>) semaphore(%run_scoped3A_261 : memref<!tpu.dma_semaphore, #tpu.memory_space<semaphore_mem>>) {add = true}
        %dma_wait3A_268 = arith.constant 0 : i32
        %dma_wait3A_269 = tpu.memref_slice %arg7[%run_scoped3A_72, %dma_wait3A_268] : memref<16x128xi32, #tpu.memory_space<vmem>> -> memref<1x128xi32, #tpu.memory_space<vmem>>
        %dma_wait3A_270 = tpu.memref_squeeze %dma_wait3A_269 : memref<1x128xi32, #tpu.memory_space<vmem>> -> memref<128xi32, #tpu.memory_space<vmem>>
        %dma_wait3A_271 = arith.constant 0 : i32
        %dma_wait3A_272 = arith.constant 0 : i32
        %dma_wait3A_273 = tpu.memref_slice %arg10[%dma_wait3A_271, %dma_wait3A_272] : memref<10240x128xf32, #tpu.memory_space<vmem_shared>> -> memref<10240x128xf32, #tpu.memory_space<vmem_shared>>
        tpu.wait_indirect_dma semaphore(%run_scoped3A_261 : memref<!tpu.dma_semaphore, #tpu.memory_space<semaphore_mem>>) src(%arg8 : memref<128x128xf32, #tpu.memory_space<vmem>>) dst(%dma_wait3A_273 : memref<10240x128xf32, #tpu.memory_space<vmem_shared>>)
        tpu.yield
      }) : () -> ()
      %dma_start3A_73 = arith.constant 4 : i32
      %dma_start3A_74 = arith.constant 0 : i32
      %dma_start3A_75 = tpu.memref_slice %arg6[%dma_start3A_73, %dma_start3A_74] : memref<16x128xi32, #tpu.memory_space<vmem>> -> memref<1x128xi32, #tpu.memory_space<vmem>>
      %dma_start3A_76 = tpu.memref_squeeze %dma_start3A_75 : memref<1x128xi32, #tpu.memory_space<vmem>> -> memref<128xi32, #tpu.memory_space<vmem>>
      %dma_start3A_77 = arith.constant 0 : i32
      %dma_start3A_78 = arith.constant 0 : i32
      %dma_start3A_79 = tpu.memref_slice %arg2[%dma_start3A_77, %dma_start3A_78] : memref<20480x128xf32, #tpu.memory_space<hbm>> -> memref<20480x128xf32, #tpu.memory_space<hbm>>
      tpu.enqueue_indirect_dma source(%dma_start3A_79 : memref<20480x128xf32, #tpu.memory_space<hbm>>) target(%arg8 : memref<128x128xf32, #tpu.memory_space<vmem>>) offsets(%dma_start3A_76 : memref<128xi32, #tpu.memory_space<vmem>>) semaphore(%arg11 : memref<!tpu.dma_semaphore, #tpu.memory_space<semaphore_mem>>)
      %dma_wait3A_80 = arith.constant 3 : i32
      %dma_wait3A_81 = arith.constant 0 : i32
      %dma_wait3A_82 = tpu.memref_slice %arg6[%dma_wait3A_80, %dma_wait3A_81] : memref<16x128xi32, #tpu.memory_space<vmem>> -> memref<1x128xi32, #tpu.memory_space<vmem>>
      %dma_wait3A_83 = tpu.memref_squeeze %dma_wait3A_82 : memref<1x128xi32, #tpu.memory_space<vmem>> -> memref<128xi32, #tpu.memory_space<vmem>>
      %dma_wait3A_84 = arith.constant 0 : i32
      %dma_wait3A_85 = arith.constant 0 : i32
      %dma_wait3A_86 = tpu.memref_slice %arg2[%dma_wait3A_84, %dma_wait3A_85] : memref<20480x128xf32, #tpu.memory_space<hbm>> -> memref<20480x128xf32, #tpu.memory_space<hbm>>
      tpu.wait_indirect_dma semaphore(%arg12 : memref<!tpu.dma_semaphore, #tpu.memory_space<semaphore_mem>>) src(%dma_wait3A_86 : memref<20480x128xf32, #tpu.memory_space<hbm>>) dst(%arg9 : memref<128x128xf32, #tpu.memory_space<vmem>>)
      %run_scoped3A_87 = arith.constant 3 : i32
      "tpu.region"() ({
        %run_scoped3A_261 = tpu.sem_alloc : memref<!tpu.dma_semaphore, #tpu.memory_space<semaphore_mem>>
        %dma_start3A_262 = arith.constant 0 : i32
        %dma_start3A_263 = tpu.memref_slice %arg7[%run_scoped3A_87, %dma_start3A_262] : memref<16x128xi32, #tpu.memory_space<vmem>> -> memref<1x128xi32, #tpu.memory_space<vmem>>
        %dma_start3A_264 = tpu.memref_squeeze %dma_start3A_263 : memref<1x128xi32, #tpu.memory_space<vmem>> -> memref<128xi32, #tpu.memory_space<vmem>>
        %dma_start3A_265 = arith.constant 0 : i32
        %dma_start3A_266 = arith.constant 0 : i32
        %dma_start3A_267 = tpu.memref_slice %arg10[%dma_start3A_265, %dma_start3A_266] : memref<10240x128xf32, #tpu.memory_space<vmem_shared>> -> memref<10240x128xf32, #tpu.memory_space<vmem_shared>>
        tpu.enqueue_indirect_dma source(%arg9 : memref<128x128xf32, #tpu.memory_space<vmem>>) target(%dma_start3A_267 : memref<10240x128xf32, #tpu.memory_space<vmem_shared>>) offsets(%dma_start3A_264 : memref<128xi32, #tpu.memory_space<vmem>>) semaphore(%run_scoped3A_261 : memref<!tpu.dma_semaphore, #tpu.memory_space<semaphore_mem>>) {add = true}
        %dma_wait3A_268 = arith.constant 0 : i32
        %dma_wait3A_269 = tpu.memref_slice %arg7[%run_scoped3A_87, %dma_wait3A_268] : memref<16x128xi32, #tpu.memory_space<vmem>> -> memref<1x128xi32, #tpu.memory_space<vmem>>
        %dma_wait3A_270 = tpu.memref_squeeze %dma_wait3A_269 : memref<1x128xi32, #tpu.memory_space<vmem>> -> memref<128xi32, #tpu.memory_space<vmem>>
        %dma_wait3A_271 = arith.constant 0 : i32
        %dma_wait3A_272 = arith.constant 0 : i32
        %dma_wait3A_273 = tpu.memref_slice %arg10[%dma_wait3A_271, %dma_wait3A_272] : memref<10240x128xf32, #tpu.memory_space<vmem_shared>> -> memref<10240x128xf32, #tpu.memory_space<vmem_shared>>
        tpu.wait_indirect_dma semaphore(%run_scoped3A_261 : memref<!tpu.dma_semaphore, #tpu.memory_space<semaphore_mem>>) src(%arg9 : memref<128x128xf32, #tpu.memory_space<vmem>>) dst(%dma_wait3A_273 : memref<10240x128xf32, #tpu.memory_space<vmem_shared>>)
        tpu.yield
      }) : () -> ()
      %dma_start3A_88 = arith.constant 5 : i32
      %dma_start3A_89 = arith.constant 0 : i32
      %dma_start3A_90 = tpu.memref_slice %arg6[%dma_start3A_88, %dma_start3A_89] : memref<16x128xi32, #tpu.memory_space<vmem>> -> memref<1x128xi32, #tpu.memory_space<vmem>>
      %dma_start3A_91 = tpu.memref_squeeze %dma_start3A_90 : memref<1x128xi32, #tpu.memory_space<vmem>> -> memref<128xi32, #tpu.memory_space<vmem>>
      %dma_start3A_92 = arith.constant 0 : i32
      %dma_start3A_93 = arith.constant 0 : i32
      %dma_start3A_94 = tpu.memref_slice %arg2[%dma_start3A_92, %dma_start3A_93] : memref<20480x128xf32, #tpu.memory_space<hbm>> -> memref<20480x128xf32, #tpu.memory_space<hbm>>
      tpu.enqueue_indirect_dma source(%dma_start3A_94 : memref<20480x128xf32, #tpu.memory_space<hbm>>) target(%arg9 : memref<128x128xf32, #tpu.memory_space<vmem>>) offsets(%dma_start3A_91 : memref<128xi32, #tpu.memory_space<vmem>>) semaphore(%arg12 : memref<!tpu.dma_semaphore, #tpu.memory_space<semaphore_mem>>)
      %dma_wait3A_95 = arith.constant 4 : i32
      %dma_wait3A_96 = arith.constant 0 : i32
      %dma_wait3A_97 = tpu.memref_slice %arg6[%dma_wait3A_95, %dma_wait3A_96] : memref<16x128xi32, #tpu.memory_space<vmem>> -> memref<1x128xi32, #tpu.memory_space<vmem>>
      %dma_wait3A_98 = tpu.memref_squeeze %dma_wait3A_97 : memref<1x128xi32, #tpu.memory_space<vmem>> -> memref<128xi32, #tpu.memory_space<vmem>>
      %dma_wait3A_99 = arith.constant 0 : i32
      %dma_wait3A_100 = arith.constant 0 : i32
      %dma_wait3A_101 = tpu.memref_slice %arg2[%dma_wait3A_99, %dma_wait3A_100] : memref<20480x128xf32, #tpu.memory_space<hbm>> -> memref<20480x128xf32, #tpu.memory_space<hbm>>
      tpu.wait_indirect_dma semaphore(%arg11 : memref<!tpu.dma_semaphore, #tpu.memory_space<semaphore_mem>>) src(%dma_wait3A_101 : memref<20480x128xf32, #tpu.memory_space<hbm>>) dst(%arg8 : memref<128x128xf32, #tpu.memory_space<vmem>>)
      %run_scoped3A_102 = arith.constant 4 : i32
      "tpu.region"() ({
        %run_scoped3A_261 = tpu.sem_alloc : memref<!tpu.dma_semaphore, #tpu.memory_space<semaphore_mem>>
        %dma_start3A_262 = arith.constant 0 : i32
        %dma_start3A_263 = tpu.memref_slice %arg7[%run_scoped3A_102, %dma_start3A_262] : memref<16x128xi32, #tpu.memory_space<vmem>> -> memref<1x128xi32, #tpu.memory_space<vmem>>
        %dma_start3A_264 = tpu.memref_squeeze %dma_start3A_263 : memref<1x128xi32, #tpu.memory_space<vmem>> -> memref<128xi32, #tpu.memory_space<vmem>>
        %dma_start3A_265 = arith.constant 0 : i32
        %dma_start3A_266 = arith.constant 0 : i32
        %dma_start3A_267 = tpu.memref_slice %arg10[%dma_start3A_265, %dma_start3A_266] : memref<10240x128xf32, #tpu.memory_space<vmem_shared>> -> memref<10240x128xf32, #tpu.memory_space<vmem_shared>>
        tpu.enqueue_indirect_dma source(%arg8 : memref<128x128xf32, #tpu.memory_space<vmem>>) target(%dma_start3A_267 : memref<10240x128xf32, #tpu.memory_space<vmem_shared>>) offsets(%dma_start3A_264 : memref<128xi32, #tpu.memory_space<vmem>>) semaphore(%run_scoped3A_261 : memref<!tpu.dma_semaphore, #tpu.memory_space<semaphore_mem>>) {add = true}
        %dma_wait3A_268 = arith.constant 0 : i32
        %dma_wait3A_269 = tpu.memref_slice %arg7[%run_scoped3A_102, %dma_wait3A_268] : memref<16x128xi32, #tpu.memory_space<vmem>> -> memref<1x128xi32, #tpu.memory_space<vmem>>
        %dma_wait3A_270 = tpu.memref_squeeze %dma_wait3A_269 : memref<1x128xi32, #tpu.memory_space<vmem>> -> memref<128xi32, #tpu.memory_space<vmem>>
        %dma_wait3A_271 = arith.constant 0 : i32
        %dma_wait3A_272 = arith.constant 0 : i32
        %dma_wait3A_273 = tpu.memref_slice %arg10[%dma_wait3A_271, %dma_wait3A_272] : memref<10240x128xf32, #tpu.memory_space<vmem_shared>> -> memref<10240x128xf32, #tpu.memory_space<vmem_shared>>
        tpu.wait_indirect_dma semaphore(%run_scoped3A_261 : memref<!tpu.dma_semaphore, #tpu.memory_space<semaphore_mem>>) src(%arg8 : memref<128x128xf32, #tpu.memory_space<vmem>>) dst(%dma_wait3A_273 : memref<10240x128xf32, #tpu.memory_space<vmem_shared>>)
        tpu.yield
      }) : () -> ()
      %dma_start3A_103 = arith.constant 6 : i32
      %dma_start3A_104 = arith.constant 0 : i32
      %dma_start3A_105 = tpu.memref_slice %arg6[%dma_start3A_103, %dma_start3A_104] : memref<16x128xi32, #tpu.memory_space<vmem>> -> memref<1x128xi32, #tpu.memory_space<vmem>>
      %dma_start3A_106 = tpu.memref_squeeze %dma_start3A_105 : memref<1x128xi32, #tpu.memory_space<vmem>> -> memref<128xi32, #tpu.memory_space<vmem>>
      %dma_start3A_107 = arith.constant 0 : i32
      %dma_start3A_108 = arith.constant 0 : i32
      %dma_start3A_109 = tpu.memref_slice %arg2[%dma_start3A_107, %dma_start3A_108] : memref<20480x128xf32, #tpu.memory_space<hbm>> -> memref<20480x128xf32, #tpu.memory_space<hbm>>
      tpu.enqueue_indirect_dma source(%dma_start3A_109 : memref<20480x128xf32, #tpu.memory_space<hbm>>) target(%arg8 : memref<128x128xf32, #tpu.memory_space<vmem>>) offsets(%dma_start3A_106 : memref<128xi32, #tpu.memory_space<vmem>>) semaphore(%arg11 : memref<!tpu.dma_semaphore, #tpu.memory_space<semaphore_mem>>)
      %dma_wait3A_110 = arith.constant 5 : i32
      %dma_wait3A_111 = arith.constant 0 : i32
      %dma_wait3A_112 = tpu.memref_slice %arg6[%dma_wait3A_110, %dma_wait3A_111] : memref<16x128xi32, #tpu.memory_space<vmem>> -> memref<1x128xi32, #tpu.memory_space<vmem>>
      %dma_wait3A_113 = tpu.memref_squeeze %dma_wait3A_112 : memref<1x128xi32, #tpu.memory_space<vmem>> -> memref<128xi32, #tpu.memory_space<vmem>>
      %dma_wait3A_114 = arith.constant 0 : i32
      %dma_wait3A_115 = arith.constant 0 : i32
      %dma_wait3A_116 = tpu.memref_slice %arg2[%dma_wait3A_114, %dma_wait3A_115] : memref<20480x128xf32, #tpu.memory_space<hbm>> -> memref<20480x128xf32, #tpu.memory_space<hbm>>
      tpu.wait_indirect_dma semaphore(%arg12 : memref<!tpu.dma_semaphore, #tpu.memory_space<semaphore_mem>>) src(%dma_wait3A_116 : memref<20480x128xf32, #tpu.memory_space<hbm>>) dst(%arg9 : memref<128x128xf32, #tpu.memory_space<vmem>>)
      %run_scoped3A_117 = arith.constant 5 : i32
      "tpu.region"() ({
        %run_scoped3A_261 = tpu.sem_alloc : memref<!tpu.dma_semaphore, #tpu.memory_space<semaphore_mem>>
        %dma_start3A_262 = arith.constant 0 : i32
        %dma_start3A_263 = tpu.memref_slice %arg7[%run_scoped3A_117, %dma_start3A_262] : memref<16x128xi32, #tpu.memory_space<vmem>> -> memref<1x128xi32, #tpu.memory_space<vmem>>
        %dma_start3A_264 = tpu.memref_squeeze %dma_start3A_263 : memref<1x128xi32, #tpu.memory_space<vmem>> -> memref<128xi32, #tpu.memory_space<vmem>>
        %dma_start3A_265 = arith.constant 0 : i32
        %dma_start3A_266 = arith.constant 0 : i32
        %dma_start3A_267 = tpu.memref_slice %arg10[%dma_start3A_265, %dma_start3A_266] : memref<10240x128xf32, #tpu.memory_space<vmem_shared>> -> memref<10240x128xf32, #tpu.memory_space<vmem_shared>>
        tpu.enqueue_indirect_dma source(%arg9 : memref<128x128xf32, #tpu.memory_space<vmem>>) target(%dma_start3A_267 : memref<10240x128xf32, #tpu.memory_space<vmem_shared>>) offsets(%dma_start3A_264 : memref<128xi32, #tpu.memory_space<vmem>>) semaphore(%run_scoped3A_261 : memref<!tpu.dma_semaphore, #tpu.memory_space<semaphore_mem>>) {add = true}
        %dma_wait3A_268 = arith.constant 0 : i32
        %dma_wait3A_269 = tpu.memref_slice %arg7[%run_scoped3A_117, %dma_wait3A_268] : memref<16x128xi32, #tpu.memory_space<vmem>> -> memref<1x128xi32, #tpu.memory_space<vmem>>
        %dma_wait3A_270 = tpu.memref_squeeze %dma_wait3A_269 : memref<1x128xi32, #tpu.memory_space<vmem>> -> memref<128xi32, #tpu.memory_space<vmem>>
        %dma_wait3A_271 = arith.constant 0 : i32
        %dma_wait3A_272 = arith.constant 0 : i32
        %dma_wait3A_273 = tpu.memref_slice %arg10[%dma_wait3A_271, %dma_wait3A_272] : memref<10240x128xf32, #tpu.memory_space<vmem_shared>> -> memref<10240x128xf32, #tpu.memory_space<vmem_shared>>
        tpu.wait_indirect_dma semaphore(%run_scoped3A_261 : memref<!tpu.dma_semaphore, #tpu.memory_space<semaphore_mem>>) src(%arg9 : memref<128x128xf32, #tpu.memory_space<vmem>>) dst(%dma_wait3A_273 : memref<10240x128xf32, #tpu.memory_space<vmem_shared>>)
        tpu.yield
      }) : () -> ()
      %dma_start3A_118 = arith.constant 7 : i32
      %dma_start3A_119 = arith.constant 0 : i32
      %dma_start3A_120 = tpu.memref_slice %arg6[%dma_start3A_118, %dma_start3A_119] : memref<16x128xi32, #tpu.memory_space<vmem>> -> memref<1x128xi32, #tpu.memory_space<vmem>>
      %dma_start3A_121 = tpu.memref_squeeze %dma_start3A_120 : memref<1x128xi32, #tpu.memory_space<vmem>> -> memref<128xi32, #tpu.memory_space<vmem>>
      %dma_start3A_122 = arith.constant 0 : i32
      %dma_start3A_123 = arith.constant 0 : i32
      %dma_start3A_124 = tpu.memref_slice %arg2[%dma_start3A_122, %dma_start3A_123] : memref<20480x128xf32, #tpu.memory_space<hbm>> -> memref<20480x128xf32, #tpu.memory_space<hbm>>
      tpu.enqueue_indirect_dma source(%dma_start3A_124 : memref<20480x128xf32, #tpu.memory_space<hbm>>) target(%arg9 : memref<128x128xf32, #tpu.memory_space<vmem>>) offsets(%dma_start3A_121 : memref<128xi32, #tpu.memory_space<vmem>>) semaphore(%arg12 : memref<!tpu.dma_semaphore, #tpu.memory_space<semaphore_mem>>)
      %dma_wait3A_125 = arith.constant 6 : i32
      %dma_wait3A_126 = arith.constant 0 : i32
      %dma_wait3A_127 = tpu.memref_slice %arg6[%dma_wait3A_125, %dma_wait3A_126] : memref<16x128xi32, #tpu.memory_space<vmem>> -> memref<1x128xi32, #tpu.memory_space<vmem>>
      %dma_wait3A_128 = tpu.memref_squeeze %dma_wait3A_127 : memref<1x128xi32, #tpu.memory_space<vmem>> -> memref<128xi32, #tpu.memory_space<vmem>>
      %dma_wait3A_129 = arith.constant 0 : i32
      %dma_wait3A_130 = arith.constant 0 : i32
      %dma_wait3A_131 = tpu.memref_slice %arg2[%dma_wait3A_129, %dma_wait3A_130] : memref<20480x128xf32, #tpu.memory_space<hbm>> -> memref<20480x128xf32, #tpu.memory_space<hbm>>
      tpu.wait_indirect_dma semaphore(%arg11 : memref<!tpu.dma_semaphore, #tpu.memory_space<semaphore_mem>>) src(%dma_wait3A_131 : memref<20480x128xf32, #tpu.memory_space<hbm>>) dst(%arg8 : memref<128x128xf32, #tpu.memory_space<vmem>>)
      %run_scoped3A_132 = arith.constant 6 : i32
      "tpu.region"() ({
        %run_scoped3A_261 = tpu.sem_alloc : memref<!tpu.dma_semaphore, #tpu.memory_space<semaphore_mem>>
        %dma_start3A_262 = arith.constant 0 : i32
        %dma_start3A_263 = tpu.memref_slice %arg7[%run_scoped3A_132, %dma_start3A_262] : memref<16x128xi32, #tpu.memory_space<vmem>> -> memref<1x128xi32, #tpu.memory_space<vmem>>
        %dma_start3A_264 = tpu.memref_squeeze %dma_start3A_263 : memref<1x128xi32, #tpu.memory_space<vmem>> -> memref<128xi32, #tpu.memory_space<vmem>>
        %dma_start3A_265 = arith.constant 0 : i32
        %dma_start3A_266 = arith.constant 0 : i32
        %dma_start3A_267 = tpu.memref_slice %arg10[%dma_start3A_265, %dma_start3A_266] : memref<10240x128xf32, #tpu.memory_space<vmem_shared>> -> memref<10240x128xf32, #tpu.memory_space<vmem_shared>>
        tpu.enqueue_indirect_dma source(%arg8 : memref<128x128xf32, #tpu.memory_space<vmem>>) target(%dma_start3A_267 : memref<10240x128xf32, #tpu.memory_space<vmem_shared>>) offsets(%dma_start3A_264 : memref<128xi32, #tpu.memory_space<vmem>>) semaphore(%run_scoped3A_261 : memref<!tpu.dma_semaphore, #tpu.memory_space<semaphore_mem>>) {add = true}
        %dma_wait3A_268 = arith.constant 0 : i32
        %dma_wait3A_269 = tpu.memref_slice %arg7[%run_scoped3A_132, %dma_wait3A_268] : memref<16x128xi32, #tpu.memory_space<vmem>> -> memref<1x128xi32, #tpu.memory_space<vmem>>
        %dma_wait3A_270 = tpu.memref_squeeze %dma_wait3A_269 : memref<1x128xi32, #tpu.memory_space<vmem>> -> memref<128xi32, #tpu.memory_space<vmem>>
        %dma_wait3A_271 = arith.constant 0 : i32
        %dma_wait3A_272 = arith.constant 0 : i32
        %dma_wait3A_273 = tpu.memref_slice %arg10[%dma_wait3A_271, %dma_wait3A_272] : memref<10240x128xf32, #tpu.memory_space<vmem_shared>> -> memref<10240x128xf32, #tpu.memory_space<vmem_shared>>
        tpu.wait_indirect_dma semaphore(%run_scoped3A_261 : memref<!tpu.dma_semaphore, #tpu.memory_space<semaphore_mem>>) src(%arg8 : memref<128x128xf32, #tpu.memory_space<vmem>>) dst(%dma_wait3A_273 : memref<10240x128xf32, #tpu.memory_space<vmem_shared>>)
        tpu.yield
      }) : () -> ()
      %dma_start3A_133 = arith.constant 8 : i32
      %dma_start3A_134 = arith.constant 0 : i32
      %dma_start3A_135 = tpu.memref_slice %arg6[%dma_start3A_133, %dma_start3A_134] : memref<16x128xi32, #tpu.memory_space<vmem>> -> memref<1x128xi32, #tpu.memory_space<vmem>>
      %dma_start3A_136 = tpu.memref_squeeze %dma_start3A_135 : memref<1x128xi32, #tpu.memory_space<vmem>> -> memref<128xi32, #tpu.memory_space<vmem>>
      %dma_start3A_137 = arith.constant 0 : i32
      %dma_start3A_138 = arith.constant 0 : i32
      %dma_start3A_139 = tpu.memref_slice %arg2[%dma_start3A_137, %dma_start3A_138] : memref<20480x128xf32, #tpu.memory_space<hbm>> -> memref<20480x128xf32, #tpu.memory_space<hbm>>
      tpu.enqueue_indirect_dma source(%dma_start3A_139 : memref<20480x128xf32, #tpu.memory_space<hbm>>) target(%arg8 : memref<128x128xf32, #tpu.memory_space<vmem>>) offsets(%dma_start3A_136 : memref<128xi32, #tpu.memory_space<vmem>>) semaphore(%arg11 : memref<!tpu.dma_semaphore, #tpu.memory_space<semaphore_mem>>)
      %dma_wait3A_140 = arith.constant 7 : i32
      %dma_wait3A_141 = arith.constant 0 : i32
      %dma_wait3A_142 = tpu.memref_slice %arg6[%dma_wait3A_140, %dma_wait3A_141] : memref<16x128xi32, #tpu.memory_space<vmem>> -> memref<1x128xi32, #tpu.memory_space<vmem>>
      %dma_wait3A_143 = tpu.memref_squeeze %dma_wait3A_142 : memref<1x128xi32, #tpu.memory_space<vmem>> -> memref<128xi32, #tpu.memory_space<vmem>>
      %dma_wait3A_144 = arith.constant 0 : i32
      %dma_wait3A_145 = arith.constant 0 : i32
      %dma_wait3A_146 = tpu.memref_slice %arg2[%dma_wait3A_144, %dma_wait3A_145] : memref<20480x128xf32, #tpu.memory_space<hbm>> -> memref<20480x128xf32, #tpu.memory_space<hbm>>
      tpu.wait_indirect_dma semaphore(%arg12 : memref<!tpu.dma_semaphore, #tpu.memory_space<semaphore_mem>>) src(%dma_wait3A_146 : memref<20480x128xf32, #tpu.memory_space<hbm>>) dst(%arg9 : memref<128x128xf32, #tpu.memory_space<vmem>>)
      %run_scoped3A_147 = arith.constant 7 : i32
      "tpu.region"() ({
        %run_scoped3A_261 = tpu.sem_alloc : memref<!tpu.dma_semaphore, #tpu.memory_space<semaphore_mem>>
        %dma_start3A_262 = arith.constant 0 : i32
        %dma_start3A_263 = tpu.memref_slice %arg7[%run_scoped3A_147, %dma_start3A_262] : memref<16x128xi32, #tpu.memory_space<vmem>> -> memref<1x128xi32, #tpu.memory_space<vmem>>
        %dma_start3A_264 = tpu.memref_squeeze %dma_start3A_263 : memref<1x128xi32, #tpu.memory_space<vmem>> -> memref<128xi32, #tpu.memory_space<vmem>>
        %dma_start3A_265 = arith.constant 0 : i32
        %dma_start3A_266 = arith.constant 0 : i32
        %dma_start3A_267 = tpu.memref_slice %arg10[%dma_start3A_265, %dma_start3A_266] : memref<10240x128xf32, #tpu.memory_space<vmem_shared>> -> memref<10240x128xf32, #tpu.memory_space<vmem_shared>>
        tpu.enqueue_indirect_dma source(%arg9 : memref<128x128xf32, #tpu.memory_space<vmem>>) target(%dma_start3A_267 : memref<10240x128xf32, #tpu.memory_space<vmem_shared>>) offsets(%dma_start3A_264 : memref<128xi32, #tpu.memory_space<vmem>>) semaphore(%run_scoped3A_261 : memref<!tpu.dma_semaphore, #tpu.memory_space<semaphore_mem>>) {add = true}
        %dma_wait3A_268 = arith.constant 0 : i32
        %dma_wait3A_269 = tpu.memref_slice %arg7[%run_scoped3A_147, %dma_wait3A_268] : memref<16x128xi32, #tpu.memory_space<vmem>> -> memref<1x128xi32, #tpu.memory_space<vmem>>
        %dma_wait3A_270 = tpu.memref_squeeze %dma_wait3A_269 : memref<1x128xi32, #tpu.memory_space<vmem>> -> memref<128xi32, #tpu.memory_space<vmem>>
        %dma_wait3A_271 = arith.constant 0 : i32
        %dma_wait3A_272 = arith.constant 0 : i32
        %dma_wait3A_273 = tpu.memref_slice %arg10[%dma_wait3A_271, %dma_wait3A_272] : memref<10240x128xf32, #tpu.memory_space<vmem_shared>> -> memref<10240x128xf32, #tpu.memory_space<vmem_shared>>
        tpu.wait_indirect_dma semaphore(%run_scoped3A_261 : memref<!tpu.dma_semaphore, #tpu.memory_space<semaphore_mem>>) src(%arg9 : memref<128x128xf32, #tpu.memory_space<vmem>>) dst(%dma_wait3A_273 : memref<10240x128xf32, #tpu.memory_space<vmem_shared>>)
        tpu.yield
      }) : () -> ()
      %dma_start3A_148 = arith.constant 9 : i32
      %dma_start3A_149 = arith.constant 0 : i32
      %dma_start3A_150 = tpu.memref_slice %arg6[%dma_start3A_148, %dma_start3A_149] : memref<16x128xi32, #tpu.memory_space<vmem>> -> memref<1x128xi32, #tpu.memory_space<vmem>>
      %dma_start3A_151 = tpu.memref_squeeze %dma_start3A_150 : memref<1x128xi32, #tpu.memory_space<vmem>> -> memref<128xi32, #tpu.memory_space<vmem>>
      %dma_start3A_152 = arith.constant 0 : i32
      %dma_start3A_153 = arith.constant 0 : i32
      %dma_start3A_154 = tpu.memref_slice %arg2[%dma_start3A_152, %dma_start3A_153] : memref<20480x128xf32, #tpu.memory_space<hbm>> -> memref<20480x128xf32, #tpu.memory_space<hbm>>
      tpu.enqueue_indirect_dma source(%dma_start3A_154 : memref<20480x128xf32, #tpu.memory_space<hbm>>) target(%arg9 : memref<128x128xf32, #tpu.memory_space<vmem>>) offsets(%dma_start3A_151 : memref<128xi32, #tpu.memory_space<vmem>>) semaphore(%arg12 : memref<!tpu.dma_semaphore, #tpu.memory_space<semaphore_mem>>)
      %dma_wait3A_155 = arith.constant 8 : i32
      %dma_wait3A_156 = arith.constant 0 : i32
      %dma_wait3A_157 = tpu.memref_slice %arg6[%dma_wait3A_155, %dma_wait3A_156] : memref<16x128xi32, #tpu.memory_space<vmem>> -> memref<1x128xi32, #tpu.memory_space<vmem>>
      %dma_wait3A_158 = tpu.memref_squeeze %dma_wait3A_157 : memref<1x128xi32, #tpu.memory_space<vmem>> -> memref<128xi32, #tpu.memory_space<vmem>>
      %dma_wait3A_159 = arith.constant 0 : i32
      %dma_wait3A_160 = arith.constant 0 : i32
      %dma_wait3A_161 = tpu.memref_slice %arg2[%dma_wait3A_159, %dma_wait3A_160] : memref<20480x128xf32, #tpu.memory_space<hbm>> -> memref<20480x128xf32, #tpu.memory_space<hbm>>
      tpu.wait_indirect_dma semaphore(%arg11 : memref<!tpu.dma_semaphore, #tpu.memory_space<semaphore_mem>>) src(%dma_wait3A_161 : memref<20480x128xf32, #tpu.memory_space<hbm>>) dst(%arg8 : memref<128x128xf32, #tpu.memory_space<vmem>>)
      %run_scoped3A_162 = arith.constant 8 : i32
      "tpu.region"() ({
        %run_scoped3A_261 = tpu.sem_alloc : memref<!tpu.dma_semaphore, #tpu.memory_space<semaphore_mem>>
        %dma_start3A_262 = arith.constant 0 : i32
        %dma_start3A_263 = tpu.memref_slice %arg7[%run_scoped3A_162, %dma_start3A_262] : memref<16x128xi32, #tpu.memory_space<vmem>> -> memref<1x128xi32, #tpu.memory_space<vmem>>
        %dma_start3A_264 = tpu.memref_squeeze %dma_start3A_263 : memref<1x128xi32, #tpu.memory_space<vmem>> -> memref<128xi32, #tpu.memory_space<vmem>>
        %dma_start3A_265 = arith.constant 0 : i32
        %dma_start3A_266 = arith.constant 0 : i32
        %dma_start3A_267 = tpu.memref_slice %arg10[%dma_start3A_265, %dma_start3A_266] : memref<10240x128xf32, #tpu.memory_space<vmem_shared>> -> memref<10240x128xf32, #tpu.memory_space<vmem_shared>>
        tpu.enqueue_indirect_dma source(%arg8 : memref<128x128xf32, #tpu.memory_space<vmem>>) target(%dma_start3A_267 : memref<10240x128xf32, #tpu.memory_space<vmem_shared>>) offsets(%dma_start3A_264 : memref<128xi32, #tpu.memory_space<vmem>>) semaphore(%run_scoped3A_261 : memref<!tpu.dma_semaphore, #tpu.memory_space<semaphore_mem>>) {add = true}
        %dma_wait3A_268 = arith.constant 0 : i32
        %dma_wait3A_269 = tpu.memref_slice %arg7[%run_scoped3A_162, %dma_wait3A_268] : memref<16x128xi32, #tpu.memory_space<vmem>> -> memref<1x128xi32, #tpu.memory_space<vmem>>
        %dma_wait3A_270 = tpu.memref_squeeze %dma_wait3A_269 : memref<1x128xi32, #tpu.memory_space<vmem>> -> memref<128xi32, #tpu.memory_space<vmem>>
        %dma_wait3A_271 = arith.constant 0 : i32
        %dma_wait3A_272 = arith.constant 0 : i32
        %dma_wait3A_273 = tpu.memref_slice %arg10[%dma_wait3A_271, %dma_wait3A_272] : memref<10240x128xf32, #tpu.memory_space<vmem_shared>> -> memref<10240x128xf32, #tpu.memory_space<vmem_shared>>
        tpu.wait_indirect_dma semaphore(%run_scoped3A_261 : memref<!tpu.dma_semaphore, #tpu.memory_space<semaphore_mem>>) src(%arg8 : memref<128x128xf32, #tpu.memory_space<vmem>>) dst(%dma_wait3A_273 : memref<10240x128xf32, #tpu.memory_space<vmem_shared>>)
        tpu.yield
      }) : () -> ()
      %dma_start3A_163 = arith.constant 10 : i32
      %dma_start3A_164 = arith.constant 0 : i32
      %dma_start3A_165 = tpu.memref_slice %arg6[%dma_start3A_163, %dma_start3A_164] : memref<16x128xi32, #tpu.memory_space<vmem>> -> memref<1x128xi32, #tpu.memory_space<vmem>>
      %dma_start3A_166 = tpu.memref_squeeze %dma_start3A_165 : memref<1x128xi32, #tpu.memory_space<vmem>> -> memref<128xi32, #tpu.memory_space<vmem>>
      %dma_start3A_167 = arith.constant 0 : i32
      %dma_start3A_168 = arith.constant 0 : i32
      %dma_start3A_169 = tpu.memref_slice %arg2[%dma_start3A_167, %dma_start3A_168] : memref<20480x128xf32, #tpu.memory_space<hbm>> -> memref<20480x128xf32, #tpu.memory_space<hbm>>
      tpu.enqueue_indirect_dma source(%dma_start3A_169 : memref<20480x128xf32, #tpu.memory_space<hbm>>) target(%arg8 : memref<128x128xf32, #tpu.memory_space<vmem>>) offsets(%dma_start3A_166 : memref<128xi32, #tpu.memory_space<vmem>>) semaphore(%arg11 : memref<!tpu.dma_semaphore, #tpu.memory_space<semaphore_mem>>)
      %dma_wait3A_170 = arith.constant 9 : i32
      %dma_wait3A_171 = arith.constant 0 : i32
      %dma_wait3A_172 = tpu.memref_slice %arg6[%dma_wait3A_170, %dma_wait3A_171] : memref<16x128xi32, #tpu.memory_space<vmem>> -> memref<1x128xi32, #tpu.memory_space<vmem>>
      %dma_wait3A_173 = tpu.memref_squeeze %dma_wait3A_172 : memref<1x128xi32, #tpu.memory_space<vmem>> -> memref<128xi32, #tpu.memory_space<vmem>>
      %dma_wait3A_174 = arith.constant 0 : i32
      %dma_wait3A_175 = arith.constant 0 : i32
      %dma_wait3A_176 = tpu.memref_slice %arg2[%dma_wait3A_174, %dma_wait3A_175] : memref<20480x128xf32, #tpu.memory_space<hbm>> -> memref<20480x128xf32, #tpu.memory_space<hbm>>
      tpu.wait_indirect_dma semaphore(%arg12 : memref<!tpu.dma_semaphore, #tpu.memory_space<semaphore_mem>>) src(%dma_wait3A_176 : memref<20480x128xf32, #tpu.memory_space<hbm>>) dst(%arg9 : memref<128x128xf32, #tpu.memory_space<vmem>>)
      %run_scoped3A_177 = arith.constant 9 : i32
      "tpu.region"() ({
        %run_scoped3A_261 = tpu.sem_alloc : memref<!tpu.dma_semaphore, #tpu.memory_space<semaphore_mem>>
        %dma_start3A_262 = arith.constant 0 : i32
        %dma_start3A_263 = tpu.memref_slice %arg7[%run_scoped3A_177, %dma_start3A_262] : memref<16x128xi32, #tpu.memory_space<vmem>> -> memref<1x128xi32, #tpu.memory_space<vmem>>
        %dma_start3A_264 = tpu.memref_squeeze %dma_start3A_263 : memref<1x128xi32, #tpu.memory_space<vmem>> -> memref<128xi32, #tpu.memory_space<vmem>>
        %dma_start3A_265 = arith.constant 0 : i32
        %dma_start3A_266 = arith.constant 0 : i32
        %dma_start3A_267 = tpu.memref_slice %arg10[%dma_start3A_265, %dma_start3A_266] : memref<10240x128xf32, #tpu.memory_space<vmem_shared>> -> memref<10240x128xf32, #tpu.memory_space<vmem_shared>>
        tpu.enqueue_indirect_dma source(%arg9 : memref<128x128xf32, #tpu.memory_space<vmem>>) target(%dma_start3A_267 : memref<10240x128xf32, #tpu.memory_space<vmem_shared>>) offsets(%dma_start3A_264 : memref<128xi32, #tpu.memory_space<vmem>>) semaphore(%run_scoped3A_261 : memref<!tpu.dma_semaphore, #tpu.memory_space<semaphore_mem>>) {add = true}
        %dma_wait3A_268 = arith.constant 0 : i32
        %dma_wait3A_269 = tpu.memref_slice %arg7[%run_scoped3A_177, %dma_wait3A_268] : memref<16x128xi32, #tpu.memory_space<vmem>> -> memref<1x128xi32, #tpu.memory_space<vmem>>
        %dma_wait3A_270 = tpu.memref_squeeze %dma_wait3A_269 : memref<1x128xi32, #tpu.memory_space<vmem>> -> memref<128xi32, #tpu.memory_space<vmem>>
        %dma_wait3A_271 = arith.constant 0 : i32
        %dma_wait3A_272 = arith.constant 0 : i32
        %dma_wait3A_273 = tpu.memref_slice %arg10[%dma_wait3A_271, %dma_wait3A_272] : memref<10240x128xf32, #tpu.memory_space<vmem_shared>> -> memref<10240x128xf32, #tpu.memory_space<vmem_shared>>
        tpu.wait_indirect_dma semaphore(%run_scoped3A_261 : memref<!tpu.dma_semaphore, #tpu.memory_space<semaphore_mem>>) src(%arg9 : memref<128x128xf32, #tpu.memory_space<vmem>>) dst(%dma_wait3A_273 : memref<10240x128xf32, #tpu.memory_space<vmem_shared>>)
        tpu.yield
      }) : () -> ()
      %dma_start3A_178 = arith.constant 11 : i32
      %dma_start3A_179 = arith.constant 0 : i32
      %dma_start3A_180 = tpu.memref_slice %arg6[%dma_start3A_178, %dma_start3A_179] : memref<16x128xi32, #tpu.memory_space<vmem>> -> memref<1x128xi32, #tpu.memory_space<vmem>>
      %dma_start3A_181 = tpu.memref_squeeze %dma_start3A_180 : memref<1x128xi32, #tpu.memory_space<vmem>> -> memref<128xi32, #tpu.memory_space<vmem>>
      %dma_start3A_182 = arith.constant 0 : i32
      %dma_start3A_183 = arith.constant 0 : i32
      %dma_start3A_184 = tpu.memref_slice %arg2[%dma_start3A_182, %dma_start3A_183] : memref<20480x128xf32, #tpu.memory_space<hbm>> -> memref<20480x128xf32, #tpu.memory_space<hbm>>
      tpu.enqueue_indirect_dma source(%dma_start3A_184 : memref<20480x128xf32, #tpu.memory_space<hbm>>) target(%arg9 : memref<128x128xf32, #tpu.memory_space<vmem>>) offsets(%dma_start3A_181 : memref<128xi32, #tpu.memory_space<vmem>>) semaphore(%arg12 : memref<!tpu.dma_semaphore, #tpu.memory_space<semaphore_mem>>)
      %dma_wait3A_185 = arith.constant 10 : i32
      %dma_wait3A_186 = arith.constant 0 : i32
      %dma_wait3A_187 = tpu.memref_slice %arg6[%dma_wait3A_185, %dma_wait3A_186] : memref<16x128xi32, #tpu.memory_space<vmem>> -> memref<1x128xi32, #tpu.memory_space<vmem>>
      %dma_wait3A_188 = tpu.memref_squeeze %dma_wait3A_187 : memref<1x128xi32, #tpu.memory_space<vmem>> -> memref<128xi32, #tpu.memory_space<vmem>>
      %dma_wait3A_189 = arith.constant 0 : i32
      %dma_wait3A_190 = arith.constant 0 : i32
      %dma_wait3A_191 = tpu.memref_slice %arg2[%dma_wait3A_189, %dma_wait3A_190] : memref<20480x128xf32, #tpu.memory_space<hbm>> -> memref<20480x128xf32, #tpu.memory_space<hbm>>
      tpu.wait_indirect_dma semaphore(%arg11 : memref<!tpu.dma_semaphore, #tpu.memory_space<semaphore_mem>>) src(%dma_wait3A_191 : memref<20480x128xf32, #tpu.memory_space<hbm>>) dst(%arg8 : memref<128x128xf32, #tpu.memory_space<vmem>>)
      %run_scoped3A_192 = arith.constant 10 : i32
      "tpu.region"() ({
        %run_scoped3A_261 = tpu.sem_alloc : memref<!tpu.dma_semaphore, #tpu.memory_space<semaphore_mem>>
        %dma_start3A_262 = arith.constant 0 : i32
        %dma_start3A_263 = tpu.memref_slice %arg7[%run_scoped3A_192, %dma_start3A_262] : memref<16x128xi32, #tpu.memory_space<vmem>> -> memref<1x128xi32, #tpu.memory_space<vmem>>
        %dma_start3A_264 = tpu.memref_squeeze %dma_start3A_263 : memref<1x128xi32, #tpu.memory_space<vmem>> -> memref<128xi32, #tpu.memory_space<vmem>>
        %dma_start3A_265 = arith.constant 0 : i32
        %dma_start3A_266 = arith.constant 0 : i32
        %dma_start3A_267 = tpu.memref_slice %arg10[%dma_start3A_265, %dma_start3A_266] : memref<10240x128xf32, #tpu.memory_space<vmem_shared>> -> memref<10240x128xf32, #tpu.memory_space<vmem_shared>>
        tpu.enqueue_indirect_dma source(%arg8 : memref<128x128xf32, #tpu.memory_space<vmem>>) target(%dma_start3A_267 : memref<10240x128xf32, #tpu.memory_space<vmem_shared>>) offsets(%dma_start3A_264 : memref<128xi32, #tpu.memory_space<vmem>>) semaphore(%run_scoped3A_261 : memref<!tpu.dma_semaphore, #tpu.memory_space<semaphore_mem>>) {add = true}
        %dma_wait3A_268 = arith.constant 0 : i32
        %dma_wait3A_269 = tpu.memref_slice %arg7[%run_scoped3A_192, %dma_wait3A_268] : memref<16x128xi32, #tpu.memory_space<vmem>> -> memref<1x128xi32, #tpu.memory_space<vmem>>
        %dma_wait3A_270 = tpu.memref_squeeze %dma_wait3A_269 : memref<1x128xi32, #tpu.memory_space<vmem>> -> memref<128xi32, #tpu.memory_space<vmem>>
        %dma_wait3A_271 = arith.constant 0 : i32
        %dma_wait3A_272 = arith.constant 0 : i32
        %dma_wait3A_273 = tpu.memref_slice %arg10[%dma_wait3A_271, %dma_wait3A_272] : memref<10240x128xf32, #tpu.memory_space<vmem_shared>> -> memref<10240x128xf32, #tpu.memory_space<vmem_shared>>
        tpu.wait_indirect_dma semaphore(%run_scoped3A_261 : memref<!tpu.dma_semaphore, #tpu.memory_space<semaphore_mem>>) src(%arg8 : memref<128x128xf32, #tpu.memory_space<vmem>>) dst(%dma_wait3A_273 : memref<10240x128xf32, #tpu.memory_space<vmem_shared>>)
        tpu.yield
      }) : () -> ()
      %dma_start3A_193 = arith.constant 12 : i32
      %dma_start3A_194 = arith.constant 0 : i32
      %dma_start3A_195 = tpu.memref_slice %arg6[%dma_start3A_193, %dma_start3A_194] : memref<16x128xi32, #tpu.memory_space<vmem>> -> memref<1x128xi32, #tpu.memory_space<vmem>>
      %dma_start3A_196 = tpu.memref_squeeze %dma_start3A_195 : memref<1x128xi32, #tpu.memory_space<vmem>> -> memref<128xi32, #tpu.memory_space<vmem>>
      %dma_start3A_197 = arith.constant 0 : i32
      %dma_start3A_198 = arith.constant 0 : i32
      %dma_start3A_199 = tpu.memref_slice %arg2[%dma_start3A_197, %dma_start3A_198] : memref<20480x128xf32, #tpu.memory_space<hbm>> -> memref<20480x128xf32, #tpu.memory_space<hbm>>
      tpu.enqueue_indirect_dma source(%dma_start3A_199 : memref<20480x128xf32, #tpu.memory_space<hbm>>) target(%arg8 : memref<128x128xf32, #tpu.memory_space<vmem>>) offsets(%dma_start3A_196 : memref<128xi32, #tpu.memory_space<vmem>>) semaphore(%arg11 : memref<!tpu.dma_semaphore, #tpu.memory_space<semaphore_mem>>)
      %dma_wait3A_200 = arith.constant 11 : i32
      %dma_wait3A_201 = arith.constant 0 : i32
      %dma_wait3A_202 = tpu.memref_slice %arg6[%dma_wait3A_200, %dma_wait3A_201] : memref<16x128xi32, #tpu.memory_space<vmem>> -> memref<1x128xi32, #tpu.memory_space<vmem>>
      %dma_wait3A_203 = tpu.memref_squeeze %dma_wait3A_202 : memref<1x128xi32, #tpu.memory_space<vmem>> -> memref<128xi32, #tpu.memory_space<vmem>>
      %dma_wait3A_204 = arith.constant 0 : i32
      %dma_wait3A_205 = arith.constant 0 : i32
      %dma_wait3A_206 = tpu.memref_slice %arg2[%dma_wait3A_204, %dma_wait3A_205] : memref<20480x128xf32, #tpu.memory_space<hbm>> -> memref<20480x128xf32, #tpu.memory_space<hbm>>
      tpu.wait_indirect_dma semaphore(%arg12 : memref<!tpu.dma_semaphore, #tpu.memory_space<semaphore_mem>>) src(%dma_wait3A_206 : memref<20480x128xf32, #tpu.memory_space<hbm>>) dst(%arg9 : memref<128x128xf32, #tpu.memory_space<vmem>>)
      %run_scoped3A_207 = arith.constant 11 : i32
      "tpu.region"() ({
        %run_scoped3A_261 = tpu.sem_alloc : memref<!tpu.dma_semaphore, #tpu.memory_space<semaphore_mem>>
        %dma_start3A_262 = arith.constant 0 : i32
        %dma_start3A_263 = tpu.memref_slice %arg7[%run_scoped3A_207, %dma_start3A_262] : memref<16x128xi32, #tpu.memory_space<vmem>> -> memref<1x128xi32, #tpu.memory_space<vmem>>
        %dma_start3A_264 = tpu.memref_squeeze %dma_start3A_263 : memref<1x128xi32, #tpu.memory_space<vmem>> -> memref<128xi32, #tpu.memory_space<vmem>>
        %dma_start3A_265 = arith.constant 0 : i32
        %dma_start3A_266 = arith.constant 0 : i32
        %dma_start3A_267 = tpu.memref_slice %arg10[%dma_start3A_265, %dma_start3A_266] : memref<10240x128xf32, #tpu.memory_space<vmem_shared>> -> memref<10240x128xf32, #tpu.memory_space<vmem_shared>>
        tpu.enqueue_indirect_dma source(%arg9 : memref<128x128xf32, #tpu.memory_space<vmem>>) target(%dma_start3A_267 : memref<10240x128xf32, #tpu.memory_space<vmem_shared>>) offsets(%dma_start3A_264 : memref<128xi32, #tpu.memory_space<vmem>>) semaphore(%run_scoped3A_261 : memref<!tpu.dma_semaphore, #tpu.memory_space<semaphore_mem>>) {add = true}
        %dma_wait3A_268 = arith.constant 0 : i32
        %dma_wait3A_269 = tpu.memref_slice %arg7[%run_scoped3A_207, %dma_wait3A_268] : memref<16x128xi32, #tpu.memory_space<vmem>> -> memref<1x128xi32, #tpu.memory_space<vmem>>
        %dma_wait3A_270 = tpu.memref_squeeze %dma_wait3A_269 : memref<1x128xi32, #tpu.memory_space<vmem>> -> memref<128xi32, #tpu.memory_space<vmem>>
        %dma_wait3A_271 = arith.constant 0 : i32
        %dma_wait3A_272 = arith.constant 0 : i32
        %dma_wait3A_273 = tpu.memref_slice %arg10[%dma_wait3A_271, %dma_wait3A_272] : memref<10240x128xf32, #tpu.memory_space<vmem_shared>> -> memref<10240x128xf32, #tpu.memory_space<vmem_shared>>
        tpu.wait_indirect_dma semaphore(%run_scoped3A_261 : memref<!tpu.dma_semaphore, #tpu.memory_space<semaphore_mem>>) src(%arg9 : memref<128x128xf32, #tpu.memory_space<vmem>>) dst(%dma_wait3A_273 : memref<10240x128xf32, #tpu.memory_space<vmem_shared>>)
        tpu.yield
      }) : () -> ()
      %dma_start3A_208 = arith.constant 13 : i32
      %dma_start3A_209 = arith.constant 0 : i32
      %dma_start3A_210 = tpu.memref_slice %arg6[%dma_start3A_208, %dma_start3A_209] : memref<16x128xi32, #tpu.memory_space<vmem>> -> memref<1x128xi32, #tpu.memory_space<vmem>>
      %dma_start3A_211 = tpu.memref_squeeze %dma_start3A_210 : memref<1x128xi32, #tpu.memory_space<vmem>> -> memref<128xi32, #tpu.memory_space<vmem>>
      %dma_start3A_212 = arith.constant 0 : i32
      %dma_start3A_213 = arith.constant 0 : i32
      %dma_start3A_214 = tpu.memref_slice %arg2[%dma_start3A_212, %dma_start3A_213] : memref<20480x128xf32, #tpu.memory_space<hbm>> -> memref<20480x128xf32, #tpu.memory_space<hbm>>
      tpu.enqueue_indirect_dma source(%dma_start3A_214 : memref<20480x128xf32, #tpu.memory_space<hbm>>) target(%arg9 : memref<128x128xf32, #tpu.memory_space<vmem>>) offsets(%dma_start3A_211 : memref<128xi32, #tpu.memory_space<vmem>>) semaphore(%arg12 : memref<!tpu.dma_semaphore, #tpu.memory_space<semaphore_mem>>)
      %dma_wait3A_215 = arith.constant 12 : i32
      %dma_wait3A_216 = arith.constant 0 : i32
      %dma_wait3A_217 = tpu.memref_slice %arg6[%dma_wait3A_215, %dma_wait3A_216] : memref<16x128xi32, #tpu.memory_space<vmem>> -> memref<1x128xi32, #tpu.memory_space<vmem>>
      %dma_wait3A_218 = tpu.memref_squeeze %dma_wait3A_217 : memref<1x128xi32, #tpu.memory_space<vmem>> -> memref<128xi32, #tpu.memory_space<vmem>>
      %dma_wait3A_219 = arith.constant 0 : i32
      %dma_wait3A_220 = arith.constant 0 : i32
      %dma_wait3A_221 = tpu.memref_slice %arg2[%dma_wait3A_219, %dma_wait3A_220] : memref<20480x128xf32, #tpu.memory_space<hbm>> -> memref<20480x128xf32, #tpu.memory_space<hbm>>
      tpu.wait_indirect_dma semaphore(%arg11 : memref<!tpu.dma_semaphore, #tpu.memory_space<semaphore_mem>>) src(%dma_wait3A_221 : memref<20480x128xf32, #tpu.memory_space<hbm>>) dst(%arg8 : memref<128x128xf32, #tpu.memory_space<vmem>>)
      %run_scoped3A_222 = arith.constant 12 : i32
      "tpu.region"() ({
        %run_scoped3A_261 = tpu.sem_alloc : memref<!tpu.dma_semaphore, #tpu.memory_space<semaphore_mem>>
        %dma_start3A_262 = arith.constant 0 : i32
        %dma_start3A_263 = tpu.memref_slice %arg7[%run_scoped3A_222, %dma_start3A_262] : memref<16x128xi32, #tpu.memory_space<vmem>> -> memref<1x128xi32, #tpu.memory_space<vmem>>
        %dma_start3A_264 = tpu.memref_squeeze %dma_start3A_263 : memref<1x128xi32, #tpu.memory_space<vmem>> -> memref<128xi32, #tpu.memory_space<vmem>>
        %dma_start3A_265 = arith.constant 0 : i32
        %dma_start3A_266 = arith.constant 0 : i32
        %dma_start3A_267 = tpu.memref_slice %arg10[%dma_start3A_265, %dma_start3A_266] : memref<10240x128xf32, #tpu.memory_space<vmem_shared>> -> memref<10240x128xf32, #tpu.memory_space<vmem_shared>>
        tpu.enqueue_indirect_dma source(%arg8 : memref<128x128xf32, #tpu.memory_space<vmem>>) target(%dma_start3A_267 : memref<10240x128xf32, #tpu.memory_space<vmem_shared>>) offsets(%dma_start3A_264 : memref<128xi32, #tpu.memory_space<vmem>>) semaphore(%run_scoped3A_261 : memref<!tpu.dma_semaphore, #tpu.memory_space<semaphore_mem>>) {add = true}
        %dma_wait3A_268 = arith.constant 0 : i32
        %dma_wait3A_269 = tpu.memref_slice %arg7[%run_scoped3A_222, %dma_wait3A_268] : memref<16x128xi32, #tpu.memory_space<vmem>> -> memref<1x128xi32, #tpu.memory_space<vmem>>
        %dma_wait3A_270 = tpu.memref_squeeze %dma_wait3A_269 : memref<1x128xi32, #tpu.memory_space<vmem>> -> memref<128xi32, #tpu.memory_space<vmem>>
        %dma_wait3A_271 = arith.constant 0 : i32
        %dma_wait3A_272 = arith.constant 0 : i32
        %dma_wait3A_273 = tpu.memref_slice %arg10[%dma_wait3A_271, %dma_wait3A_272] : memref<10240x128xf32, #tpu.memory_space<vmem_shared>> -> memref<10240x128xf32, #tpu.memory_space<vmem_shared>>
        tpu.wait_indirect_dma semaphore(%run_scoped3A_261 : memref<!tpu.dma_semaphore, #tpu.memory_space<semaphore_mem>>) src(%arg8 : memref<128x128xf32, #tpu.memory_space<vmem>>) dst(%dma_wait3A_273 : memref<10240x128xf32, #tpu.memory_space<vmem_shared>>)
        tpu.yield
      }) : () -> ()
      %dma_start3A_223 = arith.constant 14 : i32
      %dma_start3A_224 = arith.constant 0 : i32
      %dma_start3A_225 = tpu.memref_slice %arg6[%dma_start3A_223, %dma_start3A_224] : memref<16x128xi32, #tpu.memory_space<vmem>> -> memref<1x128xi32, #tpu.memory_space<vmem>>
      %dma_start3A_226 = tpu.memref_squeeze %dma_start3A_225 : memref<1x128xi32, #tpu.memory_space<vmem>> -> memref<128xi32, #tpu.memory_space<vmem>>
      %dma_start3A_227 = arith.constant 0 : i32
      %dma_start3A_228 = arith.constant 0 : i32
      %dma_start3A_229 = tpu.memref_slice %arg2[%dma_start3A_227, %dma_start3A_228] : memref<20480x128xf32, #tpu.memory_space<hbm>> -> memref<20480x128xf32, #tpu.memory_space<hbm>>
      tpu.enqueue_indirect_dma source(%dma_start3A_229 : memref<20480x128xf32, #tpu.memory_space<hbm>>) target(%arg8 : memref<128x128xf32, #tpu.memory_space<vmem>>) offsets(%dma_start3A_226 : memref<128xi32, #tpu.memory_space<vmem>>) semaphore(%arg11 : memref<!tpu.dma_semaphore, #tpu.memory_space<semaphore_mem>>)
      %dma_wait3A_230 = arith.constant 13 : i32
      %dma_wait3A_231 = arith.constant 0 : i32
      %dma_wait3A_232 = tpu.memref_slice %arg6[%dma_wait3A_230, %dma_wait3A_231] : memref<16x128xi32, #tpu.memory_space<vmem>> -> memref<1x128xi32, #tpu.memory_space<vmem>>
      %dma_wait3A_233 = tpu.memref_squeeze %dma_wait3A_232 : memref<1x128xi32, #tpu.memory_space<vmem>> -> memref<128xi32, #tpu.memory_space<vmem>>
      %dma_wait3A_234 = arith.constant 0 : i32
      %dma_wait3A_235 = arith.constant 0 : i32
      %dma_wait3A_236 = tpu.memref_slice %arg2[%dma_wait3A_234, %dma_wait3A_235] : memref<20480x128xf32, #tpu.memory_space<hbm>> -> memref<20480x128xf32, #tpu.memory_space<hbm>>
      tpu.wait_indirect_dma semaphore(%arg12 : memref<!tpu.dma_semaphore, #tpu.memory_space<semaphore_mem>>) src(%dma_wait3A_236 : memref<20480x128xf32, #tpu.memory_space<hbm>>) dst(%arg9 : memref<128x128xf32, #tpu.memory_space<vmem>>)
      %run_scoped3A_237 = arith.constant 13 : i32
      "tpu.region"() ({
        %run_scoped3A_261 = tpu.sem_alloc : memref<!tpu.dma_semaphore, #tpu.memory_space<semaphore_mem>>
        %dma_start3A_262 = arith.constant 0 : i32
        %dma_start3A_263 = tpu.memref_slice %arg7[%run_scoped3A_237, %dma_start3A_262] : memref<16x128xi32, #tpu.memory_space<vmem>> -> memref<1x128xi32, #tpu.memory_space<vmem>>
        %dma_start3A_264 = tpu.memref_squeeze %dma_start3A_263 : memref<1x128xi32, #tpu.memory_space<vmem>> -> memref<128xi32, #tpu.memory_space<vmem>>
        %dma_start3A_265 = arith.constant 0 : i32
        %dma_start3A_266 = arith.constant 0 : i32
        %dma_start3A_267 = tpu.memref_slice %arg10[%dma_start3A_265, %dma_start3A_266] : memref<10240x128xf32, #tpu.memory_space<vmem_shared>> -> memref<10240x128xf32, #tpu.memory_space<vmem_shared>>
        tpu.enqueue_indirect_dma source(%arg9 : memref<128x128xf32, #tpu.memory_space<vmem>>) target(%dma_start3A_267 : memref<10240x128xf32, #tpu.memory_space<vmem_shared>>) offsets(%dma_start3A_264 : memref<128xi32, #tpu.memory_space<vmem>>) semaphore(%run_scoped3A_261 : memref<!tpu.dma_semaphore, #tpu.memory_space<semaphore_mem>>) {add = true}
        %dma_wait3A_268 = arith.constant 0 : i32
        %dma_wait3A_269 = tpu.memref_slice %arg7[%run_scoped3A_237, %dma_wait3A_268] : memref<16x128xi32, #tpu.memory_space<vmem>> -> memref<1x128xi32, #tpu.memory_space<vmem>>
        %dma_wait3A_270 = tpu.memref_squeeze %dma_wait3A_269 : memref<1x128xi32, #tpu.memory_space<vmem>> -> memref<128xi32, #tpu.memory_space<vmem>>
        %dma_wait3A_271 = arith.constant 0 : i32
        %dma_wait3A_272 = arith.constant 0 : i32
        %dma_wait3A_273 = tpu.memref_slice %arg10[%dma_wait3A_271, %dma_wait3A_272] : memref<10240x128xf32, #tpu.memory_space<vmem_shared>> -> memref<10240x128xf32, #tpu.memory_space<vmem_shared>>
        tpu.wait_indirect_dma semaphore(%run_scoped3A_261 : memref<!tpu.dma_semaphore, #tpu.memory_space<semaphore_mem>>) src(%arg9 : memref<128x128xf32, #tpu.memory_space<vmem>>) dst(%dma_wait3A_273 : memref<10240x128xf32, #tpu.memory_space<vmem_shared>>)
        tpu.yield
      }) : () -> ()
      %dma_start3A_238 = arith.constant 15 : i32
      %dma_start3A_239 = arith.constant 0 : i32
      %dma_start3A_240 = tpu.memref_slice %arg6[%dma_start3A_238, %dma_start3A_239] : memref<16x128xi32, #tpu.memory_space<vmem>> -> memref<1x128xi32, #tpu.memory_space<vmem>>
      %dma_start3A_241 = tpu.memref_squeeze %dma_start3A_240 : memref<1x128xi32, #tpu.memory_space<vmem>> -> memref<128xi32, #tpu.memory_space<vmem>>
      %dma_start3A_242 = arith.constant 0 : i32
      %dma_start3A_243 = arith.constant 0 : i32
      %dma_start3A_244 = tpu.memref_slice %arg2[%dma_start3A_242, %dma_start3A_243] : memref<20480x128xf32, #tpu.memory_space<hbm>> -> memref<20480x128xf32, #tpu.memory_space<hbm>>
      tpu.enqueue_indirect_dma source(%dma_start3A_244 : memref<20480x128xf32, #tpu.memory_space<hbm>>) target(%arg9 : memref<128x128xf32, #tpu.memory_space<vmem>>) offsets(%dma_start3A_241 : memref<128xi32, #tpu.memory_space<vmem>>) semaphore(%arg12 : memref<!tpu.dma_semaphore, #tpu.memory_space<semaphore_mem>>)
      %dma_wait3A_245 = arith.constant 14 : i32
      %dma_wait3A_246 = arith.constant 0 : i32
      %dma_wait3A_247 = tpu.memref_slice %arg6[%dma_wait3A_245, %dma_wait3A_246] : memref<16x128xi32, #tpu.memory_space<vmem>> -> memref<1x128xi32, #tpu.memory_space<vmem>>
      %dma_wait3A_248 = tpu.memref_squeeze %dma_wait3A_247 : memref<1x128xi32, #tpu.memory_space<vmem>> -> memref<128xi32, #tpu.memory_space<vmem>>
      %dma_wait3A_249 = arith.constant 0 : i32
      %dma_wait3A_250 = arith.constant 0 : i32
      %dma_wait3A_251 = tpu.memref_slice %arg2[%dma_wait3A_249, %dma_wait3A_250] : memref<20480x128xf32, #tpu.memory_space<hbm>> -> memref<20480x128xf32, #tpu.memory_space<hbm>>
      tpu.wait_indirect_dma semaphore(%arg11 : memref<!tpu.dma_semaphore, #tpu.memory_space<semaphore_mem>>) src(%dma_wait3A_251 : memref<20480x128xf32, #tpu.memory_space<hbm>>) dst(%arg8 : memref<128x128xf32, #tpu.memory_space<vmem>>)
      %run_scoped3A_252 = arith.constant 14 : i32
      "tpu.region"() ({
        %run_scoped3A_261 = tpu.sem_alloc : memref<!tpu.dma_semaphore, #tpu.memory_space<semaphore_mem>>
        %dma_start3A_262 = arith.constant 0 : i32
        %dma_start3A_263 = tpu.memref_slice %arg7[%run_scoped3A_252, %dma_start3A_262] : memref<16x128xi32, #tpu.memory_space<vmem>> -> memref<1x128xi32, #tpu.memory_space<vmem>>
        %dma_start3A_264 = tpu.memref_squeeze %dma_start3A_263 : memref<1x128xi32, #tpu.memory_space<vmem>> -> memref<128xi32, #tpu.memory_space<vmem>>
        %dma_start3A_265 = arith.constant 0 : i32
        %dma_start3A_266 = arith.constant 0 : i32
        %dma_start3A_267 = tpu.memref_slice %arg10[%dma_start3A_265, %dma_start3A_266] : memref<10240x128xf32, #tpu.memory_space<vmem_shared>> -> memref<10240x128xf32, #tpu.memory_space<vmem_shared>>
        tpu.enqueue_indirect_dma source(%arg8 : memref<128x128xf32, #tpu.memory_space<vmem>>) target(%dma_start3A_267 : memref<10240x128xf32, #tpu.memory_space<vmem_shared>>) offsets(%dma_start3A_264 : memref<128xi32, #tpu.memory_space<vmem>>) semaphore(%run_scoped3A_261 : memref<!tpu.dma_semaphore, #tpu.memory_space<semaphore_mem>>) {add = true}
        %dma_wait3A_268 = arith.constant 0 : i32
        %dma_wait3A_269 = tpu.memref_slice %arg7[%run_scoped3A_252, %dma_wait3A_268] : memref<16x128xi32, #tpu.memory_space<vmem>> -> memref<1x128xi32, #tpu.memory_space<vmem>>
        %dma_wait3A_270 = tpu.memref_squeeze %dma_wait3A_269 : memref<1x128xi32, #tpu.memory_space<vmem>> -> memref<128xi32, #tpu.memory_space<vmem>>
        %dma_wait3A_271 = arith.constant 0 : i32
        %dma_wait3A_272 = arith.constant 0 : i32
        %dma_wait3A_273 = tpu.memref_slice %arg10[%dma_wait3A_271, %dma_wait3A_272] : memref<10240x128xf32, #tpu.memory_space<vmem_shared>> -> memref<10240x128xf32, #tpu.memory_space<vmem_shared>>
        tpu.wait_indirect_dma semaphore(%run_scoped3A_261 : memref<!tpu.dma_semaphore, #tpu.memory_space<semaphore_mem>>) src(%arg8 : memref<128x128xf32, #tpu.memory_space<vmem>>) dst(%dma_wait3A_273 : memref<10240x128xf32, #tpu.memory_space<vmem_shared>>)
        tpu.yield
      }) : () -> ()
      %dma_wait3A_253 = arith.constant 15 : i32
      %dma_wait3A_254 = arith.constant 0 : i32
      %dma_wait3A_255 = tpu.memref_slice %arg6[%dma_wait3A_253, %dma_wait3A_254] : memref<16x128xi32, #tpu.memory_space<vmem>> -> memref<1x128xi32, #tpu.memory_space<vmem>>
      %dma_wait3A_256 = tpu.memref_squeeze %dma_wait3A_255 : memref<1x128xi32, #tpu.memory_space<vmem>> -> memref<128xi32, #tpu.memory_space<vmem>>
      %dma_wait3A_257 = arith.constant 0 : i32
      %dma_wait3A_258 = arith.constant 0 : i32
      %dma_wait3A_259 = tpu.memref_slice %arg2[%dma_wait3A_257, %dma_wait3A_258] : memref<20480x128xf32, #tpu.memory_space<hbm>> -> memref<20480x128xf32, #tpu.memory_space<hbm>>
      tpu.wait_indirect_dma semaphore(%arg12 : memref<!tpu.dma_semaphore, #tpu.memory_space<semaphore_mem>>) src(%dma_wait3A_259 : memref<20480x128xf32, #tpu.memory_space<hbm>>) dst(%arg9 : memref<128x128xf32, #tpu.memory_space<vmem>>)
      %run_scoped3A_260 = arith.constant 15 : i32
      "tpu.region"() ({
        %run_scoped3A_261 = tpu.sem_alloc : memref<!tpu.dma_semaphore, #tpu.memory_space<semaphore_mem>>
        %dma_start3A_262 = arith.constant 0 : i32
        %dma_start3A_263 = tpu.memref_slice %arg7[%run_scoped3A_260, %dma_start3A_262] : memref<16x128xi32, #tpu.memory_space<vmem>> -> memref<1x128xi32, #tpu.memory_space<vmem>>
        %dma_start3A_264 = tpu.memref_squeeze %dma_start3A_263 : memref<1x128xi32, #tpu.memory_space<vmem>> -> memref<128xi32, #tpu.memory_space<vmem>>
        %dma_start3A_265 = arith.constant 0 : i32
        %dma_start3A_266 = arith.constant 0 : i32
        %dma_start3A_267 = tpu.memref_slice %arg10[%dma_start3A_265, %dma_start3A_266] : memref<10240x128xf32, #tpu.memory_space<vmem_shared>> -> memref<10240x128xf32, #tpu.memory_space<vmem_shared>>
        tpu.enqueue_indirect_dma source(%arg9 : memref<128x128xf32, #tpu.memory_space<vmem>>) target(%dma_start3A_267 : memref<10240x128xf32, #tpu.memory_space<vmem_shared>>) offsets(%dma_start3A_264 : memref<128xi32, #tpu.memory_space<vmem>>) semaphore(%run_scoped3A_261 : memref<!tpu.dma_semaphore, #tpu.memory_space<semaphore_mem>>) {add = true}
        %dma_wait3A_268 = arith.constant 0 : i32
        %dma_wait3A_269 = tpu.memref_slice %arg7[%run_scoped3A_260, %dma_wait3A_268] : memref<16x128xi32, #tpu.memory_space<vmem>> -> memref<1x128xi32, #tpu.memory_space<vmem>>
        %dma_wait3A_270 = tpu.memref_squeeze %dma_wait3A_269 : memref<1x128xi32, #tpu.memory_space<vmem>> -> memref<128xi32, #tpu.memory_space<vmem>>
        %dma_wait3A_271 = arith.constant 0 : i32
        %dma_wait3A_272 = arith.constant 0 : i32
        %dma_wait3A_273 = tpu.memref_slice %arg10[%dma_wait3A_271, %dma_wait3A_272] : memref<10240x128xf32, #tpu.memory_space<vmem_shared>> -> memref<10240x128xf32, #tpu.memory_space<vmem_shared>>
        tpu.wait_indirect_dma semaphore(%run_scoped3A_261 : memref<!tpu.dma_semaphore, #tpu.memory_space<semaphore_mem>>) src(%arg9 : memref<128x128xf32, #tpu.memory_space<vmem>>) dst(%dma_wait3A_273 : memref<10240x128xf32, #tpu.memory_space<vmem_shared>>)
        tpu.yield
      }) : () -> ()
    }
    %scan3A_12 = arith.constant 5 : i32
    %barrier3A_13 = arith.constant 0 : index
    tpu.barrier barrier_id(%barrier3A_13)
    %mul3A_14 = arith.constant 10240 : i32
    %mul3A_15 = arith.muli %arg0, %mul3A_14 : i32
    %add3A_16 = arith.addi %mul3A_15, %mul3A_0 : i32
    "tpu.region"() ({
      %run_scoped3A = tpu.sem_alloc : memref<!tpu.dma_semaphore, #tpu.memory_space<semaphore_mem>>
      %dma_start3A = arith.constant 0 : i32
      %dma_start3A_17 = tpu.memref_slice %arg5[%add3A_16, %dma_start3A] : memref<20480x128xf32, #tpu.memory_space<hbm>> -> memref<640x128xf32, #tpu.memory_space<hbm>>
      %dma_start3A_18 = arith.constant 0 : i32
      %dma_start3A_19 = tpu.memref_slice %arg10[%mul3A_0, %dma_start3A_18] : memref<10240x128xf32, #tpu.memory_space<vmem_shared>> -> memref<640x128xf32, #tpu.memory_space<vmem_shared>>
      tpu.enqueue_dma source(%dma_start3A_19 : memref<640x128xf32, #tpu.memory_space<vmem_shared>>) target(%dma_start3A_17 : memref<640x128xf32, #tpu.memory_space<hbm>>) target_semaphore(%run_scoped3A : memref<!tpu.dma_semaphore, #tpu.memory_space<semaphore_mem>>)
      %dma_wait3A = arith.constant 0 : i32
      %dma_wait3A_20 = tpu.memref_slice %arg5[%add3A_16, %dma_wait3A] : memref<20480x128xf32, #tpu.memory_space<hbm>> -> memref<640x128xf32, #tpu.memory_space<hbm>>
      %dma_wait3A_21 = arith.constant 0 : i32
      %dma_wait3A_22 = tpu.memref_slice %arg10[%mul3A_0, %dma_wait3A_21] : memref<10240x128xf32, #tpu.memory_space<vmem_shared>> -> memref<640x128xf32, #tpu.memory_space<vmem_shared>>
      tpu.wait_dma2 semaphore(%run_scoped3A : memref<!tpu.dma_semaphore, #tpu.memory_space<semaphore_mem>>) src(%dma_wait3A_22 : memref<640x128xf32, #tpu.memory_space<vmem_shared>>) dst(%dma_wait3A_20 : memref<640x128xf32, #tpu.memory_space<hbm>>)
      tpu.yield
    }) : () -> ()
    return
  }
}

#map = affine_map<(d0, d1) -> (0, 0)>
#map1 = affine_map<(d0, d1) -> (0)>
module attributes {stable_mosaic.version = 14 : i64} {
  func.func @_deg_body(%arg0: i32, %arg1: i32, %arg2: memref<2560x128xi32, #tpu.memory_space<hbm>>, %arg3: memref<128xf32, #tpu.memory_space<hbm>>, %arg4: memref<640xf32, #tpu.memory_space<hbm>>, %arg5: memref<20480xf32, #tpu.memory_space<hbm>>, %arg6: memref<80x128xi32, #tpu.memory_space<vmem>>, %arg7: memref<128xf32, #tpu.memory_space<vmem>>, %arg8: memref<640xf32, #tpu.memory_space<vmem>>, %arg9: memref<10240xf32, #tpu.memory_space<vmem_shared>>) attributes {dimension_semantics = [#tpu.dimension_semantics<core_parallel>, #tpu.dimension_semantics<subcore_parallel>], iteration_bounds = array<i64: 2, 16>, scalar_prefetch = 0 : i64, scratch_operands = 4 : i64, tpu.core_type = #tpu.core_type<sc_vector_subcore>, window_params = [{transform_indices = #map}, {transform_indices = #map1}, {transform_indices = #map1}, {transform_indices = #map1}]} {
    "tpu.region"() ({
      %run_scoped3A = tpu.sem_alloc : memref<!tpu.dma_semaphore, #tpu.memory_space<semaphore_mem>>
      tpu.enqueue_dma source(%arg3 : memref<128xf32, #tpu.memory_space<hbm>>) target(%arg7 : memref<128xf32, #tpu.memory_space<vmem>>) target_semaphore(%run_scoped3A : memref<!tpu.dma_semaphore, #tpu.memory_space<semaphore_mem>>)
      tpu.wait_dma2 semaphore(%run_scoped3A : memref<!tpu.dma_semaphore, #tpu.memory_space<semaphore_mem>>) src(%arg3 : memref<128xf32, #tpu.memory_space<hbm>>) dst(%arg7 : memref<128xf32, #tpu.memory_space<vmem>>)
      tpu.yield
    }) : () -> ()
    "tpu.region"() ({
      %run_scoped3A = tpu.sem_alloc : memref<!tpu.dma_semaphore, #tpu.memory_space<semaphore_mem>>
      tpu.enqueue_dma source(%arg4 : memref<640xf32, #tpu.memory_space<hbm>>) target(%arg8 : memref<640xf32, #tpu.memory_space<vmem>>) target_semaphore(%run_scoped3A : memref<!tpu.dma_semaphore, #tpu.memory_space<semaphore_mem>>)
      tpu.wait_dma2 semaphore(%run_scoped3A : memref<!tpu.dma_semaphore, #tpu.memory_space<semaphore_mem>>) src(%arg4 : memref<640xf32, #tpu.memory_space<hbm>>) dst(%arg8 : memref<640xf32, #tpu.memory_space<vmem>>)
      tpu.yield
    }) : () -> ()
    %mul3A = arith.constant 640 : i32
    %mul3A_0 = arith.muli %arg1, %mul3A : i32
    "tpu.region"() ({
      %run_scoped3A = tpu.sem_alloc : memref<!tpu.dma_semaphore, #tpu.memory_space<semaphore_mem>>
      %dma_start3A = tpu.memref_slice %arg9[%mul3A_0] : memref<10240xf32, #tpu.memory_space<vmem_shared>> -> memref<640xf32, #tpu.memory_space<vmem_shared>>
      %dma_start3A_18 = tpu.memref_slice %arg9[%mul3A_0] : memref<10240xf32, #tpu.memory_space<vmem_shared>> -> memref<640xf32, #tpu.memory_space<vmem_shared>>
      tpu.enqueue_dma source(%arg8 : memref<640xf32, #tpu.memory_space<vmem>>) target(%dma_start3A_18 : memref<640xf32, #tpu.memory_space<vmem_shared>>) target_semaphore(%run_scoped3A : memref<!tpu.dma_semaphore, #tpu.memory_space<semaphore_mem>>)
      %dma_wait3A = tpu.memref_slice %arg9[%mul3A_0] : memref<10240xf32, #tpu.memory_space<vmem_shared>> -> memref<640xf32, #tpu.memory_space<vmem_shared>>
      %dma_wait3A_19 = tpu.memref_slice %arg9[%mul3A_0] : memref<10240xf32, #tpu.memory_space<vmem_shared>> -> memref<640xf32, #tpu.memory_space<vmem_shared>>
      tpu.wait_dma2 semaphore(%run_scoped3A : memref<!tpu.dma_semaphore, #tpu.memory_space<semaphore_mem>>) src(%arg8 : memref<640xf32, #tpu.memory_space<vmem>>) dst(%dma_wait3A_19 : memref<640xf32, #tpu.memory_space<vmem_shared>>)
      tpu.yield
    }) : () -> ()
    %mul3A_1 = arith.constant 16 : i32
    %mul3A_2 = arith.muli %arg0, %mul3A_1 : i32
    %add3A = arith.addi %mul3A_2, %arg1 : i32
    %mul3A_3 = arith.constant 80 : i32
    %mul3A_4 = arith.muli %add3A, %mul3A_3 : i32
    "tpu.region"() ({
      %run_scoped3A = tpu.sem_alloc : memref<!tpu.dma_semaphore, #tpu.memory_space<semaphore_mem>>
      %dma_start3A = arith.constant 0 : i32
      %dma_start3A_18 = tpu.memref_slice %arg2[%mul3A_4, %dma_start3A] : memref<2560x128xi32, #tpu.memory_space<hbm>> -> memref<80x128xi32, #tpu.memory_space<hbm>>
      %dma_start3A_19 = arith.constant 0 : i32
      %dma_start3A_20 = tpu.memref_slice %arg2[%mul3A_4, %dma_start3A_19] : memref<2560x128xi32, #tpu.memory_space<hbm>> -> memref<80x128xi32, #tpu.memory_space<hbm>>
      tpu.enqueue_dma source(%dma_start3A_20 : memref<80x128xi32, #tpu.memory_space<hbm>>) target(%arg6 : memref<80x128xi32, #tpu.memory_space<vmem>>) target_semaphore(%run_scoped3A : memref<!tpu.dma_semaphore, #tpu.memory_space<semaphore_mem>>)
      %dma_wait3A = arith.constant 0 : i32
      %dma_wait3A_21 = tpu.memref_slice %arg2[%mul3A_4, %dma_wait3A] : memref<2560x128xi32, #tpu.memory_space<hbm>> -> memref<80x128xi32, #tpu.memory_space<hbm>>
      %dma_wait3A_22 = arith.constant 0 : i32
      %dma_wait3A_23 = tpu.memref_slice %arg2[%mul3A_4, %dma_wait3A_22] : memref<2560x128xi32, #tpu.memory_space<hbm>> -> memref<80x128xi32, #tpu.memory_space<hbm>>
      tpu.wait_dma2 semaphore(%run_scoped3A : memref<!tpu.dma_semaphore, #tpu.memory_space<semaphore_mem>>) src(%dma_wait3A_23 : memref<80x128xi32, #tpu.memory_space<hbm>>) dst(%arg6 : memref<80x128xi32, #tpu.memory_space<vmem>>)
      tpu.yield
    }) : () -> ()
    %barrier3A = arith.constant 0 : index
    tpu.barrier barrier_id(%barrier3A)
    %scan3A = arith.constant 0 : i32
    %scan3A_5 = arith.constant 0 : i32
    %scan3A_6 = arith.constant 80 : i32
    %scan3A_7 = arith.addi %scan3A_5, %scan3A_6 : i32
    %scan3A_8 = arith.constant 1 : i32
    scf.for %scan3A_18 = %scan3A_5 to %scan3A_7 step %scan3A_8  : i32 {
      "tpu.region"() ({
        %run_scoped3A = tpu.sem_alloc : memref<!tpu.dma_semaphore, #tpu.memory_space<semaphore_mem>>
        %dma_start3A = arith.constant 0 : i32
        %dma_start3A_19 = tpu.memref_slice %arg6[%scan3A_18, %dma_start3A] : memref<80x128xi32, #tpu.memory_space<vmem>> -> memref<1x128xi32, #tpu.memory_space<vmem>>
        %dma_start3A_20 = tpu.memref_squeeze %dma_start3A_19 : memref<1x128xi32, #tpu.memory_space<vmem>> -> memref<128xi32, #tpu.memory_space<vmem>>
        %dma_start3A_21 = arith.constant 0 : i32
        %dma_start3A_22 = tpu.memref_slice %arg9[%dma_start3A_21] : memref<10240xf32, #tpu.memory_space<vmem_shared>> -> memref<10240xf32, #tpu.memory_space<vmem_shared>>
        tpu.enqueue_indirect_dma source(%arg7 : memref<128xf32, #tpu.memory_space<vmem>>) target(%dma_start3A_22 : memref<10240xf32, #tpu.memory_space<vmem_shared>>) offsets(%dma_start3A_20 : memref<128xi32, #tpu.memory_space<vmem>>) semaphore(%run_scoped3A : memref<!tpu.dma_semaphore, #tpu.memory_space<semaphore_mem>>) {add = true}
        %dma_wait3A = arith.constant 0 : i32
        %dma_wait3A_23 = tpu.memref_slice %arg6[%scan3A_18, %dma_wait3A] : memref<80x128xi32, #tpu.memory_space<vmem>> -> memref<1x128xi32, #tpu.memory_space<vmem>>
        %dma_wait3A_24 = tpu.memref_squeeze %dma_wait3A_23 : memref<1x128xi32, #tpu.memory_space<vmem>> -> memref<128xi32, #tpu.memory_space<vmem>>
        %dma_wait3A_25 = arith.constant 0 : i32
        %dma_wait3A_26 = tpu.memref_slice %arg9[%dma_wait3A_25] : memref<10240xf32, #tpu.memory_space<vmem_shared>> -> memref<10240xf32, #tpu.memory_space<vmem_shared>>
        tpu.wait_indirect_dma semaphore(%run_scoped3A : memref<!tpu.dma_semaphore, #tpu.memory_space<semaphore_mem>>) src(%arg7 : memref<128xf32, #tpu.memory_space<vmem>>) dst(%dma_wait3A_26 : memref<10240xf32, #tpu.memory_space<vmem_shared>>)
        tpu.yield
      }) : () -> ()
    }
    %scan3A_9 = arith.constant 80 : i32
    %barrier3A_10 = arith.constant 0 : index
    tpu.barrier barrier_id(%barrier3A_10)
    %mul3A_11 = arith.constant 640 : i32
    %mul3A_12 = arith.muli %arg1, %mul3A_11 : i32
    %mul3A_13 = arith.constant 10240 : i32
    %mul3A_14 = arith.muli %arg0, %mul3A_13 : i32
    %mul3A_15 = arith.constant 640 : i32
    %mul3A_16 = arith.muli %arg1, %mul3A_15 : i32
    %add3A_17 = arith.addi %mul3A_14, %mul3A_16 : i32
    "tpu.region"() ({
      %run_scoped3A = tpu.sem_alloc : memref<!tpu.dma_semaphore, #tpu.memory_space<semaphore_mem>>
      %dma_start3A = tpu.memref_slice %arg5[%add3A_17] : memref<20480xf32, #tpu.memory_space<hbm>> -> memref<640xf32, #tpu.memory_space<hbm>>
      %dma_start3A_18 = tpu.memref_slice %arg9[%mul3A_12] : memref<10240xf32, #tpu.memory_space<vmem_shared>> -> memref<640xf32, #tpu.memory_space<vmem_shared>>
      tpu.enqueue_dma source(%dma_start3A_18 : memref<640xf32, #tpu.memory_space<vmem_shared>>) target(%dma_start3A : memref<640xf32, #tpu.memory_space<hbm>>) target_semaphore(%run_scoped3A : memref<!tpu.dma_semaphore, #tpu.memory_space<semaphore_mem>>)
      %dma_wait3A = tpu.memref_slice %arg5[%add3A_17] : memref<20480xf32, #tpu.memory_space<hbm>> -> memref<640xf32, #tpu.memory_space<hbm>>
      %dma_wait3A_19 = tpu.memref_slice %arg9[%mul3A_12] : memref<10240xf32, #tpu.memory_space<vmem_shared>> -> memref<640xf32, #tpu.memory_space<vmem_shared>>
      tpu.wait_dma2 semaphore(%run_scoped3A : memref<!tpu.dma_semaphore, #tpu.memory_space<semaphore_mem>>) src(%dma_wait3A_19 : memref<640xf32, #tpu.memory_space<vmem_shared>>) dst(%dma_wait3A : memref<640xf32, #tpu.memory_space<hbm>>)
      tpu.yield
    }) : () -> ()
    return
  }
}

#map = affine_map<(d0, d1) -> (0, 0)>
module attributes {stable_mosaic.version = 14 : i64} {
  func.func @_spmm_body(%arg0: i32, %arg1: i32, %arg2: memref<20480x128xf32, #tpu.memory_space<hbm>>, %arg3: memref<2560x128xi32, #tpu.memory_space<hbm>>, %arg4: memref<2560x128xi32, #tpu.memory_space<hbm>>, %arg5: memref<20480x128xf32, #tpu.memory_space<hbm>>, %arg6: memref<16x128xi32, #tpu.memory_space<vmem>>, %arg7: memref<16x128xi32, #tpu.memory_space<vmem>>, %arg8: memref<128x128xf32, #tpu.memory_space<vmem>>, %arg9: memref<128x128xf32, #tpu.memory_space<vmem>>, %arg10: memref<10240x128xf32, #tpu.memory_space<vmem_shared>>, %arg11: memref<!tpu.dma_semaphore, #tpu.memory_space<semaphore_mem>>, %arg12: memref<!tpu.dma_semaphore, #tpu.memory_space<semaphore_mem>>) attributes {dimension_semantics = [#tpu.dimension_semantics<core_parallel>, #tpu.dimension_semantics<subcore_parallel>], iteration_bounds = array<i64: 2, 16>, scalar_prefetch = 0 : i64, scratch_operands = 7 : i64, tpu.core_type = #tpu.core_type<sc_vector_subcore>, window_params = [{transform_indices = #map}, {transform_indices = #map}, {transform_indices = #map}, {transform_indices = #map}]} {
    %mul3A = arith.constant 640 : i32
    %mul3A_0 = arith.muli %arg1, %mul3A : i32
    %mul3A_1 = arith.constant 10240 : i32
    %mul3A_2 = arith.muli %arg0, %mul3A_1 : i32
    %add3A = arith.addi %mul3A_2, %mul3A_0 : i32
    "tpu.region"() ({
      %run_scoped3A = tpu.sem_alloc : memref<!tpu.dma_semaphore, #tpu.memory_space<semaphore_mem>>
      %dma_start3A = arith.constant 0 : i32
      %dma_start3A_17 = tpu.memref_slice %arg10[%mul3A_0, %dma_start3A] : memref<10240x128xf32, #tpu.memory_space<vmem_shared>> -> memref<640x128xf32, #tpu.memory_space<vmem_shared>>
      %dma_start3A_18 = arith.constant 0 : i32
      %dma_start3A_19 = tpu.memref_slice %arg2[%add3A, %dma_start3A_18] : memref<20480x128xf32, #tpu.memory_space<hbm>> -> memref<640x128xf32, #tpu.memory_space<hbm>>
      tpu.enqueue_dma source(%dma_start3A_19 : memref<640x128xf32, #tpu.memory_space<hbm>>) target(%dma_start3A_17 : memref<640x128xf32, #tpu.memory_space<vmem_shared>>) target_semaphore(%run_scoped3A : memref<!tpu.dma_semaphore, #tpu.memory_space<semaphore_mem>>)
      %dma_wait3A = arith.constant 0 : i32
      %dma_wait3A_20 = tpu.memref_slice %arg10[%mul3A_0, %dma_wait3A] : memref<10240x128xf32, #tpu.memory_space<vmem_shared>> -> memref<640x128xf32, #tpu.memory_space<vmem_shared>>
      %dma_wait3A_21 = arith.constant 0 : i32
      %dma_wait3A_22 = tpu.memref_slice %arg2[%add3A, %dma_wait3A_21] : memref<20480x128xf32, #tpu.memory_space<hbm>> -> memref<640x128xf32, #tpu.memory_space<hbm>>
      tpu.wait_dma2 semaphore(%run_scoped3A : memref<!tpu.dma_semaphore, #tpu.memory_space<semaphore_mem>>) src(%dma_wait3A_22 : memref<640x128xf32, #tpu.memory_space<hbm>>) dst(%dma_wait3A_20 : memref<640x128xf32, #tpu.memory_space<vmem_shared>>)
      tpu.yield
    }) : () -> ()
    %barrier3A = arith.constant 0 : index
    tpu.barrier barrier_id(%barrier3A)
    %mul3A_3 = arith.constant 16 : i32
    %mul3A_4 = arith.muli %arg0, %mul3A_3 : i32
    %add3A_5 = arith.addi %mul3A_4, %arg1 : i32
    %mul3A_6 = arith.constant 80 : i32
    %mul3A_7 = arith.muli %add3A_5, %mul3A_6 : i32
    %scan3A = arith.constant 0 : i32
    %scan3A_8 = arith.constant 0 : i32
    %scan3A_9 = arith.constant 5 : i32
    %scan3A_10 = arith.addi %scan3A_8, %scan3A_9 : i32
    %scan3A_11 = arith.constant 1 : i32
    scf.for %scan3A_17 = %scan3A_8 to %scan3A_10 step %scan3A_11  : i32 {
      %mul3A_18 = arith.constant 16 : i32
      %mul3A_19 = arith.muli %scan3A_17, %mul3A_18 : i32
      %add3A_20 = arith.addi %mul3A_7, %mul3A_19 : i32
      "tpu.region"() ({
        %run_scoped3A_261 = tpu.sem_alloc : memref<!tpu.dma_semaphore, #tpu.memory_space<semaphore_mem>>
        %dma_start3A_262 = arith.constant 0 : i32
        %dma_start3A_263 = tpu.memref_slice %arg3[%add3A_20, %dma_start3A_262] : memref<2560x128xi32, #tpu.memory_space<hbm>> -> memref<16x128xi32, #tpu.memory_space<hbm>>
        %dma_start3A_264 = arith.constant 0 : i32
        %dma_start3A_265 = tpu.memref_slice %arg3[%add3A_20, %dma_start3A_264] : memref<2560x128xi32, #tpu.memory_space<hbm>> -> memref<16x128xi32, #tpu.memory_space<hbm>>
        tpu.enqueue_dma source(%dma_start3A_265 : memref<16x128xi32, #tpu.memory_space<hbm>>) target(%arg6 : memref<16x128xi32, #tpu.memory_space<vmem>>) target_semaphore(%run_scoped3A_261 : memref<!tpu.dma_semaphore, #tpu.memory_space<semaphore_mem>>)
        %dma_wait3A_266 = arith.constant 0 : i32
        %dma_wait3A_267 = tpu.memref_slice %arg3[%add3A_20, %dma_wait3A_266] : memref<2560x128xi32, #tpu.memory_space<hbm>> -> memref<16x128xi32, #tpu.memory_space<hbm>>
        %dma_wait3A_268 = arith.constant 0 : i32
        %dma_wait3A_269 = tpu.memref_slice %arg3[%add3A_20, %dma_wait3A_268] : memref<2560x128xi32, #tpu.memory_space<hbm>> -> memref<16x128xi32, #tpu.memory_space<hbm>>
        tpu.wait_dma2 semaphore(%run_scoped3A_261 : memref<!tpu.dma_semaphore, #tpu.memory_space<semaphore_mem>>) src(%dma_wait3A_269 : memref<16x128xi32, #tpu.memory_space<hbm>>) dst(%arg6 : memref<16x128xi32, #tpu.memory_space<vmem>>)
        tpu.yield
      }) : () -> ()
      %mul3A_21 = arith.constant 16 : i32
      %mul3A_22 = arith.muli %scan3A_17, %mul3A_21 : i32
      %add3A_23 = arith.addi %mul3A_7, %mul3A_22 : i32
      "tpu.region"() ({
        %run_scoped3A_261 = tpu.sem_alloc : memref<!tpu.dma_semaphore, #tpu.memory_space<semaphore_mem>>
        %dma_start3A_262 = arith.constant 0 : i32
        %dma_start3A_263 = tpu.memref_slice %arg4[%add3A_23, %dma_start3A_262] : memref<2560x128xi32, #tpu.memory_space<hbm>> -> memref<16x128xi32, #tpu.memory_space<hbm>>
        %dma_start3A_264 = arith.constant 0 : i32
        %dma_start3A_265 = tpu.memref_slice %arg4[%add3A_23, %dma_start3A_264] : memref<2560x128xi32, #tpu.memory_space<hbm>> -> memref<16x128xi32, #tpu.memory_space<hbm>>
        tpu.enqueue_dma source(%dma_start3A_265 : memref<16x128xi32, #tpu.memory_space<hbm>>) target(%arg7 : memref<16x128xi32, #tpu.memory_space<vmem>>) target_semaphore(%run_scoped3A_261 : memref<!tpu.dma_semaphore, #tpu.memory_space<semaphore_mem>>)
        %dma_wait3A_266 = arith.constant 0 : i32
        %dma_wait3A_267 = tpu.memref_slice %arg4[%add3A_23, %dma_wait3A_266] : memref<2560x128xi32, #tpu.memory_space<hbm>> -> memref<16x128xi32, #tpu.memory_space<hbm>>
        %dma_wait3A_268 = arith.constant 0 : i32
        %dma_wait3A_269 = tpu.memref_slice %arg4[%add3A_23, %dma_wait3A_268] : memref<2560x128xi32, #tpu.memory_space<hbm>> -> memref<16x128xi32, #tpu.memory_space<hbm>>
        tpu.wait_dma2 semaphore(%run_scoped3A_261 : memref<!tpu.dma_semaphore, #tpu.memory_space<semaphore_mem>>) src(%dma_wait3A_269 : memref<16x128xi32, #tpu.memory_space<hbm>>) dst(%arg7 : memref<16x128xi32, #tpu.memory_space<vmem>>)
        tpu.yield
      }) : () -> ()
      %dma_start3A = arith.constant 0 : i32
      %dma_start3A_24 = arith.constant 0 : i32
      %dma_start3A_25 = tpu.memref_slice %arg6[%dma_start3A, %dma_start3A_24] : memref<16x128xi32, #tpu.memory_space<vmem>> -> memref<1x128xi32, #tpu.memory_space<vmem>>
      %dma_start3A_26 = tpu.memref_squeeze %dma_start3A_25 : memref<1x128xi32, #tpu.memory_space<vmem>> -> memref<128xi32, #tpu.memory_space<vmem>>
      %dma_start3A_27 = arith.constant 0 : i32
      %dma_start3A_28 = arith.constant 0 : i32
      %dma_start3A_29 = tpu.memref_slice %arg2[%dma_start3A_27, %dma_start3A_28] : memref<20480x128xf32, #tpu.memory_space<hbm>> -> memref<20480x128xf32, #tpu.memory_space<hbm>>
      tpu.enqueue_indirect_dma source(%dma_start3A_29 : memref<20480x128xf32, #tpu.memory_space<hbm>>) target(%arg8 : memref<128x128xf32, #tpu.memory_space<vmem>>) offsets(%dma_start3A_26 : memref<128xi32, #tpu.memory_space<vmem>>) semaphore(%arg11 : memref<!tpu.dma_semaphore, #tpu.memory_space<semaphore_mem>>)
      %dma_start3A_30 = arith.constant 1 : i32
      %dma_start3A_31 = arith.constant 0 : i32
      %dma_start3A_32 = tpu.memref_slice %arg6[%dma_start3A_30, %dma_start3A_31] : memref<16x128xi32, #tpu.memory_space<vmem>> -> memref<1x128xi32, #tpu.memory_space<vmem>>
      %dma_start3A_33 = tpu.memref_squeeze %dma_start3A_32 : memref<1x128xi32, #tpu.memory_space<vmem>> -> memref<128xi32, #tpu.memory_space<vmem>>
      %dma_start3A_34 = arith.constant 0 : i32
      %dma_start3A_35 = arith.constant 0 : i32
      %dma_start3A_36 = tpu.memref_slice %arg2[%dma_start3A_34, %dma_start3A_35] : memref<20480x128xf32, #tpu.memory_space<hbm>> -> memref<20480x128xf32, #tpu.memory_space<hbm>>
      tpu.enqueue_indirect_dma source(%dma_start3A_36 : memref<20480x128xf32, #tpu.memory_space<hbm>>) target(%arg9 : memref<128x128xf32, #tpu.memory_space<vmem>>) offsets(%dma_start3A_33 : memref<128xi32, #tpu.memory_space<vmem>>) semaphore(%arg12 : memref<!tpu.dma_semaphore, #tpu.memory_space<semaphore_mem>>)
      %dma_wait3A = arith.constant 0 : i32
      %dma_wait3A_37 = arith.constant 0 : i32
      %dma_wait3A_38 = tpu.memref_slice %arg6[%dma_wait3A, %dma_wait3A_37] : memref<16x128xi32, #tpu.memory_space<vmem>> -> memref<1x128xi32, #tpu.memory_space<vmem>>
      %dma_wait3A_39 = tpu.memref_squeeze %dma_wait3A_38 : memref<1x128xi32, #tpu.memory_space<vmem>> -> memref<128xi32, #tpu.memory_space<vmem>>
      %dma_wait3A_40 = arith.constant 0 : i32
      %dma_wait3A_41 = arith.constant 0 : i32
      %dma_wait3A_42 = tpu.memref_slice %arg2[%dma_wait3A_40, %dma_wait3A_41] : memref<20480x128xf32, #tpu.memory_space<hbm>> -> memref<20480x128xf32, #tpu.memory_space<hbm>>
      tpu.wait_indirect_dma semaphore(%arg11 : memref<!tpu.dma_semaphore, #tpu.memory_space<semaphore_mem>>) src(%dma_wait3A_42 : memref<20480x128xf32, #tpu.memory_space<hbm>>) dst(%arg8 : memref<128x128xf32, #tpu.memory_space<vmem>>)
      %run_scoped3A = arith.constant 0 : i32
      "tpu.region"() ({
        %run_scoped3A_261 = tpu.sem_alloc : memref<!tpu.dma_semaphore, #tpu.memory_space<semaphore_mem>>
        %dma_start3A_262 = arith.constant 0 : i32
        %dma_start3A_263 = tpu.memref_slice %arg7[%run_scoped3A, %dma_start3A_262] : memref<16x128xi32, #tpu.memory_space<vmem>> -> memref<1x128xi32, #tpu.memory_space<vmem>>
        %dma_start3A_264 = tpu.memref_squeeze %dma_start3A_263 : memref<1x128xi32, #tpu.memory_space<vmem>> -> memref<128xi32, #tpu.memory_space<vmem>>
        %dma_start3A_265 = arith.constant 0 : i32
        %dma_start3A_266 = arith.constant 0 : i32
        %dma_start3A_267 = tpu.memref_slice %arg10[%dma_start3A_265, %dma_start3A_266] : memref<10240x128xf32, #tpu.memory_space<vmem_shared>> -> memref<10240x128xf32, #tpu.memory_space<vmem_shared>>
        tpu.enqueue_indirect_dma source(%arg8 : memref<128x128xf32, #tpu.memory_space<vmem>>) target(%dma_start3A_267 : memref<10240x128xf32, #tpu.memory_space<vmem_shared>>) offsets(%dma_start3A_264 : memref<128xi32, #tpu.memory_space<vmem>>) semaphore(%run_scoped3A_261 : memref<!tpu.dma_semaphore, #tpu.memory_space<semaphore_mem>>) {add = true}
        %dma_wait3A_268 = arith.constant 0 : i32
        %dma_wait3A_269 = tpu.memref_slice %arg7[%run_scoped3A, %dma_wait3A_268] : memref<16x128xi32, #tpu.memory_space<vmem>> -> memref<1x128xi32, #tpu.memory_space<vmem>>
        %dma_wait3A_270 = tpu.memref_squeeze %dma_wait3A_269 : memref<1x128xi32, #tpu.memory_space<vmem>> -> memref<128xi32, #tpu.memory_space<vmem>>
        %dma_wait3A_271 = arith.constant 0 : i32
        %dma_wait3A_272 = arith.constant 0 : i32
        %dma_wait3A_273 = tpu.memref_slice %arg10[%dma_wait3A_271, %dma_wait3A_272] : memref<10240x128xf32, #tpu.memory_space<vmem_shared>> -> memref<10240x128xf32, #tpu.memory_space<vmem_shared>>
        tpu.wait_indirect_dma semaphore(%run_scoped3A_261 : memref<!tpu.dma_semaphore, #tpu.memory_space<semaphore_mem>>) src(%arg8 : memref<128x128xf32, #tpu.memory_space<vmem>>) dst(%dma_wait3A_273 : memref<10240x128xf32, #tpu.memory_space<vmem_shared>>)
        tpu.yield
      }) : () -> ()
      %dma_start3A_43 = arith.constant 2 : i32
      %dma_start3A_44 = arith.constant 0 : i32
      %dma_start3A_45 = tpu.memref_slice %arg6[%dma_start3A_43, %dma_start3A_44] : memref<16x128xi32, #tpu.memory_space<vmem>> -> memref<1x128xi32, #tpu.memory_space<vmem>>
      %dma_start3A_46 = tpu.memref_squeeze %dma_start3A_45 : memref<1x128xi32, #tpu.memory_space<vmem>> -> memref<128xi32, #tpu.memory_space<vmem>>
      %dma_start3A_47 = arith.constant 0 : i32
      %dma_start3A_48 = arith.constant 0 : i32
      %dma_start3A_49 = tpu.memref_slice %arg2[%dma_start3A_47, %dma_start3A_48] : memref<20480x128xf32, #tpu.memory_space<hbm>> -> memref<20480x128xf32, #tpu.memory_space<hbm>>
      tpu.enqueue_indirect_dma source(%dma_start3A_49 : memref<20480x128xf32, #tpu.memory_space<hbm>>) target(%arg8 : memref<128x128xf32, #tpu.memory_space<vmem>>) offsets(%dma_start3A_46 : memref<128xi32, #tpu.memory_space<vmem>>) semaphore(%arg11 : memref<!tpu.dma_semaphore, #tpu.memory_space<semaphore_mem>>)
      %dma_wait3A_50 = arith.constant 1 : i32
      %dma_wait3A_51 = arith.constant 0 : i32
      %dma_wait3A_52 = tpu.memref_slice %arg6[%dma_wait3A_50, %dma_wait3A_51] : memref<16x128xi32, #tpu.memory_space<vmem>> -> memref<1x128xi32, #tpu.memory_space<vmem>>
      %dma_wait3A_53 = tpu.memref_squeeze %dma_wait3A_52 : memref<1x128xi32, #tpu.memory_space<vmem>> -> memref<128xi32, #tpu.memory_space<vmem>>
      %dma_wait3A_54 = arith.constant 0 : i32
      %dma_wait3A_55 = arith.constant 0 : i32
      %dma_wait3A_56 = tpu.memref_slice %arg2[%dma_wait3A_54, %dma_wait3A_55] : memref<20480x128xf32, #tpu.memory_space<hbm>> -> memref<20480x128xf32, #tpu.memory_space<hbm>>
      tpu.wait_indirect_dma semaphore(%arg12 : memref<!tpu.dma_semaphore, #tpu.memory_space<semaphore_mem>>) src(%dma_wait3A_56 : memref<20480x128xf32, #tpu.memory_space<hbm>>) dst(%arg9 : memref<128x128xf32, #tpu.memory_space<vmem>>)
      %run_scoped3A_57 = arith.constant 1 : i32
      "tpu.region"() ({
        %run_scoped3A_261 = tpu.sem_alloc : memref<!tpu.dma_semaphore, #tpu.memory_space<semaphore_mem>>
        %dma_start3A_262 = arith.constant 0 : i32
        %dma_start3A_263 = tpu.memref_slice %arg7[%run_scoped3A_57, %dma_start3A_262] : memref<16x128xi32, #tpu.memory_space<vmem>> -> memref<1x128xi32, #tpu.memory_space<vmem>>
        %dma_start3A_264 = tpu.memref_squeeze %dma_start3A_263 : memref<1x128xi32, #tpu.memory_space<vmem>> -> memref<128xi32, #tpu.memory_space<vmem>>
        %dma_start3A_265 = arith.constant 0 : i32
        %dma_start3A_266 = arith.constant 0 : i32
        %dma_start3A_267 = tpu.memref_slice %arg10[%dma_start3A_265, %dma_start3A_266] : memref<10240x128xf32, #tpu.memory_space<vmem_shared>> -> memref<10240x128xf32, #tpu.memory_space<vmem_shared>>
        tpu.enqueue_indirect_dma source(%arg9 : memref<128x128xf32, #tpu.memory_space<vmem>>) target(%dma_start3A_267 : memref<10240x128xf32, #tpu.memory_space<vmem_shared>>) offsets(%dma_start3A_264 : memref<128xi32, #tpu.memory_space<vmem>>) semaphore(%run_scoped3A_261 : memref<!tpu.dma_semaphore, #tpu.memory_space<semaphore_mem>>) {add = true}
        %dma_wait3A_268 = arith.constant 0 : i32
        %dma_wait3A_269 = tpu.memref_slice %arg7[%run_scoped3A_57, %dma_wait3A_268] : memref<16x128xi32, #tpu.memory_space<vmem>> -> memref<1x128xi32, #tpu.memory_space<vmem>>
        %dma_wait3A_270 = tpu.memref_squeeze %dma_wait3A_269 : memref<1x128xi32, #tpu.memory_space<vmem>> -> memref<128xi32, #tpu.memory_space<vmem>>
        %dma_wait3A_271 = arith.constant 0 : i32
        %dma_wait3A_272 = arith.constant 0 : i32
        %dma_wait3A_273 = tpu.memref_slice %arg10[%dma_wait3A_271, %dma_wait3A_272] : memref<10240x128xf32, #tpu.memory_space<vmem_shared>> -> memref<10240x128xf32, #tpu.memory_space<vmem_shared>>
        tpu.wait_indirect_dma semaphore(%run_scoped3A_261 : memref<!tpu.dma_semaphore, #tpu.memory_space<semaphore_mem>>) src(%arg9 : memref<128x128xf32, #tpu.memory_space<vmem>>) dst(%dma_wait3A_273 : memref<10240x128xf32, #tpu.memory_space<vmem_shared>>)
        tpu.yield
      }) : () -> ()
      %dma_start3A_58 = arith.constant 3 : i32
      %dma_start3A_59 = arith.constant 0 : i32
      %dma_start3A_60 = tpu.memref_slice %arg6[%dma_start3A_58, %dma_start3A_59] : memref<16x128xi32, #tpu.memory_space<vmem>> -> memref<1x128xi32, #tpu.memory_space<vmem>>
      %dma_start3A_61 = tpu.memref_squeeze %dma_start3A_60 : memref<1x128xi32, #tpu.memory_space<vmem>> -> memref<128xi32, #tpu.memory_space<vmem>>
      %dma_start3A_62 = arith.constant 0 : i32
      %dma_start3A_63 = arith.constant 0 : i32
      %dma_start3A_64 = tpu.memref_slice %arg2[%dma_start3A_62, %dma_start3A_63] : memref<20480x128xf32, #tpu.memory_space<hbm>> -> memref<20480x128xf32, #tpu.memory_space<hbm>>
      tpu.enqueue_indirect_dma source(%dma_start3A_64 : memref<20480x128xf32, #tpu.memory_space<hbm>>) target(%arg9 : memref<128x128xf32, #tpu.memory_space<vmem>>) offsets(%dma_start3A_61 : memref<128xi32, #tpu.memory_space<vmem>>) semaphore(%arg12 : memref<!tpu.dma_semaphore, #tpu.memory_space<semaphore_mem>>)
      %dma_wait3A_65 = arith.constant 2 : i32
      %dma_wait3A_66 = arith.constant 0 : i32
      %dma_wait3A_67 = tpu.memref_slice %arg6[%dma_wait3A_65, %dma_wait3A_66] : memref<16x128xi32, #tpu.memory_space<vmem>> -> memref<1x128xi32, #tpu.memory_space<vmem>>
      %dma_wait3A_68 = tpu.memref_squeeze %dma_wait3A_67 : memref<1x128xi32, #tpu.memory_space<vmem>> -> memref<128xi32, #tpu.memory_space<vmem>>
      %dma_wait3A_69 = arith.constant 0 : i32
      %dma_wait3A_70 = arith.constant 0 : i32
      %dma_wait3A_71 = tpu.memref_slice %arg2[%dma_wait3A_69, %dma_wait3A_70] : memref<20480x128xf32, #tpu.memory_space<hbm>> -> memref<20480x128xf32, #tpu.memory_space<hbm>>
      tpu.wait_indirect_dma semaphore(%arg11 : memref<!tpu.dma_semaphore, #tpu.memory_space<semaphore_mem>>) src(%dma_wait3A_71 : memref<20480x128xf32, #tpu.memory_space<hbm>>) dst(%arg8 : memref<128x128xf32, #tpu.memory_space<vmem>>)
      %run_scoped3A_72 = arith.constant 2 : i32
      "tpu.region"() ({
        %run_scoped3A_261 = tpu.sem_alloc : memref<!tpu.dma_semaphore, #tpu.memory_space<semaphore_mem>>
        %dma_start3A_262 = arith.constant 0 : i32
        %dma_start3A_263 = tpu.memref_slice %arg7[%run_scoped3A_72, %dma_start3A_262] : memref<16x128xi32, #tpu.memory_space<vmem>> -> memref<1x128xi32, #tpu.memory_space<vmem>>
        %dma_start3A_264 = tpu.memref_squeeze %dma_start3A_263 : memref<1x128xi32, #tpu.memory_space<vmem>> -> memref<128xi32, #tpu.memory_space<vmem>>
        %dma_start3A_265 = arith.constant 0 : i32
        %dma_start3A_266 = arith.constant 0 : i32
        %dma_start3A_267 = tpu.memref_slice %arg10[%dma_start3A_265, %dma_start3A_266] : memref<10240x128xf32, #tpu.memory_space<vmem_shared>> -> memref<10240x128xf32, #tpu.memory_space<vmem_shared>>
        tpu.enqueue_indirect_dma source(%arg8 : memref<128x128xf32, #tpu.memory_space<vmem>>) target(%dma_start3A_267 : memref<10240x128xf32, #tpu.memory_space<vmem_shared>>) offsets(%dma_start3A_264 : memref<128xi32, #tpu.memory_space<vmem>>) semaphore(%run_scoped3A_261 : memref<!tpu.dma_semaphore, #tpu.memory_space<semaphore_mem>>) {add = true}
        %dma_wait3A_268 = arith.constant 0 : i32
        %dma_wait3A_269 = tpu.memref_slice %arg7[%run_scoped3A_72, %dma_wait3A_268] : memref<16x128xi32, #tpu.memory_space<vmem>> -> memref<1x128xi32, #tpu.memory_space<vmem>>
        %dma_wait3A_270 = tpu.memref_squeeze %dma_wait3A_269 : memref<1x128xi32, #tpu.memory_space<vmem>> -> memref<128xi32, #tpu.memory_space<vmem>>
        %dma_wait3A_271 = arith.constant 0 : i32
        %dma_wait3A_272 = arith.constant 0 : i32
        %dma_wait3A_273 = tpu.memref_slice %arg10[%dma_wait3A_271, %dma_wait3A_272] : memref<10240x128xf32, #tpu.memory_space<vmem_shared>> -> memref<10240x128xf32, #tpu.memory_space<vmem_shared>>
        tpu.wait_indirect_dma semaphore(%run_scoped3A_261 : memref<!tpu.dma_semaphore, #tpu.memory_space<semaphore_mem>>) src(%arg8 : memref<128x128xf32, #tpu.memory_space<vmem>>) dst(%dma_wait3A_273 : memref<10240x128xf32, #tpu.memory_space<vmem_shared>>)
        tpu.yield
      }) : () -> ()
      %dma_start3A_73 = arith.constant 4 : i32
      %dma_start3A_74 = arith.constant 0 : i32
      %dma_start3A_75 = tpu.memref_slice %arg6[%dma_start3A_73, %dma_start3A_74] : memref<16x128xi32, #tpu.memory_space<vmem>> -> memref<1x128xi32, #tpu.memory_space<vmem>>
      %dma_start3A_76 = tpu.memref_squeeze %dma_start3A_75 : memref<1x128xi32, #tpu.memory_space<vmem>> -> memref<128xi32, #tpu.memory_space<vmem>>
      %dma_start3A_77 = arith.constant 0 : i32
      %dma_start3A_78 = arith.constant 0 : i32
      %dma_start3A_79 = tpu.memref_slice %arg2[%dma_start3A_77, %dma_start3A_78] : memref<20480x128xf32, #tpu.memory_space<hbm>> -> memref<20480x128xf32, #tpu.memory_space<hbm>>
      tpu.enqueue_indirect_dma source(%dma_start3A_79 : memref<20480x128xf32, #tpu.memory_space<hbm>>) target(%arg8 : memref<128x128xf32, #tpu.memory_space<vmem>>) offsets(%dma_start3A_76 : memref<128xi32, #tpu.memory_space<vmem>>) semaphore(%arg11 : memref<!tpu.dma_semaphore, #tpu.memory_space<semaphore_mem>>)
      %dma_wait3A_80 = arith.constant 3 : i32
      %dma_wait3A_81 = arith.constant 0 : i32
      %dma_wait3A_82 = tpu.memref_slice %arg6[%dma_wait3A_80, %dma_wait3A_81] : memref<16x128xi32, #tpu.memory_space<vmem>> -> memref<1x128xi32, #tpu.memory_space<vmem>>
      %dma_wait3A_83 = tpu.memref_squeeze %dma_wait3A_82 : memref<1x128xi32, #tpu.memory_space<vmem>> -> memref<128xi32, #tpu.memory_space<vmem>>
      %dma_wait3A_84 = arith.constant 0 : i32
      %dma_wait3A_85 = arith.constant 0 : i32
      %dma_wait3A_86 = tpu.memref_slice %arg2[%dma_wait3A_84, %dma_wait3A_85] : memref<20480x128xf32, #tpu.memory_space<hbm>> -> memref<20480x128xf32, #tpu.memory_space<hbm>>
      tpu.wait_indirect_dma semaphore(%arg12 : memref<!tpu.dma_semaphore, #tpu.memory_space<semaphore_mem>>) src(%dma_wait3A_86 : memref<20480x128xf32, #tpu.memory_space<hbm>>) dst(%arg9 : memref<128x128xf32, #tpu.memory_space<vmem>>)
      %run_scoped3A_87 = arith.constant 3 : i32
      "tpu.region"() ({
        %run_scoped3A_261 = tpu.sem_alloc : memref<!tpu.dma_semaphore, #tpu.memory_space<semaphore_mem>>
        %dma_start3A_262 = arith.constant 0 : i32
        %dma_start3A_263 = tpu.memref_slice %arg7[%run_scoped3A_87, %dma_start3A_262] : memref<16x128xi32, #tpu.memory_space<vmem>> -> memref<1x128xi32, #tpu.memory_space<vmem>>
        %dma_start3A_264 = tpu.memref_squeeze %dma_start3A_263 : memref<1x128xi32, #tpu.memory_space<vmem>> -> memref<128xi32, #tpu.memory_space<vmem>>
        %dma_start3A_265 = arith.constant 0 : i32
        %dma_start3A_266 = arith.constant 0 : i32
        %dma_start3A_267 = tpu.memref_slice %arg10[%dma_start3A_265, %dma_start3A_266] : memref<10240x128xf32, #tpu.memory_space<vmem_shared>> -> memref<10240x128xf32, #tpu.memory_space<vmem_shared>>
        tpu.enqueue_indirect_dma source(%arg9 : memref<128x128xf32, #tpu.memory_space<vmem>>) target(%dma_start3A_267 : memref<10240x128xf32, #tpu.memory_space<vmem_shared>>) offsets(%dma_start3A_264 : memref<128xi32, #tpu.memory_space<vmem>>) semaphore(%run_scoped3A_261 : memref<!tpu.dma_semaphore, #tpu.memory_space<semaphore_mem>>) {add = true}
        %dma_wait3A_268 = arith.constant 0 : i32
        %dma_wait3A_269 = tpu.memref_slice %arg7[%run_scoped3A_87, %dma_wait3A_268] : memref<16x128xi32, #tpu.memory_space<vmem>> -> memref<1x128xi32, #tpu.memory_space<vmem>>
        %dma_wait3A_270 = tpu.memref_squeeze %dma_wait3A_269 : memref<1x128xi32, #tpu.memory_space<vmem>> -> memref<128xi32, #tpu.memory_space<vmem>>
        %dma_wait3A_271 = arith.constant 0 : i32
        %dma_wait3A_272 = arith.constant 0 : i32
        %dma_wait3A_273 = tpu.memref_slice %arg10[%dma_wait3A_271, %dma_wait3A_272] : memref<10240x128xf32, #tpu.memory_space<vmem_shared>> -> memref<10240x128xf32, #tpu.memory_space<vmem_shared>>
        tpu.wait_indirect_dma semaphore(%run_scoped3A_261 : memref<!tpu.dma_semaphore, #tpu.memory_space<semaphore_mem>>) src(%arg9 : memref<128x128xf32, #tpu.memory_space<vmem>>) dst(%dma_wait3A_273 : memref<10240x128xf32, #tpu.memory_space<vmem_shared>>)
        tpu.yield
      }) : () -> ()
      %dma_start3A_88 = arith.constant 5 : i32
      %dma_start3A_89 = arith.constant 0 : i32
      %dma_start3A_90 = tpu.memref_slice %arg6[%dma_start3A_88, %dma_start3A_89] : memref<16x128xi32, #tpu.memory_space<vmem>> -> memref<1x128xi32, #tpu.memory_space<vmem>>
      %dma_start3A_91 = tpu.memref_squeeze %dma_start3A_90 : memref<1x128xi32, #tpu.memory_space<vmem>> -> memref<128xi32, #tpu.memory_space<vmem>>
      %dma_start3A_92 = arith.constant 0 : i32
      %dma_start3A_93 = arith.constant 0 : i32
      %dma_start3A_94 = tpu.memref_slice %arg2[%dma_start3A_92, %dma_start3A_93] : memref<20480x128xf32, #tpu.memory_space<hbm>> -> memref<20480x128xf32, #tpu.memory_space<hbm>>
      tpu.enqueue_indirect_dma source(%dma_start3A_94 : memref<20480x128xf32, #tpu.memory_space<hbm>>) target(%arg9 : memref<128x128xf32, #tpu.memory_space<vmem>>) offsets(%dma_start3A_91 : memref<128xi32, #tpu.memory_space<vmem>>) semaphore(%arg12 : memref<!tpu.dma_semaphore, #tpu.memory_space<semaphore_mem>>)
      %dma_wait3A_95 = arith.constant 4 : i32
      %dma_wait3A_96 = arith.constant 0 : i32
      %dma_wait3A_97 = tpu.memref_slice %arg6[%dma_wait3A_95, %dma_wait3A_96] : memref<16x128xi32, #tpu.memory_space<vmem>> -> memref<1x128xi32, #tpu.memory_space<vmem>>
      %dma_wait3A_98 = tpu.memref_squeeze %dma_wait3A_97 : memref<1x128xi32, #tpu.memory_space<vmem>> -> memref<128xi32, #tpu.memory_space<vmem>>
      %dma_wait3A_99 = arith.constant 0 : i32
      %dma_wait3A_100 = arith.constant 0 : i32
      %dma_wait3A_101 = tpu.memref_slice %arg2[%dma_wait3A_99, %dma_wait3A_100] : memref<20480x128xf32, #tpu.memory_space<hbm>> -> memref<20480x128xf32, #tpu.memory_space<hbm>>
      tpu.wait_indirect_dma semaphore(%arg11 : memref<!tpu.dma_semaphore, #tpu.memory_space<semaphore_mem>>) src(%dma_wait3A_101 : memref<20480x128xf32, #tpu.memory_space<hbm>>) dst(%arg8 : memref<128x128xf32, #tpu.memory_space<vmem>>)
      %run_scoped3A_102 = arith.constant 4 : i32
      "tpu.region"() ({
        %run_scoped3A_261 = tpu.sem_alloc : memref<!tpu.dma_semaphore, #tpu.memory_space<semaphore_mem>>
        %dma_start3A_262 = arith.constant 0 : i32
        %dma_start3A_263 = tpu.memref_slice %arg7[%run_scoped3A_102, %dma_start3A_262] : memref<16x128xi32, #tpu.memory_space<vmem>> -> memref<1x128xi32, #tpu.memory_space<vmem>>
        %dma_start3A_264 = tpu.memref_squeeze %dma_start3A_263 : memref<1x128xi32, #tpu.memory_space<vmem>> -> memref<128xi32, #tpu.memory_space<vmem>>
        %dma_start3A_265 = arith.constant 0 : i32
        %dma_start3A_266 = arith.constant 0 : i32
        %dma_start3A_267 = tpu.memref_slice %arg10[%dma_start3A_265, %dma_start3A_266] : memref<10240x128xf32, #tpu.memory_space<vmem_shared>> -> memref<10240x128xf32, #tpu.memory_space<vmem_shared>>
        tpu.enqueue_indirect_dma source(%arg8 : memref<128x128xf32, #tpu.memory_space<vmem>>) target(%dma_start3A_267 : memref<10240x128xf32, #tpu.memory_space<vmem_shared>>) offsets(%dma_start3A_264 : memref<128xi32, #tpu.memory_space<vmem>>) semaphore(%run_scoped3A_261 : memref<!tpu.dma_semaphore, #tpu.memory_space<semaphore_mem>>) {add = true}
        %dma_wait3A_268 = arith.constant 0 : i32
        %dma_wait3A_269 = tpu.memref_slice %arg7[%run_scoped3A_102, %dma_wait3A_268] : memref<16x128xi32, #tpu.memory_space<vmem>> -> memref<1x128xi32, #tpu.memory_space<vmem>>
        %dma_wait3A_270 = tpu.memref_squeeze %dma_wait3A_269 : memref<1x128xi32, #tpu.memory_space<vmem>> -> memref<128xi32, #tpu.memory_space<vmem>>
        %dma_wait3A_271 = arith.constant 0 : i32
        %dma_wait3A_272 = arith.constant 0 : i32
        %dma_wait3A_273 = tpu.memref_slice %arg10[%dma_wait3A_271, %dma_wait3A_272] : memref<10240x128xf32, #tpu.memory_space<vmem_shared>> -> memref<10240x128xf32, #tpu.memory_space<vmem_shared>>
        tpu.wait_indirect_dma semaphore(%run_scoped3A_261 : memref<!tpu.dma_semaphore, #tpu.memory_space<semaphore_mem>>) src(%arg8 : memref<128x128xf32, #tpu.memory_space<vmem>>) dst(%dma_wait3A_273 : memref<10240x128xf32, #tpu.memory_space<vmem_shared>>)
        tpu.yield
      }) : () -> ()
      %dma_start3A_103 = arith.constant 6 : i32
      %dma_start3A_104 = arith.constant 0 : i32
      %dma_start3A_105 = tpu.memref_slice %arg6[%dma_start3A_103, %dma_start3A_104] : memref<16x128xi32, #tpu.memory_space<vmem>> -> memref<1x128xi32, #tpu.memory_space<vmem>>
      %dma_start3A_106 = tpu.memref_squeeze %dma_start3A_105 : memref<1x128xi32, #tpu.memory_space<vmem>> -> memref<128xi32, #tpu.memory_space<vmem>>
      %dma_start3A_107 = arith.constant 0 : i32
      %dma_start3A_108 = arith.constant 0 : i32
      %dma_start3A_109 = tpu.memref_slice %arg2[%dma_start3A_107, %dma_start3A_108] : memref<20480x128xf32, #tpu.memory_space<hbm>> -> memref<20480x128xf32, #tpu.memory_space<hbm>>
      tpu.enqueue_indirect_dma source(%dma_start3A_109 : memref<20480x128xf32, #tpu.memory_space<hbm>>) target(%arg8 : memref<128x128xf32, #tpu.memory_space<vmem>>) offsets(%dma_start3A_106 : memref<128xi32, #tpu.memory_space<vmem>>) semaphore(%arg11 : memref<!tpu.dma_semaphore, #tpu.memory_space<semaphore_mem>>)
      %dma_wait3A_110 = arith.constant 5 : i32
      %dma_wait3A_111 = arith.constant 0 : i32
      %dma_wait3A_112 = tpu.memref_slice %arg6[%dma_wait3A_110, %dma_wait3A_111] : memref<16x128xi32, #tpu.memory_space<vmem>> -> memref<1x128xi32, #tpu.memory_space<vmem>>
      %dma_wait3A_113 = tpu.memref_squeeze %dma_wait3A_112 : memref<1x128xi32, #tpu.memory_space<vmem>> -> memref<128xi32, #tpu.memory_space<vmem>>
      %dma_wait3A_114 = arith.constant 0 : i32
      %dma_wait3A_115 = arith.constant 0 : i32
      %dma_wait3A_116 = tpu.memref_slice %arg2[%dma_wait3A_114, %dma_wait3A_115] : memref<20480x128xf32, #tpu.memory_space<hbm>> -> memref<20480x128xf32, #tpu.memory_space<hbm>>
      tpu.wait_indirect_dma semaphore(%arg12 : memref<!tpu.dma_semaphore, #tpu.memory_space<semaphore_mem>>) src(%dma_wait3A_116 : memref<20480x128xf32, #tpu.memory_space<hbm>>) dst(%arg9 : memref<128x128xf32, #tpu.memory_space<vmem>>)
      %run_scoped3A_117 = arith.constant 5 : i32
      "tpu.region"() ({
        %run_scoped3A_261 = tpu.sem_alloc : memref<!tpu.dma_semaphore, #tpu.memory_space<semaphore_mem>>
        %dma_start3A_262 = arith.constant 0 : i32
        %dma_start3A_263 = tpu.memref_slice %arg7[%run_scoped3A_117, %dma_start3A_262] : memref<16x128xi32, #tpu.memory_space<vmem>> -> memref<1x128xi32, #tpu.memory_space<vmem>>
        %dma_start3A_264 = tpu.memref_squeeze %dma_start3A_263 : memref<1x128xi32, #tpu.memory_space<vmem>> -> memref<128xi32, #tpu.memory_space<vmem>>
        %dma_start3A_265 = arith.constant 0 : i32
        %dma_start3A_266 = arith.constant 0 : i32
        %dma_start3A_267 = tpu.memref_slice %arg10[%dma_start3A_265, %dma_start3A_266] : memref<10240x128xf32, #tpu.memory_space<vmem_shared>> -> memref<10240x128xf32, #tpu.memory_space<vmem_shared>>
        tpu.enqueue_indirect_dma source(%arg9 : memref<128x128xf32, #tpu.memory_space<vmem>>) target(%dma_start3A_267 : memref<10240x128xf32, #tpu.memory_space<vmem_shared>>) offsets(%dma_start3A_264 : memref<128xi32, #tpu.memory_space<vmem>>) semaphore(%run_scoped3A_261 : memref<!tpu.dma_semaphore, #tpu.memory_space<semaphore_mem>>) {add = true}
        %dma_wait3A_268 = arith.constant 0 : i32
        %dma_wait3A_269 = tpu.memref_slice %arg7[%run_scoped3A_117, %dma_wait3A_268] : memref<16x128xi32, #tpu.memory_space<vmem>> -> memref<1x128xi32, #tpu.memory_space<vmem>>
        %dma_wait3A_270 = tpu.memref_squeeze %dma_wait3A_269 : memref<1x128xi32, #tpu.memory_space<vmem>> -> memref<128xi32, #tpu.memory_space<vmem>>
        %dma_wait3A_271 = arith.constant 0 : i32
        %dma_wait3A_272 = arith.constant 0 : i32
        %dma_wait3A_273 = tpu.memref_slice %arg10[%dma_wait3A_271, %dma_wait3A_272] : memref<10240x128xf32, #tpu.memory_space<vmem_shared>> -> memref<10240x128xf32, #tpu.memory_space<vmem_shared>>
        tpu.wait_indirect_dma semaphore(%run_scoped3A_261 : memref<!tpu.dma_semaphore, #tpu.memory_space<semaphore_mem>>) src(%arg9 : memref<128x128xf32, #tpu.memory_space<vmem>>) dst(%dma_wait3A_273 : memref<10240x128xf32, #tpu.memory_space<vmem_shared>>)
        tpu.yield
      }) : () -> ()
      %dma_start3A_118 = arith.constant 7 : i32
      %dma_start3A_119 = arith.constant 0 : i32
      %dma_start3A_120 = tpu.memref_slice %arg6[%dma_start3A_118, %dma_start3A_119] : memref<16x128xi32, #tpu.memory_space<vmem>> -> memref<1x128xi32, #tpu.memory_space<vmem>>
      %dma_start3A_121 = tpu.memref_squeeze %dma_start3A_120 : memref<1x128xi32, #tpu.memory_space<vmem>> -> memref<128xi32, #tpu.memory_space<vmem>>
      %dma_start3A_122 = arith.constant 0 : i32
      %dma_start3A_123 = arith.constant 0 : i32
      %dma_start3A_124 = tpu.memref_slice %arg2[%dma_start3A_122, %dma_start3A_123] : memref<20480x128xf32, #tpu.memory_space<hbm>> -> memref<20480x128xf32, #tpu.memory_space<hbm>>
      tpu.enqueue_indirect_dma source(%dma_start3A_124 : memref<20480x128xf32, #tpu.memory_space<hbm>>) target(%arg9 : memref<128x128xf32, #tpu.memory_space<vmem>>) offsets(%dma_start3A_121 : memref<128xi32, #tpu.memory_space<vmem>>) semaphore(%arg12 : memref<!tpu.dma_semaphore, #tpu.memory_space<semaphore_mem>>)
      %dma_wait3A_125 = arith.constant 6 : i32
      %dma_wait3A_126 = arith.constant 0 : i32
      %dma_wait3A_127 = tpu.memref_slice %arg6[%dma_wait3A_125, %dma_wait3A_126] : memref<16x128xi32, #tpu.memory_space<vmem>> -> memref<1x128xi32, #tpu.memory_space<vmem>>
      %dma_wait3A_128 = tpu.memref_squeeze %dma_wait3A_127 : memref<1x128xi32, #tpu.memory_space<vmem>> -> memref<128xi32, #tpu.memory_space<vmem>>
      %dma_wait3A_129 = arith.constant 0 : i32
      %dma_wait3A_130 = arith.constant 0 : i32
      %dma_wait3A_131 = tpu.memref_slice %arg2[%dma_wait3A_129, %dma_wait3A_130] : memref<20480x128xf32, #tpu.memory_space<hbm>> -> memref<20480x128xf32, #tpu.memory_space<hbm>>
      tpu.wait_indirect_dma semaphore(%arg11 : memref<!tpu.dma_semaphore, #tpu.memory_space<semaphore_mem>>) src(%dma_wait3A_131 : memref<20480x128xf32, #tpu.memory_space<hbm>>) dst(%arg8 : memref<128x128xf32, #tpu.memory_space<vmem>>)
      %run_scoped3A_132 = arith.constant 6 : i32
      "tpu.region"() ({
        %run_scoped3A_261 = tpu.sem_alloc : memref<!tpu.dma_semaphore, #tpu.memory_space<semaphore_mem>>
        %dma_start3A_262 = arith.constant 0 : i32
        %dma_start3A_263 = tpu.memref_slice %arg7[%run_scoped3A_132, %dma_start3A_262] : memref<16x128xi32, #tpu.memory_space<vmem>> -> memref<1x128xi32, #tpu.memory_space<vmem>>
        %dma_start3A_264 = tpu.memref_squeeze %dma_start3A_263 : memref<1x128xi32, #tpu.memory_space<vmem>> -> memref<128xi32, #tpu.memory_space<vmem>>
        %dma_start3A_265 = arith.constant 0 : i32
        %dma_start3A_266 = arith.constant 0 : i32
        %dma_start3A_267 = tpu.memref_slice %arg10[%dma_start3A_265, %dma_start3A_266] : memref<10240x128xf32, #tpu.memory_space<vmem_shared>> -> memref<10240x128xf32, #tpu.memory_space<vmem_shared>>
        tpu.enqueue_indirect_dma source(%arg8 : memref<128x128xf32, #tpu.memory_space<vmem>>) target(%dma_start3A_267 : memref<10240x128xf32, #tpu.memory_space<vmem_shared>>) offsets(%dma_start3A_264 : memref<128xi32, #tpu.memory_space<vmem>>) semaphore(%run_scoped3A_261 : memref<!tpu.dma_semaphore, #tpu.memory_space<semaphore_mem>>) {add = true}
        %dma_wait3A_268 = arith.constant 0 : i32
        %dma_wait3A_269 = tpu.memref_slice %arg7[%run_scoped3A_132, %dma_wait3A_268] : memref<16x128xi32, #tpu.memory_space<vmem>> -> memref<1x128xi32, #tpu.memory_space<vmem>>
        %dma_wait3A_270 = tpu.memref_squeeze %dma_wait3A_269 : memref<1x128xi32, #tpu.memory_space<vmem>> -> memref<128xi32, #tpu.memory_space<vmem>>
        %dma_wait3A_271 = arith.constant 0 : i32
        %dma_wait3A_272 = arith.constant 0 : i32
        %dma_wait3A_273 = tpu.memref_slice %arg10[%dma_wait3A_271, %dma_wait3A_272] : memref<10240x128xf32, #tpu.memory_space<vmem_shared>> -> memref<10240x128xf32, #tpu.memory_space<vmem_shared>>
        tpu.wait_indirect_dma semaphore(%run_scoped3A_261 : memref<!tpu.dma_semaphore, #tpu.memory_space<semaphore_mem>>) src(%arg8 : memref<128x128xf32, #tpu.memory_space<vmem>>) dst(%dma_wait3A_273 : memref<10240x128xf32, #tpu.memory_space<vmem_shared>>)
        tpu.yield
      }) : () -> ()
      %dma_start3A_133 = arith.constant 8 : i32
      %dma_start3A_134 = arith.constant 0 : i32
      %dma_start3A_135 = tpu.memref_slice %arg6[%dma_start3A_133, %dma_start3A_134] : memref<16x128xi32, #tpu.memory_space<vmem>> -> memref<1x128xi32, #tpu.memory_space<vmem>>
      %dma_start3A_136 = tpu.memref_squeeze %dma_start3A_135 : memref<1x128xi32, #tpu.memory_space<vmem>> -> memref<128xi32, #tpu.memory_space<vmem>>
      %dma_start3A_137 = arith.constant 0 : i32
      %dma_start3A_138 = arith.constant 0 : i32
      %dma_start3A_139 = tpu.memref_slice %arg2[%dma_start3A_137, %dma_start3A_138] : memref<20480x128xf32, #tpu.memory_space<hbm>> -> memref<20480x128xf32, #tpu.memory_space<hbm>>
      tpu.enqueue_indirect_dma source(%dma_start3A_139 : memref<20480x128xf32, #tpu.memory_space<hbm>>) target(%arg8 : memref<128x128xf32, #tpu.memory_space<vmem>>) offsets(%dma_start3A_136 : memref<128xi32, #tpu.memory_space<vmem>>) semaphore(%arg11 : memref<!tpu.dma_semaphore, #tpu.memory_space<semaphore_mem>>)
      %dma_wait3A_140 = arith.constant 7 : i32
      %dma_wait3A_141 = arith.constant 0 : i32
      %dma_wait3A_142 = tpu.memref_slice %arg6[%dma_wait3A_140, %dma_wait3A_141] : memref<16x128xi32, #tpu.memory_space<vmem>> -> memref<1x128xi32, #tpu.memory_space<vmem>>
      %dma_wait3A_143 = tpu.memref_squeeze %dma_wait3A_142 : memref<1x128xi32, #tpu.memory_space<vmem>> -> memref<128xi32, #tpu.memory_space<vmem>>
      %dma_wait3A_144 = arith.constant 0 : i32
      %dma_wait3A_145 = arith.constant 0 : i32
      %dma_wait3A_146 = tpu.memref_slice %arg2[%dma_wait3A_144, %dma_wait3A_145] : memref<20480x128xf32, #tpu.memory_space<hbm>> -> memref<20480x128xf32, #tpu.memory_space<hbm>>
      tpu.wait_indirect_dma semaphore(%arg12 : memref<!tpu.dma_semaphore, #tpu.memory_space<semaphore_mem>>) src(%dma_wait3A_146 : memref<20480x128xf32, #tpu.memory_space<hbm>>) dst(%arg9 : memref<128x128xf32, #tpu.memory_space<vmem>>)
      %run_scoped3A_147 = arith.constant 7 : i32
      "tpu.region"() ({
        %run_scoped3A_261 = tpu.sem_alloc : memref<!tpu.dma_semaphore, #tpu.memory_space<semaphore_mem>>
        %dma_start3A_262 = arith.constant 0 : i32
        %dma_start3A_263 = tpu.memref_slice %arg7[%run_scoped3A_147, %dma_start3A_262] : memref<16x128xi32, #tpu.memory_space<vmem>> -> memref<1x128xi32, #tpu.memory_space<vmem>>
        %dma_start3A_264 = tpu.memref_squeeze %dma_start3A_263 : memref<1x128xi32, #tpu.memory_space<vmem>> -> memref<128xi32, #tpu.memory_space<vmem>>
        %dma_start3A_265 = arith.constant 0 : i32
        %dma_start3A_266 = arith.constant 0 : i32
        %dma_start3A_267 = tpu.memref_slice %arg10[%dma_start3A_265, %dma_start3A_266] : memref<10240x128xf32, #tpu.memory_space<vmem_shared>> -> memref<10240x128xf32, #tpu.memory_space<vmem_shared>>
        tpu.enqueue_indirect_dma source(%arg9 : memref<128x128xf32, #tpu.memory_space<vmem>>) target(%dma_start3A_267 : memref<10240x128xf32, #tpu.memory_space<vmem_shared>>) offsets(%dma_start3A_264 : memref<128xi32, #tpu.memory_space<vmem>>) semaphore(%run_scoped3A_261 : memref<!tpu.dma_semaphore, #tpu.memory_space<semaphore_mem>>) {add = true}
        %dma_wait3A_268 = arith.constant 0 : i32
        %dma_wait3A_269 = tpu.memref_slice %arg7[%run_scoped3A_147, %dma_wait3A_268] : memref<16x128xi32, #tpu.memory_space<vmem>> -> memref<1x128xi32, #tpu.memory_space<vmem>>
        %dma_wait3A_270 = tpu.memref_squeeze %dma_wait3A_269 : memref<1x128xi32, #tpu.memory_space<vmem>> -> memref<128xi32, #tpu.memory_space<vmem>>
        %dma_wait3A_271 = arith.constant 0 : i32
        %dma_wait3A_272 = arith.constant 0 : i32
        %dma_wait3A_273 = tpu.memref_slice %arg10[%dma_wait3A_271, %dma_wait3A_272] : memref<10240x128xf32, #tpu.memory_space<vmem_shared>> -> memref<10240x128xf32, #tpu.memory_space<vmem_shared>>
        tpu.wait_indirect_dma semaphore(%run_scoped3A_261 : memref<!tpu.dma_semaphore, #tpu.memory_space<semaphore_mem>>) src(%arg9 : memref<128x128xf32, #tpu.memory_space<vmem>>) dst(%dma_wait3A_273 : memref<10240x128xf32, #tpu.memory_space<vmem_shared>>)
        tpu.yield
      }) : () -> ()
      %dma_start3A_148 = arith.constant 9 : i32
      %dma_start3A_149 = arith.constant 0 : i32
      %dma_start3A_150 = tpu.memref_slice %arg6[%dma_start3A_148, %dma_start3A_149] : memref<16x128xi32, #tpu.memory_space<vmem>> -> memref<1x128xi32, #tpu.memory_space<vmem>>
      %dma_start3A_151 = tpu.memref_squeeze %dma_start3A_150 : memref<1x128xi32, #tpu.memory_space<vmem>> -> memref<128xi32, #tpu.memory_space<vmem>>
      %dma_start3A_152 = arith.constant 0 : i32
      %dma_start3A_153 = arith.constant 0 : i32
      %dma_start3A_154 = tpu.memref_slice %arg2[%dma_start3A_152, %dma_start3A_153] : memref<20480x128xf32, #tpu.memory_space<hbm>> -> memref<20480x128xf32, #tpu.memory_space<hbm>>
      tpu.enqueue_indirect_dma source(%dma_start3A_154 : memref<20480x128xf32, #tpu.memory_space<hbm>>) target(%arg9 : memref<128x128xf32, #tpu.memory_space<vmem>>) offsets(%dma_start3A_151 : memref<128xi32, #tpu.memory_space<vmem>>) semaphore(%arg12 : memref<!tpu.dma_semaphore, #tpu.memory_space<semaphore_mem>>)
      %dma_wait3A_155 = arith.constant 8 : i32
      %dma_wait3A_156 = arith.constant 0 : i32
      %dma_wait3A_157 = tpu.memref_slice %arg6[%dma_wait3A_155, %dma_wait3A_156] : memref<16x128xi32, #tpu.memory_space<vmem>> -> memref<1x128xi32, #tpu.memory_space<vmem>>
      %dma_wait3A_158 = tpu.memref_squeeze %dma_wait3A_157 : memref<1x128xi32, #tpu.memory_space<vmem>> -> memref<128xi32, #tpu.memory_space<vmem>>
      %dma_wait3A_159 = arith.constant 0 : i32
      %dma_wait3A_160 = arith.constant 0 : i32
      %dma_wait3A_161 = tpu.memref_slice %arg2[%dma_wait3A_159, %dma_wait3A_160] : memref<20480x128xf32, #tpu.memory_space<hbm>> -> memref<20480x128xf32, #tpu.memory_space<hbm>>
      tpu.wait_indirect_dma semaphore(%arg11 : memref<!tpu.dma_semaphore, #tpu.memory_space<semaphore_mem>>) src(%dma_wait3A_161 : memref<20480x128xf32, #tpu.memory_space<hbm>>) dst(%arg8 : memref<128x128xf32, #tpu.memory_space<vmem>>)
      %run_scoped3A_162 = arith.constant 8 : i32
      "tpu.region"() ({
        %run_scoped3A_261 = tpu.sem_alloc : memref<!tpu.dma_semaphore, #tpu.memory_space<semaphore_mem>>
        %dma_start3A_262 = arith.constant 0 : i32
        %dma_start3A_263 = tpu.memref_slice %arg7[%run_scoped3A_162, %dma_start3A_262] : memref<16x128xi32, #tpu.memory_space<vmem>> -> memref<1x128xi32, #tpu.memory_space<vmem>>
        %dma_start3A_264 = tpu.memref_squeeze %dma_start3A_263 : memref<1x128xi32, #tpu.memory_space<vmem>> -> memref<128xi32, #tpu.memory_space<vmem>>
        %dma_start3A_265 = arith.constant 0 : i32
        %dma_start3A_266 = arith.constant 0 : i32
        %dma_start3A_267 = tpu.memref_slice %arg10[%dma_start3A_265, %dma_start3A_266] : memref<10240x128xf32, #tpu.memory_space<vmem_shared>> -> memref<10240x128xf32, #tpu.memory_space<vmem_shared>>
        tpu.enqueue_indirect_dma source(%arg8 : memref<128x128xf32, #tpu.memory_space<vmem>>) target(%dma_start3A_267 : memref<10240x128xf32, #tpu.memory_space<vmem_shared>>) offsets(%dma_start3A_264 : memref<128xi32, #tpu.memory_space<vmem>>) semaphore(%run_scoped3A_261 : memref<!tpu.dma_semaphore, #tpu.memory_space<semaphore_mem>>) {add = true}
        %dma_wait3A_268 = arith.constant 0 : i32
        %dma_wait3A_269 = tpu.memref_slice %arg7[%run_scoped3A_162, %dma_wait3A_268] : memref<16x128xi32, #tpu.memory_space<vmem>> -> memref<1x128xi32, #tpu.memory_space<vmem>>
        %dma_wait3A_270 = tpu.memref_squeeze %dma_wait3A_269 : memref<1x128xi32, #tpu.memory_space<vmem>> -> memref<128xi32, #tpu.memory_space<vmem>>
        %dma_wait3A_271 = arith.constant 0 : i32
        %dma_wait3A_272 = arith.constant 0 : i32
        %dma_wait3A_273 = tpu.memref_slice %arg10[%dma_wait3A_271, %dma_wait3A_272] : memref<10240x128xf32, #tpu.memory_space<vmem_shared>> -> memref<10240x128xf32, #tpu.memory_space<vmem_shared>>
        tpu.wait_indirect_dma semaphore(%run_scoped3A_261 : memref<!tpu.dma_semaphore, #tpu.memory_space<semaphore_mem>>) src(%arg8 : memref<128x128xf32, #tpu.memory_space<vmem>>) dst(%dma_wait3A_273 : memref<10240x128xf32, #tpu.memory_space<vmem_shared>>)
        tpu.yield
      }) : () -> ()
      %dma_start3A_163 = arith.constant 10 : i32
      %dma_start3A_164 = arith.constant 0 : i32
      %dma_start3A_165 = tpu.memref_slice %arg6[%dma_start3A_163, %dma_start3A_164] : memref<16x128xi32, #tpu.memory_space<vmem>> -> memref<1x128xi32, #tpu.memory_space<vmem>>
      %dma_start3A_166 = tpu.memref_squeeze %dma_start3A_165 : memref<1x128xi32, #tpu.memory_space<vmem>> -> memref<128xi32, #tpu.memory_space<vmem>>
      %dma_start3A_167 = arith.constant 0 : i32
      %dma_start3A_168 = arith.constant 0 : i32
      %dma_start3A_169 = tpu.memref_slice %arg2[%dma_start3A_167, %dma_start3A_168] : memref<20480x128xf32, #tpu.memory_space<hbm>> -> memref<20480x128xf32, #tpu.memory_space<hbm>>
      tpu.enqueue_indirect_dma source(%dma_start3A_169 : memref<20480x128xf32, #tpu.memory_space<hbm>>) target(%arg8 : memref<128x128xf32, #tpu.memory_space<vmem>>) offsets(%dma_start3A_166 : memref<128xi32, #tpu.memory_space<vmem>>) semaphore(%arg11 : memref<!tpu.dma_semaphore, #tpu.memory_space<semaphore_mem>>)
      %dma_wait3A_170 = arith.constant 9 : i32
      %dma_wait3A_171 = arith.constant 0 : i32
      %dma_wait3A_172 = tpu.memref_slice %arg6[%dma_wait3A_170, %dma_wait3A_171] : memref<16x128xi32, #tpu.memory_space<vmem>> -> memref<1x128xi32, #tpu.memory_space<vmem>>
      %dma_wait3A_173 = tpu.memref_squeeze %dma_wait3A_172 : memref<1x128xi32, #tpu.memory_space<vmem>> -> memref<128xi32, #tpu.memory_space<vmem>>
      %dma_wait3A_174 = arith.constant 0 : i32
      %dma_wait3A_175 = arith.constant 0 : i32
      %dma_wait3A_176 = tpu.memref_slice %arg2[%dma_wait3A_174, %dma_wait3A_175] : memref<20480x128xf32, #tpu.memory_space<hbm>> -> memref<20480x128xf32, #tpu.memory_space<hbm>>
      tpu.wait_indirect_dma semaphore(%arg12 : memref<!tpu.dma_semaphore, #tpu.memory_space<semaphore_mem>>) src(%dma_wait3A_176 : memref<20480x128xf32, #tpu.memory_space<hbm>>) dst(%arg9 : memref<128x128xf32, #tpu.memory_space<vmem>>)
      %run_scoped3A_177 = arith.constant 9 : i32
      "tpu.region"() ({
        %run_scoped3A_261 = tpu.sem_alloc : memref<!tpu.dma_semaphore, #tpu.memory_space<semaphore_mem>>
        %dma_start3A_262 = arith.constant 0 : i32
        %dma_start3A_263 = tpu.memref_slice %arg7[%run_scoped3A_177, %dma_start3A_262] : memref<16x128xi32, #tpu.memory_space<vmem>> -> memref<1x128xi32, #tpu.memory_space<vmem>>
        %dma_start3A_264 = tpu.memref_squeeze %dma_start3A_263 : memref<1x128xi32, #tpu.memory_space<vmem>> -> memref<128xi32, #tpu.memory_space<vmem>>
        %dma_start3A_265 = arith.constant 0 : i32
        %dma_start3A_266 = arith.constant 0 : i32
        %dma_start3A_267 = tpu.memref_slice %arg10[%dma_start3A_265, %dma_start3A_266] : memref<10240x128xf32, #tpu.memory_space<vmem_shared>> -> memref<10240x128xf32, #tpu.memory_space<vmem_shared>>
        tpu.enqueue_indirect_dma source(%arg9 : memref<128x128xf32, #tpu.memory_space<vmem>>) target(%dma_start3A_267 : memref<10240x128xf32, #tpu.memory_space<vmem_shared>>) offsets(%dma_start3A_264 : memref<128xi32, #tpu.memory_space<vmem>>) semaphore(%run_scoped3A_261 : memref<!tpu.dma_semaphore, #tpu.memory_space<semaphore_mem>>) {add = true}
        %dma_wait3A_268 = arith.constant 0 : i32
        %dma_wait3A_269 = tpu.memref_slice %arg7[%run_scoped3A_177, %dma_wait3A_268] : memref<16x128xi32, #tpu.memory_space<vmem>> -> memref<1x128xi32, #tpu.memory_space<vmem>>
        %dma_wait3A_270 = tpu.memref_squeeze %dma_wait3A_269 : memref<1x128xi32, #tpu.memory_space<vmem>> -> memref<128xi32, #tpu.memory_space<vmem>>
        %dma_wait3A_271 = arith.constant 0 : i32
        %dma_wait3A_272 = arith.constant 0 : i32
        %dma_wait3A_273 = tpu.memref_slice %arg10[%dma_wait3A_271, %dma_wait3A_272] : memref<10240x128xf32, #tpu.memory_space<vmem_shared>> -> memref<10240x128xf32, #tpu.memory_space<vmem_shared>>
        tpu.wait_indirect_dma semaphore(%run_scoped3A_261 : memref<!tpu.dma_semaphore, #tpu.memory_space<semaphore_mem>>) src(%arg9 : memref<128x128xf32, #tpu.memory_space<vmem>>) dst(%dma_wait3A_273 : memref<10240x128xf32, #tpu.memory_space<vmem_shared>>)
        tpu.yield
      }) : () -> ()
      %dma_start3A_178 = arith.constant 11 : i32
      %dma_start3A_179 = arith.constant 0 : i32
      %dma_start3A_180 = tpu.memref_slice %arg6[%dma_start3A_178, %dma_start3A_179] : memref<16x128xi32, #tpu.memory_space<vmem>> -> memref<1x128xi32, #tpu.memory_space<vmem>>
      %dma_start3A_181 = tpu.memref_squeeze %dma_start3A_180 : memref<1x128xi32, #tpu.memory_space<vmem>> -> memref<128xi32, #tpu.memory_space<vmem>>
      %dma_start3A_182 = arith.constant 0 : i32
      %dma_start3A_183 = arith.constant 0 : i32
      %dma_start3A_184 = tpu.memref_slice %arg2[%dma_start3A_182, %dma_start3A_183] : memref<20480x128xf32, #tpu.memory_space<hbm>> -> memref<20480x128xf32, #tpu.memory_space<hbm>>
      tpu.enqueue_indirect_dma source(%dma_start3A_184 : memref<20480x128xf32, #tpu.memory_space<hbm>>) target(%arg9 : memref<128x128xf32, #tpu.memory_space<vmem>>) offsets(%dma_start3A_181 : memref<128xi32, #tpu.memory_space<vmem>>) semaphore(%arg12 : memref<!tpu.dma_semaphore, #tpu.memory_space<semaphore_mem>>)
      %dma_wait3A_185 = arith.constant 10 : i32
      %dma_wait3A_186 = arith.constant 0 : i32
      %dma_wait3A_187 = tpu.memref_slice %arg6[%dma_wait3A_185, %dma_wait3A_186] : memref<16x128xi32, #tpu.memory_space<vmem>> -> memref<1x128xi32, #tpu.memory_space<vmem>>
      %dma_wait3A_188 = tpu.memref_squeeze %dma_wait3A_187 : memref<1x128xi32, #tpu.memory_space<vmem>> -> memref<128xi32, #tpu.memory_space<vmem>>
      %dma_wait3A_189 = arith.constant 0 : i32
      %dma_wait3A_190 = arith.constant 0 : i32
      %dma_wait3A_191 = tpu.memref_slice %arg2[%dma_wait3A_189, %dma_wait3A_190] : memref<20480x128xf32, #tpu.memory_space<hbm>> -> memref<20480x128xf32, #tpu.memory_space<hbm>>
      tpu.wait_indirect_dma semaphore(%arg11 : memref<!tpu.dma_semaphore, #tpu.memory_space<semaphore_mem>>) src(%dma_wait3A_191 : memref<20480x128xf32, #tpu.memory_space<hbm>>) dst(%arg8 : memref<128x128xf32, #tpu.memory_space<vmem>>)
      %run_scoped3A_192 = arith.constant 10 : i32
      "tpu.region"() ({
        %run_scoped3A_261 = tpu.sem_alloc : memref<!tpu.dma_semaphore, #tpu.memory_space<semaphore_mem>>
        %dma_start3A_262 = arith.constant 0 : i32
        %dma_start3A_263 = tpu.memref_slice %arg7[%run_scoped3A_192, %dma_start3A_262] : memref<16x128xi32, #tpu.memory_space<vmem>> -> memref<1x128xi32, #tpu.memory_space<vmem>>
        %dma_start3A_264 = tpu.memref_squeeze %dma_start3A_263 : memref<1x128xi32, #tpu.memory_space<vmem>> -> memref<128xi32, #tpu.memory_space<vmem>>
        %dma_start3A_265 = arith.constant 0 : i32
        %dma_start3A_266 = arith.constant 0 : i32
        %dma_start3A_267 = tpu.memref_slice %arg10[%dma_start3A_265, %dma_start3A_266] : memref<10240x128xf32, #tpu.memory_space<vmem_shared>> -> memref<10240x128xf32, #tpu.memory_space<vmem_shared>>
        tpu.enqueue_indirect_dma source(%arg8 : memref<128x128xf32, #tpu.memory_space<vmem>>) target(%dma_start3A_267 : memref<10240x128xf32, #tpu.memory_space<vmem_shared>>) offsets(%dma_start3A_264 : memref<128xi32, #tpu.memory_space<vmem>>) semaphore(%run_scoped3A_261 : memref<!tpu.dma_semaphore, #tpu.memory_space<semaphore_mem>>) {add = true}
        %dma_wait3A_268 = arith.constant 0 : i32
        %dma_wait3A_269 = tpu.memref_slice %arg7[%run_scoped3A_192, %dma_wait3A_268] : memref<16x128xi32, #tpu.memory_space<vmem>> -> memref<1x128xi32, #tpu.memory_space<vmem>>
        %dma_wait3A_270 = tpu.memref_squeeze %dma_wait3A_269 : memref<1x128xi32, #tpu.memory_space<vmem>> -> memref<128xi32, #tpu.memory_space<vmem>>
        %dma_wait3A_271 = arith.constant 0 : i32
        %dma_wait3A_272 = arith.constant 0 : i32
        %dma_wait3A_273 = tpu.memref_slice %arg10[%dma_wait3A_271, %dma_wait3A_272] : memref<10240x128xf32, #tpu.memory_space<vmem_shared>> -> memref<10240x128xf32, #tpu.memory_space<vmem_shared>>
        tpu.wait_indirect_dma semaphore(%run_scoped3A_261 : memref<!tpu.dma_semaphore, #tpu.memory_space<semaphore_mem>>) src(%arg8 : memref<128x128xf32, #tpu.memory_space<vmem>>) dst(%dma_wait3A_273 : memref<10240x128xf32, #tpu.memory_space<vmem_shared>>)
        tpu.yield
      }) : () -> ()
      %dma_start3A_193 = arith.constant 12 : i32
      %dma_start3A_194 = arith.constant 0 : i32
      %dma_start3A_195 = tpu.memref_slice %arg6[%dma_start3A_193, %dma_start3A_194] : memref<16x128xi32, #tpu.memory_space<vmem>> -> memref<1x128xi32, #tpu.memory_space<vmem>>
      %dma_start3A_196 = tpu.memref_squeeze %dma_start3A_195 : memref<1x128xi32, #tpu.memory_space<vmem>> -> memref<128xi32, #tpu.memory_space<vmem>>
      %dma_start3A_197 = arith.constant 0 : i32
      %dma_start3A_198 = arith.constant 0 : i32
      %dma_start3A_199 = tpu.memref_slice %arg2[%dma_start3A_197, %dma_start3A_198] : memref<20480x128xf32, #tpu.memory_space<hbm>> -> memref<20480x128xf32, #tpu.memory_space<hbm>>
      tpu.enqueue_indirect_dma source(%dma_start3A_199 : memref<20480x128xf32, #tpu.memory_space<hbm>>) target(%arg8 : memref<128x128xf32, #tpu.memory_space<vmem>>) offsets(%dma_start3A_196 : memref<128xi32, #tpu.memory_space<vmem>>) semaphore(%arg11 : memref<!tpu.dma_semaphore, #tpu.memory_space<semaphore_mem>>)
      %dma_wait3A_200 = arith.constant 11 : i32
      %dma_wait3A_201 = arith.constant 0 : i32
      %dma_wait3A_202 = tpu.memref_slice %arg6[%dma_wait3A_200, %dma_wait3A_201] : memref<16x128xi32, #tpu.memory_space<vmem>> -> memref<1x128xi32, #tpu.memory_space<vmem>>
      %dma_wait3A_203 = tpu.memref_squeeze %dma_wait3A_202 : memref<1x128xi32, #tpu.memory_space<vmem>> -> memref<128xi32, #tpu.memory_space<vmem>>
      %dma_wait3A_204 = arith.constant 0 : i32
      %dma_wait3A_205 = arith.constant 0 : i32
      %dma_wait3A_206 = tpu.memref_slice %arg2[%dma_wait3A_204, %dma_wait3A_205] : memref<20480x128xf32, #tpu.memory_space<hbm>> -> memref<20480x128xf32, #tpu.memory_space<hbm>>
      tpu.wait_indirect_dma semaphore(%arg12 : memref<!tpu.dma_semaphore, #tpu.memory_space<semaphore_mem>>) src(%dma_wait3A_206 : memref<20480x128xf32, #tpu.memory_space<hbm>>) dst(%arg9 : memref<128x128xf32, #tpu.memory_space<vmem>>)
      %run_scoped3A_207 = arith.constant 11 : i32
      "tpu.region"() ({
        %run_scoped3A_261 = tpu.sem_alloc : memref<!tpu.dma_semaphore, #tpu.memory_space<semaphore_mem>>
        %dma_start3A_262 = arith.constant 0 : i32
        %dma_start3A_263 = tpu.memref_slice %arg7[%run_scoped3A_207, %dma_start3A_262] : memref<16x128xi32, #tpu.memory_space<vmem>> -> memref<1x128xi32, #tpu.memory_space<vmem>>
        %dma_start3A_264 = tpu.memref_squeeze %dma_start3A_263 : memref<1x128xi32, #tpu.memory_space<vmem>> -> memref<128xi32, #tpu.memory_space<vmem>>
        %dma_start3A_265 = arith.constant 0 : i32
        %dma_start3A_266 = arith.constant 0 : i32
        %dma_start3A_267 = tpu.memref_slice %arg10[%dma_start3A_265, %dma_start3A_266] : memref<10240x128xf32, #tpu.memory_space<vmem_shared>> -> memref<10240x128xf32, #tpu.memory_space<vmem_shared>>
        tpu.enqueue_indirect_dma source(%arg9 : memref<128x128xf32, #tpu.memory_space<vmem>>) target(%dma_start3A_267 : memref<10240x128xf32, #tpu.memory_space<vmem_shared>>) offsets(%dma_start3A_264 : memref<128xi32, #tpu.memory_space<vmem>>) semaphore(%run_scoped3A_261 : memref<!tpu.dma_semaphore, #tpu.memory_space<semaphore_mem>>) {add = true}
        %dma_wait3A_268 = arith.constant 0 : i32
        %dma_wait3A_269 = tpu.memref_slice %arg7[%run_scoped3A_207, %dma_wait3A_268] : memref<16x128xi32, #tpu.memory_space<vmem>> -> memref<1x128xi32, #tpu.memory_space<vmem>>
        %dma_wait3A_270 = tpu.memref_squeeze %dma_wait3A_269 : memref<1x128xi32, #tpu.memory_space<vmem>> -> memref<128xi32, #tpu.memory_space<vmem>>
        %dma_wait3A_271 = arith.constant 0 : i32
        %dma_wait3A_272 = arith.constant 0 : i32
        %dma_wait3A_273 = tpu.memref_slice %arg10[%dma_wait3A_271, %dma_wait3A_272] : memref<10240x128xf32, #tpu.memory_space<vmem_shared>> -> memref<10240x128xf32, #tpu.memory_space<vmem_shared>>
        tpu.wait_indirect_dma semaphore(%run_scoped3A_261 : memref<!tpu.dma_semaphore, #tpu.memory_space<semaphore_mem>>) src(%arg9 : memref<128x128xf32, #tpu.memory_space<vmem>>) dst(%dma_wait3A_273 : memref<10240x128xf32, #tpu.memory_space<vmem_shared>>)
        tpu.yield
      }) : () -> ()
      %dma_start3A_208 = arith.constant 13 : i32
      %dma_start3A_209 = arith.constant 0 : i32
      %dma_start3A_210 = tpu.memref_slice %arg6[%dma_start3A_208, %dma_start3A_209] : memref<16x128xi32, #tpu.memory_space<vmem>> -> memref<1x128xi32, #tpu.memory_space<vmem>>
      %dma_start3A_211 = tpu.memref_squeeze %dma_start3A_210 : memref<1x128xi32, #tpu.memory_space<vmem>> -> memref<128xi32, #tpu.memory_space<vmem>>
      %dma_start3A_212 = arith.constant 0 : i32
      %dma_start3A_213 = arith.constant 0 : i32
      %dma_start3A_214 = tpu.memref_slice %arg2[%dma_start3A_212, %dma_start3A_213] : memref<20480x128xf32, #tpu.memory_space<hbm>> -> memref<20480x128xf32, #tpu.memory_space<hbm>>
      tpu.enqueue_indirect_dma source(%dma_start3A_214 : memref<20480x128xf32, #tpu.memory_space<hbm>>) target(%arg9 : memref<128x128xf32, #tpu.memory_space<vmem>>) offsets(%dma_start3A_211 : memref<128xi32, #tpu.memory_space<vmem>>) semaphore(%arg12 : memref<!tpu.dma_semaphore, #tpu.memory_space<semaphore_mem>>)
      %dma_wait3A_215 = arith.constant 12 : i32
      %dma_wait3A_216 = arith.constant 0 : i32
      %dma_wait3A_217 = tpu.memref_slice %arg6[%dma_wait3A_215, %dma_wait3A_216] : memref<16x128xi32, #tpu.memory_space<vmem>> -> memref<1x128xi32, #tpu.memory_space<vmem>>
      %dma_wait3A_218 = tpu.memref_squeeze %dma_wait3A_217 : memref<1x128xi32, #tpu.memory_space<vmem>> -> memref<128xi32, #tpu.memory_space<vmem>>
      %dma_wait3A_219 = arith.constant 0 : i32
      %dma_wait3A_220 = arith.constant 0 : i32
      %dma_wait3A_221 = tpu.memref_slice %arg2[%dma_wait3A_219, %dma_wait3A_220] : memref<20480x128xf32, #tpu.memory_space<hbm>> -> memref<20480x128xf32, #tpu.memory_space<hbm>>
      tpu.wait_indirect_dma semaphore(%arg11 : memref<!tpu.dma_semaphore, #tpu.memory_space<semaphore_mem>>) src(%dma_wait3A_221 : memref<20480x128xf32, #tpu.memory_space<hbm>>) dst(%arg8 : memref<128x128xf32, #tpu.memory_space<vmem>>)
      %run_scoped3A_222 = arith.constant 12 : i32
      "tpu.region"() ({
        %run_scoped3A_261 = tpu.sem_alloc : memref<!tpu.dma_semaphore, #tpu.memory_space<semaphore_mem>>
        %dma_start3A_262 = arith.constant 0 : i32
        %dma_start3A_263 = tpu.memref_slice %arg7[%run_scoped3A_222, %dma_start3A_262] : memref<16x128xi32, #tpu.memory_space<vmem>> -> memref<1x128xi32, #tpu.memory_space<vmem>>
        %dma_start3A_264 = tpu.memref_squeeze %dma_start3A_263 : memref<1x128xi32, #tpu.memory_space<vmem>> -> memref<128xi32, #tpu.memory_space<vmem>>
        %dma_start3A_265 = arith.constant 0 : i32
        %dma_start3A_266 = arith.constant 0 : i32
        %dma_start3A_267 = tpu.memref_slice %arg10[%dma_start3A_265, %dma_start3A_266] : memref<10240x128xf32, #tpu.memory_space<vmem_shared>> -> memref<10240x128xf32, #tpu.memory_space<vmem_shared>>
        tpu.enqueue_indirect_dma source(%arg8 : memref<128x128xf32, #tpu.memory_space<vmem>>) target(%dma_start3A_267 : memref<10240x128xf32, #tpu.memory_space<vmem_shared>>) offsets(%dma_start3A_264 : memref<128xi32, #tpu.memory_space<vmem>>) semaphore(%run_scoped3A_261 : memref<!tpu.dma_semaphore, #tpu.memory_space<semaphore_mem>>) {add = true}
        %dma_wait3A_268 = arith.constant 0 : i32
        %dma_wait3A_269 = tpu.memref_slice %arg7[%run_scoped3A_222, %dma_wait3A_268] : memref<16x128xi32, #tpu.memory_space<vmem>> -> memref<1x128xi32, #tpu.memory_space<vmem>>
        %dma_wait3A_270 = tpu.memref_squeeze %dma_wait3A_269 : memref<1x128xi32, #tpu.memory_space<vmem>> -> memref<128xi32, #tpu.memory_space<vmem>>
        %dma_wait3A_271 = arith.constant 0 : i32
        %dma_wait3A_272 = arith.constant 0 : i32
        %dma_wait3A_273 = tpu.memref_slice %arg10[%dma_wait3A_271, %dma_wait3A_272] : memref<10240x128xf32, #tpu.memory_space<vmem_shared>> -> memref<10240x128xf32, #tpu.memory_space<vmem_shared>>
        tpu.wait_indirect_dma semaphore(%run_scoped3A_261 : memref<!tpu.dma_semaphore, #tpu.memory_space<semaphore_mem>>) src(%arg8 : memref<128x128xf32, #tpu.memory_space<vmem>>) dst(%dma_wait3A_273 : memref<10240x128xf32, #tpu.memory_space<vmem_shared>>)
        tpu.yield
      }) : () -> ()
      %dma_start3A_223 = arith.constant 14 : i32
      %dma_start3A_224 = arith.constant 0 : i32
      %dma_start3A_225 = tpu.memref_slice %arg6[%dma_start3A_223, %dma_start3A_224] : memref<16x128xi32, #tpu.memory_space<vmem>> -> memref<1x128xi32, #tpu.memory_space<vmem>>
      %dma_start3A_226 = tpu.memref_squeeze %dma_start3A_225 : memref<1x128xi32, #tpu.memory_space<vmem>> -> memref<128xi32, #tpu.memory_space<vmem>>
      %dma_start3A_227 = arith.constant 0 : i32
      %dma_start3A_228 = arith.constant 0 : i32
      %dma_start3A_229 = tpu.memref_slice %arg2[%dma_start3A_227, %dma_start3A_228] : memref<20480x128xf32, #tpu.memory_space<hbm>> -> memref<20480x128xf32, #tpu.memory_space<hbm>>
      tpu.enqueue_indirect_dma source(%dma_start3A_229 : memref<20480x128xf32, #tpu.memory_space<hbm>>) target(%arg8 : memref<128x128xf32, #tpu.memory_space<vmem>>) offsets(%dma_start3A_226 : memref<128xi32, #tpu.memory_space<vmem>>) semaphore(%arg11 : memref<!tpu.dma_semaphore, #tpu.memory_space<semaphore_mem>>)
      %dma_wait3A_230 = arith.constant 13 : i32
      %dma_wait3A_231 = arith.constant 0 : i32
      %dma_wait3A_232 = tpu.memref_slice %arg6[%dma_wait3A_230, %dma_wait3A_231] : memref<16x128xi32, #tpu.memory_space<vmem>> -> memref<1x128xi32, #tpu.memory_space<vmem>>
      %dma_wait3A_233 = tpu.memref_squeeze %dma_wait3A_232 : memref<1x128xi32, #tpu.memory_space<vmem>> -> memref<128xi32, #tpu.memory_space<vmem>>
      %dma_wait3A_234 = arith.constant 0 : i32
      %dma_wait3A_235 = arith.constant 0 : i32
      %dma_wait3A_236 = tpu.memref_slice %arg2[%dma_wait3A_234, %dma_wait3A_235] : memref<20480x128xf32, #tpu.memory_space<hbm>> -> memref<20480x128xf32, #tpu.memory_space<hbm>>
      tpu.wait_indirect_dma semaphore(%arg12 : memref<!tpu.dma_semaphore, #tpu.memory_space<semaphore_mem>>) src(%dma_wait3A_236 : memref<20480x128xf32, #tpu.memory_space<hbm>>) dst(%arg9 : memref<128x128xf32, #tpu.memory_space<vmem>>)
      %run_scoped3A_237 = arith.constant 13 : i32
      "tpu.region"() ({
        %run_scoped3A_261 = tpu.sem_alloc : memref<!tpu.dma_semaphore, #tpu.memory_space<semaphore_mem>>
        %dma_start3A_262 = arith.constant 0 : i32
        %dma_start3A_263 = tpu.memref_slice %arg7[%run_scoped3A_237, %dma_start3A_262] : memref<16x128xi32, #tpu.memory_space<vmem>> -> memref<1x128xi32, #tpu.memory_space<vmem>>
        %dma_start3A_264 = tpu.memref_squeeze %dma_start3A_263 : memref<1x128xi32, #tpu.memory_space<vmem>> -> memref<128xi32, #tpu.memory_space<vmem>>
        %dma_start3A_265 = arith.constant 0 : i32
        %dma_start3A_266 = arith.constant 0 : i32
        %dma_start3A_267 = tpu.memref_slice %arg10[%dma_start3A_265, %dma_start3A_266] : memref<10240x128xf32, #tpu.memory_space<vmem_shared>> -> memref<10240x128xf32, #tpu.memory_space<vmem_shared>>
        tpu.enqueue_indirect_dma source(%arg9 : memref<128x128xf32, #tpu.memory_space<vmem>>) target(%dma_start3A_267 : memref<10240x128xf32, #tpu.memory_space<vmem_shared>>) offsets(%dma_start3A_264 : memref<128xi32, #tpu.memory_space<vmem>>) semaphore(%run_scoped3A_261 : memref<!tpu.dma_semaphore, #tpu.memory_space<semaphore_mem>>) {add = true}
        %dma_wait3A_268 = arith.constant 0 : i32
        %dma_wait3A_269 = tpu.memref_slice %arg7[%run_scoped3A_237, %dma_wait3A_268] : memref<16x128xi32, #tpu.memory_space<vmem>> -> memref<1x128xi32, #tpu.memory_space<vmem>>
        %dma_wait3A_270 = tpu.memref_squeeze %dma_wait3A_269 : memref<1x128xi32, #tpu.memory_space<vmem>> -> memref<128xi32, #tpu.memory_space<vmem>>
        %dma_wait3A_271 = arith.constant 0 : i32
        %dma_wait3A_272 = arith.constant 0 : i32
        %dma_wait3A_273 = tpu.memref_slice %arg10[%dma_wait3A_271, %dma_wait3A_272] : memref<10240x128xf32, #tpu.memory_space<vmem_shared>> -> memref<10240x128xf32, #tpu.memory_space<vmem_shared>>
        tpu.wait_indirect_dma semaphore(%run_scoped3A_261 : memref<!tpu.dma_semaphore, #tpu.memory_space<semaphore_mem>>) src(%arg9 : memref<128x128xf32, #tpu.memory_space<vmem>>) dst(%dma_wait3A_273 : memref<10240x128xf32, #tpu.memory_space<vmem_shared>>)
        tpu.yield
      }) : () -> ()
      %dma_start3A_238 = arith.constant 15 : i32
      %dma_start3A_239 = arith.constant 0 : i32
      %dma_start3A_240 = tpu.memref_slice %arg6[%dma_start3A_238, %dma_start3A_239] : memref<16x128xi32, #tpu.memory_space<vmem>> -> memref<1x128xi32, #tpu.memory_space<vmem>>
      %dma_start3A_241 = tpu.memref_squeeze %dma_start3A_240 : memref<1x128xi32, #tpu.memory_space<vmem>> -> memref<128xi32, #tpu.memory_space<vmem>>
      %dma_start3A_242 = arith.constant 0 : i32
      %dma_start3A_243 = arith.constant 0 : i32
      %dma_start3A_244 = tpu.memref_slice %arg2[%dma_start3A_242, %dma_start3A_243] : memref<20480x128xf32, #tpu.memory_space<hbm>> -> memref<20480x128xf32, #tpu.memory_space<hbm>>
      tpu.enqueue_indirect_dma source(%dma_start3A_244 : memref<20480x128xf32, #tpu.memory_space<hbm>>) target(%arg9 : memref<128x128xf32, #tpu.memory_space<vmem>>) offsets(%dma_start3A_241 : memref<128xi32, #tpu.memory_space<vmem>>) semaphore(%arg12 : memref<!tpu.dma_semaphore, #tpu.memory_space<semaphore_mem>>)
      %dma_wait3A_245 = arith.constant 14 : i32
      %dma_wait3A_246 = arith.constant 0 : i32
      %dma_wait3A_247 = tpu.memref_slice %arg6[%dma_wait3A_245, %dma_wait3A_246] : memref<16x128xi32, #tpu.memory_space<vmem>> -> memref<1x128xi32, #tpu.memory_space<vmem>>
      %dma_wait3A_248 = tpu.memref_squeeze %dma_wait3A_247 : memref<1x128xi32, #tpu.memory_space<vmem>> -> memref<128xi32, #tpu.memory_space<vmem>>
      %dma_wait3A_249 = arith.constant 0 : i32
      %dma_wait3A_250 = arith.constant 0 : i32
      %dma_wait3A_251 = tpu.memref_slice %arg2[%dma_wait3A_249, %dma_wait3A_250] : memref<20480x128xf32, #tpu.memory_space<hbm>> -> memref<20480x128xf32, #tpu.memory_space<hbm>>
      tpu.wait_indirect_dma semaphore(%arg11 : memref<!tpu.dma_semaphore, #tpu.memory_space<semaphore_mem>>) src(%dma_wait3A_251 : memref<20480x128xf32, #tpu.memory_space<hbm>>) dst(%arg8 : memref<128x128xf32, #tpu.memory_space<vmem>>)
      %run_scoped3A_252 = arith.constant 14 : i32
      "tpu.region"() ({
        %run_scoped3A_261 = tpu.sem_alloc : memref<!tpu.dma_semaphore, #tpu.memory_space<semaphore_mem>>
        %dma_start3A_262 = arith.constant 0 : i32
        %dma_start3A_263 = tpu.memref_slice %arg7[%run_scoped3A_252, %dma_start3A_262] : memref<16x128xi32, #tpu.memory_space<vmem>> -> memref<1x128xi32, #tpu.memory_space<vmem>>
        %dma_start3A_264 = tpu.memref_squeeze %dma_start3A_263 : memref<1x128xi32, #tpu.memory_space<vmem>> -> memref<128xi32, #tpu.memory_space<vmem>>
        %dma_start3A_265 = arith.constant 0 : i32
        %dma_start3A_266 = arith.constant 0 : i32
        %dma_start3A_267 = tpu.memref_slice %arg10[%dma_start3A_265, %dma_start3A_266] : memref<10240x128xf32, #tpu.memory_space<vmem_shared>> -> memref<10240x128xf32, #tpu.memory_space<vmem_shared>>
        tpu.enqueue_indirect_dma source(%arg8 : memref<128x128xf32, #tpu.memory_space<vmem>>) target(%dma_start3A_267 : memref<10240x128xf32, #tpu.memory_space<vmem_shared>>) offsets(%dma_start3A_264 : memref<128xi32, #tpu.memory_space<vmem>>) semaphore(%run_scoped3A_261 : memref<!tpu.dma_semaphore, #tpu.memory_space<semaphore_mem>>) {add = true}
        %dma_wait3A_268 = arith.constant 0 : i32
        %dma_wait3A_269 = tpu.memref_slice %arg7[%run_scoped3A_252, %dma_wait3A_268] : memref<16x128xi32, #tpu.memory_space<vmem>> -> memref<1x128xi32, #tpu.memory_space<vmem>>
        %dma_wait3A_270 = tpu.memref_squeeze %dma_wait3A_269 : memref<1x128xi32, #tpu.memory_space<vmem>> -> memref<128xi32, #tpu.memory_space<vmem>>
        %dma_wait3A_271 = arith.constant 0 : i32
        %dma_wait3A_272 = arith.constant 0 : i32
        %dma_wait3A_273 = tpu.memref_slice %arg10[%dma_wait3A_271, %dma_wait3A_272] : memref<10240x128xf32, #tpu.memory_space<vmem_shared>> -> memref<10240x128xf32, #tpu.memory_space<vmem_shared>>
        tpu.wait_indirect_dma semaphore(%run_scoped3A_261 : memref<!tpu.dma_semaphore, #tpu.memory_space<semaphore_mem>>) src(%arg8 : memref<128x128xf32, #tpu.memory_space<vmem>>) dst(%dma_wait3A_273 : memref<10240x128xf32, #tpu.memory_space<vmem_shared>>)
        tpu.yield
      }) : () -> ()
      %dma_wait3A_253 = arith.constant 15 : i32
      %dma_wait3A_254 = arith.constant 0 : i32
      %dma_wait3A_255 = tpu.memref_slice %arg6[%dma_wait3A_253, %dma_wait3A_254] : memref<16x128xi32, #tpu.memory_space<vmem>> -> memref<1x128xi32, #tpu.memory_space<vmem>>
      %dma_wait3A_256 = tpu.memref_squeeze %dma_wait3A_255 : memref<1x128xi32, #tpu.memory_space<vmem>> -> memref<128xi32, #tpu.memory_space<vmem>>
      %dma_wait3A_257 = arith.constant 0 : i32
      %dma_wait3A_258 = arith.constant 0 : i32
      %dma_wait3A_259 = tpu.memref_slice %arg2[%dma_wait3A_257, %dma_wait3A_258] : memref<20480x128xf32, #tpu.memory_space<hbm>> -> memref<20480x128xf32, #tpu.memory_space<hbm>>
      tpu.wait_indirect_dma semaphore(%arg12 : memref<!tpu.dma_semaphore, #tpu.memory_space<semaphore_mem>>) src(%dma_wait3A_259 : memref<20480x128xf32, #tpu.memory_space<hbm>>) dst(%arg9 : memref<128x128xf32, #tpu.memory_space<vmem>>)
      %run_scoped3A_260 = arith.constant 15 : i32
      "tpu.region"() ({
        %run_scoped3A_261 = tpu.sem_alloc : memref<!tpu.dma_semaphore, #tpu.memory_space<semaphore_mem>>
        %dma_start3A_262 = arith.constant 0 : i32
        %dma_start3A_263 = tpu.memref_slice %arg7[%run_scoped3A_260, %dma_start3A_262] : memref<16x128xi32, #tpu.memory_space<vmem>> -> memref<1x128xi32, #tpu.memory_space<vmem>>
        %dma_start3A_264 = tpu.memref_squeeze %dma_start3A_263 : memref<1x128xi32, #tpu.memory_space<vmem>> -> memref<128xi32, #tpu.memory_space<vmem>>
        %dma_start3A_265 = arith.constant 0 : i32
        %dma_start3A_266 = arith.constant 0 : i32
        %dma_start3A_267 = tpu.memref_slice %arg10[%dma_start3A_265, %dma_start3A_266] : memref<10240x128xf32, #tpu.memory_space<vmem_shared>> -> memref<10240x128xf32, #tpu.memory_space<vmem_shared>>
        tpu.enqueue_indirect_dma source(%arg9 : memref<128x128xf32, #tpu.memory_space<vmem>>) target(%dma_start3A_267 : memref<10240x128xf32, #tpu.memory_space<vmem_shared>>) offsets(%dma_start3A_264 : memref<128xi32, #tpu.memory_space<vmem>>) semaphore(%run_scoped3A_261 : memref<!tpu.dma_semaphore, #tpu.memory_space<semaphore_mem>>) {add = true}
        %dma_wait3A_268 = arith.constant 0 : i32
        %dma_wait3A_269 = tpu.memref_slice %arg7[%run_scoped3A_260, %dma_wait3A_268] : memref<16x128xi32, #tpu.memory_space<vmem>> -> memref<1x128xi32, #tpu.memory_space<vmem>>
        %dma_wait3A_270 = tpu.memref_squeeze %dma_wait3A_269 : memref<1x128xi32, #tpu.memory_space<vmem>> -> memref<128xi32, #tpu.memory_space<vmem>>
        %dma_wait3A_271 = arith.constant 0 : i32
        %dma_wait3A_272 = arith.constant 0 : i32
        %dma_wait3A_273 = tpu.memref_slice %arg10[%dma_wait3A_271, %dma_wait3A_272] : memref<10240x128xf32, #tpu.memory_space<vmem_shared>> -> memref<10240x128xf32, #tpu.memory_space<vmem_shared>>
        tpu.wait_indirect_dma semaphore(%run_scoped3A_261 : memref<!tpu.dma_semaphore, #tpu.memory_space<semaphore_mem>>) src(%arg9 : memref<128x128xf32, #tpu.memory_space<vmem>>) dst(%dma_wait3A_273 : memref<10240x128xf32, #tpu.memory_space<vmem_shared>>)
        tpu.yield
      }) : () -> ()
    }
    %scan3A_12 = arith.constant 5 : i32
    %barrier3A_13 = arith.constant 0 : index
    tpu.barrier barrier_id(%barrier3A_13)
    %mul3A_14 = arith.constant 10240 : i32
    %mul3A_15 = arith.muli %arg0, %mul3A_14 : i32
    %add3A_16 = arith.addi %mul3A_15, %mul3A_0 : i32
    "tpu.region"() ({
      %run_scoped3A = tpu.sem_alloc : memref<!tpu.dma_semaphore, #tpu.memory_space<semaphore_mem>>
      %dma_start3A = arith.constant 0 : i32
      %dma_start3A_17 = tpu.memref_slice %arg5[%add3A_16, %dma_start3A] : memref<20480x128xf32, #tpu.memory_space<hbm>> -> memref<640x128xf32, #tpu.memory_space<hbm>>
      %dma_start3A_18 = arith.constant 0 : i32
      %dma_start3A_19 = tpu.memref_slice %arg10[%mul3A_0, %dma_start3A_18] : memref<10240x128xf32, #tpu.memory_space<vmem_shared>> -> memref<640x128xf32, #tpu.memory_space<vmem_shared>>
      tpu.enqueue_dma source(%dma_start3A_19 : memref<640x128xf32, #tpu.memory_space<vmem_shared>>) target(%dma_start3A_17 : memref<640x128xf32, #tpu.memory_space<hbm>>) target_semaphore(%run_scoped3A : memref<!tpu.dma_semaphore, #tpu.memory_space<semaphore_mem>>)
      %dma_wait3A = arith.constant 0 : i32
      %dma_wait3A_20 = tpu.memref_slice %arg5[%add3A_16, %dma_wait3A] : memref<20480x128xf32, #tpu.memory_space<hbm>> -> memref<640x128xf32, #tpu.memory_space<hbm>>
      %dma_wait3A_21 = arith.constant 0 : i32
      %dma_wait3A_22 = tpu.memref_slice %arg10[%mul3A_0, %dma_wait3A_21] : memref<10240x128xf32, #tpu.memory_space<vmem_shared>> -> memref<640x128xf32, #tpu.memory_space<vmem_shared>>
      tpu.wait_dma2 semaphore(%run_scoped3A : memref<!tpu.dma_semaphore, #tpu.memory_space<semaphore_mem>>) src(%dma_wait3A_22 : memref<640x128xf32, #tpu.memory_space<vmem_shared>>) dst(%dma_wait3A_20 : memref<640x128xf32, #tpu.memory_space<hbm>>)
      tpu.yield
    }) : () -> ()
    return
  }
}

#map = affine_map<(d0, d1) -> (0, 0)>
module attributes {stable_mosaic.version = 14 : i64} {
  func.func @_spmm_body(%arg0: i32, %arg1: i32, %arg2: memref<20480x128xf32, #tpu.memory_space<hbm>>, %arg3: memref<2560x128xi32, #tpu.memory_space<hbm>>, %arg4: memref<2560x128xi32, #tpu.memory_space<hbm>>, %arg5: memref<20480x128xf32, #tpu.memory_space<hbm>>, %arg6: memref<16x128xi32, #tpu.memory_space<vmem>>, %arg7: memref<16x128xi32, #tpu.memory_space<vmem>>, %arg8: memref<128x128xf32, #tpu.memory_space<vmem>>, %arg9: memref<128x128xf32, #tpu.memory_space<vmem>>, %arg10: memref<10240x128xf32, #tpu.memory_space<vmem_shared>>, %arg11: memref<!tpu.dma_semaphore, #tpu.memory_space<semaphore_mem>>, %arg12: memref<!tpu.dma_semaphore, #tpu.memory_space<semaphore_mem>>) attributes {dimension_semantics = [#tpu.dimension_semantics<core_parallel>, #tpu.dimension_semantics<subcore_parallel>], iteration_bounds = array<i64: 2, 16>, scalar_prefetch = 0 : i64, scratch_operands = 7 : i64, tpu.core_type = #tpu.core_type<sc_vector_subcore>, window_params = [{transform_indices = #map}, {transform_indices = #map}, {transform_indices = #map}, {transform_indices = #map}]} {
    %mul3A = arith.constant 640 : i32
    %mul3A_0 = arith.muli %arg1, %mul3A : i32
    %mul3A_1 = arith.constant 10240 : i32
    %mul3A_2 = arith.muli %arg0, %mul3A_1 : i32
    %add3A = arith.addi %mul3A_2, %mul3A_0 : i32
    "tpu.region"() ({
      %run_scoped3A = tpu.sem_alloc : memref<!tpu.dma_semaphore, #tpu.memory_space<semaphore_mem>>
      %dma_start3A = arith.constant 0 : i32
      %dma_start3A_17 = tpu.memref_slice %arg10[%mul3A_0, %dma_start3A] : memref<10240x128xf32, #tpu.memory_space<vmem_shared>> -> memref<640x128xf32, #tpu.memory_space<vmem_shared>>
      %dma_start3A_18 = arith.constant 0 : i32
      %dma_start3A_19 = tpu.memref_slice %arg2[%add3A, %dma_start3A_18] : memref<20480x128xf32, #tpu.memory_space<hbm>> -> memref<640x128xf32, #tpu.memory_space<hbm>>
      tpu.enqueue_dma source(%dma_start3A_19 : memref<640x128xf32, #tpu.memory_space<hbm>>) target(%dma_start3A_17 : memref<640x128xf32, #tpu.memory_space<vmem_shared>>) target_semaphore(%run_scoped3A : memref<!tpu.dma_semaphore, #tpu.memory_space<semaphore_mem>>)
      %dma_wait3A = arith.constant 0 : i32
      %dma_wait3A_20 = tpu.memref_slice %arg10[%mul3A_0, %dma_wait3A] : memref<10240x128xf32, #tpu.memory_space<vmem_shared>> -> memref<640x128xf32, #tpu.memory_space<vmem_shared>>
      %dma_wait3A_21 = arith.constant 0 : i32
      %dma_wait3A_22 = tpu.memref_slice %arg2[%add3A, %dma_wait3A_21] : memref<20480x128xf32, #tpu.memory_space<hbm>> -> memref<640x128xf32, #tpu.memory_space<hbm>>
      tpu.wait_dma2 semaphore(%run_scoped3A : memref<!tpu.dma_semaphore, #tpu.memory_space<semaphore_mem>>) src(%dma_wait3A_22 : memref<640x128xf32, #tpu.memory_space<hbm>>) dst(%dma_wait3A_20 : memref<640x128xf32, #tpu.memory_space<vmem_shared>>)
      tpu.yield
    }) : () -> ()
    %barrier3A = arith.constant 0 : index
    tpu.barrier barrier_id(%barrier3A)
    %mul3A_3 = arith.constant 16 : i32
    %mul3A_4 = arith.muli %arg0, %mul3A_3 : i32
    %add3A_5 = arith.addi %mul3A_4, %arg1 : i32
    %mul3A_6 = arith.constant 80 : i32
    %mul3A_7 = arith.muli %add3A_5, %mul3A_6 : i32
    %scan3A = arith.constant 0 : i32
    %scan3A_8 = arith.constant 0 : i32
    %scan3A_9 = arith.constant 5 : i32
    %scan3A_10 = arith.addi %scan3A_8, %scan3A_9 : i32
    %scan3A_11 = arith.constant 1 : i32
    scf.for %scan3A_17 = %scan3A_8 to %scan3A_10 step %scan3A_11  : i32 {
      %mul3A_18 = arith.constant 16 : i32
      %mul3A_19 = arith.muli %scan3A_17, %mul3A_18 : i32
      %add3A_20 = arith.addi %mul3A_7, %mul3A_19 : i32
      "tpu.region"() ({
        %run_scoped3A_261 = tpu.sem_alloc : memref<!tpu.dma_semaphore, #tpu.memory_space<semaphore_mem>>
        %dma_start3A_262 = arith.constant 0 : i32
        %dma_start3A_263 = tpu.memref_slice %arg3[%add3A_20, %dma_start3A_262] : memref<2560x128xi32, #tpu.memory_space<hbm>> -> memref<16x128xi32, #tpu.memory_space<hbm>>
        %dma_start3A_264 = arith.constant 0 : i32
        %dma_start3A_265 = tpu.memref_slice %arg3[%add3A_20, %dma_start3A_264] : memref<2560x128xi32, #tpu.memory_space<hbm>> -> memref<16x128xi32, #tpu.memory_space<hbm>>
        tpu.enqueue_dma source(%dma_start3A_265 : memref<16x128xi32, #tpu.memory_space<hbm>>) target(%arg6 : memref<16x128xi32, #tpu.memory_space<vmem>>) target_semaphore(%run_scoped3A_261 : memref<!tpu.dma_semaphore, #tpu.memory_space<semaphore_mem>>)
        %dma_wait3A_266 = arith.constant 0 : i32
        %dma_wait3A_267 = tpu.memref_slice %arg3[%add3A_20, %dma_wait3A_266] : memref<2560x128xi32, #tpu.memory_space<hbm>> -> memref<16x128xi32, #tpu.memory_space<hbm>>
        %dma_wait3A_268 = arith.constant 0 : i32
        %dma_wait3A_269 = tpu.memref_slice %arg3[%add3A_20, %dma_wait3A_268] : memref<2560x128xi32, #tpu.memory_space<hbm>> -> memref<16x128xi32, #tpu.memory_space<hbm>>
        tpu.wait_dma2 semaphore(%run_scoped3A_261 : memref<!tpu.dma_semaphore, #tpu.memory_space<semaphore_mem>>) src(%dma_wait3A_269 : memref<16x128xi32, #tpu.memory_space<hbm>>) dst(%arg6 : memref<16x128xi32, #tpu.memory_space<vmem>>)
        tpu.yield
      }) : () -> ()
      %mul3A_21 = arith.constant 16 : i32
      %mul3A_22 = arith.muli %scan3A_17, %mul3A_21 : i32
      %add3A_23 = arith.addi %mul3A_7, %mul3A_22 : i32
      "tpu.region"() ({
        %run_scoped3A_261 = tpu.sem_alloc : memref<!tpu.dma_semaphore, #tpu.memory_space<semaphore_mem>>
        %dma_start3A_262 = arith.constant 0 : i32
        %dma_start3A_263 = tpu.memref_slice %arg4[%add3A_23, %dma_start3A_262] : memref<2560x128xi32, #tpu.memory_space<hbm>> -> memref<16x128xi32, #tpu.memory_space<hbm>>
        %dma_start3A_264 = arith.constant 0 : i32
        %dma_start3A_265 = tpu.memref_slice %arg4[%add3A_23, %dma_start3A_264] : memref<2560x128xi32, #tpu.memory_space<hbm>> -> memref<16x128xi32, #tpu.memory_space<hbm>>
        tpu.enqueue_dma source(%dma_start3A_265 : memref<16x128xi32, #tpu.memory_space<hbm>>) target(%arg7 : memref<16x128xi32, #tpu.memory_space<vmem>>) target_semaphore(%run_scoped3A_261 : memref<!tpu.dma_semaphore, #tpu.memory_space<semaphore_mem>>)
        %dma_wait3A_266 = arith.constant 0 : i32
        %dma_wait3A_267 = tpu.memref_slice %arg4[%add3A_23, %dma_wait3A_266] : memref<2560x128xi32, #tpu.memory_space<hbm>> -> memref<16x128xi32, #tpu.memory_space<hbm>>
        %dma_wait3A_268 = arith.constant 0 : i32
        %dma_wait3A_269 = tpu.memref_slice %arg4[%add3A_23, %dma_wait3A_268] : memref<2560x128xi32, #tpu.memory_space<hbm>> -> memref<16x128xi32, #tpu.memory_space<hbm>>
        tpu.wait_dma2 semaphore(%run_scoped3A_261 : memref<!tpu.dma_semaphore, #tpu.memory_space<semaphore_mem>>) src(%dma_wait3A_269 : memref<16x128xi32, #tpu.memory_space<hbm>>) dst(%arg7 : memref<16x128xi32, #tpu.memory_space<vmem>>)
        tpu.yield
      }) : () -> ()
      %dma_start3A = arith.constant 0 : i32
      %dma_start3A_24 = arith.constant 0 : i32
      %dma_start3A_25 = tpu.memref_slice %arg6[%dma_start3A, %dma_start3A_24] : memref<16x128xi32, #tpu.memory_space<vmem>> -> memref<1x128xi32, #tpu.memory_space<vmem>>
      %dma_start3A_26 = tpu.memref_squeeze %dma_start3A_25 : memref<1x128xi32, #tpu.memory_space<vmem>> -> memref<128xi32, #tpu.memory_space<vmem>>
      %dma_start3A_27 = arith.constant 0 : i32
      %dma_start3A_28 = arith.constant 0 : i32
      %dma_start3A_29 = tpu.memref_slice %arg2[%dma_start3A_27, %dma_start3A_28] : memref<20480x128xf32, #tpu.memory_space<hbm>> -> memref<20480x128xf32, #tpu.memory_space<hbm>>
      tpu.enqueue_indirect_dma source(%dma_start3A_29 : memref<20480x128xf32, #tpu.memory_space<hbm>>) target(%arg8 : memref<128x128xf32, #tpu.memory_space<vmem>>) offsets(%dma_start3A_26 : memref<128xi32, #tpu.memory_space<vmem>>) semaphore(%arg11 : memref<!tpu.dma_semaphore, #tpu.memory_space<semaphore_mem>>)
      %dma_start3A_30 = arith.constant 1 : i32
      %dma_start3A_31 = arith.constant 0 : i32
      %dma_start3A_32 = tpu.memref_slice %arg6[%dma_start3A_30, %dma_start3A_31] : memref<16x128xi32, #tpu.memory_space<vmem>> -> memref<1x128xi32, #tpu.memory_space<vmem>>
      %dma_start3A_33 = tpu.memref_squeeze %dma_start3A_32 : memref<1x128xi32, #tpu.memory_space<vmem>> -> memref<128xi32, #tpu.memory_space<vmem>>
      %dma_start3A_34 = arith.constant 0 : i32
      %dma_start3A_35 = arith.constant 0 : i32
      %dma_start3A_36 = tpu.memref_slice %arg2[%dma_start3A_34, %dma_start3A_35] : memref<20480x128xf32, #tpu.memory_space<hbm>> -> memref<20480x128xf32, #tpu.memory_space<hbm>>
      tpu.enqueue_indirect_dma source(%dma_start3A_36 : memref<20480x128xf32, #tpu.memory_space<hbm>>) target(%arg9 : memref<128x128xf32, #tpu.memory_space<vmem>>) offsets(%dma_start3A_33 : memref<128xi32, #tpu.memory_space<vmem>>) semaphore(%arg12 : memref<!tpu.dma_semaphore, #tpu.memory_space<semaphore_mem>>)
      %dma_wait3A = arith.constant 0 : i32
      %dma_wait3A_37 = arith.constant 0 : i32
      %dma_wait3A_38 = tpu.memref_slice %arg6[%dma_wait3A, %dma_wait3A_37] : memref<16x128xi32, #tpu.memory_space<vmem>> -> memref<1x128xi32, #tpu.memory_space<vmem>>
      %dma_wait3A_39 = tpu.memref_squeeze %dma_wait3A_38 : memref<1x128xi32, #tpu.memory_space<vmem>> -> memref<128xi32, #tpu.memory_space<vmem>>
      %dma_wait3A_40 = arith.constant 0 : i32
      %dma_wait3A_41 = arith.constant 0 : i32
      %dma_wait3A_42 = tpu.memref_slice %arg2[%dma_wait3A_40, %dma_wait3A_41] : memref<20480x128xf32, #tpu.memory_space<hbm>> -> memref<20480x128xf32, #tpu.memory_space<hbm>>
      tpu.wait_indirect_dma semaphore(%arg11 : memref<!tpu.dma_semaphore, #tpu.memory_space<semaphore_mem>>) src(%dma_wait3A_42 : memref<20480x128xf32, #tpu.memory_space<hbm>>) dst(%arg8 : memref<128x128xf32, #tpu.memory_space<vmem>>)
      %run_scoped3A = arith.constant 0 : i32
      "tpu.region"() ({
        %run_scoped3A_261 = tpu.sem_alloc : memref<!tpu.dma_semaphore, #tpu.memory_space<semaphore_mem>>
        %dma_start3A_262 = arith.constant 0 : i32
        %dma_start3A_263 = tpu.memref_slice %arg7[%run_scoped3A, %dma_start3A_262] : memref<16x128xi32, #tpu.memory_space<vmem>> -> memref<1x128xi32, #tpu.memory_space<vmem>>
        %dma_start3A_264 = tpu.memref_squeeze %dma_start3A_263 : memref<1x128xi32, #tpu.memory_space<vmem>> -> memref<128xi32, #tpu.memory_space<vmem>>
        %dma_start3A_265 = arith.constant 0 : i32
        %dma_start3A_266 = arith.constant 0 : i32
        %dma_start3A_267 = tpu.memref_slice %arg10[%dma_start3A_265, %dma_start3A_266] : memref<10240x128xf32, #tpu.memory_space<vmem_shared>> -> memref<10240x128xf32, #tpu.memory_space<vmem_shared>>
        tpu.enqueue_indirect_dma source(%arg8 : memref<128x128xf32, #tpu.memory_space<vmem>>) target(%dma_start3A_267 : memref<10240x128xf32, #tpu.memory_space<vmem_shared>>) offsets(%dma_start3A_264 : memref<128xi32, #tpu.memory_space<vmem>>) semaphore(%run_scoped3A_261 : memref<!tpu.dma_semaphore, #tpu.memory_space<semaphore_mem>>) {add = true}
        %dma_wait3A_268 = arith.constant 0 : i32
        %dma_wait3A_269 = tpu.memref_slice %arg7[%run_scoped3A, %dma_wait3A_268] : memref<16x128xi32, #tpu.memory_space<vmem>> -> memref<1x128xi32, #tpu.memory_space<vmem>>
        %dma_wait3A_270 = tpu.memref_squeeze %dma_wait3A_269 : memref<1x128xi32, #tpu.memory_space<vmem>> -> memref<128xi32, #tpu.memory_space<vmem>>
        %dma_wait3A_271 = arith.constant 0 : i32
        %dma_wait3A_272 = arith.constant 0 : i32
        %dma_wait3A_273 = tpu.memref_slice %arg10[%dma_wait3A_271, %dma_wait3A_272] : memref<10240x128xf32, #tpu.memory_space<vmem_shared>> -> memref<10240x128xf32, #tpu.memory_space<vmem_shared>>
        tpu.wait_indirect_dma semaphore(%run_scoped3A_261 : memref<!tpu.dma_semaphore, #tpu.memory_space<semaphore_mem>>) src(%arg8 : memref<128x128xf32, #tpu.memory_space<vmem>>) dst(%dma_wait3A_273 : memref<10240x128xf32, #tpu.memory_space<vmem_shared>>)
        tpu.yield
      }) : () -> ()
      %dma_start3A_43 = arith.constant 2 : i32
      %dma_start3A_44 = arith.constant 0 : i32
      %dma_start3A_45 = tpu.memref_slice %arg6[%dma_start3A_43, %dma_start3A_44] : memref<16x128xi32, #tpu.memory_space<vmem>> -> memref<1x128xi32, #tpu.memory_space<vmem>>
      %dma_start3A_46 = tpu.memref_squeeze %dma_start3A_45 : memref<1x128xi32, #tpu.memory_space<vmem>> -> memref<128xi32, #tpu.memory_space<vmem>>
      %dma_start3A_47 = arith.constant 0 : i32
      %dma_start3A_48 = arith.constant 0 : i32
      %dma_start3A_49 = tpu.memref_slice %arg2[%dma_start3A_47, %dma_start3A_48] : memref<20480x128xf32, #tpu.memory_space<hbm>> -> memref<20480x128xf32, #tpu.memory_space<hbm>>
      tpu.enqueue_indirect_dma source(%dma_start3A_49 : memref<20480x128xf32, #tpu.memory_space<hbm>>) target(%arg8 : memref<128x128xf32, #tpu.memory_space<vmem>>) offsets(%dma_start3A_46 : memref<128xi32, #tpu.memory_space<vmem>>) semaphore(%arg11 : memref<!tpu.dma_semaphore, #tpu.memory_space<semaphore_mem>>)
      %dma_wait3A_50 = arith.constant 1 : i32
      %dma_wait3A_51 = arith.constant 0 : i32
      %dma_wait3A_52 = tpu.memref_slice %arg6[%dma_wait3A_50, %dma_wait3A_51] : memref<16x128xi32, #tpu.memory_space<vmem>> -> memref<1x128xi32, #tpu.memory_space<vmem>>
      %dma_wait3A_53 = tpu.memref_squeeze %dma_wait3A_52 : memref<1x128xi32, #tpu.memory_space<vmem>> -> memref<128xi32, #tpu.memory_space<vmem>>
      %dma_wait3A_54 = arith.constant 0 : i32
      %dma_wait3A_55 = arith.constant 0 : i32
      %dma_wait3A_56 = tpu.memref_slice %arg2[%dma_wait3A_54, %dma_wait3A_55] : memref<20480x128xf32, #tpu.memory_space<hbm>> -> memref<20480x128xf32, #tpu.memory_space<hbm>>
      tpu.wait_indirect_dma semaphore(%arg12 : memref<!tpu.dma_semaphore, #tpu.memory_space<semaphore_mem>>) src(%dma_wait3A_56 : memref<20480x128xf32, #tpu.memory_space<hbm>>) dst(%arg9 : memref<128x128xf32, #tpu.memory_space<vmem>>)
      %run_scoped3A_57 = arith.constant 1 : i32
      "tpu.region"() ({
        %run_scoped3A_261 = tpu.sem_alloc : memref<!tpu.dma_semaphore, #tpu.memory_space<semaphore_mem>>
        %dma_start3A_262 = arith.constant 0 : i32
        %dma_start3A_263 = tpu.memref_slice %arg7[%run_scoped3A_57, %dma_start3A_262] : memref<16x128xi32, #tpu.memory_space<vmem>> -> memref<1x128xi32, #tpu.memory_space<vmem>>
        %dma_start3A_264 = tpu.memref_squeeze %dma_start3A_263 : memref<1x128xi32, #tpu.memory_space<vmem>> -> memref<128xi32, #tpu.memory_space<vmem>>
        %dma_start3A_265 = arith.constant 0 : i32
        %dma_start3A_266 = arith.constant 0 : i32
        %dma_start3A_267 = tpu.memref_slice %arg10[%dma_start3A_265, %dma_start3A_266] : memref<10240x128xf32, #tpu.memory_space<vmem_shared>> -> memref<10240x128xf32, #tpu.memory_space<vmem_shared>>
        tpu.enqueue_indirect_dma source(%arg9 : memref<128x128xf32, #tpu.memory_space<vmem>>) target(%dma_start3A_267 : memref<10240x128xf32, #tpu.memory_space<vmem_shared>>) offsets(%dma_start3A_264 : memref<128xi32, #tpu.memory_space<vmem>>) semaphore(%run_scoped3A_261 : memref<!tpu.dma_semaphore, #tpu.memory_space<semaphore_mem>>) {add = true}
        %dma_wait3A_268 = arith.constant 0 : i32
        %dma_wait3A_269 = tpu.memref_slice %arg7[%run_scoped3A_57, %dma_wait3A_268] : memref<16x128xi32, #tpu.memory_space<vmem>> -> memref<1x128xi32, #tpu.memory_space<vmem>>
        %dma_wait3A_270 = tpu.memref_squeeze %dma_wait3A_269 : memref<1x128xi32, #tpu.memory_space<vmem>> -> memref<128xi32, #tpu.memory_space<vmem>>
        %dma_wait3A_271 = arith.constant 0 : i32
        %dma_wait3A_272 = arith.constant 0 : i32
        %dma_wait3A_273 = tpu.memref_slice %arg10[%dma_wait3A_271, %dma_wait3A_272] : memref<10240x128xf32, #tpu.memory_space<vmem_shared>> -> memref<10240x128xf32, #tpu.memory_space<vmem_shared>>
        tpu.wait_indirect_dma semaphore(%run_scoped3A_261 : memref<!tpu.dma_semaphore, #tpu.memory_space<semaphore_mem>>) src(%arg9 : memref<128x128xf32, #tpu.memory_space<vmem>>) dst(%dma_wait3A_273 : memref<10240x128xf32, #tpu.memory_space<vmem_shared>>)
        tpu.yield
      }) : () -> ()
      %dma_start3A_58 = arith.constant 3 : i32
      %dma_start3A_59 = arith.constant 0 : i32
      %dma_start3A_60 = tpu.memref_slice %arg6[%dma_start3A_58, %dma_start3A_59] : memref<16x128xi32, #tpu.memory_space<vmem>> -> memref<1x128xi32, #tpu.memory_space<vmem>>
      %dma_start3A_61 = tpu.memref_squeeze %dma_start3A_60 : memref<1x128xi32, #tpu.memory_space<vmem>> -> memref<128xi32, #tpu.memory_space<vmem>>
      %dma_start3A_62 = arith.constant 0 : i32
      %dma_start3A_63 = arith.constant 0 : i32
      %dma_start3A_64 = tpu.memref_slice %arg2[%dma_start3A_62, %dma_start3A_63] : memref<20480x128xf32, #tpu.memory_space<hbm>> -> memref<20480x128xf32, #tpu.memory_space<hbm>>
      tpu.enqueue_indirect_dma source(%dma_start3A_64 : memref<20480x128xf32, #tpu.memory_space<hbm>>) target(%arg9 : memref<128x128xf32, #tpu.memory_space<vmem>>) offsets(%dma_start3A_61 : memref<128xi32, #tpu.memory_space<vmem>>) semaphore(%arg12 : memref<!tpu.dma_semaphore, #tpu.memory_space<semaphore_mem>>)
      %dma_wait3A_65 = arith.constant 2 : i32
      %dma_wait3A_66 = arith.constant 0 : i32
      %dma_wait3A_67 = tpu.memref_slice %arg6[%dma_wait3A_65, %dma_wait3A_66] : memref<16x128xi32, #tpu.memory_space<vmem>> -> memref<1x128xi32, #tpu.memory_space<vmem>>
      %dma_wait3A_68 = tpu.memref_squeeze %dma_wait3A_67 : memref<1x128xi32, #tpu.memory_space<vmem>> -> memref<128xi32, #tpu.memory_space<vmem>>
      %dma_wait3A_69 = arith.constant 0 : i32
      %dma_wait3A_70 = arith.constant 0 : i32
      %dma_wait3A_71 = tpu.memref_slice %arg2[%dma_wait3A_69, %dma_wait3A_70] : memref<20480x128xf32, #tpu.memory_space<hbm>> -> memref<20480x128xf32, #tpu.memory_space<hbm>>
      tpu.wait_indirect_dma semaphore(%arg11 : memref<!tpu.dma_semaphore, #tpu.memory_space<semaphore_mem>>) src(%dma_wait3A_71 : memref<20480x128xf32, #tpu.memory_space<hbm>>) dst(%arg8 : memref<128x128xf32, #tpu.memory_space<vmem>>)
      %run_scoped3A_72 = arith.constant 2 : i32
      "tpu.region"() ({
        %run_scoped3A_261 = tpu.sem_alloc : memref<!tpu.dma_semaphore, #tpu.memory_space<semaphore_mem>>
        %dma_start3A_262 = arith.constant 0 : i32
        %dma_start3A_263 = tpu.memref_slice %arg7[%run_scoped3A_72, %dma_start3A_262] : memref<16x128xi32, #tpu.memory_space<vmem>> -> memref<1x128xi32, #tpu.memory_space<vmem>>
        %dma_start3A_264 = tpu.memref_squeeze %dma_start3A_263 : memref<1x128xi32, #tpu.memory_space<vmem>> -> memref<128xi32, #tpu.memory_space<vmem>>
        %dma_start3A_265 = arith.constant 0 : i32
        %dma_start3A_266 = arith.constant 0 : i32
        %dma_start3A_267 = tpu.memref_slice %arg10[%dma_start3A_265, %dma_start3A_266] : memref<10240x128xf32, #tpu.memory_space<vmem_shared>> -> memref<10240x128xf32, #tpu.memory_space<vmem_shared>>
        tpu.enqueue_indirect_dma source(%arg8 : memref<128x128xf32, #tpu.memory_space<vmem>>) target(%dma_start3A_267 : memref<10240x128xf32, #tpu.memory_space<vmem_shared>>) offsets(%dma_start3A_264 : memref<128xi32, #tpu.memory_space<vmem>>) semaphore(%run_scoped3A_261 : memref<!tpu.dma_semaphore, #tpu.memory_space<semaphore_mem>>) {add = true}
        %dma_wait3A_268 = arith.constant 0 : i32
        %dma_wait3A_269 = tpu.memref_slice %arg7[%run_scoped3A_72, %dma_wait3A_268] : memref<16x128xi32, #tpu.memory_space<vmem>> -> memref<1x128xi32, #tpu.memory_space<vmem>>
        %dma_wait3A_270 = tpu.memref_squeeze %dma_wait3A_269 : memref<1x128xi32, #tpu.memory_space<vmem>> -> memref<128xi32, #tpu.memory_space<vmem>>
        %dma_wait3A_271 = arith.constant 0 : i32
        %dma_wait3A_272 = arith.constant 0 : i32
        %dma_wait3A_273 = tpu.memref_slice %arg10[%dma_wait3A_271, %dma_wait3A_272] : memref<10240x128xf32, #tpu.memory_space<vmem_shared>> -> memref<10240x128xf32, #tpu.memory_space<vmem_shared>>
        tpu.wait_indirect_dma semaphore(%run_scoped3A_261 : memref<!tpu.dma_semaphore, #tpu.memory_space<semaphore_mem>>) src(%arg8 : memref<128x128xf32, #tpu.memory_space<vmem>>) dst(%dma_wait3A_273 : memref<10240x128xf32, #tpu.memory_space<vmem_shared>>)
        tpu.yield
      }) : () -> ()
      %dma_start3A_73 = arith.constant 4 : i32
      %dma_start3A_74 = arith.constant 0 : i32
      %dma_start3A_75 = tpu.memref_slice %arg6[%dma_start3A_73, %dma_start3A_74] : memref<16x128xi32, #tpu.memory_space<vmem>> -> memref<1x128xi32, #tpu.memory_space<vmem>>
      %dma_start3A_76 = tpu.memref_squeeze %dma_start3A_75 : memref<1x128xi32, #tpu.memory_space<vmem>> -> memref<128xi32, #tpu.memory_space<vmem>>
      %dma_start3A_77 = arith.constant 0 : i32
      %dma_start3A_78 = arith.constant 0 : i32
      %dma_start3A_79 = tpu.memref_slice %arg2[%dma_start3A_77, %dma_start3A_78] : memref<20480x128xf32, #tpu.memory_space<hbm>> -> memref<20480x128xf32, #tpu.memory_space<hbm>>
      tpu.enqueue_indirect_dma source(%dma_start3A_79 : memref<20480x128xf32, #tpu.memory_space<hbm>>) target(%arg8 : memref<128x128xf32, #tpu.memory_space<vmem>>) offsets(%dma_start3A_76 : memref<128xi32, #tpu.memory_space<vmem>>) semaphore(%arg11 : memref<!tpu.dma_semaphore, #tpu.memory_space<semaphore_mem>>)
      %dma_wait3A_80 = arith.constant 3 : i32
      %dma_wait3A_81 = arith.constant 0 : i32
      %dma_wait3A_82 = tpu.memref_slice %arg6[%dma_wait3A_80, %dma_wait3A_81] : memref<16x128xi32, #tpu.memory_space<vmem>> -> memref<1x128xi32, #tpu.memory_space<vmem>>
      %dma_wait3A_83 = tpu.memref_squeeze %dma_wait3A_82 : memref<1x128xi32, #tpu.memory_space<vmem>> -> memref<128xi32, #tpu.memory_space<vmem>>
      %dma_wait3A_84 = arith.constant 0 : i32
      %dma_wait3A_85 = arith.constant 0 : i32
      %dma_wait3A_86 = tpu.memref_slice %arg2[%dma_wait3A_84, %dma_wait3A_85] : memref<20480x128xf32, #tpu.memory_space<hbm>> -> memref<20480x128xf32, #tpu.memory_space<hbm>>
      tpu.wait_indirect_dma semaphore(%arg12 : memref<!tpu.dma_semaphore, #tpu.memory_space<semaphore_mem>>) src(%dma_wait3A_86 : memref<20480x128xf32, #tpu.memory_space<hbm>>) dst(%arg9 : memref<128x128xf32, #tpu.memory_space<vmem>>)
      %run_scoped3A_87 = arith.constant 3 : i32
      "tpu.region"() ({
        %run_scoped3A_261 = tpu.sem_alloc : memref<!tpu.dma_semaphore, #tpu.memory_space<semaphore_mem>>
        %dma_start3A_262 = arith.constant 0 : i32
        %dma_start3A_263 = tpu.memref_slice %arg7[%run_scoped3A_87, %dma_start3A_262] : memref<16x128xi32, #tpu.memory_space<vmem>> -> memref<1x128xi32, #tpu.memory_space<vmem>>
        %dma_start3A_264 = tpu.memref_squeeze %dma_start3A_263 : memref<1x128xi32, #tpu.memory_space<vmem>> -> memref<128xi32, #tpu.memory_space<vmem>>
        %dma_start3A_265 = arith.constant 0 : i32
        %dma_start3A_266 = arith.constant 0 : i32
        %dma_start3A_267 = tpu.memref_slice %arg10[%dma_start3A_265, %dma_start3A_266] : memref<10240x128xf32, #tpu.memory_space<vmem_shared>> -> memref<10240x128xf32, #tpu.memory_space<vmem_shared>>
        tpu.enqueue_indirect_dma source(%arg9 : memref<128x128xf32, #tpu.memory_space<vmem>>) target(%dma_start3A_267 : memref<10240x128xf32, #tpu.memory_space<vmem_shared>>) offsets(%dma_start3A_264 : memref<128xi32, #tpu.memory_space<vmem>>) semaphore(%run_scoped3A_261 : memref<!tpu.dma_semaphore, #tpu.memory_space<semaphore_mem>>) {add = true}
        %dma_wait3A_268 = arith.constant 0 : i32
        %dma_wait3A_269 = tpu.memref_slice %arg7[%run_scoped3A_87, %dma_wait3A_268] : memref<16x128xi32, #tpu.memory_space<vmem>> -> memref<1x128xi32, #tpu.memory_space<vmem>>
        %dma_wait3A_270 = tpu.memref_squeeze %dma_wait3A_269 : memref<1x128xi32, #tpu.memory_space<vmem>> -> memref<128xi32, #tpu.memory_space<vmem>>
        %dma_wait3A_271 = arith.constant 0 : i32
        %dma_wait3A_272 = arith.constant 0 : i32
        %dma_wait3A_273 = tpu.memref_slice %arg10[%dma_wait3A_271, %dma_wait3A_272] : memref<10240x128xf32, #tpu.memory_space<vmem_shared>> -> memref<10240x128xf32, #tpu.memory_space<vmem_shared>>
        tpu.wait_indirect_dma semaphore(%run_scoped3A_261 : memref<!tpu.dma_semaphore, #tpu.memory_space<semaphore_mem>>) src(%arg9 : memref<128x128xf32, #tpu.memory_space<vmem>>) dst(%dma_wait3A_273 : memref<10240x128xf32, #tpu.memory_space<vmem_shared>>)
        tpu.yield
      }) : () -> ()
      %dma_start3A_88 = arith.constant 5 : i32
      %dma_start3A_89 = arith.constant 0 : i32
      %dma_start3A_90 = tpu.memref_slice %arg6[%dma_start3A_88, %dma_start3A_89] : memref<16x128xi32, #tpu.memory_space<vmem>> -> memref<1x128xi32, #tpu.memory_space<vmem>>
      %dma_start3A_91 = tpu.memref_squeeze %dma_start3A_90 : memref<1x128xi32, #tpu.memory_space<vmem>> -> memref<128xi32, #tpu.memory_space<vmem>>
      %dma_start3A_92 = arith.constant 0 : i32
      %dma_start3A_93 = arith.constant 0 : i32
      %dma_start3A_94 = tpu.memref_slice %arg2[%dma_start3A_92, %dma_start3A_93] : memref<20480x128xf32, #tpu.memory_space<hbm>> -> memref<20480x128xf32, #tpu.memory_space<hbm>>
      tpu.enqueue_indirect_dma source(%dma_start3A_94 : memref<20480x128xf32, #tpu.memory_space<hbm>>) target(%arg9 : memref<128x128xf32, #tpu.memory_space<vmem>>) offsets(%dma_start3A_91 : memref<128xi32, #tpu.memory_space<vmem>>) semaphore(%arg12 : memref<!tpu.dma_semaphore, #tpu.memory_space<semaphore_mem>>)
      %dma_wait3A_95 = arith.constant 4 : i32
      %dma_wait3A_96 = arith.constant 0 : i32
      %dma_wait3A_97 = tpu.memref_slice %arg6[%dma_wait3A_95, %dma_wait3A_96] : memref<16x128xi32, #tpu.memory_space<vmem>> -> memref<1x128xi32, #tpu.memory_space<vmem>>
      %dma_wait3A_98 = tpu.memref_squeeze %dma_wait3A_97 : memref<1x128xi32, #tpu.memory_space<vmem>> -> memref<128xi32, #tpu.memory_space<vmem>>
      %dma_wait3A_99 = arith.constant 0 : i32
      %dma_wait3A_100 = arith.constant 0 : i32
      %dma_wait3A_101 = tpu.memref_slice %arg2[%dma_wait3A_99, %dma_wait3A_100] : memref<20480x128xf32, #tpu.memory_space<hbm>> -> memref<20480x128xf32, #tpu.memory_space<hbm>>
      tpu.wait_indirect_dma semaphore(%arg11 : memref<!tpu.dma_semaphore, #tpu.memory_space<semaphore_mem>>) src(%dma_wait3A_101 : memref<20480x128xf32, #tpu.memory_space<hbm>>) dst(%arg8 : memref<128x128xf32, #tpu.memory_space<vmem>>)
      %run_scoped3A_102 = arith.constant 4 : i32
      "tpu.region"() ({
        %run_scoped3A_261 = tpu.sem_alloc : memref<!tpu.dma_semaphore, #tpu.memory_space<semaphore_mem>>
        %dma_start3A_262 = arith.constant 0 : i32
        %dma_start3A_263 = tpu.memref_slice %arg7[%run_scoped3A_102, %dma_start3A_262] : memref<16x128xi32, #tpu.memory_space<vmem>> -> memref<1x128xi32, #tpu.memory_space<vmem>>
        %dma_start3A_264 = tpu.memref_squeeze %dma_start3A_263 : memref<1x128xi32, #tpu.memory_space<vmem>> -> memref<128xi32, #tpu.memory_space<vmem>>
        %dma_start3A_265 = arith.constant 0 : i32
        %dma_start3A_266 = arith.constant 0 : i32
        %dma_start3A_267 = tpu.memref_slice %arg10[%dma_start3A_265, %dma_start3A_266] : memref<10240x128xf32, #tpu.memory_space<vmem_shared>> -> memref<10240x128xf32, #tpu.memory_space<vmem_shared>>
        tpu.enqueue_indirect_dma source(%arg8 : memref<128x128xf32, #tpu.memory_space<vmem>>) target(%dma_start3A_267 : memref<10240x128xf32, #tpu.memory_space<vmem_shared>>) offsets(%dma_start3A_264 : memref<128xi32, #tpu.memory_space<vmem>>) semaphore(%run_scoped3A_261 : memref<!tpu.dma_semaphore, #tpu.memory_space<semaphore_mem>>) {add = true}
        %dma_wait3A_268 = arith.constant 0 : i32
        %dma_wait3A_269 = tpu.memref_slice %arg7[%run_scoped3A_102, %dma_wait3A_268] : memref<16x128xi32, #tpu.memory_space<vmem>> -> memref<1x128xi32, #tpu.memory_space<vmem>>
        %dma_wait3A_270 = tpu.memref_squeeze %dma_wait3A_269 : memref<1x128xi32, #tpu.memory_space<vmem>> -> memref<128xi32, #tpu.memory_space<vmem>>
        %dma_wait3A_271 = arith.constant 0 : i32
        %dma_wait3A_272 = arith.constant 0 : i32
        %dma_wait3A_273 = tpu.memref_slice %arg10[%dma_wait3A_271, %dma_wait3A_272] : memref<10240x128xf32, #tpu.memory_space<vmem_shared>> -> memref<10240x128xf32, #tpu.memory_space<vmem_shared>>
        tpu.wait_indirect_dma semaphore(%run_scoped3A_261 : memref<!tpu.dma_semaphore, #tpu.memory_space<semaphore_mem>>) src(%arg8 : memref<128x128xf32, #tpu.memory_space<vmem>>) dst(%dma_wait3A_273 : memref<10240x128xf32, #tpu.memory_space<vmem_shared>>)
        tpu.yield
      }) : () -> ()
      %dma_start3A_103 = arith.constant 6 : i32
      %dma_start3A_104 = arith.constant 0 : i32
      %dma_start3A_105 = tpu.memref_slice %arg6[%dma_start3A_103, %dma_start3A_104] : memref<16x128xi32, #tpu.memory_space<vmem>> -> memref<1x128xi32, #tpu.memory_space<vmem>>
      %dma_start3A_106 = tpu.memref_squeeze %dma_start3A_105 : memref<1x128xi32, #tpu.memory_space<vmem>> -> memref<128xi32, #tpu.memory_space<vmem>>
      %dma_start3A_107 = arith.constant 0 : i32
      %dma_start3A_108 = arith.constant 0 : i32
      %dma_start3A_109 = tpu.memref_slice %arg2[%dma_start3A_107, %dma_start3A_108] : memref<20480x128xf32, #tpu.memory_space<hbm>> -> memref<20480x128xf32, #tpu.memory_space<hbm>>
      tpu.enqueue_indirect_dma source(%dma_start3A_109 : memref<20480x128xf32, #tpu.memory_space<hbm>>) target(%arg8 : memref<128x128xf32, #tpu.memory_space<vmem>>) offsets(%dma_start3A_106 : memref<128xi32, #tpu.memory_space<vmem>>) semaphore(%arg11 : memref<!tpu.dma_semaphore, #tpu.memory_space<semaphore_mem>>)
      %dma_wait3A_110 = arith.constant 5 : i32
      %dma_wait3A_111 = arith.constant 0 : i32
      %dma_wait3A_112 = tpu.memref_slice %arg6[%dma_wait3A_110, %dma_wait3A_111] : memref<16x128xi32, #tpu.memory_space<vmem>> -> memref<1x128xi32, #tpu.memory_space<vmem>>
      %dma_wait3A_113 = tpu.memref_squeeze %dma_wait3A_112 : memref<1x128xi32, #tpu.memory_space<vmem>> -> memref<128xi32, #tpu.memory_space<vmem>>
      %dma_wait3A_114 = arith.constant 0 : i32
      %dma_wait3A_115 = arith.constant 0 : i32
      %dma_wait3A_116 = tpu.memref_slice %arg2[%dma_wait3A_114, %dma_wait3A_115] : memref<20480x128xf32, #tpu.memory_space<hbm>> -> memref<20480x128xf32, #tpu.memory_space<hbm>>
      tpu.wait_indirect_dma semaphore(%arg12 : memref<!tpu.dma_semaphore, #tpu.memory_space<semaphore_mem>>) src(%dma_wait3A_116 : memref<20480x128xf32, #tpu.memory_space<hbm>>) dst(%arg9 : memref<128x128xf32, #tpu.memory_space<vmem>>)
      %run_scoped3A_117 = arith.constant 5 : i32
      "tpu.region"() ({
        %run_scoped3A_261 = tpu.sem_alloc : memref<!tpu.dma_semaphore, #tpu.memory_space<semaphore_mem>>
        %dma_start3A_262 = arith.constant 0 : i32
        %dma_start3A_263 = tpu.memref_slice %arg7[%run_scoped3A_117, %dma_start3A_262] : memref<16x128xi32, #tpu.memory_space<vmem>> -> memref<1x128xi32, #tpu.memory_space<vmem>>
        %dma_start3A_264 = tpu.memref_squeeze %dma_start3A_263 : memref<1x128xi32, #tpu.memory_space<vmem>> -> memref<128xi32, #tpu.memory_space<vmem>>
        %dma_start3A_265 = arith.constant 0 : i32
        %dma_start3A_266 = arith.constant 0 : i32
        %dma_start3A_267 = tpu.memref_slice %arg10[%dma_start3A_265, %dma_start3A_266] : memref<10240x128xf32, #tpu.memory_space<vmem_shared>> -> memref<10240x128xf32, #tpu.memory_space<vmem_shared>>
        tpu.enqueue_indirect_dma source(%arg9 : memref<128x128xf32, #tpu.memory_space<vmem>>) target(%dma_start3A_267 : memref<10240x128xf32, #tpu.memory_space<vmem_shared>>) offsets(%dma_start3A_264 : memref<128xi32, #tpu.memory_space<vmem>>) semaphore(%run_scoped3A_261 : memref<!tpu.dma_semaphore, #tpu.memory_space<semaphore_mem>>) {add = true}
        %dma_wait3A_268 = arith.constant 0 : i32
        %dma_wait3A_269 = tpu.memref_slice %arg7[%run_scoped3A_117, %dma_wait3A_268] : memref<16x128xi32, #tpu.memory_space<vmem>> -> memref<1x128xi32, #tpu.memory_space<vmem>>
        %dma_wait3A_270 = tpu.memref_squeeze %dma_wait3A_269 : memref<1x128xi32, #tpu.memory_space<vmem>> -> memref<128xi32, #tpu.memory_space<vmem>>
        %dma_wait3A_271 = arith.constant 0 : i32
        %dma_wait3A_272 = arith.constant 0 : i32
        %dma_wait3A_273 = tpu.memref_slice %arg10[%dma_wait3A_271, %dma_wait3A_272] : memref<10240x128xf32, #tpu.memory_space<vmem_shared>> -> memref<10240x128xf32, #tpu.memory_space<vmem_shared>>
        tpu.wait_indirect_dma semaphore(%run_scoped3A_261 : memref<!tpu.dma_semaphore, #tpu.memory_space<semaphore_mem>>) src(%arg9 : memref<128x128xf32, #tpu.memory_space<vmem>>) dst(%dma_wait3A_273 : memref<10240x128xf32, #tpu.memory_space<vmem_shared>>)
        tpu.yield
      }) : () -> ()
      %dma_start3A_118 = arith.constant 7 : i32
      %dma_start3A_119 = arith.constant 0 : i32
      %dma_start3A_120 = tpu.memref_slice %arg6[%dma_start3A_118, %dma_start3A_119] : memref<16x128xi32, #tpu.memory_space<vmem>> -> memref<1x128xi32, #tpu.memory_space<vmem>>
      %dma_start3A_121 = tpu.memref_squeeze %dma_start3A_120 : memref<1x128xi32, #tpu.memory_space<vmem>> -> memref<128xi32, #tpu.memory_space<vmem>>
      %dma_start3A_122 = arith.constant 0 : i32
      %dma_start3A_123 = arith.constant 0 : i32
      %dma_start3A_124 = tpu.memref_slice %arg2[%dma_start3A_122, %dma_start3A_123] : memref<20480x128xf32, #tpu.memory_space<hbm>> -> memref<20480x128xf32, #tpu.memory_space<hbm>>
      tpu.enqueue_indirect_dma source(%dma_start3A_124 : memref<20480x128xf32, #tpu.memory_space<hbm>>) target(%arg9 : memref<128x128xf32, #tpu.memory_space<vmem>>) offsets(%dma_start3A_121 : memref<128xi32, #tpu.memory_space<vmem>>) semaphore(%arg12 : memref<!tpu.dma_semaphore, #tpu.memory_space<semaphore_mem>>)
      %dma_wait3A_125 = arith.constant 6 : i32
      %dma_wait3A_126 = arith.constant 0 : i32
      %dma_wait3A_127 = tpu.memref_slice %arg6[%dma_wait3A_125, %dma_wait3A_126] : memref<16x128xi32, #tpu.memory_space<vmem>> -> memref<1x128xi32, #tpu.memory_space<vmem>>
      %dma_wait3A_128 = tpu.memref_squeeze %dma_wait3A_127 : memref<1x128xi32, #tpu.memory_space<vmem>> -> memref<128xi32, #tpu.memory_space<vmem>>
      %dma_wait3A_129 = arith.constant 0 : i32
      %dma_wait3A_130 = arith.constant 0 : i32
      %dma_wait3A_131 = tpu.memref_slice %arg2[%dma_wait3A_129, %dma_wait3A_130] : memref<20480x128xf32, #tpu.memory_space<hbm>> -> memref<20480x128xf32, #tpu.memory_space<hbm>>
      tpu.wait_indirect_dma semaphore(%arg11 : memref<!tpu.dma_semaphore, #tpu.memory_space<semaphore_mem>>) src(%dma_wait3A_131 : memref<20480x128xf32, #tpu.memory_space<hbm>>) dst(%arg8 : memref<128x128xf32, #tpu.memory_space<vmem>>)
      %run_scoped3A_132 = arith.constant 6 : i32
      "tpu.region"() ({
        %run_scoped3A_261 = tpu.sem_alloc : memref<!tpu.dma_semaphore, #tpu.memory_space<semaphore_mem>>
        %dma_start3A_262 = arith.constant 0 : i32
        %dma_start3A_263 = tpu.memref_slice %arg7[%run_scoped3A_132, %dma_start3A_262] : memref<16x128xi32, #tpu.memory_space<vmem>> -> memref<1x128xi32, #tpu.memory_space<vmem>>
        %dma_start3A_264 = tpu.memref_squeeze %dma_start3A_263 : memref<1x128xi32, #tpu.memory_space<vmem>> -> memref<128xi32, #tpu.memory_space<vmem>>
        %dma_start3A_265 = arith.constant 0 : i32
        %dma_start3A_266 = arith.constant 0 : i32
        %dma_start3A_267 = tpu.memref_slice %arg10[%dma_start3A_265, %dma_start3A_266] : memref<10240x128xf32, #tpu.memory_space<vmem_shared>> -> memref<10240x128xf32, #tpu.memory_space<vmem_shared>>
        tpu.enqueue_indirect_dma source(%arg8 : memref<128x128xf32, #tpu.memory_space<vmem>>) target(%dma_start3A_267 : memref<10240x128xf32, #tpu.memory_space<vmem_shared>>) offsets(%dma_start3A_264 : memref<128xi32, #tpu.memory_space<vmem>>) semaphore(%run_scoped3A_261 : memref<!tpu.dma_semaphore, #tpu.memory_space<semaphore_mem>>) {add = true}
        %dma_wait3A_268 = arith.constant 0 : i32
        %dma_wait3A_269 = tpu.memref_slice %arg7[%run_scoped3A_132, %dma_wait3A_268] : memref<16x128xi32, #tpu.memory_space<vmem>> -> memref<1x128xi32, #tpu.memory_space<vmem>>
        %dma_wait3A_270 = tpu.memref_squeeze %dma_wait3A_269 : memref<1x128xi32, #tpu.memory_space<vmem>> -> memref<128xi32, #tpu.memory_space<vmem>>
        %dma_wait3A_271 = arith.constant 0 : i32
        %dma_wait3A_272 = arith.constant 0 : i32
        %dma_wait3A_273 = tpu.memref_slice %arg10[%dma_wait3A_271, %dma_wait3A_272] : memref<10240x128xf32, #tpu.memory_space<vmem_shared>> -> memref<10240x128xf32, #tpu.memory_space<vmem_shared>>
        tpu.wait_indirect_dma semaphore(%run_scoped3A_261 : memref<!tpu.dma_semaphore, #tpu.memory_space<semaphore_mem>>) src(%arg8 : memref<128x128xf32, #tpu.memory_space<vmem>>) dst(%dma_wait3A_273 : memref<10240x128xf32, #tpu.memory_space<vmem_shared>>)
        tpu.yield
      }) : () -> ()
      %dma_start3A_133 = arith.constant 8 : i32
      %dma_start3A_134 = arith.constant 0 : i32
      %dma_start3A_135 = tpu.memref_slice %arg6[%dma_start3A_133, %dma_start3A_134] : memref<16x128xi32, #tpu.memory_space<vmem>> -> memref<1x128xi32, #tpu.memory_space<vmem>>
      %dma_start3A_136 = tpu.memref_squeeze %dma_start3A_135 : memref<1x128xi32, #tpu.memory_space<vmem>> -> memref<128xi32, #tpu.memory_space<vmem>>
      %dma_start3A_137 = arith.constant 0 : i32
      %dma_start3A_138 = arith.constant 0 : i32
      %dma_start3A_139 = tpu.memref_slice %arg2[%dma_start3A_137, %dma_start3A_138] : memref<20480x128xf32, #tpu.memory_space<hbm>> -> memref<20480x128xf32, #tpu.memory_space<hbm>>
      tpu.enqueue_indirect_dma source(%dma_start3A_139 : memref<20480x128xf32, #tpu.memory_space<hbm>>) target(%arg8 : memref<128x128xf32, #tpu.memory_space<vmem>>) offsets(%dma_start3A_136 : memref<128xi32, #tpu.memory_space<vmem>>) semaphore(%arg11 : memref<!tpu.dma_semaphore, #tpu.memory_space<semaphore_mem>>)
      %dma_wait3A_140 = arith.constant 7 : i32
      %dma_wait3A_141 = arith.constant 0 : i32
      %dma_wait3A_142 = tpu.memref_slice %arg6[%dma_wait3A_140, %dma_wait3A_141] : memref<16x128xi32, #tpu.memory_space<vmem>> -> memref<1x128xi32, #tpu.memory_space<vmem>>
      %dma_wait3A_143 = tpu.memref_squeeze %dma_wait3A_142 : memref<1x128xi32, #tpu.memory_space<vmem>> -> memref<128xi32, #tpu.memory_space<vmem>>
      %dma_wait3A_144 = arith.constant 0 : i32
      %dma_wait3A_145 = arith.constant 0 : i32
      %dma_wait3A_146 = tpu.memref_slice %arg2[%dma_wait3A_144, %dma_wait3A_145] : memref<20480x128xf32, #tpu.memory_space<hbm>> -> memref<20480x128xf32, #tpu.memory_space<hbm>>
      tpu.wait_indirect_dma semaphore(%arg12 : memref<!tpu.dma_semaphore, #tpu.memory_space<semaphore_mem>>) src(%dma_wait3A_146 : memref<20480x128xf32, #tpu.memory_space<hbm>>) dst(%arg9 : memref<128x128xf32, #tpu.memory_space<vmem>>)
      %run_scoped3A_147 = arith.constant 7 : i32
      "tpu.region"() ({
        %run_scoped3A_261 = tpu.sem_alloc : memref<!tpu.dma_semaphore, #tpu.memory_space<semaphore_mem>>
        %dma_start3A_262 = arith.constant 0 : i32
        %dma_start3A_263 = tpu.memref_slice %arg7[%run_scoped3A_147, %dma_start3A_262] : memref<16x128xi32, #tpu.memory_space<vmem>> -> memref<1x128xi32, #tpu.memory_space<vmem>>
        %dma_start3A_264 = tpu.memref_squeeze %dma_start3A_263 : memref<1x128xi32, #tpu.memory_space<vmem>> -> memref<128xi32, #tpu.memory_space<vmem>>
        %dma_start3A_265 = arith.constant 0 : i32
        %dma_start3A_266 = arith.constant 0 : i32
        %dma_start3A_267 = tpu.memref_slice %arg10[%dma_start3A_265, %dma_start3A_266] : memref<10240x128xf32, #tpu.memory_space<vmem_shared>> -> memref<10240x128xf32, #tpu.memory_space<vmem_shared>>
        tpu.enqueue_indirect_dma source(%arg9 : memref<128x128xf32, #tpu.memory_space<vmem>>) target(%dma_start3A_267 : memref<10240x128xf32, #tpu.memory_space<vmem_shared>>) offsets(%dma_start3A_264 : memref<128xi32, #tpu.memory_space<vmem>>) semaphore(%run_scoped3A_261 : memref<!tpu.dma_semaphore, #tpu.memory_space<semaphore_mem>>) {add = true}
        %dma_wait3A_268 = arith.constant 0 : i32
        %dma_wait3A_269 = tpu.memref_slice %arg7[%run_scoped3A_147, %dma_wait3A_268] : memref<16x128xi32, #tpu.memory_space<vmem>> -> memref<1x128xi32, #tpu.memory_space<vmem>>
        %dma_wait3A_270 = tpu.memref_squeeze %dma_wait3A_269 : memref<1x128xi32, #tpu.memory_space<vmem>> -> memref<128xi32, #tpu.memory_space<vmem>>
        %dma_wait3A_271 = arith.constant 0 : i32
        %dma_wait3A_272 = arith.constant 0 : i32
        %dma_wait3A_273 = tpu.memref_slice %arg10[%dma_wait3A_271, %dma_wait3A_272] : memref<10240x128xf32, #tpu.memory_space<vmem_shared>> -> memref<10240x128xf32, #tpu.memory_space<vmem_shared>>
        tpu.wait_indirect_dma semaphore(%run_scoped3A_261 : memref<!tpu.dma_semaphore, #tpu.memory_space<semaphore_mem>>) src(%arg9 : memref<128x128xf32, #tpu.memory_space<vmem>>) dst(%dma_wait3A_273 : memref<10240x128xf32, #tpu.memory_space<vmem_shared>>)
        tpu.yield
      }) : () -> ()
      %dma_start3A_148 = arith.constant 9 : i32
      %dma_start3A_149 = arith.constant 0 : i32
      %dma_start3A_150 = tpu.memref_slice %arg6[%dma_start3A_148, %dma_start3A_149] : memref<16x128xi32, #tpu.memory_space<vmem>> -> memref<1x128xi32, #tpu.memory_space<vmem>>
      %dma_start3A_151 = tpu.memref_squeeze %dma_start3A_150 : memref<1x128xi32, #tpu.memory_space<vmem>> -> memref<128xi32, #tpu.memory_space<vmem>>
      %dma_start3A_152 = arith.constant 0 : i32
      %dma_start3A_153 = arith.constant 0 : i32
      %dma_start3A_154 = tpu.memref_slice %arg2[%dma_start3A_152, %dma_start3A_153] : memref<20480x128xf32, #tpu.memory_space<hbm>> -> memref<20480x128xf32, #tpu.memory_space<hbm>>
      tpu.enqueue_indirect_dma source(%dma_start3A_154 : memref<20480x128xf32, #tpu.memory_space<hbm>>) target(%arg9 : memref<128x128xf32, #tpu.memory_space<vmem>>) offsets(%dma_start3A_151 : memref<128xi32, #tpu.memory_space<vmem>>) semaphore(%arg12 : memref<!tpu.dma_semaphore, #tpu.memory_space<semaphore_mem>>)
      %dma_wait3A_155 = arith.constant 8 : i32
      %dma_wait3A_156 = arith.constant 0 : i32
      %dma_wait3A_157 = tpu.memref_slice %arg6[%dma_wait3A_155, %dma_wait3A_156] : memref<16x128xi32, #tpu.memory_space<vmem>> -> memref<1x128xi32, #tpu.memory_space<vmem>>
      %dma_wait3A_158 = tpu.memref_squeeze %dma_wait3A_157 : memref<1x128xi32, #tpu.memory_space<vmem>> -> memref<128xi32, #tpu.memory_space<vmem>>
      %dma_wait3A_159 = arith.constant 0 : i32
      %dma_wait3A_160 = arith.constant 0 : i32
      %dma_wait3A_161 = tpu.memref_slice %arg2[%dma_wait3A_159, %dma_wait3A_160] : memref<20480x128xf32, #tpu.memory_space<hbm>> -> memref<20480x128xf32, #tpu.memory_space<hbm>>
      tpu.wait_indirect_dma semaphore(%arg11 : memref<!tpu.dma_semaphore, #tpu.memory_space<semaphore_mem>>) src(%dma_wait3A_161 : memref<20480x128xf32, #tpu.memory_space<hbm>>) dst(%arg8 : memref<128x128xf32, #tpu.memory_space<vmem>>)
      %run_scoped3A_162 = arith.constant 8 : i32
      "tpu.region"() ({
        %run_scoped3A_261 = tpu.sem_alloc : memref<!tpu.dma_semaphore, #tpu.memory_space<semaphore_mem>>
        %dma_start3A_262 = arith.constant 0 : i32
        %dma_start3A_263 = tpu.memref_slice %arg7[%run_scoped3A_162, %dma_start3A_262] : memref<16x128xi32, #tpu.memory_space<vmem>> -> memref<1x128xi32, #tpu.memory_space<vmem>>
        %dma_start3A_264 = tpu.memref_squeeze %dma_start3A_263 : memref<1x128xi32, #tpu.memory_space<vmem>> -> memref<128xi32, #tpu.memory_space<vmem>>
        %dma_start3A_265 = arith.constant 0 : i32
        %dma_start3A_266 = arith.constant 0 : i32
        %dma_start3A_267 = tpu.memref_slice %arg10[%dma_start3A_265, %dma_start3A_266] : memref<10240x128xf32, #tpu.memory_space<vmem_shared>> -> memref<10240x128xf32, #tpu.memory_space<vmem_shared>>
        tpu.enqueue_indirect_dma source(%arg8 : memref<128x128xf32, #tpu.memory_space<vmem>>) target(%dma_start3A_267 : memref<10240x128xf32, #tpu.memory_space<vmem_shared>>) offsets(%dma_start3A_264 : memref<128xi32, #tpu.memory_space<vmem>>) semaphore(%run_scoped3A_261 : memref<!tpu.dma_semaphore, #tpu.memory_space<semaphore_mem>>) {add = true}
        %dma_wait3A_268 = arith.constant 0 : i32
        %dma_wait3A_269 = tpu.memref_slice %arg7[%run_scoped3A_162, %dma_wait3A_268] : memref<16x128xi32, #tpu.memory_space<vmem>> -> memref<1x128xi32, #tpu.memory_space<vmem>>
        %dma_wait3A_270 = tpu.memref_squeeze %dma_wait3A_269 : memref<1x128xi32, #tpu.memory_space<vmem>> -> memref<128xi32, #tpu.memory_space<vmem>>
        %dma_wait3A_271 = arith.constant 0 : i32
        %dma_wait3A_272 = arith.constant 0 : i32
        %dma_wait3A_273 = tpu.memref_slice %arg10[%dma_wait3A_271, %dma_wait3A_272] : memref<10240x128xf32, #tpu.memory_space<vmem_shared>> -> memref<10240x128xf32, #tpu.memory_space<vmem_shared>>
        tpu.wait_indirect_dma semaphore(%run_scoped3A_261 : memref<!tpu.dma_semaphore, #tpu.memory_space<semaphore_mem>>) src(%arg8 : memref<128x128xf32, #tpu.memory_space<vmem>>) dst(%dma_wait3A_273 : memref<10240x128xf32, #tpu.memory_space<vmem_shared>>)
        tpu.yield
      }) : () -> ()
      %dma_start3A_163 = arith.constant 10 : i32
      %dma_start3A_164 = arith.constant 0 : i32
      %dma_start3A_165 = tpu.memref_slice %arg6[%dma_start3A_163, %dma_start3A_164] : memref<16x128xi32, #tpu.memory_space<vmem>> -> memref<1x128xi32, #tpu.memory_space<vmem>>
      %dma_start3A_166 = tpu.memref_squeeze %dma_start3A_165 : memref<1x128xi32, #tpu.memory_space<vmem>> -> memref<128xi32, #tpu.memory_space<vmem>>
      %dma_start3A_167 = arith.constant 0 : i32
      %dma_start3A_168 = arith.constant 0 : i32
      %dma_start3A_169 = tpu.memref_slice %arg2[%dma_start3A_167, %dma_start3A_168] : memref<20480x128xf32, #tpu.memory_space<hbm>> -> memref<20480x128xf32, #tpu.memory_space<hbm>>
      tpu.enqueue_indirect_dma source(%dma_start3A_169 : memref<20480x128xf32, #tpu.memory_space<hbm>>) target(%arg8 : memref<128x128xf32, #tpu.memory_space<vmem>>) offsets(%dma_start3A_166 : memref<128xi32, #tpu.memory_space<vmem>>) semaphore(%arg11 : memref<!tpu.dma_semaphore, #tpu.memory_space<semaphore_mem>>)
      %dma_wait3A_170 = arith.constant 9 : i32
      %dma_wait3A_171 = arith.constant 0 : i32
      %dma_wait3A_172 = tpu.memref_slice %arg6[%dma_wait3A_170, %dma_wait3A_171] : memref<16x128xi32, #tpu.memory_space<vmem>> -> memref<1x128xi32, #tpu.memory_space<vmem>>
      %dma_wait3A_173 = tpu.memref_squeeze %dma_wait3A_172 : memref<1x128xi32, #tpu.memory_space<vmem>> -> memref<128xi32, #tpu.memory_space<vmem>>
      %dma_wait3A_174 = arith.constant 0 : i32
      %dma_wait3A_175 = arith.constant 0 : i32
      %dma_wait3A_176 = tpu.memref_slice %arg2[%dma_wait3A_174, %dma_wait3A_175] : memref<20480x128xf32, #tpu.memory_space<hbm>> -> memref<20480x128xf32, #tpu.memory_space<hbm>>
      tpu.wait_indirect_dma semaphore(%arg12 : memref<!tpu.dma_semaphore, #tpu.memory_space<semaphore_mem>>) src(%dma_wait3A_176 : memref<20480x128xf32, #tpu.memory_space<hbm>>) dst(%arg9 : memref<128x128xf32, #tpu.memory_space<vmem>>)
      %run_scoped3A_177 = arith.constant 9 : i32
      "tpu.region"() ({
        %run_scoped3A_261 = tpu.sem_alloc : memref<!tpu.dma_semaphore, #tpu.memory_space<semaphore_mem>>
        %dma_start3A_262 = arith.constant 0 : i32
        %dma_start3A_263 = tpu.memref_slice %arg7[%run_scoped3A_177, %dma_start3A_262] : memref<16x128xi32, #tpu.memory_space<vmem>> -> memref<1x128xi32, #tpu.memory_space<vmem>>
        %dma_start3A_264 = tpu.memref_squeeze %dma_start3A_263 : memref<1x128xi32, #tpu.memory_space<vmem>> -> memref<128xi32, #tpu.memory_space<vmem>>
        %dma_start3A_265 = arith.constant 0 : i32
        %dma_start3A_266 = arith.constant 0 : i32
        %dma_start3A_267 = tpu.memref_slice %arg10[%dma_start3A_265, %dma_start3A_266] : memref<10240x128xf32, #tpu.memory_space<vmem_shared>> -> memref<10240x128xf32, #tpu.memory_space<vmem_shared>>
        tpu.enqueue_indirect_dma source(%arg9 : memref<128x128xf32, #tpu.memory_space<vmem>>) target(%dma_start3A_267 : memref<10240x128xf32, #tpu.memory_space<vmem_shared>>) offsets(%dma_start3A_264 : memref<128xi32, #tpu.memory_space<vmem>>) semaphore(%run_scoped3A_261 : memref<!tpu.dma_semaphore, #tpu.memory_space<semaphore_mem>>) {add = true}
        %dma_wait3A_268 = arith.constant 0 : i32
        %dma_wait3A_269 = tpu.memref_slice %arg7[%run_scoped3A_177, %dma_wait3A_268] : memref<16x128xi32, #tpu.memory_space<vmem>> -> memref<1x128xi32, #tpu.memory_space<vmem>>
        %dma_wait3A_270 = tpu.memref_squeeze %dma_wait3A_269 : memref<1x128xi32, #tpu.memory_space<vmem>> -> memref<128xi32, #tpu.memory_space<vmem>>
        %dma_wait3A_271 = arith.constant 0 : i32
        %dma_wait3A_272 = arith.constant 0 : i32
        %dma_wait3A_273 = tpu.memref_slice %arg10[%dma_wait3A_271, %dma_wait3A_272] : memref<10240x128xf32, #tpu.memory_space<vmem_shared>> -> memref<10240x128xf32, #tpu.memory_space<vmem_shared>>
        tpu.wait_indirect_dma semaphore(%run_scoped3A_261 : memref<!tpu.dma_semaphore, #tpu.memory_space<semaphore_mem>>) src(%arg9 : memref<128x128xf32, #tpu.memory_space<vmem>>) dst(%dma_wait3A_273 : memref<10240x128xf32, #tpu.memory_space<vmem_shared>>)
        tpu.yield
      }) : () -> ()
      %dma_start3A_178 = arith.constant 11 : i32
      %dma_start3A_179 = arith.constant 0 : i32
      %dma_start3A_180 = tpu.memref_slice %arg6[%dma_start3A_178, %dma_start3A_179] : memref<16x128xi32, #tpu.memory_space<vmem>> -> memref<1x128xi32, #tpu.memory_space<vmem>>
      %dma_start3A_181 = tpu.memref_squeeze %dma_start3A_180 : memref<1x128xi32, #tpu.memory_space<vmem>> -> memref<128xi32, #tpu.memory_space<vmem>>
      %dma_start3A_182 = arith.constant 0 : i32
      %dma_start3A_183 = arith.constant 0 : i32
      %dma_start3A_184 = tpu.memref_slice %arg2[%dma_start3A_182, %dma_start3A_183] : memref<20480x128xf32, #tpu.memory_space<hbm>> -> memref<20480x128xf32, #tpu.memory_space<hbm>>
      tpu.enqueue_indirect_dma source(%dma_start3A_184 : memref<20480x128xf32, #tpu.memory_space<hbm>>) target(%arg9 : memref<128x128xf32, #tpu.memory_space<vmem>>) offsets(%dma_start3A_181 : memref<128xi32, #tpu.memory_space<vmem>>) semaphore(%arg12 : memref<!tpu.dma_semaphore, #tpu.memory_space<semaphore_mem>>)
      %dma_wait3A_185 = arith.constant 10 : i32
      %dma_wait3A_186 = arith.constant 0 : i32
      %dma_wait3A_187 = tpu.memref_slice %arg6[%dma_wait3A_185, %dma_wait3A_186] : memref<16x128xi32, #tpu.memory_space<vmem>> -> memref<1x128xi32, #tpu.memory_space<vmem>>
      %dma_wait3A_188 = tpu.memref_squeeze %dma_wait3A_187 : memref<1x128xi32, #tpu.memory_space<vmem>> -> memref<128xi32, #tpu.memory_space<vmem>>
      %dma_wait3A_189 = arith.constant 0 : i32
      %dma_wait3A_190 = arith.constant 0 : i32
      %dma_wait3A_191 = tpu.memref_slice %arg2[%dma_wait3A_189, %dma_wait3A_190] : memref<20480x128xf32, #tpu.memory_space<hbm>> -> memref<20480x128xf32, #tpu.memory_space<hbm>>
      tpu.wait_indirect_dma semaphore(%arg11 : memref<!tpu.dma_semaphore, #tpu.memory_space<semaphore_mem>>) src(%dma_wait3A_191 : memref<20480x128xf32, #tpu.memory_space<hbm>>) dst(%arg8 : memref<128x128xf32, #tpu.memory_space<vmem>>)
      %run_scoped3A_192 = arith.constant 10 : i32
      "tpu.region"() ({
        %run_scoped3A_261 = tpu.sem_alloc : memref<!tpu.dma_semaphore, #tpu.memory_space<semaphore_mem>>
        %dma_start3A_262 = arith.constant 0 : i32
        %dma_start3A_263 = tpu.memref_slice %arg7[%run_scoped3A_192, %dma_start3A_262] : memref<16x128xi32, #tpu.memory_space<vmem>> -> memref<1x128xi32, #tpu.memory_space<vmem>>
        %dma_start3A_264 = tpu.memref_squeeze %dma_start3A_263 : memref<1x128xi32, #tpu.memory_space<vmem>> -> memref<128xi32, #tpu.memory_space<vmem>>
        %dma_start3A_265 = arith.constant 0 : i32
        %dma_start3A_266 = arith.constant 0 : i32
        %dma_start3A_267 = tpu.memref_slice %arg10[%dma_start3A_265, %dma_start3A_266] : memref<10240x128xf32, #tpu.memory_space<vmem_shared>> -> memref<10240x128xf32, #tpu.memory_space<vmem_shared>>
        tpu.enqueue_indirect_dma source(%arg8 : memref<128x128xf32, #tpu.memory_space<vmem>>) target(%dma_start3A_267 : memref<10240x128xf32, #tpu.memory_space<vmem_shared>>) offsets(%dma_start3A_264 : memref<128xi32, #tpu.memory_space<vmem>>) semaphore(%run_scoped3A_261 : memref<!tpu.dma_semaphore, #tpu.memory_space<semaphore_mem>>) {add = true}
        %dma_wait3A_268 = arith.constant 0 : i32
        %dma_wait3A_269 = tpu.memref_slice %arg7[%run_scoped3A_192, %dma_wait3A_268] : memref<16x128xi32, #tpu.memory_space<vmem>> -> memref<1x128xi32, #tpu.memory_space<vmem>>
        %dma_wait3A_270 = tpu.memref_squeeze %dma_wait3A_269 : memref<1x128xi32, #tpu.memory_space<vmem>> -> memref<128xi32, #tpu.memory_space<vmem>>
        %dma_wait3A_271 = arith.constant 0 : i32
        %dma_wait3A_272 = arith.constant 0 : i32
        %dma_wait3A_273 = tpu.memref_slice %arg10[%dma_wait3A_271, %dma_wait3A_272] : memref<10240x128xf32, #tpu.memory_space<vmem_shared>> -> memref<10240x128xf32, #tpu.memory_space<vmem_shared>>
        tpu.wait_indirect_dma semaphore(%run_scoped3A_261 : memref<!tpu.dma_semaphore, #tpu.memory_space<semaphore_mem>>) src(%arg8 : memref<128x128xf32, #tpu.memory_space<vmem>>) dst(%dma_wait3A_273 : memref<10240x128xf32, #tpu.memory_space<vmem_shared>>)
        tpu.yield
      }) : () -> ()
      %dma_start3A_193 = arith.constant 12 : i32
      %dma_start3A_194 = arith.constant 0 : i32
      %dma_start3A_195 = tpu.memref_slice %arg6[%dma_start3A_193, %dma_start3A_194] : memref<16x128xi32, #tpu.memory_space<vmem>> -> memref<1x128xi32, #tpu.memory_space<vmem>>
      %dma_start3A_196 = tpu.memref_squeeze %dma_start3A_195 : memref<1x128xi32, #tpu.memory_space<vmem>> -> memref<128xi32, #tpu.memory_space<vmem>>
      %dma_start3A_197 = arith.constant 0 : i32
      %dma_start3A_198 = arith.constant 0 : i32
      %dma_start3A_199 = tpu.memref_slice %arg2[%dma_start3A_197, %dma_start3A_198] : memref<20480x128xf32, #tpu.memory_space<hbm>> -> memref<20480x128xf32, #tpu.memory_space<hbm>>
      tpu.enqueue_indirect_dma source(%dma_start3A_199 : memref<20480x128xf32, #tpu.memory_space<hbm>>) target(%arg8 : memref<128x128xf32, #tpu.memory_space<vmem>>) offsets(%dma_start3A_196 : memref<128xi32, #tpu.memory_space<vmem>>) semaphore(%arg11 : memref<!tpu.dma_semaphore, #tpu.memory_space<semaphore_mem>>)
      %dma_wait3A_200 = arith.constant 11 : i32
      %dma_wait3A_201 = arith.constant 0 : i32
      %dma_wait3A_202 = tpu.memref_slice %arg6[%dma_wait3A_200, %dma_wait3A_201] : memref<16x128xi32, #tpu.memory_space<vmem>> -> memref<1x128xi32, #tpu.memory_space<vmem>>
      %dma_wait3A_203 = tpu.memref_squeeze %dma_wait3A_202 : memref<1x128xi32, #tpu.memory_space<vmem>> -> memref<128xi32, #tpu.memory_space<vmem>>
      %dma_wait3A_204 = arith.constant 0 : i32
      %dma_wait3A_205 = arith.constant 0 : i32
      %dma_wait3A_206 = tpu.memref_slice %arg2[%dma_wait3A_204, %dma_wait3A_205] : memref<20480x128xf32, #tpu.memory_space<hbm>> -> memref<20480x128xf32, #tpu.memory_space<hbm>>
      tpu.wait_indirect_dma semaphore(%arg12 : memref<!tpu.dma_semaphore, #tpu.memory_space<semaphore_mem>>) src(%dma_wait3A_206 : memref<20480x128xf32, #tpu.memory_space<hbm>>) dst(%arg9 : memref<128x128xf32, #tpu.memory_space<vmem>>)
      %run_scoped3A_207 = arith.constant 11 : i32
      "tpu.region"() ({
        %run_scoped3A_261 = tpu.sem_alloc : memref<!tpu.dma_semaphore, #tpu.memory_space<semaphore_mem>>
        %dma_start3A_262 = arith.constant 0 : i32
        %dma_start3A_263 = tpu.memref_slice %arg7[%run_scoped3A_207, %dma_start3A_262] : memref<16x128xi32, #tpu.memory_space<vmem>> -> memref<1x128xi32, #tpu.memory_space<vmem>>
        %dma_start3A_264 = tpu.memref_squeeze %dma_start3A_263 : memref<1x128xi32, #tpu.memory_space<vmem>> -> memref<128xi32, #tpu.memory_space<vmem>>
        %dma_start3A_265 = arith.constant 0 : i32
        %dma_start3A_266 = arith.constant 0 : i32
        %dma_start3A_267 = tpu.memref_slice %arg10[%dma_start3A_265, %dma_start3A_266] : memref<10240x128xf32, #tpu.memory_space<vmem_shared>> -> memref<10240x128xf32, #tpu.memory_space<vmem_shared>>
        tpu.enqueue_indirect_dma source(%arg9 : memref<128x128xf32, #tpu.memory_space<vmem>>) target(%dma_start3A_267 : memref<10240x128xf32, #tpu.memory_space<vmem_shared>>) offsets(%dma_start3A_264 : memref<128xi32, #tpu.memory_space<vmem>>) semaphore(%run_scoped3A_261 : memref<!tpu.dma_semaphore, #tpu.memory_space<semaphore_mem>>) {add = true}
        %dma_wait3A_268 = arith.constant 0 : i32
        %dma_wait3A_269 = tpu.memref_slice %arg7[%run_scoped3A_207, %dma_wait3A_268] : memref<16x128xi32, #tpu.memory_space<vmem>> -> memref<1x128xi32, #tpu.memory_space<vmem>>
        %dma_wait3A_270 = tpu.memref_squeeze %dma_wait3A_269 : memref<1x128xi32, #tpu.memory_space<vmem>> -> memref<128xi32, #tpu.memory_space<vmem>>
        %dma_wait3A_271 = arith.constant 0 : i32
        %dma_wait3A_272 = arith.constant 0 : i32
        %dma_wait3A_273 = tpu.memref_slice %arg10[%dma_wait3A_271, %dma_wait3A_272] : memref<10240x128xf32, #tpu.memory_space<vmem_shared>> -> memref<10240x128xf32, #tpu.memory_space<vmem_shared>>
        tpu.wait_indirect_dma semaphore(%run_scoped3A_261 : memref<!tpu.dma_semaphore, #tpu.memory_space<semaphore_mem>>) src(%arg9 : memref<128x128xf32, #tpu.memory_space<vmem>>) dst(%dma_wait3A_273 : memref<10240x128xf32, #tpu.memory_space<vmem_shared>>)
        tpu.yield
      }) : () -> ()
      %dma_start3A_208 = arith.constant 13 : i32
      %dma_start3A_209 = arith.constant 0 : i32
      %dma_start3A_210 = tpu.memref_slice %arg6[%dma_start3A_208, %dma_start3A_209] : memref<16x128xi32, #tpu.memory_space<vmem>> -> memref<1x128xi32, #tpu.memory_space<vmem>>
      %dma_start3A_211 = tpu.memref_squeeze %dma_start3A_210 : memref<1x128xi32, #tpu.memory_space<vmem>> -> memref<128xi32, #tpu.memory_space<vmem>>
      %dma_start3A_212 = arith.constant 0 : i32
      %dma_start3A_213 = arith.constant 0 : i32
      %dma_start3A_214 = tpu.memref_slice %arg2[%dma_start3A_212, %dma_start3A_213] : memref<20480x128xf32, #tpu.memory_space<hbm>> -> memref<20480x128xf32, #tpu.memory_space<hbm>>
      tpu.enqueue_indirect_dma source(%dma_start3A_214 : memref<20480x128xf32, #tpu.memory_space<hbm>>) target(%arg9 : memref<128x128xf32, #tpu.memory_space<vmem>>) offsets(%dma_start3A_211 : memref<128xi32, #tpu.memory_space<vmem>>) semaphore(%arg12 : memref<!tpu.dma_semaphore, #tpu.memory_space<semaphore_mem>>)
      %dma_wait3A_215 = arith.constant 12 : i32
      %dma_wait3A_216 = arith.constant 0 : i32
      %dma_wait3A_217 = tpu.memref_slice %arg6[%dma_wait3A_215, %dma_wait3A_216] : memref<16x128xi32, #tpu.memory_space<vmem>> -> memref<1x128xi32, #tpu.memory_space<vmem>>
      %dma_wait3A_218 = tpu.memref_squeeze %dma_wait3A_217 : memref<1x128xi32, #tpu.memory_space<vmem>> -> memref<128xi32, #tpu.memory_space<vmem>>
      %dma_wait3A_219 = arith.constant 0 : i32
      %dma_wait3A_220 = arith.constant 0 : i32
      %dma_wait3A_221 = tpu.memref_slice %arg2[%dma_wait3A_219, %dma_wait3A_220] : memref<20480x128xf32, #tpu.memory_space<hbm>> -> memref<20480x128xf32, #tpu.memory_space<hbm>>
      tpu.wait_indirect_dma semaphore(%arg11 : memref<!tpu.dma_semaphore, #tpu.memory_space<semaphore_mem>>) src(%dma_wait3A_221 : memref<20480x128xf32, #tpu.memory_space<hbm>>) dst(%arg8 : memref<128x128xf32, #tpu.memory_space<vmem>>)
      %run_scoped3A_222 = arith.constant 12 : i32
      "tpu.region"() ({
        %run_scoped3A_261 = tpu.sem_alloc : memref<!tpu.dma_semaphore, #tpu.memory_space<semaphore_mem>>
        %dma_start3A_262 = arith.constant 0 : i32
        %dma_start3A_263 = tpu.memref_slice %arg7[%run_scoped3A_222, %dma_start3A_262] : memref<16x128xi32, #tpu.memory_space<vmem>> -> memref<1x128xi32, #tpu.memory_space<vmem>>
        %dma_start3A_264 = tpu.memref_squeeze %dma_start3A_263 : memref<1x128xi32, #tpu.memory_space<vmem>> -> memref<128xi32, #tpu.memory_space<vmem>>
        %dma_start3A_265 = arith.constant 0 : i32
        %dma_start3A_266 = arith.constant 0 : i32
        %dma_start3A_267 = tpu.memref_slice %arg10[%dma_start3A_265, %dma_start3A_266] : memref<10240x128xf32, #tpu.memory_space<vmem_shared>> -> memref<10240x128xf32, #tpu.memory_space<vmem_shared>>
        tpu.enqueue_indirect_dma source(%arg8 : memref<128x128xf32, #tpu.memory_space<vmem>>) target(%dma_start3A_267 : memref<10240x128xf32, #tpu.memory_space<vmem_shared>>) offsets(%dma_start3A_264 : memref<128xi32, #tpu.memory_space<vmem>>) semaphore(%run_scoped3A_261 : memref<!tpu.dma_semaphore, #tpu.memory_space<semaphore_mem>>) {add = true}
        %dma_wait3A_268 = arith.constant 0 : i32
        %dma_wait3A_269 = tpu.memref_slice %arg7[%run_scoped3A_222, %dma_wait3A_268] : memref<16x128xi32, #tpu.memory_space<vmem>> -> memref<1x128xi32, #tpu.memory_space<vmem>>
        %dma_wait3A_270 = tpu.memref_squeeze %dma_wait3A_269 : memref<1x128xi32, #tpu.memory_space<vmem>> -> memref<128xi32, #tpu.memory_space<vmem>>
        %dma_wait3A_271 = arith.constant 0 : i32
        %dma_wait3A_272 = arith.constant 0 : i32
        %dma_wait3A_273 = tpu.memref_slice %arg10[%dma_wait3A_271, %dma_wait3A_272] : memref<10240x128xf32, #tpu.memory_space<vmem_shared>> -> memref<10240x128xf32, #tpu.memory_space<vmem_shared>>
        tpu.wait_indirect_dma semaphore(%run_scoped3A_261 : memref<!tpu.dma_semaphore, #tpu.memory_space<semaphore_mem>>) src(%arg8 : memref<128x128xf32, #tpu.memory_space<vmem>>) dst(%dma_wait3A_273 : memref<10240x128xf32, #tpu.memory_space<vmem_shared>>)
        tpu.yield
      }) : () -> ()
      %dma_start3A_223 = arith.constant 14 : i32
      %dma_start3A_224 = arith.constant 0 : i32
      %dma_start3A_225 = tpu.memref_slice %arg6[%dma_start3A_223, %dma_start3A_224] : memref<16x128xi32, #tpu.memory_space<vmem>> -> memref<1x128xi32, #tpu.memory_space<vmem>>
      %dma_start3A_226 = tpu.memref_squeeze %dma_start3A_225 : memref<1x128xi32, #tpu.memory_space<vmem>> -> memref<128xi32, #tpu.memory_space<vmem>>
      %dma_start3A_227 = arith.constant 0 : i32
      %dma_start3A_228 = arith.constant 0 : i32
      %dma_start3A_229 = tpu.memref_slice %arg2[%dma_start3A_227, %dma_start3A_228] : memref<20480x128xf32, #tpu.memory_space<hbm>> -> memref<20480x128xf32, #tpu.memory_space<hbm>>
      tpu.enqueue_indirect_dma source(%dma_start3A_229 : memref<20480x128xf32, #tpu.memory_space<hbm>>) target(%arg8 : memref<128x128xf32, #tpu.memory_space<vmem>>) offsets(%dma_start3A_226 : memref<128xi32, #tpu.memory_space<vmem>>) semaphore(%arg11 : memref<!tpu.dma_semaphore, #tpu.memory_space<semaphore_mem>>)
      %dma_wait3A_230 = arith.constant 13 : i32
      %dma_wait3A_231 = arith.constant 0 : i32
      %dma_wait3A_232 = tpu.memref_slice %arg6[%dma_wait3A_230, %dma_wait3A_231] : memref<16x128xi32, #tpu.memory_space<vmem>> -> memref<1x128xi32, #tpu.memory_space<vmem>>
      %dma_wait3A_233 = tpu.memref_squeeze %dma_wait3A_232 : memref<1x128xi32, #tpu.memory_space<vmem>> -> memref<128xi32, #tpu.memory_space<vmem>>
      %dma_wait3A_234 = arith.constant 0 : i32
      %dma_wait3A_235 = arith.constant 0 : i32
      %dma_wait3A_236 = tpu.memref_slice %arg2[%dma_wait3A_234, %dma_wait3A_235] : memref<20480x128xf32, #tpu.memory_space<hbm>> -> memref<20480x128xf32, #tpu.memory_space<hbm>>
      tpu.wait_indirect_dma semaphore(%arg12 : memref<!tpu.dma_semaphore, #tpu.memory_space<semaphore_mem>>) src(%dma_wait3A_236 : memref<20480x128xf32, #tpu.memory_space<hbm>>) dst(%arg9 : memref<128x128xf32, #tpu.memory_space<vmem>>)
      %run_scoped3A_237 = arith.constant 13 : i32
      "tpu.region"() ({
        %run_scoped3A_261 = tpu.sem_alloc : memref<!tpu.dma_semaphore, #tpu.memory_space<semaphore_mem>>
        %dma_start3A_262 = arith.constant 0 : i32
        %dma_start3A_263 = tpu.memref_slice %arg7[%run_scoped3A_237, %dma_start3A_262] : memref<16x128xi32, #tpu.memory_space<vmem>> -> memref<1x128xi32, #tpu.memory_space<vmem>>
        %dma_start3A_264 = tpu.memref_squeeze %dma_start3A_263 : memref<1x128xi32, #tpu.memory_space<vmem>> -> memref<128xi32, #tpu.memory_space<vmem>>
        %dma_start3A_265 = arith.constant 0 : i32
        %dma_start3A_266 = arith.constant 0 : i32
        %dma_start3A_267 = tpu.memref_slice %arg10[%dma_start3A_265, %dma_start3A_266] : memref<10240x128xf32, #tpu.memory_space<vmem_shared>> -> memref<10240x128xf32, #tpu.memory_space<vmem_shared>>
        tpu.enqueue_indirect_dma source(%arg9 : memref<128x128xf32, #tpu.memory_space<vmem>>) target(%dma_start3A_267 : memref<10240x128xf32, #tpu.memory_space<vmem_shared>>) offsets(%dma_start3A_264 : memref<128xi32, #tpu.memory_space<vmem>>) semaphore(%run_scoped3A_261 : memref<!tpu.dma_semaphore, #tpu.memory_space<semaphore_mem>>) {add = true}
        %dma_wait3A_268 = arith.constant 0 : i32
        %dma_wait3A_269 = tpu.memref_slice %arg7[%run_scoped3A_237, %dma_wait3A_268] : memref<16x128xi32, #tpu.memory_space<vmem>> -> memref<1x128xi32, #tpu.memory_space<vmem>>
        %dma_wait3A_270 = tpu.memref_squeeze %dma_wait3A_269 : memref<1x128xi32, #tpu.memory_space<vmem>> -> memref<128xi32, #tpu.memory_space<vmem>>
        %dma_wait3A_271 = arith.constant 0 : i32
        %dma_wait3A_272 = arith.constant 0 : i32
        %dma_wait3A_273 = tpu.memref_slice %arg10[%dma_wait3A_271, %dma_wait3A_272] : memref<10240x128xf32, #tpu.memory_space<vmem_shared>> -> memref<10240x128xf32, #tpu.memory_space<vmem_shared>>
        tpu.wait_indirect_dma semaphore(%run_scoped3A_261 : memref<!tpu.dma_semaphore, #tpu.memory_space<semaphore_mem>>) src(%arg9 : memref<128x128xf32, #tpu.memory_space<vmem>>) dst(%dma_wait3A_273 : memref<10240x128xf32, #tpu.memory_space<vmem_shared>>)
        tpu.yield
      }) : () -> ()
      %dma_start3A_238 = arith.constant 15 : i32
      %dma_start3A_239 = arith.constant 0 : i32
      %dma_start3A_240 = tpu.memref_slice %arg6[%dma_start3A_238, %dma_start3A_239] : memref<16x128xi32, #tpu.memory_space<vmem>> -> memref<1x128xi32, #tpu.memory_space<vmem>>
      %dma_start3A_241 = tpu.memref_squeeze %dma_start3A_240 : memref<1x128xi32, #tpu.memory_space<vmem>> -> memref<128xi32, #tpu.memory_space<vmem>>
      %dma_start3A_242 = arith.constant 0 : i32
      %dma_start3A_243 = arith.constant 0 : i32
      %dma_start3A_244 = tpu.memref_slice %arg2[%dma_start3A_242, %dma_start3A_243] : memref<20480x128xf32, #tpu.memory_space<hbm>> -> memref<20480x128xf32, #tpu.memory_space<hbm>>
      tpu.enqueue_indirect_dma source(%dma_start3A_244 : memref<20480x128xf32, #tpu.memory_space<hbm>>) target(%arg9 : memref<128x128xf32, #tpu.memory_space<vmem>>) offsets(%dma_start3A_241 : memref<128xi32, #tpu.memory_space<vmem>>) semaphore(%arg12 : memref<!tpu.dma_semaphore, #tpu.memory_space<semaphore_mem>>)
      %dma_wait3A_245 = arith.constant 14 : i32
      %dma_wait3A_246 = arith.constant 0 : i32
      %dma_wait3A_247 = tpu.memref_slice %arg6[%dma_wait3A_245, %dma_wait3A_246] : memref<16x128xi32, #tpu.memory_space<vmem>> -> memref<1x128xi32, #tpu.memory_space<vmem>>
      %dma_wait3A_248 = tpu.memref_squeeze %dma_wait3A_247 : memref<1x128xi32, #tpu.memory_space<vmem>> -> memref<128xi32, #tpu.memory_space<vmem>>
      %dma_wait3A_249 = arith.constant 0 : i32
      %dma_wait3A_250 = arith.constant 0 : i32
      %dma_wait3A_251 = tpu.memref_slice %arg2[%dma_wait3A_249, %dma_wait3A_250] : memref<20480x128xf32, #tpu.memory_space<hbm>> -> memref<20480x128xf32, #tpu.memory_space<hbm>>
      tpu.wait_indirect_dma semaphore(%arg11 : memref<!tpu.dma_semaphore, #tpu.memory_space<semaphore_mem>>) src(%dma_wait3A_251 : memref<20480x128xf32, #tpu.memory_space<hbm>>) dst(%arg8 : memref<128x128xf32, #tpu.memory_space<vmem>>)
      %run_scoped3A_252 = arith.constant 14 : i32
      "tpu.region"() ({
        %run_scoped3A_261 = tpu.sem_alloc : memref<!tpu.dma_semaphore, #tpu.memory_space<semaphore_mem>>
        %dma_start3A_262 = arith.constant 0 : i32
        %dma_start3A_263 = tpu.memref_slice %arg7[%run_scoped3A_252, %dma_start3A_262] : memref<16x128xi32, #tpu.memory_space<vmem>> -> memref<1x128xi32, #tpu.memory_space<vmem>>
        %dma_start3A_264 = tpu.memref_squeeze %dma_start3A_263 : memref<1x128xi32, #tpu.memory_space<vmem>> -> memref<128xi32, #tpu.memory_space<vmem>>
        %dma_start3A_265 = arith.constant 0 : i32
        %dma_start3A_266 = arith.constant 0 : i32
        %dma_start3A_267 = tpu.memref_slice %arg10[%dma_start3A_265, %dma_start3A_266] : memref<10240x128xf32, #tpu.memory_space<vmem_shared>> -> memref<10240x128xf32, #tpu.memory_space<vmem_shared>>
        tpu.enqueue_indirect_dma source(%arg8 : memref<128x128xf32, #tpu.memory_space<vmem>>) target(%dma_start3A_267 : memref<10240x128xf32, #tpu.memory_space<vmem_shared>>) offsets(%dma_start3A_264 : memref<128xi32, #tpu.memory_space<vmem>>) semaphore(%run_scoped3A_261 : memref<!tpu.dma_semaphore, #tpu.memory_space<semaphore_mem>>) {add = true}
        %dma_wait3A_268 = arith.constant 0 : i32
        %dma_wait3A_269 = tpu.memref_slice %arg7[%run_scoped3A_252, %dma_wait3A_268] : memref<16x128xi32, #tpu.memory_space<vmem>> -> memref<1x128xi32, #tpu.memory_space<vmem>>
        %dma_wait3A_270 = tpu.memref_squeeze %dma_wait3A_269 : memref<1x128xi32, #tpu.memory_space<vmem>> -> memref<128xi32, #tpu.memory_space<vmem>>
        %dma_wait3A_271 = arith.constant 0 : i32
        %dma_wait3A_272 = arith.constant 0 : i32
        %dma_wait3A_273 = tpu.memref_slice %arg10[%dma_wait3A_271, %dma_wait3A_272] : memref<10240x128xf32, #tpu.memory_space<vmem_shared>> -> memref<10240x128xf32, #tpu.memory_space<vmem_shared>>
        tpu.wait_indirect_dma semaphore(%run_scoped3A_261 : memref<!tpu.dma_semaphore, #tpu.memory_space<semaphore_mem>>) src(%arg8 : memref<128x128xf32, #tpu.memory_space<vmem>>) dst(%dma_wait3A_273 : memref<10240x128xf32, #tpu.memory_space<vmem_shared>>)
        tpu.yield
      }) : () -> ()
      %dma_wait3A_253 = arith.constant 15 : i32
      %dma_wait3A_254 = arith.constant 0 : i32
      %dma_wait3A_255 = tpu.memref_slice %arg6[%dma_wait3A_253, %dma_wait3A_254] : memref<16x128xi32, #tpu.memory_space<vmem>> -> memref<1x128xi32, #tpu.memory_space<vmem>>
      %dma_wait3A_256 = tpu.memref_squeeze %dma_wait3A_255 : memref<1x128xi32, #tpu.memory_space<vmem>> -> memref<128xi32, #tpu.memory_space<vmem>>
      %dma_wait3A_257 = arith.constant 0 : i32
      %dma_wait3A_258 = arith.constant 0 : i32
      %dma_wait3A_259 = tpu.memref_slice %arg2[%dma_wait3A_257, %dma_wait3A_258] : memref<20480x128xf32, #tpu.memory_space<hbm>> -> memref<20480x128xf32, #tpu.memory_space<hbm>>
      tpu.wait_indirect_dma semaphore(%arg12 : memref<!tpu.dma_semaphore, #tpu.memory_space<semaphore_mem>>) src(%dma_wait3A_259 : memref<20480x128xf32, #tpu.memory_space<hbm>>) dst(%arg9 : memref<128x128xf32, #tpu.memory_space<vmem>>)
      %run_scoped3A_260 = arith.constant 15 : i32
      "tpu.region"() ({
        %run_scoped3A_261 = tpu.sem_alloc : memref<!tpu.dma_semaphore, #tpu.memory_space<semaphore_mem>>
        %dma_start3A_262 = arith.constant 0 : i32
        %dma_start3A_263 = tpu.memref_slice %arg7[%run_scoped3A_260, %dma_start3A_262] : memref<16x128xi32, #tpu.memory_space<vmem>> -> memref<1x128xi32, #tpu.memory_space<vmem>>
        %dma_start3A_264 = tpu.memref_squeeze %dma_start3A_263 : memref<1x128xi32, #tpu.memory_space<vmem>> -> memref<128xi32, #tpu.memory_space<vmem>>
        %dma_start3A_265 = arith.constant 0 : i32
        %dma_start3A_266 = arith.constant 0 : i32
        %dma_start3A_267 = tpu.memref_slice %arg10[%dma_start3A_265, %dma_start3A_266] : memref<10240x128xf32, #tpu.memory_space<vmem_shared>> -> memref<10240x128xf32, #tpu.memory_space<vmem_shared>>
        tpu.enqueue_indirect_dma source(%arg9 : memref<128x128xf32, #tpu.memory_space<vmem>>) target(%dma_start3A_267 : memref<10240x128xf32, #tpu.memory_space<vmem_shared>>) offsets(%dma_start3A_264 : memref<128xi32, #tpu.memory_space<vmem>>) semaphore(%run_scoped3A_261 : memref<!tpu.dma_semaphore, #tpu.memory_space<semaphore_mem>>) {add = true}
        %dma_wait3A_268 = arith.constant 0 : i32
        %dma_wait3A_269 = tpu.memref_slice %arg7[%run_scoped3A_260, %dma_wait3A_268] : memref<16x128xi32, #tpu.memory_space<vmem>> -> memref<1x128xi32, #tpu.memory_space<vmem>>
        %dma_wait3A_270 = tpu.memref_squeeze %dma_wait3A_269 : memref<1x128xi32, #tpu.memory_space<vmem>> -> memref<128xi32, #tpu.memory_space<vmem>>
        %dma_wait3A_271 = arith.constant 0 : i32
        %dma_wait3A_272 = arith.constant 0 : i32
        %dma_wait3A_273 = tpu.memref_slice %arg10[%dma_wait3A_271, %dma_wait3A_272] : memref<10240x128xf32, #tpu.memory_space<vmem_shared>> -> memref<10240x128xf32, #tpu.memory_space<vmem_shared>>
        tpu.wait_indirect_dma semaphore(%run_scoped3A_261 : memref<!tpu.dma_semaphore, #tpu.memory_space<semaphore_mem>>) src(%arg9 : memref<128x128xf32, #tpu.memory_space<vmem>>) dst(%dma_wait3A_273 : memref<10240x128xf32, #tpu.memory_space<vmem_shared>>)
        tpu.yield
      }) : () -> ()
    }
    %scan3A_12 = arith.constant 5 : i32
    %barrier3A_13 = arith.constant 0 : index
    tpu.barrier barrier_id(%barrier3A_13)
    %mul3A_14 = arith.constant 10240 : i32
    %mul3A_15 = arith.muli %arg0, %mul3A_14 : i32
    %add3A_16 = arith.addi %mul3A_15, %mul3A_0 : i32
    "tpu.region"() ({
      %run_scoped3A = tpu.sem_alloc : memref<!tpu.dma_semaphore, #tpu.memory_space<semaphore_mem>>
      %dma_start3A = arith.constant 0 : i32
      %dma_start3A_17 = tpu.memref_slice %arg5[%add3A_16, %dma_start3A] : memref<20480x128xf32, #tpu.memory_space<hbm>> -> memref<640x128xf32, #tpu.memory_space<hbm>>
      %dma_start3A_18 = arith.constant 0 : i32
      %dma_start3A_19 = tpu.memref_slice %arg10[%mul3A_0, %dma_start3A_18] : memref<10240x128xf32, #tpu.memory_space<vmem_shared>> -> memref<640x128xf32, #tpu.memory_space<vmem_shared>>
      tpu.enqueue_dma source(%dma_start3A_19 : memref<640x128xf32, #tpu.memory_space<vmem_shared>>) target(%dma_start3A_17 : memref<640x128xf32, #tpu.memory_space<hbm>>) target_semaphore(%run_scoped3A : memref<!tpu.dma_semaphore, #tpu.memory_space<semaphore_mem>>)
      %dma_wait3A = arith.constant 0 : i32
      %dma_wait3A_20 = tpu.memref_slice %arg5[%add3A_16, %dma_wait3A] : memref<20480x128xf32, #tpu.memory_space<hbm>> -> memref<640x128xf32, #tpu.memory_space<hbm>>
      %dma_wait3A_21 = arith.constant 0 : i32
      %dma_wait3A_22 = tpu.memref_slice %arg10[%mul3A_0, %dma_wait3A_21] : memref<10240x128xf32, #tpu.memory_space<vmem_shared>> -> memref<640x128xf32, #tpu.memory_space<vmem_shared>>
      tpu.wait_dma2 semaphore(%run_scoped3A : memref<!tpu.dma_semaphore, #tpu.memory_space<semaphore_mem>>) src(%dma_wait3A_22 : memref<640x128xf32, #tpu.memory_space<vmem_shared>>) dst(%dma_wait3A_20 : memref<640x128xf32, #tpu.memory_space<hbm>>)
      tpu.yield
    }) : () -> ()
    return
  }
}

module attributes {stable_mosaic.version = 14 : i64} {
  func.func @_pre_body(%arg0: i32, %arg1: memref<256x78xf32, #tpu.memory_space<vmem>>, %arg2: memref<78x128xf32, #tpu.memory_space<vmem>>, %arg3: memref<256x1xf32, #tpu.memory_space<vmem>>, %arg4: memref<256x128xf32, #tpu.memory_space<vmem>>, %arg5: memref<256x1xf32, #tpu.memory_space<vmem>>) attributes {dimension_semantics = [#tpu.dimension_semantics<arbitrary>], iteration_bounds = array<i64: 80>, scalar_prefetch = 0 : i64, scratch_operands = 0 : i64, tpu.core_type = #tpu.core_type<tc>, window_params = [{transform_indices = @transform_0, window_bounds = array<i64: 256, 78>}, {pipeline_mode = #tpu.pipeline_mode<synchronous>, transform_indices = @transform_1, window_bounds = array<i64: 78, 128>}, {transform_indices = @transform_2, window_bounds = array<i64: 256, 1>}, {transform_indices = @transform_3, window_bounds = array<i64: 256, 128>}, {transform_indices = @transform_4, window_bounds = array<i64: 256, 1>}]} {
    %get3A = arith.constant 0 : index
    %get3A_0 = arith.constant 0 : index
    %get3A_1 = vector.load %arg3[%get3A, %get3A_0] : memref<256x1xf32, #tpu.memory_space<vmem>>, vector<256x1xf32>
    %add3A = arith.constant 1.000000e+00 : f32
    %add3A_2 = vector.broadcast %add3A : f32 to vector<256x1xf32>
    %add3A_3 = arith.addf %get3A_1, %add3A_2 : vector<256x1xf32>
    %sqrt3A = math.sqrt %add3A_3 : vector<256x1xf32>
    %div3A = arith.constant 1.000000e+00 : f32
    %div3A_4 = vector.broadcast %div3A : f32 to vector<256x1xf32>
    %div3A_5 = arith.divf %div3A_4, %sqrt3A : vector<256x1xf32>
    %get3A_6 = arith.constant 0 : index
    %get3A_7 = arith.constant 0 : index
    %get3A_8 = vector.load %arg1[%get3A_6, %get3A_7] : memref<256x78xf32, #tpu.memory_space<vmem>>, vector<256x78xf32>
    %get3A_9 = arith.constant 0 : index
    %get3A_10 = arith.constant 0 : index
    %get3A_11 = vector.load %arg2[%get3A_9, %get3A_10] : memref<78x128xf32, #tpu.memory_space<vmem>>, vector<78x128xf32>
    %dot_general3A = arith.constant dense<0.000000e+00> : vector<256x128xf32>
    %dot_general3A_12 = tpu.matmul %get3A_8, %get3A_11, %dot_general3A {dimension_numbers = #tpu.dot_dimension_numbers<[1], [0], [0], [1], [0, 0, 1, 1], [], []>, transpose_lhs_hint = false} : vector<256x78xf32>, vector<78x128xf32>, vector<256x128xf32> -> vector<256x128xf32>
    %mul3A = vector.broadcast %div3A_5 : vector<256x1xf32> to vector<256x128xf32>
    %mul3A_13 = arith.mulf %dot_general3A_12, %mul3A : vector<256x128xf32>
    %swap3A = arith.constant 0 : index
    %swap3A_14 = arith.constant 0 : index
    %swap3A_15 = vector.load %arg4[%swap3A, %swap3A_14] : memref<256x128xf32, #tpu.memory_space<vmem>>, vector<256x128xf32>
    tpu.vector_store %arg4[%swap3A, %swap3A_14], %mul3A_13 {strides = array<i32>} : memref<256x128xf32, #tpu.memory_space<vmem>>, vector<256x128xf32>,
    %swap3A_16 = arith.constant 0 : index
    %swap3A_17 = arith.constant 0 : index
    %swap3A_18 = vector.load %arg5[%swap3A_16, %swap3A_17] : memref<256x1xf32, #tpu.memory_space<vmem>>, vector<256x1xf32>
    tpu.vector_store %arg5[%swap3A_16, %swap3A_17], %div3A_5 {strides = array<i32>} : memref<256x1xf32, #tpu.memory_space<vmem>>, vector<256x1xf32>,
    return
  }
  func.func @transform_0(%arg0: i32) -> (i32, i32) {
    %c0_i32 = arith.constant 0 : i32
    %c0_i32_0 = arith.constant 0 : i32
    return %arg0, %c0_i32 : i32, i32
  }
  func.func @transform_1(%arg0: i32) -> (i32, i32) {
    %c0_i32 = arith.constant 0 : i32
    %c0_i32_0 = arith.constant 0 : i32
    %c0_i32_1 = arith.constant 0 : i32
    return %c0_i32, %c0_i32_0 : i32, i32
  }
  func.func @transform_2(%arg0: i32) -> (i32, i32) {
    %c0_i32 = arith.constant 0 : i32
    %c0_i32_0 = arith.constant 0 : i32
    return %arg0, %c0_i32 : i32, i32
  }
  func.func @transform_3(%arg0: i32) -> (i32, i32) {
    %c0_i32 = arith.constant 0 : i32
    %c0_i32_0 = arith.constant 0 : i32
    return %arg0, %c0_i32 : i32, i32
  }
  func.func @transform_4(%arg0: i32) -> (i32, i32) {
    %c0_i32 = arith.constant 0 : i32
    %c0_i32_0 = arith.constant 0 : i32
    return %arg0, %c0_i32 : i32, i32
  }
}

module attributes {stable_mosaic.version = 14 : i64} {
  func.func @_mid1_body(%arg0: i32, %arg1: memref<256x128xf32, #tpu.memory_space<vmem>>, %arg2: memref<256x1xf32, #tpu.memory_space<vmem>>, %arg3: memref<1x128xf32, #tpu.memory_space<vmem>>, %arg4: memref<128x128xf32, #tpu.memory_space<vmem>>, %arg5: memref<256x128xf32, #tpu.memory_space<vmem>>) attributes {dimension_semantics = [#tpu.dimension_semantics<arbitrary>], iteration_bounds = array<i64: 80>, scalar_prefetch = 0 : i64, scratch_operands = 0 : i64, tpu.core_type = #tpu.core_type<tc>, window_params = [{transform_indices = @transform_0, window_bounds = array<i64: 256, 128>}, {transform_indices = @transform_1, window_bounds = array<i64: 256, 1>}, {pipeline_mode = #tpu.pipeline_mode<synchronous>, transform_indices = @transform_2, window_bounds = array<i64: 1, 128>}, {pipeline_mode = #tpu.pipeline_mode<synchronous>, transform_indices = @transform_3, window_bounds = array<i64: 128, 128>}, {transform_indices = @transform_4, window_bounds = array<i64: 256, 128>}]} {
    %get3A = arith.constant 0 : index
    %get3A_0 = arith.constant 0 : index
    %get3A_1 = vector.load %arg1[%get3A, %get3A_0] : memref<256x128xf32, #tpu.memory_space<vmem>>, vector<256x128xf32>
    %get3A_2 = arith.constant 0 : index
    %get3A_3 = arith.constant 0 : index
    %get3A_4 = vector.load %arg2[%get3A_2, %get3A_3] : memref<256x1xf32, #tpu.memory_space<vmem>>, vector<256x1xf32>
    %mul3A = vector.broadcast %get3A_4 : vector<256x1xf32> to vector<256x128xf32>
    %mul3A_5 = arith.mulf %get3A_1, %mul3A : vector<256x128xf32>
    %get3A_6 = arith.constant 0 : index
    %get3A_7 = arith.constant 0 : index
    %get3A_8 = vector.load %arg3[%get3A_6, %get3A_7] : memref<1x128xf32, #tpu.memory_space<vmem>>, vector<1x128xf32>
    %add3A = vector.broadcast %get3A_8 : vector<1x128xf32> to vector<256x128xf32>
    %add3A_9 = arith.addf %mul3A_5, %add3A : vector<256x128xf32>
    %max3A = arith.constant 0.000000e+00 : f32
    %max3A_10 = vector.broadcast %max3A : f32 to vector<256x128xf32>
    %max3A_11 = arith.maximumf %add3A_9, %max3A_10 : vector<256x128xf32>
    %get3A_12 = arith.constant 0 : index
    %get3A_13 = arith.constant 0 : index
    %get3A_14 = vector.load %arg4[%get3A_12, %get3A_13] : memref<128x128xf32, #tpu.memory_space<vmem>>, vector<128x128xf32>
    %dot_general3A = arith.constant dense<0.000000e+00> : vector<256x128xf32>
    %dot_general3A_15 = tpu.matmul %max3A_11, %get3A_14, %dot_general3A {dimension_numbers = #tpu.dot_dimension_numbers<[1], [0], [0], [1], [0, 0, 1, 1], [], []>, transpose_lhs_hint = false} : vector<256x128xf32>, vector<128x128xf32>, vector<256x128xf32> -> vector<256x128xf32>
    %get3A_16 = arith.constant 0 : index
    %get3A_17 = arith.constant 0 : index
    %get3A_18 = vector.load %arg2[%get3A_16, %get3A_17] : memref<256x1xf32, #tpu.memory_space<vmem>>, vector<256x1xf32>
    %mul3A_19 = vector.broadcast %get3A_18 : vector<256x1xf32> to vector<256x128xf32>
    %mul3A_20 = arith.mulf %dot_general3A_15, %mul3A_19 : vector<256x128xf32>
    %swap3A = arith.constant 0 : index
    %swap3A_21 = arith.constant 0 : index
    %swap3A_22 = vector.load %arg5[%swap3A, %swap3A_21] : memref<256x128xf32, #tpu.memory_space<vmem>>, vector<256x128xf32>
    tpu.vector_store %arg5[%swap3A, %swap3A_21], %mul3A_20 {strides = array<i32>} : memref<256x128xf32, #tpu.memory_space<vmem>>, vector<256x128xf32>,
    return
  }
  func.func @transform_0(%arg0: i32) -> (i32, i32) {
    %c0_i32 = arith.constant 0 : i32
    %c0_i32_0 = arith.constant 0 : i32
    return %arg0, %c0_i32 : i32, i32
  }
  func.func @transform_1(%arg0: i32) -> (i32, i32) {
    %c0_i32 = arith.constant 0 : i32
    %c0_i32_0 = arith.constant 0 : i32
    return %arg0, %c0_i32 : i32, i32
  }
  func.func @transform_2(%arg0: i32) -> (i32, i32) {
    %c0_i32 = arith.constant 0 : i32
    %c0_i32_0 = arith.constant 0 : i32
    %c0_i32_1 = arith.constant 0 : i32
    return %c0_i32, %c0_i32_0 : i32, i32
  }
  func.func @transform_3(%arg0: i32) -> (i32, i32) {
    %c0_i32 = arith.constant 0 : i32
    %c0_i32_0 = arith.constant 0 : i32
    %c0_i32_1 = arith.constant 0 : i32
    return %c0_i32, %c0_i32_0 : i32, i32
  }
  func.func @transform_4(%arg0: i32) -> (i32, i32) {
    %c0_i32 = arith.constant 0 : i32
    %c0_i32_0 = arith.constant 0 : i32
    return %arg0, %c0_i32 : i32, i32
  }
}

module attributes {stable_mosaic.version = 14 : i64} {
  func.func @_mid2_body(%arg0: i32, %arg1: memref<256x128xf32, #tpu.memory_space<vmem>>, %arg2: memref<256x1xf32, #tpu.memory_space<vmem>>, %arg3: memref<1x128xf32, #tpu.memory_space<vmem>>, %arg4: memref<256x128xf32, #tpu.memory_space<vmem>>) attributes {dimension_semantics = [#tpu.dimension_semantics<arbitrary>], iteration_bounds = array<i64: 80>, scalar_prefetch = 0 : i64, scratch_operands = 0 : i64, tpu.core_type = #tpu.core_type<tc>, window_params = [{transform_indices = @transform_0, window_bounds = array<i64: 256, 128>}, {transform_indices = @transform_1, window_bounds = array<i64: 256, 1>}, {pipeline_mode = #tpu.pipeline_mode<synchronous>, transform_indices = @transform_2, window_bounds = array<i64: 1, 128>}, {transform_indices = @transform_3, window_bounds = array<i64: 256, 128>}]} {
    %get3A = arith.constant 0 : index
    %get3A_0 = arith.constant 0 : index
    %get3A_1 = vector.load %arg1[%get3A, %get3A_0] : memref<256x128xf32, #tpu.memory_space<vmem>>, vector<256x128xf32>
    %get3A_2 = arith.constant 0 : index
    %get3A_3 = arith.constant 0 : index
    %get3A_4 = vector.load %arg2[%get3A_2, %get3A_3] : memref<256x1xf32, #tpu.memory_space<vmem>>, vector<256x1xf32>
    %mul3A = vector.broadcast %get3A_4 : vector<256x1xf32> to vector<256x128xf32>
    %mul3A_5 = arith.mulf %get3A_1, %mul3A : vector<256x128xf32>
    %get3A_6 = arith.constant 0 : index
    %get3A_7 = arith.constant 0 : index
    %get3A_8 = vector.load %arg3[%get3A_6, %get3A_7] : memref<1x128xf32, #tpu.memory_space<vmem>>, vector<1x128xf32>
    %add3A = vector.broadcast %get3A_8 : vector<1x128xf32> to vector<256x128xf32>
    %add3A_9 = arith.addf %mul3A_5, %add3A : vector<256x128xf32>
    %max3A = arith.constant 0.000000e+00 : f32
    %max3A_10 = vector.broadcast %max3A : f32 to vector<256x128xf32>
    %max3A_11 = arith.maximumf %add3A_9, %max3A_10 : vector<256x128xf32>
    %get3A_12 = arith.constant 0 : index
    %get3A_13 = arith.constant 0 : index
    %get3A_14 = vector.load %arg2[%get3A_12, %get3A_13] : memref<256x1xf32, #tpu.memory_space<vmem>>, vector<256x1xf32>
    %mul3A_15 = vector.broadcast %get3A_14 : vector<256x1xf32> to vector<256x128xf32>
    %mul3A_16 = arith.mulf %max3A_11, %mul3A_15 : vector<256x128xf32>
    %swap3A = arith.constant 0 : index
    %swap3A_17 = arith.constant 0 : index
    %swap3A_18 = vector.load %arg4[%swap3A, %swap3A_17] : memref<256x128xf32, #tpu.memory_space<vmem>>, vector<256x128xf32>
    tpu.vector_store %arg4[%swap3A, %swap3A_17], %mul3A_16 {strides = array<i32>} : memref<256x128xf32, #tpu.memory_space<vmem>>, vector<256x128xf32>,
    return
  }
  func.func @transform_0(%arg0: i32) -> (i32, i32) {
    %c0_i32 = arith.constant 0 : i32
    %c0_i32_0 = arith.constant 0 : i32
    return %arg0, %c0_i32 : i32, i32
  }
  func.func @transform_1(%arg0: i32) -> (i32, i32) {
    %c0_i32 = arith.constant 0 : i32
    %c0_i32_0 = arith.constant 0 : i32
    return %arg0, %c0_i32 : i32, i32
  }
  func.func @transform_2(%arg0: i32) -> (i32, i32) {
    %c0_i32 = arith.constant 0 : i32
    %c0_i32_0 = arith.constant 0 : i32
    %c0_i32_1 = arith.constant 0 : i32
    return %c0_i32, %c0_i32_0 : i32, i32
  }
  func.func @transform_3(%arg0: i32) -> (i32, i32) {
    %c0_i32 = arith.constant 0 : i32
    %c0_i32_0 = arith.constant 0 : i32
    return %arg0, %c0_i32 : i32, i32
  }
}

module attributes {stable_mosaic.version = 14 : i64} {
  func.func @_cell_body(%arg0: memref<256x954xf32, #tpu.memory_space<vmem>>, %arg1: memref<954x512xf32, #tpu.memory_space<vmem>>, %arg2: memref<1x512xf32, #tpu.memory_space<vmem>>, %arg3: memref<512x256xf32, #tpu.memory_space<vmem>>, %arg4: memref<1x256xf32, #tpu.memory_space<vmem>>, %arg5: memref<256x256xf32, #tpu.memory_space<vmem>>, %arg6: memref<1x256xf32, #tpu.memory_space<vmem>>, %arg7: memref<256x256xf32, #tpu.memory_space<vmem>>, %arg8: memref<256x256xf32, #tpu.memory_space<vmem>>, %arg9: memref<256x256xf32, #tpu.memory_space<vmem>>) attributes {dimension_semantics = [], scalar_prefetch = 0 : i64, scratch_operands = 0 : i64, tpu.core_type = #tpu.core_type<tc>} {
    %get3A = arith.constant 0 : index
    %get3A_0 = arith.constant 0 : index
    %get3A_1 = vector.load %arg0[%get3A, %get3A_0] : memref<256x954xf32, #tpu.memory_space<vmem>>, vector<256x954xf32>
    %mul3A = arith.mulf %get3A_1, %get3A_1 : vector<256x954xf32>
    %reduce_sum3A = arith.constant dense<0.000000e+00> : vector<256xf32>
    %reduce_sum3A_2 = vector.multi_reduction <add>, %mul3A, %reduce_sum3A [1] : vector<256x954xf32> to vector<256xf32>
    %broadcast_in_dim3A = vector.shape_cast %reduce_sum3A_2 : vector<256xf32> to vector<256x1xf32>
    %sqrt3A = math.sqrt %broadcast_in_dim3A : vector<256x1xf32>
    %max3A = arith.constant 9.99999996E-13 : f32
    %max3A_3 = vector.broadcast %max3A : f32 to vector<256x1xf32>
    %max3A_4 = arith.maximumf %sqrt3A, %max3A_3 : vector<256x1xf32>
    %div3A = vector.broadcast %max3A_4 : vector<256x1xf32> to vector<256x954xf32>
    %div3A_5 = arith.divf %get3A_1, %div3A : vector<256x954xf32>
    %get3A_6 = arith.constant 0 : index
    %get3A_7 = arith.constant 0 : index
    %get3A_8 = vector.load %arg1[%get3A_6, %get3A_7] : memref<954x512xf32, #tpu.memory_space<vmem>>, vector<954x512xf32>
    %dot_general3A = arith.constant dense<0.000000e+00> : vector<256x512xf32>
    %dot_general3A_9 = tpu.matmul %div3A_5, %get3A_8, %dot_general3A {dimension_numbers = #tpu.dot_dimension_numbers<[1], [0], [0], [1], [0, 0, 1, 1], [], []>, transpose_lhs_hint = false} : vector<256x954xf32>, vector<954x512xf32>, vector<256x512xf32> -> vector<256x512xf32>
    %get3A_10 = arith.constant 0 : index
    %get3A_11 = arith.constant 0 : index
    %get3A_12 = vector.load %arg2[%get3A_10, %get3A_11] : memref<1x512xf32, #tpu.memory_space<vmem>>, vector<1x512xf32>
    %add3A = vector.broadcast %get3A_12 : vector<1x512xf32> to vector<256x512xf32>
    %add3A_13 = arith.addf %dot_general3A_9, %add3A : vector<256x512xf32>
    %max3A_14 = arith.constant 0.000000e+00 : f32
    %max3A_15 = vector.broadcast %max3A_14 : f32 to vector<256x512xf32>
    %max3A_16 = arith.maximumf %add3A_13, %max3A_15 : vector<256x512xf32>
    %get3A_17 = arith.constant 0 : index
    %get3A_18 = arith.constant 0 : index
    %get3A_19 = vector.load %arg3[%get3A_17, %get3A_18] : memref<512x256xf32, #tpu.memory_space<vmem>>, vector<512x256xf32>
    %dot_general3A_20 = arith.constant dense<0.000000e+00> : vector<256x256xf32>
    %dot_general3A_21 = tpu.matmul %max3A_16, %get3A_19, %dot_general3A_20 {dimension_numbers = #tpu.dot_dimension_numbers<[1], [0], [0], [1], [0, 0, 1, 1], [], []>, transpose_lhs_hint = false} : vector<256x512xf32>, vector<512x256xf32>, vector<256x256xf32> -> vector<256x256xf32>
    %get3A_22 = arith.constant 0 : index
    %get3A_23 = arith.constant 0 : index
    %get3A_24 = vector.load %arg4[%get3A_22, %get3A_23] : memref<1x256xf32, #tpu.memory_space<vmem>>, vector<1x256xf32>
    %add3A_25 = vector.broadcast %get3A_24 : vector<1x256xf32> to vector<256x256xf32>
    %add3A_26 = arith.addf %dot_general3A_21, %add3A_25 : vector<256x256xf32>
    %max3A_27 = arith.constant 0.000000e+00 : f32
    %max3A_28 = vector.broadcast %max3A_27 : f32 to vector<256x256xf32>
    %max3A_29 = arith.maximumf %add3A_26, %max3A_28 : vector<256x256xf32>
    %get3A_30 = arith.constant 0 : index
    %get3A_31 = arith.constant 0 : index
    %get3A_32 = vector.load %arg5[%get3A_30, %get3A_31] : memref<256x256xf32, #tpu.memory_space<vmem>>, vector<256x256xf32>
    %dot_general3A_33 = arith.constant dense<0.000000e+00> : vector<256x256xf32>
    %dot_general3A_34 = tpu.matmul %max3A_29, %get3A_32, %dot_general3A_33 {dimension_numbers = #tpu.dot_dimension_numbers<[1], [0], [0], [1], [0, 0, 1, 1], [], []>, transpose_lhs_hint = false} : vector<256x256xf32>, vector<256x256xf32>, vector<256x256xf32> -> vector<256x256xf32>
    %get3A_35 = arith.constant 0 : index
    %get3A_36 = arith.constant 0 : index
    %get3A_37 = vector.load %arg6[%get3A_35, %get3A_36] : memref<1x256xf32, #tpu.memory_space<vmem>>, vector<1x256xf32>
    %add3A_38 = vector.broadcast %get3A_37 : vector<1x256xf32> to vector<256x256xf32>
    %add3A_39 = arith.addf %dot_general3A_34, %add3A_38 : vector<256x256xf32>
    %swap3A = arith.constant 0 : index
    %swap3A_40 = arith.constant 0 : index
    %swap3A_41 = vector.load %arg8[%swap3A, %swap3A_40] : memref<256x256xf32, #tpu.memory_space<vmem>>, vector<256x256xf32>
    tpu.vector_store %arg8[%swap3A, %swap3A_40], %add3A_39 {strides = array<i32>} : memref<256x256xf32, #tpu.memory_space<vmem>>, vector<256x256xf32>,
    %get3A_42 = arith.constant 0 : index
    %get3A_43 = arith.constant 0 : index
    %get3A_44 = vector.load %arg7[%get3A_42, %get3A_43] : memref<256x256xf32, #tpu.memory_space<vmem>>, vector<256x256xf32>
    %dot_general3A_45 = arith.constant dense<0.000000e+00> : vector<256x256xf32>
    %dot_general3A_46 = tpu.matmul %add3A_39, %get3A_44, %dot_general3A_45 {dimension_numbers = #tpu.dot_dimension_numbers<[1], [0], [0], [1], [0, 0, 1, 1], [], []>, transpose_lhs_hint = false} : vector<256x256xf32>, vector<256x256xf32>, vector<256x256xf32> -> vector<256x256xf32>
    %swap3A_47 = arith.constant 0 : index
    %swap3A_48 = arith.constant 0 : index
    %swap3A_49 = vector.load %arg9[%swap3A_47, %swap3A_48] : memref<256x256xf32, #tpu.memory_space<vmem>>, vector<256x256xf32>
    tpu.vector_store %arg9[%swap3A_47, %swap3A_48], %dot_general3A_46 {strides = array<i32>} : memref<256x256xf32, #tpu.memory_space<vmem>>, vector<256x256xf32>,
    return
  }
}

module attributes {stable_mosaic.version = 14 : i64} {
  func.func @_final_body(%arg0: memref<512x256xf32, #tpu.memory_space<vmem>>, %arg1: memref<512x256xf32, #tpu.memory_space<vmem>>, %arg2: memref<256x256xf32, #tpu.memory_space<vmem>>, %arg3: memref<256x256xf32, #tpu.memory_space<vmem>>, %arg4: memref<256x256xf32, #tpu.memory_space<vmem>>, %arg5: memref<1x256xf32, #tpu.memory_space<vmem>>, %arg6: memref<1x512xf32, #tpu.memory_space<vmem>>, %arg7: memref<1x512xf32, #tpu.memory_space<vmem>>, %arg8: memref<512x512xf32, #tpu.memory_space<vmem>>, %arg9: memref<1x512xf32, #tpu.memory_space<vmem>>, %arg10: memref<512x2xf32, #tpu.memory_space<vmem>>, %arg11: memref<1x2xf32, #tpu.memory_space<vmem>>, %arg12: memref<256x2xf32, #tpu.memory_space<vmem>>) attributes {dimension_semantics = [], scalar_prefetch = 0 : i64, scratch_operands = 0 : i64, tpu.core_type = #tpu.core_type<tc>} {
    %get3A = arith.constant 0 : index
    %get3A_0 = arith.constant 0 : index
    %get3A_1 = vector.load %arg0[%get3A, %get3A_0] : memref<512x256xf32, #tpu.memory_space<vmem>>, vector<512x256xf32>
    %get3A_2 = arith.constant 0 : index
    %get3A_3 = arith.constant 0 : index
    %get3A_4 = vector.load %arg1[%get3A_2, %get3A_3] : memref<512x256xf32, #tpu.memory_space<vmem>>, vector<512x256xf32>
    %slice3A = vector.extract_strided_slice %get3A_1 {offsets = [0, 0], sizes = [256, 256], strides = [1, 1]} : vector<512x256xf32> to vector<256x256xf32>
    %slice3A_5 = vector.extract_strided_slice %get3A_1 {offsets = [256, 0], sizes = [256, 256], strides = [1, 1]} : vector<512x256xf32> to vector<256x256xf32>
    %add3A = arith.addf %slice3A, %slice3A_5 : vector<256x256xf32>
    %slice3A_6 = vector.extract_strided_slice %get3A_4 {offsets = [0, 0], sizes = [256, 256], strides = [1, 1]} : vector<512x256xf32> to vector<256x256xf32>
    %slice3A_7 = vector.extract_strided_slice %get3A_4 {offsets = [256, 0], sizes = [256, 256], strides = [1, 1]} : vector<512x256xf32> to vector<256x256xf32>
    %add3A_8 = arith.addf %slice3A_6, %slice3A_7 : vector<256x256xf32>
    %get3A_9 = arith.constant 0 : index
    %get3A_10 = arith.constant 0 : index
    %get3A_11 = vector.load %arg3[%get3A_9, %get3A_10] : memref<256x256xf32, #tpu.memory_space<vmem>>, vector<256x256xf32>
    %dot_general3A = arith.constant dense<0.000000e+00> : vector<256x256xf32>
    %dot_general3A_12 = tpu.matmul %add3A, %get3A_11, %dot_general3A {dimension_numbers = #tpu.dot_dimension_numbers<[1], [0], [0], [1], [0, 0, 1, 1], [], []>, transpose_lhs_hint = false} : vector<256x256xf32>, vector<256x256xf32>, vector<256x256xf32> -> vector<256x256xf32>
    %get3A_13 = arith.constant 0 : index
    %get3A_14 = arith.constant 0 : index
    %get3A_15 = vector.load %arg4[%get3A_13, %get3A_14] : memref<256x256xf32, #tpu.memory_space<vmem>>, vector<256x256xf32>
    %dot_general3A_16 = arith.constant dense<0.000000e+00> : vector<256x256xf32>
    %dot_general3A_17 = tpu.matmul %add3A_8, %get3A_15, %dot_general3A_16 {dimension_numbers = #tpu.dot_dimension_numbers<[1], [0], [0], [1], [0, 0, 1, 1], [], []>, transpose_lhs_hint = false} : vector<256x256xf32>, vector<256x256xf32>, vector<256x256xf32> -> vector<256x256xf32>
    %add3A_18 = arith.addf %dot_general3A_12, %dot_general3A_17 : vector<256x256xf32>
    %get3A_19 = arith.constant 0 : index
    %get3A_20 = arith.constant 0 : index
    %get3A_21 = vector.load %arg5[%get3A_19, %get3A_20] : memref<1x256xf32, #tpu.memory_space<vmem>>, vector<1x256xf32>
    %mul3A = arith.constant 2.000000e+00 : f32
    %mul3A_22 = vector.broadcast %mul3A : f32 to vector<1x256xf32>
    %mul3A_23 = arith.mulf %mul3A_22, %get3A_21 : vector<1x256xf32>
    %add3A_24 = vector.broadcast %mul3A_23 : vector<1x256xf32> to vector<256x256xf32>
    %add3A_25 = arith.addf %add3A_18, %add3A_24 : vector<256x256xf32>
    %get3A_26 = arith.constant 0 : index
    %get3A_27 = arith.constant 0 : index
    %get3A_28 = vector.load %arg2[%get3A_26, %get3A_27] : memref<256x256xf32, #tpu.memory_space<vmem>>, vector<256x256xf32>
    %concatenate3A = tpu.concatenate %add3A_25, %get3A_28 in 1 : vector<256x256xf32>, vector<256x256xf32> -> vector<256x512xf32>
    %mul3A_29 = arith.mulf %concatenate3A, %concatenate3A : vector<256x512xf32>
    %reduce_sum3A = arith.constant dense<0.000000e+00> : vector<256xf32>
    %reduce_sum3A_30 = vector.multi_reduction <add>, %mul3A_29, %reduce_sum3A [1] : vector<256x512xf32> to vector<256xf32>
    %broadcast_in_dim3A = vector.shape_cast %reduce_sum3A_30 : vector<256xf32> to vector<256x1xf32>
    %sqrt3A = math.sqrt %broadcast_in_dim3A : vector<256x1xf32>
    %max3A = arith.constant 9.99999996E-13 : f32
    %max3A_31 = vector.broadcast %max3A : f32 to vector<256x1xf32>
    %max3A_32 = arith.maximumf %sqrt3A, %max3A_31 : vector<256x1xf32>
    %div3A = vector.broadcast %max3A_32 : vector<256x1xf32> to vector<256x512xf32>
    %div3A_33 = arith.divf %concatenate3A, %div3A : vector<256x512xf32>
    %get3A_34 = arith.constant 0 : index
    %get3A_35 = arith.constant 0 : index
    %get3A_36 = vector.load %arg6[%get3A_34, %get3A_35] : memref<1x512xf32, #tpu.memory_space<vmem>>, vector<1x512xf32>
    %mul3A_37 = vector.broadcast %get3A_36 : vector<1x512xf32> to vector<256x512xf32>
    %mul3A_38 = arith.mulf %mul3A_37, %div3A_33 : vector<256x512xf32>
    %mul3A_39 = arith.constant 0.999994993 : f32
    %mul3A_40 = vector.broadcast %mul3A_39 : f32 to vector<256x512xf32>
    %mul3A_41 = arith.mulf %mul3A_38, %mul3A_40 : vector<256x512xf32>
    %get3A_42 = arith.constant 0 : index
    %get3A_43 = arith.constant 0 : index
    %get3A_44 = vector.load %arg7[%get3A_42, %get3A_43] : memref<1x512xf32, #tpu.memory_space<vmem>>, vector<1x512xf32>
    %add3A_45 = vector.broadcast %get3A_44 : vector<1x512xf32> to vector<256x512xf32>
    %add3A_46 = arith.addf %mul3A_41, %add3A_45 : vector<256x512xf32>
    %max3A_47 = arith.constant 0.000000e+00 : f32
    %max3A_48 = vector.broadcast %max3A_47 : f32 to vector<256x512xf32>
    %max3A_49 = arith.maximumf %add3A_46, %max3A_48 : vector<256x512xf32>
    %get3A_50 = arith.constant 0 : index
    %get3A_51 = arith.constant 0 : index
    %get3A_52 = vector.load %arg8[%get3A_50, %get3A_51] : memref<512x512xf32, #tpu.memory_space<vmem>>, vector<512x512xf32>
    %dot_general3A_53 = arith.constant dense<0.000000e+00> : vector<256x512xf32>
    %dot_general3A_54 = tpu.matmul %max3A_49, %get3A_52, %dot_general3A_53 {dimension_numbers = #tpu.dot_dimension_numbers<[1], [0], [0], [1], [0, 0, 1, 1], [], []>, transpose_lhs_hint = false} : vector<256x512xf32>, vector<512x512xf32>, vector<256x512xf32> -> vector<256x512xf32>
    %get3A_55 = arith.constant 0 : index
    %get3A_56 = arith.constant 0 : index
    %get3A_57 = vector.load %arg9[%get3A_55, %get3A_56] : memref<1x512xf32, #tpu.memory_space<vmem>>, vector<1x512xf32>
    %add3A_58 = vector.broadcast %get3A_57 : vector<1x512xf32> to vector<256x512xf32>
    %add3A_59 = arith.addf %dot_general3A_54, %add3A_58 : vector<256x512xf32>
    %max3A_60 = arith.constant 0.000000e+00 : f32
    %max3A_61 = vector.broadcast %max3A_60 : f32 to vector<256x512xf32>
    %max3A_62 = arith.maximumf %add3A_59, %max3A_61 : vector<256x512xf32>
    %get3A_63 = arith.constant 0 : index
    %get3A_64 = arith.constant 0 : index
    %get3A_65 = vector.load %arg10[%get3A_63, %get3A_64] : memref<512x2xf32, #tpu.memory_space<vmem>>, vector<512x2xf32>
    %dot_general3A_66 = arith.constant dense<0.000000e+00> : vector<256x2xf32>
    %dot_general3A_67 = tpu.matmul %max3A_62, %get3A_65, %dot_general3A_66 {dimension_numbers = #tpu.dot_dimension_numbers<[1], [0], [0], [1], [0, 0, 1, 1], [], []>, transpose_lhs_hint = false} : vector<256x512xf32>, vector<512x2xf32>, vector<256x2xf32> -> vector<256x2xf32>
    %get3A_68 = arith.constant 0 : index
    %get3A_69 = arith.constant 0 : index
    %get3A_70 = vector.load %arg11[%get3A_68, %get3A_69] : memref<1x2xf32, #tpu.memory_space<vmem>>, vector<1x2xf32>
    %add3A_71 = vector.broadcast %get3A_70 : vector<1x2xf32> to vector<256x2xf32>
    %add3A_72 = arith.addf %dot_general3A_67, %add3A_71 : vector<256x2xf32>
    %swap3A = arith.constant 0 : index
    %swap3A_73 = arith.constant 0 : index
    %swap3A_74 = vector.load %arg12[%swap3A, %swap3A_73] : memref<256x2xf32, #tpu.memory_space<vmem>>, vector<256x2xf32>
    tpu.vector_store %arg12[%swap3A, %swap3A_73], %add3A_72 {strides = array<i32>} : memref<256x2xf32, #tpu.memory_space<vmem>>, vector<256x2xf32>,
    return
  }
}

module attributes {stable_mosaic.version = 14 : i64} {
  func.func @_head_body(%arg0: i32, %arg1: memref<1280x128xf32, #tpu.memory_space<vmem>>, %arg2: memref<1280x1xf32, #tpu.memory_space<vmem>>, %arg3: memref<128x256xf32, #tpu.memory_space<vmem>>, %arg4: memref<1x256xf32, #tpu.memory_space<vmem>>, %arg5: memref<1x256xf32, #tpu.memory_space<vmem>>, %arg6: memref<1x256xf32, #tpu.memory_space<vmem>>, %arg7: memref<256x256xf32, #tpu.memory_space<vmem>>, %arg8: memref<256x256xf32, #tpu.memory_space<vmem>>, %arg9: memref<32x256xf32, #tpu.memory_space<vmem>>, %arg10: memref<32x256xf32, #tpu.memory_space<vmem>>, %arg11: memref<32x256xf32, #tpu.memory_space<vmem>>) attributes {dimension_semantics = [#tpu.dimension_semantics<arbitrary>], iteration_bounds = array<i64: 16>, scalar_prefetch = 0 : i64, scratch_operands = 0 : i64, tpu.core_type = #tpu.core_type<tc>, window_params = [{transform_indices = @transform_0, window_bounds = array<i64: 1280, 128>}, {transform_indices = @transform_1, window_bounds = array<i64: 1280, 1>}, {pipeline_mode = #tpu.pipeline_mode<synchronous>, transform_indices = @transform_2, window_bounds = array<i64: 128, 256>}, {pipeline_mode = #tpu.pipeline_mode<synchronous>, transform_indices = @transform_3, window_bounds = array<i64: 1, 256>}, {pipeline_mode = #tpu.pipeline_mode<synchronous>, transform_indices = @transform_4, window_bounds = array<i64: 1, 256>}, {pipeline_mode = #tpu.pipeline_mode<synchronous>, transform_indices = @transform_5, window_bounds = array<i64: 1, 256>}, {pipeline_mode = #tpu.pipeline_mode<synchronous>, transform_indices = @transform_6, window_bounds = array<i64: 256, 256>}, {pipeline_mode = #tpu.pipeline_mode<synchronous>, transform_indices = @transform_7, window_bounds = array<i64: 256, 256>}, {transform_indices = @transform_8, window_bounds = array<i64: 32, 256>}, {transform_indices = @transform_9, window_bounds = array<i64: 32, 256>}, {transform_indices = @transform_10, window_bounds = array<i64: 32, 256>}]} {
    %get3A = arith.constant 0 : index
    %get3A_0 = arith.constant 0 : index
    %get3A_1 = vector.load %arg1[%get3A, %get3A_0] : memref<1280x128xf32, #tpu.memory_space<vmem>>, vector<1280x128xf32>
    %get3A_2 = arith.constant 0 : index
    %get3A_3 = arith.constant 0 : index
    %get3A_4 = vector.load %arg2[%get3A_2, %get3A_3] : memref<1280x1xf32, #tpu.memory_space<vmem>>, vector<1280x1xf32>
    %mul3A = vector.broadcast %get3A_4 : vector<1280x1xf32> to vector<1280x128xf32>
    %mul3A_5 = arith.mulf %get3A_1, %mul3A : vector<1280x128xf32>
    %get3A_6 = arith.constant 0 : index
    %get3A_7 = arith.constant 0 : index
    %get3A_8 = vector.load %arg3[%get3A_6, %get3A_7] : memref<128x256xf32, #tpu.memory_space<vmem>>, vector<128x256xf32>
    %dot_general3A = arith.constant dense<0.000000e+00> : vector<1280x256xf32>
    %dot_general3A_9 = tpu.matmul %mul3A_5, %get3A_8, %dot_general3A {dimension_numbers = #tpu.dot_dimension_numbers<[1], [0], [0], [1], [0, 0, 1, 1], [], []>, transpose_lhs_hint = false} : vector<1280x128xf32>, vector<128x256xf32>, vector<1280x256xf32> -> vector<1280x256xf32>
    %get3A_10 = arith.constant 0 : index
    %get3A_11 = arith.constant 0 : index
    %get3A_12 = vector.load %arg4[%get3A_10, %get3A_11] : memref<1x256xf32, #tpu.memory_space<vmem>>, vector<1x256xf32>
    %add3A = vector.broadcast %get3A_12 : vector<1x256xf32> to vector<1280x256xf32>
    %add3A_13 = arith.addf %dot_general3A_9, %add3A : vector<1280x256xf32>
    %get3A_14 = arith.constant 0 : index
    %get3A_15 = arith.constant 0 : index
    %get3A_16 = vector.load %arg5[%get3A_14, %get3A_15] : memref<1x256xf32, #tpu.memory_space<vmem>>, vector<1x256xf32>
    %mul3A_17 = vector.broadcast %get3A_16 : vector<1x256xf32> to vector<1280x256xf32>
    %mul3A_18 = arith.mulf %mul3A_17, %add3A_13 : vector<1280x256xf32>
    %mul3A_19 = arith.constant 0.999994993 : f32
    %mul3A_20 = vector.broadcast %mul3A_19 : f32 to vector<1280x256xf32>
    %mul3A_21 = arith.mulf %mul3A_18, %mul3A_20 : vector<1280x256xf32>
    %get3A_22 = arith.constant 0 : index
    %get3A_23 = arith.constant 0 : index
    %get3A_24 = vector.load %arg6[%get3A_22, %get3A_23] : memref<1x256xf32, #tpu.memory_space<vmem>>, vector<1x256xf32>
    %add3A_25 = vector.broadcast %get3A_24 : vector<1x256xf32> to vector<1280x256xf32>
    %add3A_26 = arith.addf %mul3A_21, %add3A_25 : vector<1280x256xf32>
    %max3A = arith.constant 0.000000e+00 : f32
    %max3A_27 = vector.broadcast %max3A : f32 to vector<1280x256xf32>
    %max3A_28 = arith.maximumf %add3A_26, %max3A_27 : vector<1280x256xf32>
    %reshape3A = vector.shape_cast %max3A_28 : vector<1280x256xf32> to vector<32x40x256xf32>
    %reduce_max3A = arith.constant dense<0xFF800000> : vector<32x256xf32>
    %reduce_max3A_29 = vector.multi_reduction <maximumf>, %reshape3A, %reduce_max3A [1] : vector<32x40x256xf32> to vector<32x256xf32>
    %swap3A = arith.constant 0 : index
    %swap3A_30 = arith.constant 0 : index
    %swap3A_31 = vector.load %arg11[%swap3A, %swap3A_30] : memref<32x256xf32, #tpu.memory_space<vmem>>, vector<32x256xf32>
    tpu.vector_store %arg11[%swap3A, %swap3A_30], %reduce_max3A_29 {strides = array<i32>} : memref<32x256xf32, #tpu.memory_space<vmem>>, vector<32x256xf32>,
    %get3A_32 = arith.constant 0 : index
    %get3A_33 = arith.constant 0 : index
    %get3A_34 = vector.load %arg7[%get3A_32, %get3A_33] : memref<256x256xf32, #tpu.memory_space<vmem>>, vector<256x256xf32>
    %dot_general3A_35 = arith.constant dense<0.000000e+00> : vector<1280x256xf32>
    %dot_general3A_36 = tpu.matmul %max3A_28, %get3A_34, %dot_general3A_35 {dimension_numbers = #tpu.dot_dimension_numbers<[1], [0], [0], [1], [0, 0, 1, 1], [], []>, transpose_lhs_hint = false} : vector<1280x256xf32>, vector<256x256xf32>, vector<1280x256xf32> -> vector<1280x256xf32>
    %get3A_37 = arith.constant 0 : index
    %get3A_38 = arith.constant 0 : index
    %get3A_39 = vector.load %arg8[%get3A_37, %get3A_38] : memref<256x256xf32, #tpu.memory_space<vmem>>, vector<256x256xf32>
    %dot_general3A_40 = arith.constant dense<0.000000e+00> : vector<1280x256xf32>
    %dot_general3A_41 = tpu.matmul %max3A_28, %get3A_39, %dot_general3A_40 {dimension_numbers = #tpu.dot_dimension_numbers<[1], [0], [0], [1], [0, 0, 1, 1], [], []>, transpose_lhs_hint = false} : vector<1280x256xf32>, vector<256x256xf32>, vector<1280x256xf32> -> vector<1280x256xf32>
    %get3A_42 = arith.constant 0 : index
    %get3A_43 = arith.constant 0 : index
    %get3A_44 = vector.load %arg9[%get3A_42, %get3A_43] : memref<32x256xf32, #tpu.memory_space<vmem>>, vector<32x256xf32>
    %slice3A = vector.extract_strided_slice %dot_general3A_36 {offsets = [0, 0], sizes = [1280, 64], strides = [1, 1]} : vector<1280x256xf32> to vector<1280x64xf32>
    %reshape3A_45 = vector.shape_cast %slice3A : vector<1280x64xf32> to vector<32x40x64xf32>
    %slice3A_46 = vector.extract_strided_slice %dot_general3A_41 {offsets = [0, 0], sizes = [1280, 64], strides = [1, 1]} : vector<1280x256xf32> to vector<1280x64xf32>
    %reshape3A_47 = vector.shape_cast %slice3A_46 : vector<1280x64xf32> to vector<32x40x64xf32>
    %slice3A_48 = vector.extract_strided_slice %get3A_44 {offsets = [0, 0], sizes = [32, 64], strides = [1, 1]} : vector<32x256xf32> to vector<32x64xf32>
    %broadcast_in_dim3A = vector.shape_cast %slice3A_48 : vector<32x64xf32> to vector<32x1x64xf32>
    %mul3A_49 = vector.broadcast %broadcast_in_dim3A : vector<32x1x64xf32> to vector<32x40x64xf32>
    %mul3A_50 = arith.mulf %reshape3A_45, %mul3A_49 : vector<32x40x64xf32>
    %reduce_sum3A = arith.constant dense<0.000000e+00> : vector<32x40xf32>
    %reduce_sum3A_51 = vector.multi_reduction <add>, %mul3A_50, %reduce_sum3A [2] : vector<32x40x64xf32> to vector<32x40xf32>
    %mul3A_52 = arith.constant 6.250000e-02 : f32
    %mul3A_53 = vector.broadcast %mul3A_52 : f32 to vector<32x40xf32>
    %mul3A_54 = arith.mulf %reduce_sum3A_51, %mul3A_53 : vector<32x40xf32>
    %reduce_max3A_55 = arith.constant dense<0xFF800000> : vector<32xf32>
    %reduce_max3A_56 = vector.multi_reduction <maximumf>, %mul3A_54, %reduce_max3A_55 [1] : vector<32x40xf32> to vector<32xf32>
    %broadcast_in_dim3A_57 = vector.shape_cast %reduce_max3A_56 : vector<32xf32> to vector<32x1xf32>
    %sub3A = vector.broadcast %broadcast_in_dim3A_57 : vector<32x1xf32> to vector<32x40xf32>
    %sub3A_58 = arith.subf %mul3A_54, %sub3A : vector<32x40xf32>
    %exp3A = math.exp %sub3A_58 : vector<32x40xf32>
    %reduce_sum3A_59 = arith.constant dense<0.000000e+00> : vector<32xf32>
    %reduce_sum3A_60 = vector.multi_reduction <add>, %exp3A, %reduce_sum3A_59 [1] : vector<32x40xf32> to vector<32xf32>
    %broadcast_in_dim3A_61 = vector.shape_cast %reduce_sum3A_60 : vector<32xf32> to vector<32x1xf32>
    %div3A = vector.broadcast %broadcast_in_dim3A_61 : vector<32x1xf32> to vector<32x40xf32>
    %div3A_62 = arith.divf %exp3A, %div3A : vector<32x40xf32>
    %broadcast_in_dim3A_63 = vector.shape_cast %div3A_62 : vector<32x40xf32> to vector<32x40x1xf32>
    %mul3A_64 = vector.broadcast %broadcast_in_dim3A_63 : vector<32x40x1xf32> to vector<32x40x64xf32>
    %mul3A_65 = arith.mulf %mul3A_64, %reshape3A_47 : vector<32x40x64xf32>
    %reduce_sum3A_66 = arith.constant dense<0.000000e+00> : vector<32x64xf32>
    %reduce_sum3A_67 = vector.multi_reduction <add>, %mul3A_65, %reduce_sum3A_66 [1] : vector<32x40x64xf32> to vector<32x64xf32>
    %slice3A_68 = vector.extract_strided_slice %dot_general3A_36 {offsets = [0, 64], sizes = [1280, 64], strides = [1, 1]} : vector<1280x256xf32> to vector<1280x64xf32>
    %reshape3A_69 = vector.shape_cast %slice3A_68 : vector<1280x64xf32> to vector<32x40x64xf32>
    %slice3A_70 = vector.extract_strided_slice %dot_general3A_41 {offsets = [0, 64], sizes = [1280, 64], strides = [1, 1]} : vector<1280x256xf32> to vector<1280x64xf32>
    %reshape3A_71 = vector.shape_cast %slice3A_70 : vector<1280x64xf32> to vector<32x40x64xf32>
    %slice3A_72 = vector.extract_strided_slice %get3A_44 {offsets = [0, 64], sizes = [32, 64], strides = [1, 1]} : vector<32x256xf32> to vector<32x64xf32>
    %broadcast_in_dim3A_73 = vector.shape_cast %slice3A_72 : vector<32x64xf32> to vector<32x1x64xf32>
    %mul3A_74 = vector.broadcast %broadcast_in_dim3A_73 : vector<32x1x64xf32> to vector<32x40x64xf32>
    %mul3A_75 = arith.mulf %reshape3A_69, %mul3A_74 : vector<32x40x64xf32>
    %reduce_sum3A_76 = arith.constant dense<0.000000e+00> : vector<32x40xf32>
    %reduce_sum3A_77 = vector.multi_reduction <add>, %mul3A_75, %reduce_sum3A_76 [2] : vector<32x40x64xf32> to vector<32x40xf32>
    %mul3A_78 = arith.constant 6.250000e-02 : f32
    %mul3A_79 = vector.broadcast %mul3A_78 : f32 to vector<32x40xf32>
    %mul3A_80 = arith.mulf %reduce_sum3A_77, %mul3A_79 : vector<32x40xf32>
    %reduce_max3A_81 = arith.constant dense<0xFF800000> : vector<32xf32>
    %reduce_max3A_82 = vector.multi_reduction <maximumf>, %mul3A_80, %reduce_max3A_81 [1] : vector<32x40xf32> to vector<32xf32>
    %broadcast_in_dim3A_83 = vector.shape_cast %reduce_max3A_82 : vector<32xf32> to vector<32x1xf32>
    %sub3A_84 = vector.broadcast %broadcast_in_dim3A_83 : vector<32x1xf32> to vector<32x40xf32>
    %sub3A_85 = arith.subf %mul3A_80, %sub3A_84 : vector<32x40xf32>
    %exp3A_86 = math.exp %sub3A_85 : vector<32x40xf32>
    %reduce_sum3A_87 = arith.constant dense<0.000000e+00> : vector<32xf32>
    %reduce_sum3A_88 = vector.multi_reduction <add>, %exp3A_86, %reduce_sum3A_87 [1] : vector<32x40xf32> to vector<32xf32>
    %broadcast_in_dim3A_89 = vector.shape_cast %reduce_sum3A_88 : vector<32xf32> to vector<32x1xf32>
    %div3A_90 = vector.broadcast %broadcast_in_dim3A_89 : vector<32x1xf32> to vector<32x40xf32>
    %div3A_91 = arith.divf %exp3A_86, %div3A_90 : vector<32x40xf32>
    %broadcast_in_dim3A_92 = vector.shape_cast %div3A_91 : vector<32x40xf32> to vector<32x40x1xf32>
    %mul3A_93 = vector.broadcast %broadcast_in_dim3A_92 : vector<32x40x1xf32> to vector<32x40x64xf32>
    %mul3A_94 = arith.mulf %mul3A_93, %reshape3A_71 : vector<32x40x64xf32>
    %reduce_sum3A_95 = arith.constant dense<0.000000e+00> : vector<32x64xf32>
    %reduce_sum3A_96 = vector.multi_reduction <add>, %mul3A_94, %reduce_sum3A_95 [1] : vector<32x40x64xf32> to vector<32x64xf32>
    %slice3A_97 = vector.extract_strided_slice %dot_general3A_36 {offsets = [0, 128], sizes = [1280, 64], strides = [1, 1]} : vector<1280x256xf32> to vector<1280x64xf32>
    %reshape3A_98 = vector.shape_cast %slice3A_97 : vector<1280x64xf32> to vector<32x40x64xf32>
    %slice3A_99 = vector.extract_strided_slice %dot_general3A_41 {offsets = [0, 128], sizes = [1280, 64], strides = [1, 1]} : vector<1280x256xf32> to vector<1280x64xf32>
    %reshape3A_100 = vector.shape_cast %slice3A_99 : vector<1280x64xf32> to vector<32x40x64xf32>
    %slice3A_101 = vector.extract_strided_slice %get3A_44 {offsets = [0, 128], sizes = [32, 64], strides = [1, 1]} : vector<32x256xf32> to vector<32x64xf32>
    %broadcast_in_dim3A_102 = vector.shape_cast %slice3A_101 : vector<32x64xf32> to vector<32x1x64xf32>
    %mul3A_103 = vector.broadcast %broadcast_in_dim3A_102 : vector<32x1x64xf32> to vector<32x40x64xf32>
    %mul3A_104 = arith.mulf %reshape3A_98, %mul3A_103 : vector<32x40x64xf32>
    %reduce_sum3A_105 = arith.constant dense<0.000000e+00> : vector<32x40xf32>
    %reduce_sum3A_106 = vector.multi_reduction <add>, %mul3A_104, %reduce_sum3A_105 [2] : vector<32x40x64xf32> to vector<32x40xf32>
    %mul3A_107 = arith.constant 6.250000e-02 : f32
    %mul3A_108 = vector.broadcast %mul3A_107 : f32 to vector<32x40xf32>
    %mul3A_109 = arith.mulf %reduce_sum3A_106, %mul3A_108 : vector<32x40xf32>
    %reduce_max3A_110 = arith.constant dense<0xFF800000> : vector<32xf32>
    %reduce_max3A_111 = vector.multi_reduction <maximumf>, %mul3A_109, %reduce_max3A_110 [1] : vector<32x40xf32> to vector<32xf32>
    %broadcast_in_dim3A_112 = vector.shape_cast %reduce_max3A_111 : vector<32xf32> to vector<32x1xf32>
    %sub3A_113 = vector.broadcast %broadcast_in_dim3A_112 : vector<32x1xf32> to vector<32x40xf32>
    %sub3A_114 = arith.subf %mul3A_109, %sub3A_113 : vector<32x40xf32>
    %exp3A_115 = math.exp %sub3A_114 : vector<32x40xf32>
    %reduce_sum3A_116 = arith.constant dense<0.000000e+00> : vector<32xf32>
    %reduce_sum3A_117 = vector.multi_reduction <add>, %exp3A_115, %reduce_sum3A_116 [1] : vector<32x40xf32> to vector<32xf32>
    %broadcast_in_dim3A_118 = vector.shape_cast %reduce_sum3A_117 : vector<32xf32> to vector<32x1xf32>
    %div3A_119 = vector.broadcast %broadcast_in_dim3A_118 : vector<32x1xf32> to vector<32x40xf32>
    %div3A_120 = arith.divf %exp3A_115, %div3A_119 : vector<32x40xf32>
    %broadcast_in_dim3A_121 = vector.shape_cast %div3A_120 : vector<32x40xf32> to vector<32x40x1xf32>
    %mul3A_122 = vector.broadcast %broadcast_in_dim3A_121 : vector<32x40x1xf32> to vector<32x40x64xf32>
    %mul3A_123 = arith.mulf %mul3A_122, %reshape3A_100 : vector<32x40x64xf32>
    %reduce_sum3A_124 = arith.constant dense<0.000000e+00> : vector<32x64xf32>
    %reduce_sum3A_125 = vector.multi_reduction <add>, %mul3A_123, %reduce_sum3A_124 [1] : vector<32x40x64xf32> to vector<32x64xf32>
    %slice3A_126 = vector.extract_strided_slice %dot_general3A_36 {offsets = [0, 192], sizes = [1280, 64], strides = [1, 1]} : vector<1280x256xf32> to vector<1280x64xf32>
    %reshape3A_127 = vector.shape_cast %slice3A_126 : vector<1280x64xf32> to vector<32x40x64xf32>
    %slice3A_128 = vector.extract_strided_slice %dot_general3A_41 {offsets = [0, 192], sizes = [1280, 64], strides = [1, 1]} : vector<1280x256xf32> to vector<1280x64xf32>
    %reshape3A_129 = vector.shape_cast %slice3A_128 : vector<1280x64xf32> to vector<32x40x64xf32>
    %slice3A_130 = vector.extract_strided_slice %get3A_44 {offsets = [0, 192], sizes = [32, 64], strides = [1, 1]} : vector<32x256xf32> to vector<32x64xf32>
    %broadcast_in_dim3A_131 = vector.shape_cast %slice3A_130 : vector<32x64xf32> to vector<32x1x64xf32>
    %mul3A_132 = vector.broadcast %broadcast_in_dim3A_131 : vector<32x1x64xf32> to vector<32x40x64xf32>
    %mul3A_133 = arith.mulf %reshape3A_127, %mul3A_132 : vector<32x40x64xf32>
    %reduce_sum3A_134 = arith.constant dense<0.000000e+00> : vector<32x40xf32>
    %reduce_sum3A_135 = vector.multi_reduction <add>, %mul3A_133, %reduce_sum3A_134 [2] : vector<32x40x64xf32> to vector<32x40xf32>
    %mul3A_136 = arith.constant 6.250000e-02 : f32
    %mul3A_137 = vector.broadcast %mul3A_136 : f32 to vector<32x40xf32>
    %mul3A_138 = arith.mulf %reduce_sum3A_135, %mul3A_137 : vector<32x40xf32>
    %reduce_max3A_139 = arith.constant dense<0xFF800000> : vector<32xf32>
    %reduce_max3A_140 = vector.multi_reduction <maximumf>, %mul3A_138, %reduce_max3A_139 [1] : vector<32x40xf32> to vector<32xf32>
    %broadcast_in_dim3A_141 = vector.shape_cast %reduce_max3A_140 : vector<32xf32> to vector<32x1xf32>
    %sub3A_142 = vector.broadcast %broadcast_in_dim3A_141 : vector<32x1xf32> to vector<32x40xf32>
    %sub3A_143 = arith.subf %mul3A_138, %sub3A_142 : vector<32x40xf32>
    %exp3A_144 = math.exp %sub3A_143 : vector<32x40xf32>
    %reduce_sum3A_145 = arith.constant dense<0.000000e+00> : vector<32xf32>
    %reduce_sum3A_146 = vector.multi_reduction <add>, %exp3A_144, %reduce_sum3A_145 [1] : vector<32x40xf32> to vector<32xf32>
    %broadcast_in_dim3A_147 = vector.shape_cast %reduce_sum3A_146 : vector<32xf32> to vector<32x1xf32>
    %div3A_148 = vector.broadcast %broadcast_in_dim3A_147 : vector<32x1xf32> to vector<32x40xf32>
    %div3A_149 = arith.divf %exp3A_144, %div3A_148 : vector<32x40xf32>
    %broadcast_in_dim3A_150 = vector.shape_cast %div3A_149 : vector<32x40xf32> to vector<32x40x1xf32>
    %mul3A_151 = vector.broadcast %broadcast_in_dim3A_150 : vector<32x40x1xf32> to vector<32x40x64xf32>
    %mul3A_152 = arith.mulf %mul3A_151, %reshape3A_129 : vector<32x40x64xf32>
    %reduce_sum3A_153 = arith.constant dense<0.000000e+00> : vector<32x64xf32>
    %reduce_sum3A_154 = vector.multi_reduction <add>, %mul3A_152, %reduce_sum3A_153 [1] : vector<32x40x64xf32> to vector<32x64xf32>
    %concatenate3A = tpu.concatenate %reduce_sum3A_67, %reduce_sum3A_96, %reduce_sum3A_125, %reduce_sum3A_154 in 1 : vector<32x64xf32>, vector<32x64xf32>, vector<32x64xf32>, vector<32x64xf32> -> vector<32x256xf32>
    %swap3A_155 = arith.constant 0 : index
    %swap3A_156 = arith.constant 0 : index
    %swap3A_157 = vector.load %arg10[%swap3A_155, %swap3A_156] : memref<32x256xf32, #tpu.memory_space<vmem>>, vector<32x256xf32>
    tpu.vector_store %arg10[%swap3A_155, %swap3A_156], %concatenate3A {strides = array<i32>} : memref<32x256xf32, #tpu.memory_space<vmem>>, vector<32x256xf32>,
    return
  }
  func.func @transform_0(%arg0: i32) -> (i32, i32) {
    %c0_i32 = arith.constant 0 : i32
    %c0_i32_0 = arith.constant 0 : i32
    return %arg0, %c0_i32 : i32, i32
  }
  func.func @transform_1(%arg0: i32) -> (i32, i32) {
    %c0_i32 = arith.constant 0 : i32
    %c0_i32_0 = arith.constant 0 : i32
    return %arg0, %c0_i32 : i32, i32
  }
  func.func @transform_2(%arg0: i32) -> (i32, i32) {
    %c0_i32 = arith.constant 0 : i32
    %c0_i32_0 = arith.constant 0 : i32
    %c0_i32_1 = arith.constant 0 : i32
    return %c0_i32, %c0_i32_0 : i32, i32
  }
  func.func @transform_3(%arg0: i32) -> (i32, i32) {
    %c0_i32 = arith.constant 0 : i32
    %c0_i32_0 = arith.constant 0 : i32
    %c0_i32_1 = arith.constant 0 : i32
    return %c0_i32, %c0_i32_0 : i32, i32
  }
  func.func @transform_4(%arg0: i32) -> (i32, i32) {
    %c0_i32 = arith.constant 0 : i32
    %c0_i32_0 = arith.constant 0 : i32
    %c0_i32_1 = arith.constant 0 : i32
    return %c0_i32, %c0_i32_0 : i32, i32
  }
  func.func @transform_5(%arg0: i32) -> (i32, i32) {
    %c0_i32 = arith.constant 0 : i32
    %c0_i32_0 = arith.constant 0 : i32
    %c0_i32_1 = arith.constant 0 : i32
    return %c0_i32, %c0_i32_0 : i32, i32
  }
  func.func @transform_6(%arg0: i32) -> (i32, i32) {
    %c0_i32 = arith.constant 0 : i32
    %c0_i32_0 = arith.constant 0 : i32
    %c0_i32_1 = arith.constant 0 : i32
    return %c0_i32, %c0_i32_0 : i32, i32
  }
  func.func @transform_7(%arg0: i32) -> (i32, i32) {
    %c0_i32 = arith.constant 0 : i32
    %c0_i32_0 = arith.constant 0 : i32
    %c0_i32_1 = arith.constant 0 : i32
    return %c0_i32, %c0_i32_0 : i32, i32
  }
  func.func @transform_8(%arg0: i32) -> (i32, i32) {
    %jit3A = arith.constant 8 : i32
    %eq3A = arith.constant 0 : i32
    %eq3A_0 = arith.cmpi eq, %jit3A, %eq3A : i32
    %jit3A_1 = arith.constant 1 : i32
    %select_n3A = arith.select %eq3A_0, %jit3A_1, %jit3A : i32
    %rem3A = arith.remsi %arg0, %select_n3A : i32
    %ne3A = arith.constant 0 : i32
    %ne3A_2 = arith.cmpi ne, %rem3A, %ne3A : i32
    %lt3A = arith.constant 0 : i32
    %lt3A_3 = arith.cmpi slt, %rem3A, %lt3A : i32
    %lt3A_4 = arith.constant 0 : i32
    %lt3A_5 = arith.cmpi slt, %select_n3A, %lt3A_4 : i32
    %ne3A_6 = arith.xori %lt3A_3, %lt3A_5 : i1
    %and3A = arith.andi %ne3A_6, %ne3A_2 : i1
    %add3A = arith.addi %rem3A, %select_n3A : i32
    %select_n3A_7 = arith.select %and3A, %add3A, %rem3A : i32
    %c0_i32 = arith.constant 0 : i32
    %c0_i32_8 = arith.constant 0 : i32
    return %select_n3A_7, %c0_i32 : i32, i32
  }
  func.func @transform_9(%arg0: i32) -> (i32, i32) {
    %c0_i32 = arith.constant 0 : i32
    %c0_i32_0 = arith.constant 0 : i32
    return %arg0, %c0_i32 : i32, i32
  }
  func.func @transform_10(%arg0: i32) -> (i32, i32) {
    %c0_i32 = arith.constant 0 : i32
    %c0_i32_0 = arith.constant 0 : i32
    return %arg0, %c0_i32 : i32, i32
  }
}

</mosaic_0001>

<sc_bundles>
// kernel: kernel.12.cloned.1.call-start
scs
__scs_entry_jumppad:
0x0: {  	(pc) =	sbr.rel $0x88, $3  }
0x1: {  	(tag) =	ssettag $0x0;
	lr =	simm.s32 $0x1  }
0x2: {  	[smem:$0x3F83] =	sst lr;
	_ =	strace $0xD0000000  }
0x3: {  	_ = 	snop  }
0x4: {  	_ = 	snop  }
0x5: {  	_ = 	snop  }
0x6: {  	_ = 	snop  }
0x7: {  	_ = 	snop  }
__scs_overlays_trampoline_lowered:
0x8: {  	[smem:$0x3F92] =	sst s0  }
0x9: {  	[smem:$0x3F93] =	sst s1  }
0xa: {  	[smem:$0x3F94] =	sst s2  }
0xb: {  	[smem:$0x3F95] =	sst s3  }
0xc: {  	[smem:$0x3F96] =	sst s4  }
0xd: {  	[smem:$0x3F97] =	sst s5  }
0xe: {  	[smem:$0x3F98] =	sst s6  }
0xf: {  	[smem:$0x3F99] =	sst s7  }
0x10: {  	[smem:$0x3F9A] =	sst s8  }
0x11: {  	[smem:$0x3F9B] =	sst s9;
	s0 =	simm.s32 @!p0 $0x0  }
0x12: {  	s1 =	sld [smem:$0x3F81];
	s0 =	simm.s32 @p0 $0x1  }
0x13: {  	[smem:$0x3F9C] =	sst s0;
	s0 =	simm.s32 @!p1 $0x0  }
0x14: {  	s2 =	sld [smem:$0x3F80];
	s0 =	simm.s32 @p1 $0x1  }
0x15: {  	[smem:$0x3F9D] =	sst s0;
	s0 =	simm.s32 @!p2 $0x0  }
0x16: {  	s3 =	sld [smem:$0x3FDB];
	s0 =	simm.s32 @p2 $0x1  }
0x17: {  	s4 =	simm.s32 $0x1BF5;
	[smem:$0x3F9F] =	sst s0  }
0x18: {  	s0 =	sld [smem:$0x3F82];
	_ =	swait.ge [sflag:s4], $0x0  }
0x19: {  	s7 =	sld [smem:$0x3F83]  }
0x1a: {  	s8 =	sadd.s32 $0xFFFFE003, lr  }
0x1b: {  	s9 =	sadd.s32 $0xFFFFFEF7, lr;
	s5 =	simm.s32 $0xFFFFFFFF;
	p2 =	slt.u32 s8, $0xFFFFF086  }
0x1c: {  	p1 =	slt.u32 s9, $0xF7A;
	s5 =	simm.s32 @!p2 $0x0  }
0x1d: {  	s5 =	simm.s32 @p1 $0x1;
	p0 =	seq.s32 s7, s2  }
0x1e: {  	s7 =	smul.u32 @!p0 $0xF7A, s2;
	p2 =	seq.s32 @!p0 s5, $0x0  }
0x1f: {  	s9 =	smul.u32 $0xF7A, s1;
	s8 =	simm.s32 @!p0 $0x1BF5;
	p2 =	por !p2, p0  }
0x20: {  	[sflag:s8] =	ssyncset.s32 @!p0 $0xFFFFF086;
	s6 =	sadd.s32 @!p0 s3, s7;
	s7 =	simm.s32 @!p0 $0x108  }
0x21: {  	s3 =	sadd.s32 s3, s9;
	s6 =	sadd.s32 @!p0 $0x88, s6;
	s7 =	simm.s32 @p2 $0x1082  }
0x22: {  	[simem:s7], [sflag:s8] =	dma.local @!p0 [hbm:s6], $0xF7A  }
0x23: {  	s9 =	sor.u32 $0xD0000000, s2;
	s6 =	simm.s32 $0x108;
	_ =	swait.ge @!p0 [sflag:s8], $0x0  }
0x24: {  	s3 =	sadd.s32 $0x88, s3;
	s6 =	simm.s32 @!p1 $0x1082;
	[sflag:s4] =	ssyncset.s32 $0xFFFFF086  }
0x25: {  	[simem:s6], [sflag:s4] =	dma.local [hbm:s3], $0xF7A  }
0x26: {  	[smem:$0x3F83] =	sst s1;
	(tag) =	ssettag s2;
	_ =	strace s9  }
0x27: {  	s1 =	sld [smem:$0x3F93]  }
0x28: {  	s2 =	sld [smem:$0x3F94]  }
0x29: {  	s4 =	sld [smem:$0x3F96]  }
0x2a: {  	p0 =	seq.s32 s5, $0x0;
	s5 =	sld [smem:$0x3F97]  }
0x2b: {  	s6 =	sld [smem:$0x3F98]  }
0x2c: {  	s7 =	sld [smem:$0x3F99]  }
0x2d: {  	s3 =	simm.s32 $0x108;
	s8 =	sld [smem:$0x3F9A]  }
0x2e: {  	s3 =	simm.s32 @!p0 $0x1082;
	s9 =	sld [smem:$0x3F9B]  }
0x2f: {  	lr =	sadd.s32 s0, s3;
	s0 =	sld [smem:$0x3F92]  }
0x30: {  	s3 =	sld [smem:$0x3F95]  }
0x31: {  	[smem:$0x3F9E] =	sst s10  }
0x32: {  	s10 =	sld [smem:$0x3F9C];
	_ =	sdelay $0x3  }
0x33: {  	p0 =	seq.s32 s10, $0x1;
	s10 =	sld [smem:$0x3F9E];
	_ =	sdelay $0x3  }
0x34: {  	[smem:$0x3F9E] =	sst s10  }
0x35: {  	s10 =	sld [smem:$0x3F9D];
	_ =	sdelay $0x3  }
0x36: {  	p1 =	seq.s32 s10, $0x1;
	s10 =	sld [smem:$0x3F9E];
	_ =	sdelay $0x3  }
0x37: {  	[smem:$0x3F9E] =	sst s10  }
0x38: {  	s10 =	sld [smem:$0x3F9F]  }
0x39: {  	_ = 	snop;
	(pc) =	sbr.ind lr, $3  }
0x3a: {  	_ = 	snop  }
0x3b: {  	_ = 	snop  }
0x3c: {  	p2 =	seq.s32 s10, $0x1;
	s10 =	sld [smem:$0x3F9E]  }
0x3d: {  	_ =	shalt  }
0x3e: {  	_ =	shalt  }
0x3f: {  	_ =	shalt  }
0x40: {  	_ =	shalt  }
0x41: {  	_ =	shalt  }
0x42: {  	_ =	shalt  }
0x43: {  	_ =	shalt  }
0x44: {  	_ =	shalt  }
0x45: {  	_ =	shalt  }
0x46: {  	_ =	shalt  }
0x47: {  	_ =	shalt  }
0x48: {  	_ =	shalt  }
0x49: {  	_ =	shalt  }
0x4a: {  	_ =	shalt  }
0x4b: {  	_ =	shalt  }
0x4c: {  	_ =	shalt  }
0x4d: {  	_ =	shalt  }
0x4e: {  	_ =	shalt  }
0x4f: {  	_ =	shalt  }
0x50: {  	_ =	shalt  }
0x51: {  	_ =	shalt  }
0x52: {  	_ =	shalt  }
0x53: {  	_ =	shalt  }
0x54: {  	_ =	shalt  }
0x55: {  	_ =	shalt  }
0x56: {  	_ =	shalt  }
0x57: {  	_ =	shalt  }
0x58: {  	_ =	shalt  }
0x59: {  	_ =	shalt  }
0x5a: {  	_ =	shalt  }
0x5b: {  	_ =	shalt  }
0x5c: {  	_ =	shalt  }
0x5d: {  	_ =	shalt  }
0x5e: {  	_ =	shalt  }
0x5f: {  	_ =	shalt  }
0x60: {  	_ =	shalt  }
0x61: {  	_ =	shalt  }
0x62: {  	_ =	shalt  }
0x63: {  	_ =	shalt  }
0x64: {  	_ =	shalt  }
0x65: {  	_ =	shalt  }
0x66: {  	_ =	shalt  }
0x67: {  	_ =	shalt  }
0x68: {  	_ =	shalt  }
0x69: {  	_ =	shalt  }
0x6a: {  	_ =	shalt  }
0x6b: {  	_ =	shalt  }
0x6c: {  	_ =	shalt  }
0x6d: {  	_ =	shalt  }
0x6e: {  	_ =	shalt  }
0x6f: {  	_ =	shalt  }
0x70: {  	_ =	shalt  }
0x71: {  	_ =	shalt  }
0x72: {  	_ =	shalt  }
0x73: {  	_ =	shalt  }
0x74: {  	_ =	shalt  }
0x75: {  	_ =	shalt  }
0x76: {  	_ =	shalt  }
0x77: {  	_ =	shalt  }
0x78: {  	_ =	shalt  }
0x79: {  	_ =	shalt  }
0x7a: {  	_ =	shalt  }
0x7b: {  	_ =	shalt  }
0x7c: {  	_ =	shalt  }
0x7d: {  	_ =	shalt  }
0x7e: {  	_ =	shalt  }
0x7f: {  	_ =	shalt  }
0x80: {  	_ =	shalt  }
0x81: {  	_ =	shalt  }
0x82: {  	_ =	shalt  }
0x83: {  	_ =	shalt  }
0x84: {  	_ =	shalt  }
0x85: {  	_ =	shalt  }
0x86: {  	_ =	shalt  }
0x87: {  	_ =	shalt  }
.Lfunc_end0:
.L_simem_size_0:
called_computation_lowered:
.L_overlay_start_0:
0x88: {  	s2 =	sld [smem:$0x3FD9]  }
0x89: {  	s3 =	sld [smem:$0x3FFE];
	_ =	sdelay $0x1  }
0x8a: {  	s1 =	srdreg.scid  }
0x8b: {  	s0 =	sand.u32 $0x1, s1  }
0x8c: {  	s17 =	sshll.u32 s0, $0xA;
	s2 =	sadd.s32 s3, s2  }
0x8d: {  	s2 =	sadd.s32 s2, s17  }
0x8e: {  	[smem:$0x3FAA] =	sst s2  }
0x8f: {  	_ = 	snop  }
0x90: {  	s2 =	sld [smem:$0x3FD0];
	(tm) =	ssettm $0x1  }
0x91: {  	s18 =	sld [smem:$0x3FFB];
	_ =	sdelay $0x3  }
0x92: {  	_ =	strace s18  }
0x93: {  	s3 =	sld [smem:$0x3FFC];
	_ =	sdelay $0x3  }
0x94: {  	_ =	strace s3  }
0x95: {  	s3 =	sld [smem:$0x3FFD];
	_ =	sdelay $0x3  }
0x96: {  	_ =	strace s3  }
0x97: {  	_ =	strace $0x8FFFFFFF  }
0x98: {  	s19 =	sld [smem:$0x3FDB];
	_ =	sdelay $0x1  }
0x99: {  	s4 =	simm.s32 $_scs_section_size  }
0x9a: {  	s5 =	simm.s32 $_size__tile_overlayer_lowered;
	s6 =	simm.s32 $_tile_overlayer_lowered  }
0x9b: {  	s22 =	simm.s32 $0x1BFF;
	s21 =	sshll.u32 s6, $0x1;
	s3 =	sadd.s32 s4, s19  }
0x9c: {  	s7 =	simm.s32 $0x0;
	s20 =	sshll.u32 s5, $0x1;
	s5 =	sadd.s32 s21, s3  }
0x9d: {  	[timem:s7], [sflag:s22] =	dma.local [hbm:s5], s20  }
0x9e: {  	_ =	swait.ge [sflag:s22], s20  }
0x9f: {  	s4 =	ssub.s32 $0x0, s20;
	[sflag:s22] =	ssyncset.done $0x0  }
0xa0: {  	[sflag:s22] =	ssyncadd.s32 s4;
	_ =	sdelay $0x1  }
0xa1: {  	s23 =	simm.s32 $0x1B8B  }
0xa2: {  	_ =	swait.ge [sflag:s23], $0x1  }
0xa3: {  	[sflag:s23] =	ssyncset.done $0x0  }
0xa4: {  	s25 =	simm.s32 $0x1B8E;
	s24 =	sld [smem:$0x3FFE];
	[sflag:s23] =	ssyncadd.s32 $0xFFFFFFFF  }
0xa5: {  	s26 =	simm.s32 $execute0_lowered;
	[smem:$0x3FD2] =	sst s25  }
0xa6: {  	s5 =	sshll.u32 s26, $0x1;
	_ =	strace $0x80000046;
	[dreg:$0x1] =	wrdreg $0xFFFFFFFF  }
0xa7: {  	s28 =	simm.s32 $_size_execute0_lowered;
	s3 =	sadd.s32 s3, s5;
	[dreg:$0x0] =	wrdreg $0x0  }
0xa8: {  	s5 =	sshll.u32 s28, $0x1;
	[dreg:$0x2] =	wrdreg s3  }
0xa9: {  	[dreg:$0x3] =	wrdreg s5  }
0xaa: {  	[dreg:$0x4] =	wrdreg $0xC0  }
0xab: {  	_ =	task [dreg:s7], $0x5FFFF  }
0xac: {  	[dreg:$0x1] =	wrdreg $0xFFFFFFFF  }
0xad: {  	[dreg:$0x0] =	wrdreg $0x60  }
0xae: {  	[dreg:$0x2] =	wrdreg s24  }
0xaf: {  	[dreg:$0x3] =	wrdreg s2  }
0xb0: {  	[dreg:$0x4] =	wrdreg $0x2B000  }
0xb1: {  	[dreg:$0x5] =	wrdreg $0x9  }
0xb2: {  	_ =	task.clear_ibuf [dreg:s7], $0x6FFFF;
	_ =	strace $0x90000046  }
0xb3: {  	s29 =	simm.s32 $0x9;
	_ =	strace $0x80000048  }
0xb4: {  	_ =	swait.ge [sflag:s29], $0x1  }
0xb5: {  	[sflag:s29] =	ssyncadd.s32 $0xFFFFFFFF  }
0xb6: {  	_ =	strace $0x90000048  }
0xb7: {  	_ =	sfence  }
0xb8: {  	s30 =	sld [smem:$0x0];
	_ =	sdelay $0x2  }
0xb9: {  	s31 =	sshll.u32 s1, $0xD;
	s1 =	sshrl.u32 s1, $0x2  }
0xba: {  	s3 =	sand.u32 $0x4000, s31;
	s1 =	sadd.s32 s1, s30  }
0xbb: {  	s0 =	sor.u32 s3, s0;
	s1 =	sshll.u32 s1, $0x11  }
0xbc: {  	s0 =	sor.u32 s1, s0  }
0xbd: {  	s0 =	sadd.s32 $0x8F2B, s0  }
0xbe: {  	[sflag:s0] =	ssyncadd.remote.s32 $0x1  }
0xbf: {  	_ =	sfence.sel $0xFFFF  }
0xc0: {  	[dreg:$0x0] =	wrdreg $0xFFFFFFFF;
	(pc) =	sbr.abs _section_cstart, $3  }
0xc1: {  	[dreg:$0x1] =	wrdreg $0xFFFFFFFF  }
0xc2: {  	_ =	task.clear_ibuf [dreg:s7], $0x2FFFF;
	_ =	strace $0x9FFFFFFF  }
0xc3: {  	(tm) =	ssettm $0x7FFFFFFF  }
tec
execute0_lowered:
.L_overlay_start_1:
0x0: {  	(tag) =	ssettag $0x1  }
0x1: {  	s6 =	rddreg [dreg:$0x0]  }
0x2: {  	s2 =	rddreg [dreg:$0x1];
	s0 =	srdreg.scid  }
0x3: {  	s3 =	rddreg [dreg:$0x2];
	s1 =	stileid.u32  }
0x4: {  	s4 =	simm.s32 $0x0;
	s12 =	simm.s32 $0x2880;
	s13 =	simm.s32 $0x80  }
0x5: {  	s16 =	simm.s32 $0x0;
	s5 =	sand.u32 $0x1, s0;
	s0 =	rddreg [dreg:$0x3]  }
0x6: {  	s8 =	smul.u32 $0x280, s1;
	[smem:$0x7FF] =	sst s4;
	s14 =	sshll.u32 s1, $0x6  }
0x7: {  	s7 =	sshll.u32 s5, $0x4;
	s9 =	smul.u32 $0x2800, s5;
	_ =	strace $0x80000047  }
0x8: {  	s10 =	ssub.s32 $0x2, s5;
	s5 =	sadd.s32 $0x1AE00, s6;
	s7 =	sor.u32 s1, s7  }
0x9: {  	s11 =	sshrl.u32 s10, $0x1;
	s7 =	smul.u32 $0x500, s7;
	s9 =	sadd.s32 s8, s9  }
0xa: {  	s14 =	sor.u32 $0x1C01, s14;
	s10 =	ssub.s32 s10, s11;
	s9 =	sshrl.u32 s9, $0x3  }
0xb: {  	s11 =	simm.s32 $0x1;
	s7 =	sadd.s32 s7, s6;
	s9 =	sadd.s32 s9, s6  }
0xc: {  	s6 =	sadd.s32 s8, s3;
	s7 =	sadd.s32 $0x6E00, s7;
	s8 =	sadd.s32 $0x1B000, s9  }
0xd: {  	s9 =	smax.u32 s10, $0x1;
	s10 =	simm.s32 $0x2800;
	s15 =	sshrl.u32 s6, $0x3  }
.LBB2_1:
0xe: {  	[tilespmem:s10], [sflag:$0x1] =	stream.linear.gather [hbm4b:s2+s4], $0x80, $0x38;
	[tilespmem:$0x2D80] =	vst v63  }
0xf: {  	_ =	swait.ge [sflag:s11], $0x80  }
0x10: {  	[sflag:s11] =	ssyncset.done $0x0  }
0x11: {  	[sflag:s11] =	ssyncadd.s32 $0xFFFFFF80  }
0x12: {  	[tilespmem:s12], [sflag:$0x1] =	stream.linear.gather [hbm4b:s5+s4], $0x280, $0x38;
	[tilespmem:$0x2D80] =	vst v63  }
0x13: {  	_ =	swait.ge [sflag:s11], $0x280  }
0x14: {  	[sflag:s11] =	ssyncset.done $0x0  }
0x15: {  	[sflag:s11] =	ssyncadd.s32 $0xFFFFFD80  }
0x16: {  	[spmem:s6] =	stream.linear.scatter [tilespmem:s12], [sflag:$0x1], $0x280, $0x38;
	[tilespmem:$0x2D80] =	vst v63  }
0x17: {  	_ =	swait.ge [sflag:s11], $0x280  }
0x18: {  	[sflag:s11] =	ssyncset.done $0x0  }
0x19: {  	[sflag:s11] =	ssyncadd.s32 $0xFFFFFD80  }
0x1a: {  	[tilespmem:s4], [sflag:$0x1] =	stream.linear.gather [hbm4b:s7+s4], $0x2800, $0x38;
	[tilespmem:$0x2D80] =	vst v63  }
0x1b: {  	_ =	swait.ge [sflag:s11], $0x2800  }
0x1c: {  	[sflag:s11] =	ssyncset.done $0x0  }
0x1d: {  	[sflag:s11] =	ssyncadd.s32 $0xFFFFD800  }
0x1e: {  	s17 =	simm.s32 $0x0;
	[bflag:$0x0] =	sbarrier.arrive $0xFFFF  }
0x1f: {  	[spmem:s3] =	stream.indirect.scatter.add.f32 [tilespmem:s10], [sflag:$0x1], $0x1, s17, s13, $0xb8;
	[tilespmem:$0x2D80] =	vst v63  }
0x20: {  	_ =	swait.ge [sflag:s11], $0x80  }
0x21: {  	s17 =	simm.s32 $0x200;
	[sflag:s11] =	ssyncset.done $0x0  }
.LBB2_2:
0x22: {  	s18 =	sshra.s32 s17, $0x2;
	[sflag:s11] =	ssyncadd.s32 $0xFFFFFF80;
	p0 =	sne.s32 s17, $0x9E00  }
0x23: {  	[spmem:s3] =	stream.indirect.scatter.add.f32 [tilespmem:s10], [sflag:$0x1], $0x1, s18, s13, $0xb8;
	[tilespmem:$0x2D80] =	vst v63  }
.Ltmp0:
0x24: {  	_ = 	snop;
	(pc) =	sbr.rel @p0 .LBB2_2-.Ltmp0, $4  }
0x25: {  	_ = 	snop  }
0x26: {  	s17 =	sadd.s32 $0x200, s17  }
0x27: {  	_ =	swait.ge [sflag:s11], $0x80  }
0x28: {  	[sflag:s11] =	ssyncset.done $0x0  }
0x29: {  	s16 =	sadd.s32 $0x1, s16  }
0x2a: {  	[sflag:s11] =	ssyncadd.s32 $0xFFFFFF80;
	p0 =	sne.s32 s16, s9  }
.Ltmp1:
0x2b: {  	[bflag:$0x0] =	sbarrier.arrive $0xFFFF;
	(pc) =	sbr.rel @p0 .LBB2_1-.Ltmp1, $4  }
0x2c: {  	[hbm:s8], [sflag:s14] =	dma.local [spmem:s15], $0x50  }
0x2d: {  	_ =	swait.ge [sflag:s11], $0x50  }
0x2e: {  	[sflag:s11] =	ssyncset.done $0x0  }
0x2f: {  	[sflag:s11] =	ssyncadd.s32 $0xFFFFFFB0  }
0x30: {  	_ =	sfence.sel $0x180000  }
0x31: {  	[bflag:$0x0] =	sbarrier.arrive $0xFFFF  }
0x32: {  	p0 =	sne.s32 s1, $0x0;
	_ =	strace $0x90000047  }
0x33: {  	s0 =	sadd.s32 @!p0 $0x100000, s0;
	[bflag:$0x2] =	sbarrier.arrive $0xFFFF  }
0x34: {  	[sflag:s0] =	ssyncadd.tile.s32 @!p0 $0x1;
	_ =	shalt  }
.Lfunc_end2:
_tile_overlayer_lowered:
.L_overlay_start_2:
0x35: {  	(tag) =	ssettag $0x2  }
0x36: {  	s0 =	rddreg [dreg:$0x0];
	s2 =	stileid.u32  }
0x37: {  	s1 =	rddreg [dreg:$0x1];
	p0 =	sne.s32 s2, $0x0  }
0x38: {  	s3 =	rddreg [dreg:$0x2];
	[bflag:$0x3] =	sbarrier.arrive $0xFFFF;
	s2 =	simm.s32 @!p0 $0x1C01  }
0x39: {  	[timem:s3], [sflag:s2] =	dma.local @!p0 [hbm:s0], s1  }
0x3a: {  	s0 =	simm.s32 @!p0 $0x1  }
0x3b: {  	_ =	swait.ge @!p0 [sflag:s0], s1  }
0x3c: {  	s1 =	ssub.s32 @!p0 $0x0, s1;
	[sflag:s0] =	ssyncset.done @!p0 $0x0  }
0x3d: {  	[sflag:s0] =	ssyncadd.s32 @!p0 s1  }
0x3e: {  	[bflag:$0x3] =	sbarrier.arrive $0xFFFF  }
0x3f: {  	_ =	shalt  }

// kernel: kernel.15.cloned.1.call-start
scs
__scs_entry_jumppad:
0x0: {  	(pc) =	sbr.rel $0x88, $3  }
0x1: {  	(tag) =	ssettag $0x0;
	lr =	simm.s32 $0x1  }
0x2: {  	[smem:$0x3F83] =	sst lr;
	_ =	strace $0xD0000000  }
0x3: {  	_ = 	snop  }
0x4: {  	_ = 	snop  }
0x5: {  	_ = 	snop  }
0x6: {  	_ = 	snop  }
0x7: {  	_ = 	snop  }
__scs_overlays_trampoline_lowered:
0x8: {  	[smem:$0x3F92] =	sst s0  }
0x9: {  	[smem:$0x3F93] =	sst s1  }
0xa: {  	[smem:$0x3F94] =	sst s2  }
0xb: {  	[smem:$0x3F95] =	sst s3  }
0xc: {  	[smem:$0x3F96] =	sst s4  }
0xd: {  	[smem:$0x3F97] =	sst s5  }
0xe: {  	[smem:$0x3F98] =	sst s6  }
0xf: {  	[smem:$0x3F99] =	sst s7  }
0x10: {  	[smem:$0x3F9A] =	sst s8  }
0x11: {  	[smem:$0x3F9B] =	sst s9;
	s0 =	simm.s32 @!p0 $0x0  }
0x12: {  	s1 =	sld [smem:$0x3F81];
	s0 =	simm.s32 @p0 $0x1  }
0x13: {  	[smem:$0x3F9C] =	sst s0;
	s0 =	simm.s32 @!p1 $0x0  }
0x14: {  	s2 =	sld [smem:$0x3F80];
	s0 =	simm.s32 @p1 $0x1  }
0x15: {  	[smem:$0x3F9D] =	sst s0;
	s0 =	simm.s32 @!p2 $0x0  }
0x16: {  	s3 =	sld [smem:$0x3FDB];
	s0 =	simm.s32 @p2 $0x1  }
0x17: {  	s4 =	simm.s32 $0x1BF5;
	[smem:$0x3F9F] =	sst s0  }
0x18: {  	s0 =	sld [smem:$0x3F82];
	_ =	swait.ge [sflag:s4], $0x0  }
0x19: {  	s7 =	sld [smem:$0x3F83]  }
0x1a: {  	s8 =	sadd.s32 $0xFFFFE003, lr  }
0x1b: {  	s9 =	sadd.s32 $0xFFFFFEF7, lr;
	s5 =	simm.s32 $0xFFFFFFFF;
	p2 =	slt.u32 s8, $0xFFFFF086  }
0x1c: {  	p1 =	slt.u32 s9, $0xF7A;
	s5 =	simm.s32 @!p2 $0x0  }
0x1d: {  	s5 =	simm.s32 @p1 $0x1;
	p0 =	seq.s32 s7, s2  }
0x1e: {  	s7 =	smul.u32 @!p0 $0xF7A, s2;
	p2 =	seq.s32 @!p0 s5, $0x0  }
0x1f: {  	s9 =	smul.u32 $0xF7A, s1;
	s8 =	simm.s32 @!p0 $0x1BF5;
	p2 =	por !p2, p0  }
0x20: {  	[sflag:s8] =	ssyncset.s32 @!p0 $0xFFFFF086;
	s6 =	sadd.s32 @!p0 s3, s7;
	s7 =	simm.s32 @!p0 $0x108  }
0x21: {  	s3 =	sadd.s32 s3, s9;
	s6 =	sadd.s32 @!p0 $0x88, s6;
	s7 =	simm.s32 @p2 $0x1082  }
0x22: {  	[simem:s7], [sflag:s8] =	dma.local @!p0 [hbm:s6], $0xF7A  }
0x23: {  	s9 =	sor.u32 $0xD0000000, s2;
	s6 =	simm.s32 $0x108;
	_ =	swait.ge @!p0 [sflag:s8], $0x0  }
0x24: {  	s3 =	sadd.s32 $0x88, s3;
	s6 =	simm.s32 @!p1 $0x1082;
	[sflag:s4] =	ssyncset.s32 $0xFFFFF086  }
0x25: {  	[simem:s6], [sflag:s4] =	dma.local [hbm:s3], $0xF7A  }
0x26: {  	[smem:$0x3F83] =	sst s1;
	(tag) =	ssettag s2;
	_ =	strace s9  }
0x27: {  	s1 =	sld [smem:$0x3F93]  }
0x28: {  	s2 =	sld [smem:$0x3F94]  }
0x29: {  	s4 =	sld [smem:$0x3F96]  }
0x2a: {  	p0 =	seq.s32 s5, $0x0;
	s5 =	sld [smem:$0x3F97]  }
0x2b: {  	s6 =	sld [smem:$0x3F98]  }
0x2c: {  	s7 =	sld [smem:$0x3F99]  }
0x2d: {  	s3 =	simm.s32 $0x108;
	s8 =	sld [smem:$0x3F9A]  }
0x2e: {  	s3 =	simm.s32 @!p0 $0x1082;
	s9 =	sld [smem:$0x3F9B]  }
0x2f: {  	lr =	sadd.s32 s0, s3;
	s0 =	sld [smem:$0x3F92]  }
0x30: {  	s3 =	sld [smem:$0x3F95]  }
0x31: {  	[smem:$0x3F9E] =	sst s10  }
0x32: {  	s10 =	sld [smem:$0x3F9C];
	_ =	sdelay $0x3  }
0x33: {  	p0 =	seq.s32 s10, $0x1;
	s10 =	sld [smem:$0x3F9E];
	_ =	sdelay $0x3  }
0x34: {  	[smem:$0x3F9E] =	sst s10  }
0x35: {  	s10 =	sld [smem:$0x3F9D];
	_ =	sdelay $0x3  }
0x36: {  	p1 =	seq.s32 s10, $0x1;
	s10 =	sld [smem:$0x3F9E];
	_ =	sdelay $0x3  }
0x37: {  	[smem:$0x3F9E] =	sst s10  }
0x38: {  	s10 =	sld [smem:$0x3F9F]  }
0x39: {  	_ = 	snop;
	(pc) =	sbr.ind lr, $3  }
0x3a: {  	_ = 	snop  }
0x3b: {  	_ = 	snop  }
0x3c: {  	p2 =	seq.s32 s10, $0x1;
	s10 =	sld [smem:$0x3F9E]  }
0x3d: {  	_ =	shalt  }
0x3e: {  	_ =	shalt  }
0x3f: {  	_ =	shalt  }
0x40: {  	_ =	shalt  }
0x41: {  	_ =	shalt  }
0x42: {  	_ =	shalt  }
0x43: {  	_ =	shalt  }
0x44: {  	_ =	shalt  }
0x45: {  	_ =	shalt  }
0x46: {  	_ =	shalt  }
0x47: {  	_ =	shalt  }
0x48: {  	_ =	shalt  }
0x49: {  	_ =	shalt  }
0x4a: {  	_ =	shalt  }
0x4b: {  	_ =	shalt  }
0x4c: {  	_ =	shalt  }
0x4d: {  	_ =	shalt  }
0x4e: {  	_ =	shalt  }
0x4f: {  	_ =	shalt  }
0x50: {  	_ =	shalt  }
0x51: {  	_ =	shalt  }
0x52: {  	_ =	shalt  }
0x53: {  	_ =	shalt  }
0x54: {  	_ =	shalt  }
0x55: {  	_ =	shalt  }
0x56: {  	_ =	shalt  }
0x57: {  	_ =	shalt  }
0x58: {  	_ =	shalt  }
0x59: {  	_ =	shalt  }
0x5a: {  	_ =	shalt  }
0x5b: {  	_ =	shalt  }
0x5c: {  	_ =	shalt  }
0x5d: {  	_ =	shalt  }
0x5e: {  	_ =	shalt  }
0x5f: {  	_ =	shalt  }
0x60: {  	_ =	shalt  }
0x61: {  	_ =	shalt  }
0x62: {  	_ =	shalt  }
0x63: {  	_ =	shalt  }
0x64: {  	_ =	shalt  }
0x65: {  	_ =	shalt  }
0x66: {  	_ =	shalt  }
0x67: {  	_ =	shalt  }
0x68: {  	_ =	shalt  }
0x69: {  	_ =	shalt  }
0x6a: {  	_ =	shalt  }
0x6b: {  	_ =	shalt  }
0x6c: {  	_ =	shalt  }
0x6d: {  	_ =	shalt  }
0x6e: {  	_ =	shalt  }
0x6f: {  	_ =	shalt  }
0x70: {  	_ =	shalt  }
0x71: {  	_ =	shalt  }
0x72: {  	_ =	shalt  }
0x73: {  	_ =	shalt  }
0x74: {  	_ =	shalt  }
0x75: {  	_ =	shalt  }
0x76: {  	_ =	shalt  }
0x77: {  	_ =	shalt  }
0x78: {  	_ =	shalt  }
0x79: {  	_ =	shalt  }
0x7a: {  	_ =	shalt  }
0x7b: {  	_ =	shalt  }
0x7c: {  	_ =	shalt  }
0x7d: {  	_ =	shalt  }
0x7e: {  	_ =	shalt  }
0x7f: {  	_ =	shalt  }
0x80: {  	_ =	shalt  }
0x81: {  	_ =	shalt  }
0x82: {  	_ =	shalt  }
0x83: {  	_ =	shalt  }
0x84: {  	_ =	shalt  }
0x85: {  	_ =	shalt  }
0x86: {  	_ =	shalt  }
0x87: {  	_ =	shalt  }
.Lfunc_end0:
.L_simem_size_0:
called_computation.1_lowered:
.L_overlay_start_0:
0x88: {  	s2 =	sld [smem:$0x3FD9]  }
0x89: {  	s3 =	sld [smem:$0x3FFE];
	_ =	sdelay $0x1  }
0x8a: {  	s1 =	srdreg.scid  }
0x8b: {  	s0 =	sand.u32 $0x1, s1  }
0x8c: {  	s16 =	sshll.u32 s0, $0xA;
	s2 =	sadd.s32 s3, s2  }
0x8d: {  	s2 =	sadd.s32 s2, s16  }
0x8e: {  	[smem:$0x3FAA] =	sst s2  }
0x8f: {  	_ = 	snop  }
0x90: {  	(tm) =	ssettm $0x1  }
0x91: {  	s17 =	sld [smem:$0x3FFB];
	_ =	sdelay $0x3  }
0x92: {  	_ =	strace s17  }
0x93: {  	s2 =	sld [smem:$0x3FFC];
	_ =	sdelay $0x3  }
0x94: {  	_ =	strace s2  }
0x95: {  	s2 =	sld [smem:$0x3FFD];
	_ =	sdelay $0x3  }
0x96: {  	_ =	strace s2  }
0x97: {  	_ =	strace $0x8FFFFFFF  }
0x98: {  	s18 =	sld [smem:$0x3FDB];
	_ =	sdelay $0x1  }
0x99: {  	s19 =	simm.s32 $_scs_section_size  }
0x9a: {  	s4 =	simm.s32 $_size__tile_overlayer_lowered;
	s5 =	simm.s32 $_tile_overlayer_lowered  }
0x9b: {  	s22 =	simm.s32 $0x1BFF;
	s21 =	sshll.u32 s5, $0x1;
	s2 =	sadd.s32 s19, s18  }
0x9c: {  	s6 =	simm.s32 $0x0;
	s20 =	sshll.u32 s4, $0x1;
	s4 =	sadd.s32 s21, s2  }
0x9d: {  	[timem:s6], [sflag:s22] =	dma.local [hbm:s4], s20  }
0x9e: {  	_ =	swait.ge [sflag:s22], s20  }
0x9f: {  	s3 =	ssub.s32 $0x0, s20;
	[sflag:s22] =	ssyncset.done $0x0  }
0xa0: {  	[sflag:s22] =	ssyncadd.s32 s3;
	_ =	sdelay $0x1  }
0xa1: {  	s23 =	simm.s32 $0x1B8B  }
0xa2: {  	_ =	swait.ge [sflag:s23], $0x1  }
0xa3: {  	[sflag:s23] =	ssyncset.done $0x0  }
0xa4: {  	s25 =	simm.s32 $0x1B8E;
	s24 =	sld [smem:$0x3FFE];
	[sflag:s23] =	ssyncadd.s32 $0xFFFFFFFF  }
0xa5: {  	s26 =	simm.s32 $execute0_lowered;
	[smem:$0x3FD2] =	sst s25  }
0xa6: {  	s4 =	sshll.u32 s26, $0x1;
	_ =	strace $0x80000049;
	[dreg:$0x1] =	wrdreg $0xFFFFFFFF  }
0xa7: {  	s28 =	simm.s32 $_size_execute0_lowered;
	s2 =	sadd.s32 s2, s4;
	[dreg:$0x0] =	wrdreg $0x0  }
0xa8: {  	s4 =	sshll.u32 s28, $0x1;
	[dreg:$0x2] =	wrdreg s2  }
0xa9: {  	[dreg:$0x3] =	wrdreg s4  }
0xaa: {  	[dreg:$0x4] =	wrdreg $0xC0  }
0xab: {  	_ =	task [dreg:s6], $0x5FFFF  }
0xac: {  	[dreg:$0x1] =	wrdreg $0xFFFFFFFF  }
0xad: {  	[dreg:$0x0] =	wrdreg $0x60  }
0xae: {  	[dreg:$0x2] =	wrdreg s24  }
0xaf: {  	[dreg:$0x3] =	wrdreg $0x90000  }
0xb0: {  	[dreg:$0x4] =	wrdreg $0x9  }
0xb1: {  	_ =	task.clear_ibuf [dreg:s6], $0x5FFFF;
	_ =	strace $0x90000049  }
0xb2: {  	s29 =	simm.s32 $0x9;
	_ =	strace $0x8000004B  }
0xb3: {  	_ =	swait.ge [sflag:s29], $0x1  }
0xb4: {  	[sflag:s29] =	ssyncadd.s32 $0xFFFFFFFF  }
0xb5: {  	_ =	strace $0x9000004B  }
0xb6: {  	_ =	sfence  }
0xb7: {  	s30 =	sld [smem:$0x0];
	_ =	sdelay $0x2  }
0xb8: {  	s31 =	sshll.u32 s1, $0xD;
	s1 =	sshrl.u32 s1, $0x2  }
0xb9: {  	s3 =	sand.u32 $0x4000, s31;
	s1 =	sadd.s32 s1, s30  }
0xba: {  	s0 =	sor.u32 s3, s0;
	s1 =	sshll.u32 s1, $0x11  }
0xbb: {  	s0 =	sor.u32 s1, s0  }
0xbc: {  	s0 =	sadd.s32 $0x8F2B, s0  }
0xbd: {  	[sflag:s0] =	ssyncadd.remote.s32 $0x1  }
0xbe: {  	_ =	sfence.sel $0xFFFF  }
0xbf: {  	[dreg:$0x0] =	wrdreg $0xFFFFFFFF;
	(pc) =	sbr.abs _section_cstart, $3  }
0xc0: {  	[dreg:$0x1] =	wrdreg $0xFFFFFFFF  }
0xc1: {  	_ =	task.clear_ibuf [dreg:s6], $0x2FFFF;
	_ =	strace $0x9FFFFFFF  }
0xc2: {  	(tm) =	ssettm $0x7FFFFFFF  }
0xc3: {  	_ =	shalt  }
tec
execute0_lowered:
.L_overlay_start_1:
0x0: {  	(tag) =	ssettag $0x1  }
0x1: {  	s0 =	srdreg.scid;
	s1 =	rddreg [dreg:$0x0]  }
0x2: {  	s9 =	stileid.u32;
	s2 =	rddreg [dreg:$0x1];
	s3 =	simm.s32 $0x0  }
0x3: {  	s14 =	simm.s32 $0x100;
	s15 =	simm.s32 $0x880;
	s17 =	simm.s32 $0x180  }
0x4: {  	s18 =	simm.s32 $0x900;
	s19 =	simm.s32 $0x200;
	[smem:$0x7FF] =	sst s3  }
0x5: {  	s20 =	simm.s32 $0x980;
	_ =	strace $0x8000004A;
	[dreg:$0x5] =	wrdreg s14  }
0x6: {  	s21 =	simm.s32 $0x280;
	s10 =	simm.s32 $0x3;
	[dreg:$0x6] =	wrdreg s15  }
0x7: {  	s22 =	simm.s32 $0xA00;
	s23 =	simm.s32 $0x300;
	[dreg:$0x7] =	wrdreg s17  }
0x8: {  	s24 =	simm.s32 $0xA80;
	s25 =	simm.s32 $0x380;
	[dreg:$0x8] =	wrdreg s18  }
0x9: {  	s26 =	simm.s32 $0xB00;
	s28 =	simm.s32 $0x680;
	[dreg:$0x9] =	wrdreg s19  }
0xa: {  	s29 =	simm.s32 $0xE00;
	s30 =	simm.s32 $0x700;
	[dreg:$0xa] =	wrdreg s20  }
0xb: {  	s31 =	simm.s32 $0xE80;
	s5 =	smul.u32 $0x2800, s9;
	[dreg:$0xb] =	wrdreg s21  }
0xc: {  	s0 =	sand.u32 $0x1, s0;
	s7 =	smul.u32 $0x280, s9;
	[dreg:$0xc] =	wrdreg s22  }
0xd: {  	s8 =	smul.u32 $0x50000, s9;
	s16 =	sshll.u32 s9, $0x6;
	[dreg:$0xd] =	wrdreg s23  }
0xe: {  	s9 =	simm.s32 $0x0;
	s4 =	smul.u32 $0x28000, s0;
	[dreg:$0xe] =	wrdreg s24  }
0xf: {  	s6 =	smul.u32 $0x2800, s0;
	s0 =	ssub.s32 $0x2, s0;
	[dreg:$0xf] =	wrdreg s25  }
0x10: {  	s14 =	simm.s32 $0x5000;
	s15 =	simm.s32 $0x1;
	[dreg:$0x10] =	wrdreg s26  }
0x11: {  	s17 =	simm.s32 $0x400;
	s18 =	simm.s32 $0xB80;
	s19 =	simm.s32 $0x480  }
0x12: {  	s20 =	simm.s32 $0xC00;
	s21 =	simm.s32 $0x500;
	s22 =	simm.s32 $0xC80  }
0x13: {  	s23 =	simm.s32 $0x580;
	s24 =	simm.s32 $0xD00;
	s25 =	simm.s32 $0x600  }
0x14: {  	s11 =	sshrl.u32 s0, $0x1;
	s8 =	sshrl.u32 s8, $0x2;
	s5 =	sadd.s32 s5, s4  }
0x15: {  	s4 =	sadd.s32 $0x1AE00, s1;
	s6 =	sadd.s32 s7, s6;
	s0 =	ssub.s32 s0, s11  }
0x16: {  	s13 =	sadd.s32 s8, s2;
	s8 =	sor.u32 $0x1C03, s16;
	s5 =	sshrl.u32 s5, $0x3  }
0x17: {  	s6 =	sshll.u32 s6, $0x4;
	s0 =	smax.u32 s0, $0x1;
	[dreg:$0x12] =	wrdreg s8  }
0x18: {  	s7 =	sshrl.u32 s13, $0x3;
	s5 =	sadd.s32 s5, s1;
	[dreg:$0x14] =	wrdreg s0  }
0x19: {  	s1 =	sadd.s32 s6, s1;
	s6 =	sadd.s32 s4, s6;
	[dreg:$0x15] =	wrdreg s7  }
0x1a: {  	s26 =	simm.s32 $0xD80;
	s12 =	sadd.s32 $0x6E00, s5;
	[dreg:$0x11] =	wrdreg s6  }
0x1b: {  	s11 =	simm.s32 $0x800;
	s5 =	sadd.s32 $0x10E00, s5;
	[dreg:$0x3] =	wrdreg s12  }
0x1c: {  	s16 =	simm.s32 $0x2;
	s1 =	sadd.s32 $0xBAE00, s1;
	[dreg:$0x4] =	wrdreg s5  }
0x1d: {  	s13 =	simm.s32 $0x1000;
	s0 =	simm.s32 $0xF00;
	[dreg:$0x13] =	wrdreg s1  }
0x1e: {  	s12 =	simm.s32 $0x80;
	s1 =	simm.s32 $0x780;
	s5 =	simm.s32 $0xF80  }
.LBB2_1:
0x1f: {  	[dreg:$0x16] =	wrdreg s9  }
0x20: {  	s6 =	rddreg [dreg:$0x11]  }
0x21: {  	[spmem:s7], [sflag:s8] =	dma.local [hbm:s6], $0x2800  }
0x22: {  	_ =	swait.ge [sflag:s10], $0x2800  }
0x23: {  	[sflag:s10] =	ssyncset.done $0x0  }
0x24: {  	[sflag:s10] =	ssyncadd.s32 $0xFFFFD800  }
0x25: {  	[bflag:$0x0] =	sbarrier.arrive $0xFFFF  }
0x26: {  	s8 =	rddreg [dreg:$0x4]  }
0x27: {  	s6 =	sadd.s32 $0x0, s8  }
0x28: {  	[tilespmem:s3], [sflag:$0x3] =	stream.linear.gather [hbm4b:s6+s3], $0x800, $0x38;
	[tilespmem:$0x1D000] =	vst v63  }
0x29: {  	_ =	swait.ge [sflag:s10], $0x800  }
0x2a: {  	s9 =	rddreg [dreg:$0x3];
	[sflag:s10] =	ssyncset.done $0x0  }
0x2b: {  	[sflag:s10] =	ssyncadd.s32 $0xFFFFF800;
	s6 =	sadd.s32 $0x0, s9  }
0x2c: {  	[tilespmem:s11], [sflag:$0x3] =	stream.linear.gather [hbm4b:s6+s3], $0x800, $0x38;
	[tilespmem:$0x1D000] =	vst v63  }
0x2d: {  	_ =	swait.ge [sflag:s10], $0x800  }
0x2e: {  	[sflag:s10] =	ssyncset.done $0x0  }
0x2f: {  	[sflag:s10] =	ssyncadd.s32 $0xFFFFF800  }
0x30: {  	[tilespmem:s13], [sflag:$0x1] =	stream.indirect.gather [hbm4b:s4+s12], $0x80, s3, s12, $0xb8;
	[tilespmem:$0x1D000] =	vst v63  }
0x31: {  	_ = 	snop  }
0x32: {  	[tilespmem:s14], [sflag:$0x2] =	stream.indirect.gather [hbm4b:s4+s12], $0x80, s12, s12, $0xb8;
	[tilespmem:$0x1D000] =	vst v63  }
0x33: {  	_ =	swait.ge [sflag:s15], $0x4000  }
0x34: {  	[sflag:s15] =	ssyncset.done $0x0  }
0x35: {  	[sflag:s15] =	ssyncadd.s32 $0xFFFFC000  }
0x36: {  	[spmem:s2] =	stream.indirect.scatter.add.f32 [tilespmem:s13], [sflag:$0x3], $0x80, s11, s12, $0xb8;
	[tilespmem:$0x1D000] =	vst v63  }
0x37: {  	_ =	swait.ge [sflag:s10], $0x4000  }
0x38: {  	[sflag:s10] =	ssyncset.done $0x0  }
0x39: {  	s7 =	rddreg [dreg:$0x5];
	[sflag:s10] =	ssyncadd.s32 $0xFFFFC000  }
0x3a: {  	[tilespmem:s13], [sflag:$0x1] =	stream.indirect.gather [hbm4b:s4+s12], $0x80, s7, s12, $0xb8;
	[tilespmem:$0x1D000] =	vst v63  }
0x3b: {  	_ =	swait.ge [sflag:s16], $0x4000  }
0x3c: {  	[sflag:s16] =	ssyncset.done $0x0  }
0x3d: {  	s8 =	rddreg [dreg:$0x6];
	[sflag:s16] =	ssyncadd.s32 $0xFFFFC000  }
0x3e: {  	[spmem:s2] =	stream.indirect.scatter.add.f32 [tilespmem:s14], [sflag:$0x3], $0x80, s8, s12, $0xb8;
	[tilespmem:$0x1D000] =	vst v63  }
0x3f: {  	_ =	swait.ge [sflag:s10], $0x4000  }
0x40: {  	[sflag:s10] =	ssyncset.done $0x0  }
0x41: {  	s9 =	rddreg [dreg:$0x7];
	[sflag:s10] =	ssyncadd.s32 $0xFFFFC000  }
0x42: {  	[tilespmem:s14], [sflag:$0x2] =	stream.indirect.gather [hbm4b:s4+s12], $0x80, s9, s12, $0xb8;
	[tilespmem:$0x1D000] =	vst v63  }
0x43: {  	_ =	swait.ge [sflag:s15], $0x4000  }
0x44: {  	[sflag:s15] =	ssyncset.done $0x0  }
0x45: {  	s7 =	rddreg [dreg:$0x8];
	[sflag:s15] =	ssyncadd.s32 $0xFFFFC000  }
0x46: {  	[spmem:s2] =	stream.indirect.scatter.add.f32 [tilespmem:s13], [sflag:$0x3], $0x80, s7, s12, $0xb8;
	[tilespmem:$0x1D000] =	vst v63  }
0x47: {  	_ =	swait.ge [sflag:s10], $0x4000  }
0x48: {  	[sflag:s10] =	ssyncset.done $0x0  }
0x49: {  	s8 =	rddreg [dreg:$0x9];
	[sflag:s10] =	ssyncadd.s32 $0xFFFFC000  }
0x4a: {  	[tilespmem:s13], [sflag:$0x1] =	stream.indirect.gather [hbm4b:s4+s12], $0x80, s8, s12, $0xb8;
	[tilespmem:$0x1D000] =	vst v63  }
0x4b: {  	_ =	swait.ge [sflag:s16], $0x4000  }
0x4c: {  	[sflag:s16] =	ssyncset.done $0x0  }
0x4d: {  	s9 =	rddreg [dreg:$0xa];
	[sflag:s16] =	ssyncadd.s32 $0xFFFFC000  }
0x4e: {  	[spmem:s2] =	stream.indirect.scatter.add.f32 [tilespmem:s14], [sflag:$0x3], $0x80, s9, s12, $0xb8;
	[tilespmem:$0x1D000] =	vst v63  }
0x4f: {  	_ =	swait.ge [sflag:s10], $0x4000  }
0x50: {  	[sflag:s10] =	ssyncset.done $0x0  }
0x51: {  	s7 =	rddreg [dreg:$0xb];
	[sflag:s10] =	ssyncadd.s32 $0xFFFFC000  }
0x52: {  	[tilespmem:s14], [sflag:$0x2] =	stream.indirect.gather [hbm4b:s4+s12], $0x80, s7, s12, $0xb8;
	[tilespmem:$0x1D000] =	vst v63  }
0x53: {  	_ =	swait.ge [sflag:s15], $0x4000  }
0x54: {  	[sflag:s15] =	ssyncset.done $0x0  }
0x55: {  	s8 =	rddreg [dreg:$0xc];
	[sflag:s15] =	ssyncadd.s32 $0xFFFFC000  }
0x56: {  	[spmem:s2] =	stream.indirect.scatter.add.f32 [tilespmem:s13], [sflag:$0x3], $0x80, s8, s12, $0xb8;
	[tilespmem:$0x1D000] =	vst v63  }
0x57: {  	_ =	swait.ge [sflag:s10], $0x4000  }
0x58: {  	[sflag:s10] =	ssyncset.done $0x0  }
0x59: {  	s9 =	rddreg [dreg:$0xd];
	[sflag:s10] =	ssyncadd.s32 $0xFFFFC000  }
0x5a: {  	[tilespmem:s13], [sflag:$0x1] =	stream.indirect.gather [hbm4b:s4+s12], $0x80, s9, s12, $0xb8;
	[tilespmem:$0x1D000] =	vst v63  }
0x5b: {  	_ =	swait.ge [sflag:s16], $0x4000  }
0x5c: {  	[sflag:s16] =	ssyncset.done $0x0  }
0x5d: {  	s7 =	rddreg [dreg:$0xe];
	[sflag:s16] =	ssyncadd.s32 $0xFFFFC000  }
0x5e: {  	[spmem:s2] =	stream.indirect.scatter.add.f32 [tilespmem:s14], [sflag:$0x3], $0x80, s7, s12, $0xb8;
	[tilespmem:$0x1D000] =	vst v63  }
0x5f: {  	_ =	swait.ge [sflag:s10], $0x4000  }
0x60: {  	[sflag:s10] =	ssyncset.done $0x0  }
0x61: {  	s8 =	rddreg [dreg:$0xf];
	[sflag:s10] =	ssyncadd.s32 $0xFFFFC000  }
0x62: {  	[tilespmem:s14], [sflag:$0x2] =	stream.indirect.gather [hbm4b:s4+s12], $0x80, s8, s12, $0xb8;
	[tilespmem:$0x1D000] =	vst v63  }
0x63: {  	_ =	swait.ge [sflag:s15], $0x4000  }
0x64: {  	[sflag:s15] =	ssyncset.done $0x0  }
0x65: {  	s9 =	rddreg [dreg:$0x10];
	[sflag:s15] =	ssyncadd.s32 $0xFFFFC000  }
0x66: {  	[spmem:s2] =	stream.indirect.scatter.add.f32 [tilespmem:s13], [sflag:$0x3], $0x80, s9, s12, $0xb8;
	[tilespmem:$0x1D000] =	vst v63  }
0x67: {  	_ =	swait.ge [sflag:s10], $0x4000  }
0x68: {  	[sflag:s10] =	ssyncset.done $0x0  }
0x69: {  	[sflag:s10] =	ssyncadd.s32 $0xFFFFC000  }
0x6a: {  	[tilespmem:s13], [sflag:$0x1] =	stream.indirect.gather [hbm4b:s4+s12], $0x80, s17, s12, $0xb8;
	[tilespmem:$0x1D000] =	vst v63  }
0x6b: {  	_ =	swait.ge [sflag:s16], $0x4000  }
0x6c: {  	[sflag:s16] =	ssyncset.done $0x0  }
0x6d: {  	[sflag:s16] =	ssyncadd.s32 $0xFFFFC000  }
0x6e: {  	[spmem:s2] =	stream.indirect.scatter.add.f32 [tilespmem:s14], [sflag:$0x3], $0x80, s18, s12, $0xb8;
	[tilespmem:$0x1D000] =	vst v63  }
0x6f: {  	_ =	swait.ge [sflag:s10], $0x4000  }
0x70: {  	[sflag:s10] =	ssyncset.done $0x0  }
0x71: {  	[sflag:s10] =	ssyncadd.s32 $0xFFFFC000  }
0x72: {  	[tilespmem:s14], [sflag:$0x2] =	stream.indirect.gather [hbm4b:s4+s12], $0x80, s19, s12, $0xb8;
	[tilespmem:$0x1D000] =	vst v63  }
0x73: {  	_ =	swait.ge [sflag:s15], $0x4000  }
0x74: {  	[sflag:s15] =	ssyncset.done $0x0  }
0x75: {  	[sflag:s15] =	ssyncadd.s32 $0xFFFFC000  }
0x76: {  	[spmem:s2] =	stream.indirect.scatter.add.f32 [tilespmem:s13], [sflag:$0x3], $0x80, s20, s12, $0xb8;
	[tilespmem:$0x1D000] =	vst v63  }
0x77: {  	_ =	swait.ge [sflag:s10], $0x4000  }
0x78: {  	[sflag:s10] =	ssyncset.done $0x0  }
0x79: {  	[sflag:s10] =	ssyncadd.s32 $0xFFFFC000  }
0x7a: {  	[tilespmem:s13], [sflag:$0x1] =	stream.indirect.gather [hbm4b:s4+s12], $0x80, s21, s12, $0xb8;
	[tilespmem:$0x1D000] =	vst v63  }
0x7b: {  	_ =	swait.ge [sflag:s16], $0x4000  }
0x7c: {  	[sflag:s16] =	ssyncset.done $0x0  }
0x7d: {  	[sflag:s16] =	ssyncadd.s32 $0xFFFFC000  }
0x7e: {  	[spmem:s2] =	stream.indirect.scatter.add.f32 [tilespmem:s14], [sflag:$0x3], $0x80, s22, s12, $0xb8;
	[tilespmem:$0x1D000] =	vst v63  }
0x7f: {  	_ =	swait.ge [sflag:s10], $0x4000  }
0x80: {  	[sflag:s10] =	ssyncset.done $0x0  }
0x81: {  	[sflag:s10] =	ssyncadd.s32 $0xFFFFC000  }
0x82: {  	[tilespmem:s14], [sflag:$0x2] =	stream.indirect.gather [hbm4b:s4+s12], $0x80, s23, s12, $0xb8;
	[tilespmem:$0x1D000] =	vst v63  }
0x83: {  	_ =	swait.ge [sflag:s15], $0x4000  }
0x84: {  	[sflag:s15] =	ssyncset.done $0x0  }
0x85: {  	[sflag:s15] =	ssyncadd.s32 $0xFFFFC000  }
0x86: {  	[spmem:s2] =	stream.indirect.scatter.add.f32 [tilespmem:s13], [sflag:$0x3], $0x80, s24, s12, $0xb8;
	[tilespmem:$0x1D000] =	vst v63  }
0x87: {  	_ =	swait.ge [sflag:s10], $0x4000  }
0x88: {  	[sflag:s10] =	ssyncset.done $0x0  }
0x89: {  	[sflag:s10] =	ssyncadd.s32 $0xFFFFC000  }
0x8a: {  	[tilespmem:s13], [sflag:$0x1] =	stream.indirect.gather [hbm4b:s4+s12], $0x80, s25, s12, $0xb8;
	[tilespmem:$0x1D000] =	vst v63  }
0x8b: {  	_ =	swait.ge [sflag:s16], $0x4000  }
0x8c: {  	[sflag:s16] =	ssyncset.done $0x0  }
0x8d: {  	[sflag:s16] =	ssyncadd.s32 $0xFFFFC000  }
0x8e: {  	[spmem:s2] =	stream.indirect.scatter.add.f32 [tilespmem:s14], [sflag:$0x3], $0x80, s26, s12, $0xb8;
	[tilespmem:$0x1D000] =	vst v63  }
0x8f: {  	_ =	swait.ge [sflag:s10], $0x4000  }
0x90: {  	[sflag:s10] =	ssyncset.done $0x0  }
0x91: {  	[sflag:s10] =	ssyncadd.s32 $0xFFFFC000  }
0x92: {  	[tilespmem:s14], [sflag:$0x2] =	stream.indirect.gather [hbm4b:s4+s12], $0x80, s28, s12, $0xb8;
	[tilespmem:$0x1D000] =	vst v63  }
0x93: {  	_ =	swait.ge [sflag:s15], $0x4000  }
0x94: {  	[sflag:s15] =	ssyncset.done $0x0  }
0x95: {  	[sflag:s15] =	ssyncadd.s32 $0xFFFFC000  }
0x96: {  	[spmem:s2] =	stream.indirect.scatter.add.f32 [tilespmem:s13], [sflag:$0x3], $0x80, s29, s12, $0xb8;
	[tilespmem:$0x1D000] =	vst v63  }
0x97: {  	_ =	swait.ge [sflag:s10], $0x4000  }
0x98: {  	[sflag:s10] =	ssyncset.done $0x0  }
0x99: {  	[sflag:s10] =	ssyncadd.s32 $0xFFFFC000  }
0x9a: {  	[tilespmem:s13], [sflag:$0x1] =	stream.indirect.gather [hbm4b:s4+s12], $0x80, s30, s12, $0xb8;
	[tilespmem:$0x1D000] =	vst v63  }
0x9b: {  	_ =	swait.ge [sflag:s16], $0x4000  }
0x9c: {  	[sflag:s16] =	ssyncset.done $0x0  }
0x9d: {  	[sflag:s16] =	ssyncadd.s32 $0xFFFFC000  }
0x9e: {  	[spmem:s2] =	stream.indirect.scatter.add.f32 [tilespmem:s14], [sflag:$0x3], $0x80, s31, s12, $0xb8;
	[tilespmem:$0x1D000] =	vst v63  }
0x9f: {  	_ =	swait.ge [sflag:s10], $0x4000  }
0xa0: {  	[sflag:s10] =	ssyncset.done $0x0  }
0xa1: {  	[sflag:s10] =	ssyncadd.s32 $0xFFFFC000  }
0xa2: {  	[tilespmem:s14], [sflag:$0x2] =	stream.indirect.gather [hbm4b:s4+s12], $0x80, s1, s12, $0xb8;
	[tilespmem:$0x1D000] =	vst v63  }
0xa3: {  	_ =	swait.ge [sflag:s15], $0x4000  }
0xa4: {  	[sflag:s15] =	ssyncset.done $0x0  }
0xa5: {  	[sflag:s15] =	ssyncadd.s32 $0xFFFFC000  }
0xa6: {  	[spmem:s2] =	stream.indirect.scatter.add.f32 [tilespmem:s13], [sflag:$0x3], $0x80, s0, s12, $0xb8;
	[tilespmem:$0x1D000] =	vst v63  }
0xa7: {  	_ =	swait.ge [sflag:s10], $0x4000  }
0xa8: {  	[sflag:s10] =	ssyncset.done $0x0  }
0xa9: {  	[sflag:s10] =	ssyncadd.s32 $0xFFFFC000  }
0xaa: {  	_ =	swait.ge [sflag:s16], $0x4000  }
0xab: {  	[sflag:s16] =	ssyncset.done $0x0  }
0xac: {  	[sflag:s16] =	ssyncadd.s32 $0xFFFFC000  }
0xad: {  	[spmem:s2] =	stream.indirect.scatter.add.f32 [tilespmem:s14], [sflag:$0x3], $0x80, s5, s12, $0xb8;
	[tilespmem:$0x1D000] =	vst v63  }
0xae: {  	s6 =	simm.s32 $0x200;
	_ =	swait.ge [sflag:s10], $0x4000  }
0xaf: {  	s8 =	simm.s32 $0x100;
	s9 =	rddreg [dreg:$0x4];
	[sflag:s10] =	ssyncset.done $0x0  }
.LBB2_2:
0xb0: {  	[sflag:s10] =	ssyncadd.s32 $0xFFFFC000;
	s9 =	sadd.s32 s8, s9  }
0xb1: {  	[tilespmem:s3], [sflag:$0x3] =	stream.linear.gather [hbm4b:s9+s3], $0x800, $0x38;
	[tilespmem:$0x1D000] =	vst v63  }
0xb2: {  	_ =	swait.ge [sflag:s10], $0x800  }
0xb3: {  	s9 =	rddreg [dreg:$0x3];
	[sflag:s10] =	ssyncset.done $0x0  }
0xb4: {  	[sflag:s10] =	ssyncadd.s32 $0xFFFFF800;
	s9 =	sadd.s32 s8, s9  }
0xb5: {  	[tilespmem:s11], [sflag:$0x3] =	stream.linear.gather [hbm4b:s9+s3], $0x800, $0x38;
	[tilespmem:$0x1D000] =	vst v63  }
0xb6: {  	_ =	swait.ge [sflag:s10], $0x800  }
0xb7: {  	[sflag:s10] =	ssyncset.done $0x0  }
0xb8: {  	[sflag:s10] =	ssyncadd.s32 $0xFFFFF800  }
0xb9: {  	[tilespmem:s13], [sflag:$0x1] =	stream.indirect.gather [hbm4b:s4+s12], $0x80, s3, s12, $0xb8;
	[tilespmem:$0x1D000] =	vst v63  }
0xba: {  	_ = 	snop  }
0xbb: {  	[tilespmem:s14], [sflag:$0x2] =	stream.indirect.gather [hbm4b:s4+s12], $0x80, s12, s12, $0xb8;
	[tilespmem:$0x1D000] =	vst v63  }
0xbc: {  	_ =	swait.ge [sflag:s15], $0x4000  }
0xbd: {  	[sflag:s15] =	ssyncset.done $0x0  }
0xbe: {  	[sflag:s15] =	ssyncadd.s32 $0xFFFFC000  }
0xbf: {  	[spmem:s2] =	stream.indirect.scatter.add.f32 [tilespmem:s13], [sflag:$0x3], $0x80, s11, s12, $0xb8;
	[tilespmem:$0x1D000] =	vst v63  }
0xc0: {  	_ =	swait.ge [sflag:s10], $0x4000  }
0xc1: {  	[sflag:s10] =	ssyncset.done $0x0  }
0xc2: {  	s9 =	rddreg [dreg:$0x5];
	[sflag:s10] =	ssyncadd.s32 $0xFFFFC000  }
0xc3: {  	[tilespmem:s13], [sflag:$0x1] =	stream.indirect.gather [hbm4b:s4+s12], $0x80, s9, s12, $0xb8;
	[tilespmem:$0x1D000] =	vst v63  }
0xc4: {  	_ =	swait.ge [sflag:s16], $0x4000  }
0xc5: {  	[sflag:s16] =	ssyncset.done $0x0  }
0xc6: {  	s9 =	rddreg [dreg:$0x6];
	[sflag:s16] =	ssyncadd.s32 $0xFFFFC000  }
0xc7: {  	[spmem:s2] =	stream.indirect.scatter.add.f32 [tilespmem:s14], [sflag:$0x3], $0x80, s9, s12, $0xb8;
	[tilespmem:$0x1D000] =	vst v63  }
0xc8: {  	_ =	swait.ge [sflag:s10], $0x4000  }
0xc9: {  	[sflag:s10] =	ssyncset.done $0x0  }
0xca: {  	s9 =	rddreg [dreg:$0x7];
	[sflag:s10] =	ssyncadd.s32 $0xFFFFC000  }
0xcb: {  	[tilespmem:s14], [sflag:$0x2] =	stream.indirect.gather [hbm4b:s4+s12], $0x80, s9, s12, $0xb8;
	[tilespmem:$0x1D000] =	vst v63  }
0xcc: {  	_ =	swait.ge [sflag:s15], $0x4000  }
0xcd: {  	[sflag:s15] =	ssyncset.done $0x0  }
0xce: {  	s9 =	rddreg [dreg:$0x8];
	[sflag:s15] =	ssyncadd.s32 $0xFFFFC000  }
0xcf: {  	[spmem:s2] =	stream.indirect.scatter.add.f32 [tilespmem:s13], [sflag:$0x3], $0x80, s9, s12, $0xb8;
	[tilespmem:$0x1D000] =	vst v63  }
0xd0: {  	_ =	swait.ge [sflag:s10], $0x4000  }
0xd1: {  	[sflag:s10] =	ssyncset.done $0x0  }
0xd2: {  	s9 =	rddreg [dreg:$0x9];
	[sflag:s10] =	ssyncadd.s32 $0xFFFFC000  }
0xd3: {  	[tilespmem:s13], [sflag:$0x1] =	stream.indirect.gather [hbm4b:s4+s12], $0x80, s9, s12, $0xb8;
	[tilespmem:$0x1D000] =	vst v63  }
0xd4: {  	_ =	swait.ge [sflag:s16], $0x4000  }
0xd5: {  	[sflag:s16] =	ssyncset.done $0x0  }
0xd6: {  	s9 =	rddreg [dreg:$0xa];
	[sflag:s16] =	ssyncadd.s32 $0xFFFFC000  }
0xd7: {  	[spmem:s2] =	stream.indirect.scatter.add.f32 [tilespmem:s14], [sflag:$0x3], $0x80, s9, s12, $0xb8;
	[tilespmem:$0x1D000] =	vst v63  }
0xd8: {  	_ =	swait.ge [sflag:s10], $0x4000  }
0xd9: {  	[sflag:s10] =	ssyncset.done $0x0  }
0xda: {  	s9 =	rddreg [dreg:$0xb];
	[sflag:s10] =	ssyncadd.s32 $0xFFFFC000  }
0xdb: {  	[tilespmem:s14], [sflag:$0x2] =	stream.indirect.gather [hbm4b:s4+s12], $0x80, s9, s12, $0xb8;
	[tilespmem:$0x1D000] =	vst v63  }
0xdc: {  	_ =	swait.ge [sflag:s15], $0x4000  }
0xdd: {  	[sflag:s15] =	ssyncset.done $0x0  }
0xde: {  	s9 =	rddreg [dreg:$0xc];
	[sflag:s15] =	ssyncadd.s32 $0xFFFFC000  }
0xdf: {  	[spmem:s2] =	stream.indirect.scatter.add.f32 [tilespmem:s13], [sflag:$0x3], $0x80, s9, s12, $0xb8;
	[tilespmem:$0x1D000] =	vst v63  }
0xe0: {  	_ =	swait.ge [sflag:s10], $0x4000  }
0xe1: {  	[sflag:s10] =	ssyncset.done $0x0  }
0xe2: {  	s9 =	rddreg [dreg:$0xd];
	[sflag:s10] =	ssyncadd.s32 $0xFFFFC000  }
0xe3: {  	[tilespmem:s13], [sflag:$0x1] =	stream.indirect.gather [hbm4b:s4+s12], $0x80, s9, s12, $0xb8;
	[tilespmem:$0x1D000] =	vst v63  }
0xe4: {  	_ =	swait.ge [sflag:s16], $0x4000  }
0xe5: {  	[sflag:s16] =	ssyncset.done $0x0  }
0xe6: {  	s9 =	rddreg [dreg:$0xe];
	[sflag:s16] =	ssyncadd.s32 $0xFFFFC000  }
0xe7: {  	[spmem:s2] =	stream.indirect.scatter.add.f32 [tilespmem:s14], [sflag:$0x3], $0x80, s9, s12, $0xb8;
	[tilespmem:$0x1D000] =	vst v63  }
0xe8: {  	_ =	swait.ge [sflag:s10], $0x4000  }
0xe9: {  	[sflag:s10] =	ssyncset.done $0x0  }
0xea: {  	s9 =	rddreg [dreg:$0xf];
	[sflag:s10] =	ssyncadd.s32 $0xFFFFC000  }
0xeb: {  	[tilespmem:s14], [sflag:$0x2] =	stream.indirect.gather [hbm4b:s4+s12], $0x80, s9, s12, $0xb8;
	[tilespmem:$0x1D000] =	vst v63  }
0xec: {  	_ =	swait.ge [sflag:s15], $0x4000  }
0xed: {  	[sflag:s15] =	ssyncset.done $0x0  }
0xee: {  	s9 =	rddreg [dreg:$0x10];
	[sflag:s15] =	ssyncadd.s32 $0xFFFFC000  }
0xef: {  	[spmem:s2] =	stream.indirect.scatter.add.f32 [tilespmem:s13], [sflag:$0x3], $0x80, s9, s12, $0xb8;
	[tilespmem:$0x1D000] =	vst v63  }
0xf0: {  	_ =	swait.ge [sflag:s10], $0x4000  }
0xf1: {  	[sflag:s10] =	ssyncset.done $0x0  }
0xf2: {  	[sflag:s10] =	ssyncadd.s32 $0xFFFFC000  }
0xf3: {  	[tilespmem:s13], [sflag:$0x1] =	stream.indirect.gather [hbm4b:s4+s12], $0x80, s17, s12, $0xb8;
	[tilespmem:$0x1D000] =	vst v63  }
0xf4: {  	_ =	swait.ge [sflag:s16], $0x4000  }
0xf5: {  	[sflag:s16] =	ssyncset.done $0x0  }
0xf6: {  	[sflag:s16] =	ssyncadd.s32 $0xFFFFC000  }
0xf7: {  	[spmem:s2] =	stream.indirect.scatter.add.f32 [tilespmem:s14], [sflag:$0x3], $0x80, s18, s12, $0xb8;
	[tilespmem:$0x1D000] =	vst v63  }
0xf8: {  	_ =	swait.ge [sflag:s10], $0x4000  }
0xf9: {  	[sflag:s10] =	ssyncset.done $0x0  }
0xfa: {  	[sflag:s10] =	ssyncadd.s32 $0xFFFFC000  }
0xfb: {  	[tilespmem:s14], [sflag:$0x2] =	stream.indirect.gather [hbm4b:s4+s12], $0x80, s19, s12, $0xb8;
	[tilespmem:$0x1D000] =	vst v63  }
0xfc: {  	_ =	swait.ge [sflag:s15], $0x4000  }
0xfd: {  	[sflag:s15] =	ssyncset.done $0x0  }
0xfe: {  	[sflag:s15] =	ssyncadd.s32 $0xFFFFC000  }
0xff: {  	[spmem:s2] =	stream.indirect.scatter.add.f32 [tilespmem:s13], [sflag:$0x3], $0x80, s20, s12, $0xb8;
	[tilespmem:$0x1D000] =	vst v63  }
0x100: {  	_ =	swait.ge [sflag:s10], $0x4000  }
0x101: {  	[sflag:s10] =	ssyncset.done $0x0  }
0x102: {  	[sflag:s10] =	ssyncadd.s32 $0xFFFFC000  }
0x103: {  	[tilespmem:s13], [sflag:$0x1] =	stream.indirect.gather [hbm4b:s4+s12], $0x80, s21, s12, $0xb8;
	[tilespmem:$0x1D000] =	vst v63  }
0x104: {  	_ =	swait.ge [sflag:s16], $0x4000  }
0x105: {  	[sflag:s16] =	ssyncset.done $0x0  }
0x106: {  	[sflag:s16] =	ssyncadd.s32 $0xFFFFC000  }
0x107: {  	[spmem:s2] =	stream.indirect.scatter.add.f32 [tilespmem:s14], [sflag:$0x3], $0x80, s22, s12, $0xb8;
	[tilespmem:$0x1D000] =	vst v63  }
0x108: {  	_ =	swait.ge [sflag:s10], $0x4000  }
0x109: {  	[sflag:s10] =	ssyncset.done $0x0  }
0x10a: {  	[sflag:s10] =	ssyncadd.s32 $0xFFFFC000  }
0x10b: {  	[tilespmem:s14], [sflag:$0x2] =	stream.indirect.gather [hbm4b:s4+s12], $0x80, s23, s12, $0xb8;
	[tilespmem:$0x1D000] =	vst v63  }
0x10c: {  	_ =	swait.ge [sflag:s15], $0x4000  }
0x10d: {  	[sflag:s15] =	ssyncset.done $0x0  }
0x10e: {  	[sflag:s15] =	ssyncadd.s32 $0xFFFFC000  }
0x10f: {  	[spmem:s2] =	stream.indirect.scatter.add.f32 [tilespmem:s13], [sflag:$0x3], $0x80, s24, s12, $0xb8;
	[tilespmem:$0x1D000] =	vst v63  }
0x110: {  	_ =	swait.ge [sflag:s10], $0x4000  }
0x111: {  	[sflag:s10] =	ssyncset.done $0x0  }
0x112: {  	[sflag:s10] =	ssyncadd.s32 $0xFFFFC000  }
0x113: {  	[tilespmem:s13], [sflag:$0x1] =	stream.indirect.gather [hbm4b:s4+s12], $0x80, s25, s12, $0xb8;
	[tilespmem:$0x1D000] =	vst v63  }
0x114: {  	_ =	swait.ge [sflag:s16], $0x4000  }
0x115: {  	[sflag:s16] =	ssyncset.done $0x0  }
0x116: {  	[sflag:s16] =	ssyncadd.s32 $0xFFFFC000  }
0x117: {  	[spmem:s2] =	stream.indirect.scatter.add.f32 [tilespmem:s14], [sflag:$0x3], $0x80, s26, s12, $0xb8;
	[tilespmem:$0x1D000] =	vst v63  }
0x118: {  	_ =	swait.ge [sflag:s10], $0x4000  }
0x119: {  	[sflag:s10] =	ssyncset.done $0x0  }
0x11a: {  	[sflag:s10] =	ssyncadd.s32 $0xFFFFC000  }
0x11b: {  	[tilespmem:s14], [sflag:$0x2] =	stream.indirect.gather [hbm4b:s4+s12], $0x80, s28, s12, $0xb8;
	[tilespmem:$0x1D000] =	vst v63  }
0x11c: {  	_ =	swait.ge [sflag:s15], $0x4000  }
0x11d: {  	[sflag:s15] =	ssyncset.done $0x0  }
0x11e: {  	[sflag:s15] =	ssyncadd.s32 $0xFFFFC000  }
0x11f: {  	[spmem:s2] =	stream.indirect.scatter.add.f32 [tilespmem:s13], [sflag:$0x3], $0x80, s29, s12, $0xb8;
	[tilespmem:$0x1D000] =	vst v63  }
0x120: {  	_ =	swait.ge [sflag:s10], $0x4000  }
0x121: {  	[sflag:s10] =	ssyncset.done $0x0  }
0x122: {  	[sflag:s10] =	ssyncadd.s32 $0xFFFFC000  }
0x123: {  	[tilespmem:s13], [sflag:$0x1] =	stream.indirect.gather [hbm4b:s4+s12], $0x80, s30, s12, $0xb8;
	[tilespmem:$0x1D000] =	vst v63  }
0x124: {  	_ =	swait.ge [sflag:s16], $0x4000  }
0x125: {  	[sflag:s16] =	ssyncset.done $0x0  }
0x126: {  	[sflag:s16] =	ssyncadd.s32 $0xFFFFC000  }
0x127: {  	[spmem:s2] =	stream.indirect.scatter.add.f32 [tilespmem:s14], [sflag:$0x3], $0x80, s31, s12, $0xb8;
	[tilespmem:$0x1D000] =	vst v63  }
0x128: {  	_ =	swait.ge [sflag:s10], $0x4000  }
0x129: {  	[sflag:s10] =	ssyncset.done $0x0  }
0x12a: {  	[sflag:s10] =	ssyncadd.s32 $0xFFFFC000  }
0x12b: {  	[tilespmem:s14], [sflag:$0x2] =	stream.indirect.gather [hbm4b:s4+s12], $0x80, s1, s12, $0xb8;
	[tilespmem:$0x1D000] =	vst v63  }
0x12c: {  	_ =	swait.ge [sflag:s15], $0x4000  }
0x12d: {  	[sflag:s15] =	ssyncset.done $0x0  }
0x12e: {  	[sflag:s15] =	ssyncadd.s32 $0xFFFFC000  }
0x12f: {  	[spmem:s2] =	stream.indirect.scatter.add.f32 [tilespmem:s13], [sflag:$0x3], $0x80, s0, s12, $0xb8;
	[tilespmem:$0x1D000] =	vst v63  }
0x130: {  	_ =	swait.ge [sflag:s10], $0x4000  }
0x131: {  	[sflag:s10] =	ssyncset.done $0x0  }
0x132: {  	[sflag:s10] =	ssyncadd.s32 $0xFFFFC000  }
0x133: {  	p0 =	sne.s32 s6, $0x400;
	_ =	swait.ge [sflag:s16], $0x4000  }
.Ltmp0:
0x134: {  	[sflag:s16] =	ssyncset.done $0x0;
	(pc) =	sbr.rel @p0 .LBB2_2-.Ltmp0, $4  }
0x135: {  	[sflag:s16] =	ssyncadd.s32 $0xFFFFC000  }
0x136: {  	[spmem:s2] =	stream.indirect.scatter.add.f32 [tilespmem:s14], [sflag:$0x3], $0x80, s5, s12, $0xb8;
	[tilespmem:$0x1D000] =	vst v63  }
0x137: {  	s7 =	smov.u32 s6;
	s6 =	sadd.s32 $0x100, s6;
	_ =	swait.ge [sflag:s10], $0x4000  }
0x138: {  	s8 =	smov.u32 s7;
	s9 =	rddreg [dreg:$0x4];
	[sflag:s10] =	ssyncset.done $0x0  }
0x139: {  	[sflag:s10] =	ssyncadd.s32 $0xFFFFC000;
	s6 =	sadd.s32 s8, s9  }
0x13a: {  	[tilespmem:s3], [sflag:$0x3] =	stream.linear.gather [hbm4b:s6+s3], $0x800, $0x38;
	[tilespmem:$0x1D000] =	vst v63  }
0x13b: {  	_ =	swait.ge [sflag:s10], $0x800  }
0x13c: {  	s7 =	rddreg [dreg:$0x3];
	[sflag:s10] =	ssyncset.done $0x0  }
0x13d: {  	s6 =	sadd.s32 s8, s7;
	[sflag:s10] =	ssyncadd.s32 $0xFFFFF800  }
0x13e: {  	[tilespmem:s11], [sflag:$0x3] =	stream.linear.gather [hbm4b:s6+s3], $0x800, $0x38;
	[tilespmem:$0x1D000] =	vst v63  }
0x13f: {  	_ =	swait.ge [sflag:s10], $0x800  }
0x140: {  	[sflag:s10] =	ssyncset.done $0x0  }
0x141: {  	[sflag:s10] =	ssyncadd.s32 $0xFFFFF800  }
0x142: {  	[tilespmem:s13], [sflag:$0x1] =	stream.indirect.gather [hbm4b:s4+s12], $0x80, s3, s12, $0xb8;
	[tilespmem:$0x1D000] =	vst v63  }
0x143: {  	_ = 	snop  }
0x144: {  	[tilespmem:s14], [sflag:$0x2] =	stream.indirect.gather [hbm4b:s4+s12], $0x80, s12, s12, $0xb8;
	[tilespmem:$0x1D000] =	vst v63  }
0x145: {  	_ =	swait.ge [sflag:s15], $0x4000  }
0x146: {  	[sflag:s15] =	ssyncset.done $0x0  }
0x147: {  	[sflag:s15] =	ssyncadd.s32 $0xFFFFC000  }
0x148: {  	[spmem:s2] =	stream.indirect.scatter.add.f32 [tilespmem:s13], [sflag:$0x3], $0x80, s11, s12, $0xb8;
	[tilespmem:$0x1D000] =	vst v63  }
0x149: {  	_ =	swait.ge [sflag:s10], $0x4000  }
0x14a: {  	[sflag:s10] =	ssyncset.done $0x0  }
0x14b: {  	s9 =	rddreg [dreg:$0x5];
	[sflag:s10] =	ssyncadd.s32 $0xFFFFC000  }
0x14c: {  	[tilespmem:s13], [sflag:$0x1] =	stream.indirect.gather [hbm4b:s4+s12], $0x80, s9, s12, $0xb8;
	[tilespmem:$0x1D000] =	vst v63  }
0x14d: {  	_ =	swait.ge [sflag:s16], $0x4000  }
0x14e: {  	[sflag:s16] =	ssyncset.done $0x0  }
0x14f: {  	s7 =	rddreg [dreg:$0x6];
	[sflag:s16] =	ssyncadd.s32 $0xFFFFC000  }
0x150: {  	[spmem:s2] =	stream.indirect.scatter.add.f32 [tilespmem:s14], [sflag:$0x3], $0x80, s7, s12, $0xb8;
	[tilespmem:$0x1D000] =	vst v63  }
0x151: {  	_ =	swait.ge [sflag:s10], $0x4000  }
0x152: {  	[sflag:s10] =	ssyncset.done $0x0  }
0x153: {  	s8 =	rddreg [dreg:$0x7];
	[sflag:s10] =	ssyncadd.s32 $0xFFFFC000  }
0x154: {  	[tilespmem:s14], [sflag:$0x2] =	stream.indirect.gather [hbm4b:s4+s12], $0x80, s8, s12, $0xb8;
	[tilespmem:$0x1D000] =	vst v63  }
0x155: {  	_ =	swait.ge [sflag:s15], $0x4000  }
0x156: {  	[sflag:s15] =	ssyncset.done $0x0  }
0x157: {  	s9 =	rddreg [dreg:$0x8];
	[sflag:s15] =	ssyncadd.s32 $0xFFFFC000  }
0x158: {  	[spmem:s2] =	stream.indirect.scatter.add.f32 [tilespmem:s13], [sflag:$0x3], $0x80, s9, s12, $0xb8;
	[tilespmem:$0x1D000] =	vst v63  }
0x159: {  	_ =	swait.ge [sflag:s10], $0x4000  }
0x15a: {  	[sflag:s10] =	ssyncset.done $0x0  }
0x15b: {  	s7 =	rddreg [dreg:$0x9];
	[sflag:s10] =	ssyncadd.s32 $0xFFFFC000  }
0x15c: {  	[tilespmem:s13], [sflag:$0x1] =	stream.indirect.gather [hbm4b:s4+s12], $0x80, s7, s12, $0xb8;
	[tilespmem:$0x1D000] =	vst v63  }
0x15d: {  	_ =	swait.ge [sflag:s16], $0x4000  }
0x15e: {  	[sflag:s16] =	ssyncset.done $0x0  }
0x15f: {  	s8 =	rddreg [dreg:$0xa];
	[sflag:s16] =	ssyncadd.s32 $0xFFFFC000  }
0x160: {  	[spmem:s2] =	stream.indirect.scatter.add.f32 [tilespmem:s14], [sflag:$0x3], $0x80, s8, s12, $0xb8;
	[tilespmem:$0x1D000] =	vst v63  }
0x161: {  	_ =	swait.ge [sflag:s10], $0x4000  }
0x162: {  	[sflag:s10] =	ssyncset.done $0x0  }
0x163: {  	s9 =	rddreg [dreg:$0xb];
	[sflag:s10] =	ssyncadd.s32 $0xFFFFC000  }
0x164: {  	[tilespmem:s14], [sflag:$0x2] =	stream.indirect.gather [hbm4b:s4+s12], $0x80, s9, s12, $0xb8;
	[tilespmem:$0x1D000] =	vst v63  }
0x165: {  	_ =	swait.ge [sflag:s15], $0x4000  }
0x166: {  	[sflag:s15] =	ssyncset.done $0x0  }
0x167: {  	s7 =	rddreg [dreg:$0xc];
	[sflag:s15] =	ssyncadd.s32 $0xFFFFC000  }
0x168: {  	[spmem:s2] =	stream.indirect.scatter.add.f32 [tilespmem:s13], [sflag:$0x3], $0x80, s7, s12, $0xb8;
	[tilespmem:$0x1D000] =	vst v63  }
0x169: {  	_ =	swait.ge [sflag:s10], $0x4000  }
0x16a: {  	[sflag:s10] =	ssyncset.done $0x0  }
0x16b: {  	s8 =	rddreg [dreg:$0xd];
	[sflag:s10] =	ssyncadd.s32 $0xFFFFC000  }
0x16c: {  	[tilespmem:s13], [sflag:$0x1] =	stream.indirect.gather [hbm4b:s4+s12], $0x80, s8, s12, $0xb8;
	[tilespmem:$0x1D000] =	vst v63  }
0x16d: {  	_ =	swait.ge [sflag:s16], $0x4000  }
0x16e: {  	[sflag:s16] =	ssyncset.done $0x0  }
0x16f: {  	s9 =	rddreg [dreg:$0xe];
	[sflag:s16] =	ssyncadd.s32 $0xFFFFC000  }
0x170: {  	[spmem:s2] =	stream.indirect.scatter.add.f32 [tilespmem:s14], [sflag:$0x3], $0x80, s9, s12, $0xb8;
	[tilespmem:$0x1D000] =	vst v63  }
0x171: {  	_ =	swait.ge [sflag:s10], $0x4000  }
0x172: {  	[sflag:s10] =	ssyncset.done $0x0  }
0x173: {  	s7 =	rddreg [dreg:$0xf];
	[sflag:s10] =	ssyncadd.s32 $0xFFFFC000  }
0x174: {  	[tilespmem:s14], [sflag:$0x2] =	stream.indirect.gather [hbm4b:s4+s12], $0x80, s7, s12, $0xb8;
	[tilespmem:$0x1D000] =	vst v63  }
0x175: {  	_ =	swait.ge [sflag:s15], $0x4000  }
0x176: {  	[sflag:s15] =	ssyncset.done $0x0  }
0x177: {  	s8 =	rddreg [dreg:$0x10];
	[sflag:s15] =	ssyncadd.s32 $0xFFFFC000  }
0x178: {  	[spmem:s2] =	stream.indirect.scatter.add.f32 [tilespmem:s13], [sflag:$0x3], $0x80, s8, s12, $0xb8;
	[tilespmem:$0x1D000] =	vst v63  }
0x179: {  	_ =	swait.ge [sflag:s10], $0x4000  }
0x17a: {  	[sflag:s10] =	ssyncset.done $0x0  }
0x17b: {  	[sflag:s10] =	ssyncadd.s32 $0xFFFFC000  }
0x17c: {  	[tilespmem:s13], [sflag:$0x1] =	stream.indirect.gather [hbm4b:s4+s12], $0x80, s17, s12, $0xb8;
	[tilespmem:$0x1D000] =	vst v63  }
0x17d: {  	_ =	swait.ge [sflag:s16], $0x4000  }
0x17e: {  	[sflag:s16] =	ssyncset.done $0x0  }
0x17f: {  	[sflag:s16] =	ssyncadd.s32 $0xFFFFC000  }
0x180: {  	[spmem:s2] =	stream.indirect.scatter.add.f32 [tilespmem:s14], [sflag:$0x3], $0x80, s18, s12, $0xb8;
	[tilespmem:$0x1D000] =	vst v63  }
0x181: {  	_ =	swait.ge [sflag:s10], $0x4000  }
0x182: {  	[sflag:s10] =	ssyncset.done $0x0  }
0x183: {  	[sflag:s10] =	ssyncadd.s32 $0xFFFFC000  }
0x184: {  	[tilespmem:s14], [sflag:$0x2] =	stream.indirect.gather [hbm4b:s4+s12], $0x80, s19, s12, $0xb8;
	[tilespmem:$0x1D000] =	vst v63  }
0x185: {  	_ =	swait.ge [sflag:s15], $0x4000  }
0x186: {  	[sflag:s15] =	ssyncset.done $0x0  }
0x187: {  	[sflag:s15] =	ssyncadd.s32 $0xFFFFC000  }
0x188: {  	[spmem:s2] =	stream.indirect.scatter.add.f32 [tilespmem:s13], [sflag:$0x3], $0x80, s20, s12, $0xb8;
	[tilespmem:$0x1D000] =	vst v63  }
0x189: {  	_ =	swait.ge [sflag:s10], $0x4000  }
0x18a: {  	[sflag:s10] =	ssyncset.done $0x0  }
0x18b: {  	[sflag:s10] =	ssyncadd.s32 $0xFFFFC000  }
0x18c: {  	[tilespmem:s13], [sflag:$0x1] =	stream.indirect.gather [hbm4b:s4+s12], $0x80, s21, s12, $0xb8;
	[tilespmem:$0x1D000] =	vst v63  }
0x18d: {  	_ =	swait.ge [sflag:s16], $0x4000  }
0x18e: {  	[sflag:s16] =	ssyncset.done $0x0  }
0x18f: {  	[sflag:s16] =	ssyncadd.s32 $0xFFFFC000  }
0x190: {  	[spmem:s2] =	stream.indirect.scatter.add.f32 [tilespmem:s14], [sflag:$0x3], $0x80, s22, s12, $0xb8;
	[tilespmem:$0x1D000] =	vst v63  }
0x191: {  	_ =	swait.ge [sflag:s10], $0x4000  }
0x192: {  	[sflag:s10] =	ssyncset.done $0x0  }
0x193: {  	[sflag:s10] =	ssyncadd.s32 $0xFFFFC000  }
0x194: {  	[tilespmem:s14], [sflag:$0x2] =	stream.indirect.gather [hbm4b:s4+s12], $0x80, s23, s12, $0xb8;
	[tilespmem:$0x1D000] =	vst v63  }
0x195: {  	_ =	swait.ge [sflag:s15], $0x4000  }
0x196: {  	[sflag:s15] =	ssyncset.done $0x0  }
0x197: {  	[sflag:s15] =	ssyncadd.s32 $0xFFFFC000  }
0x198: {  	[spmem:s2] =	stream.indirect.scatter.add.f32 [tilespmem:s13], [sflag:$0x3], $0x80, s24, s12, $0xb8;
	[tilespmem:$0x1D000] =	vst v63  }
0x199: {  	_ =	swait.ge [sflag:s10], $0x4000  }
0x19a: {  	[sflag:s10] =	ssyncset.done $0x0  }
0x19b: {  	[sflag:s10] =	ssyncadd.s32 $0xFFFFC000  }
0x19c: {  	[tilespmem:s13], [sflag:$0x1] =	stream.indirect.gather [hbm4b:s4+s12], $0x80, s25, s12, $0xb8;
	[tilespmem:$0x1D000] =	vst v63  }
0x19d: {  	_ =	swait.ge [sflag:s16], $0x4000  }
0x19e: {  	[sflag:s16] =	ssyncset.done $0x0  }
0x19f: {  	[sflag:s16] =	ssyncadd.s32 $0xFFFFC000  }
0x1a0: {  	[spmem:s2] =	stream.indirect.scatter.add.f32 [tilespmem:s14], [sflag:$0x3], $0x80, s26, s12, $0xb8;
	[tilespmem:$0x1D000] =	vst v63  }
0x1a1: {  	_ =	swait.ge [sflag:s10], $0x4000  }
0x1a2: {  	[sflag:s10] =	ssyncset.done $0x0  }
0x1a3: {  	[sflag:s10] =	ssyncadd.s32 $0xFFFFC000  }
0x1a4: {  	[tilespmem:s14], [sflag:$0x2] =	stream.indirect.gather [hbm4b:s4+s12], $0x80, s28, s12, $0xb8;
	[tilespmem:$0x1D000] =	vst v63  }
0x1a5: {  	_ =	swait.ge [sflag:s15], $0x4000  }
0x1a6: {  	[sflag:s15] =	ssyncset.done $0x0  }
0x1a7: {  	[sflag:s15] =	ssyncadd.s32 $0xFFFFC000  }
0x1a8: {  	[spmem:s2] =	stream.indirect.scatter.add.f32 [tilespmem:s13], [sflag:$0x3], $0x80, s29, s12, $0xb8;
	[tilespmem:$0x1D000] =	vst v63  }
0x1a9: {  	_ =	swait.ge [sflag:s10], $0x4000  }
0x1aa: {  	[sflag:s10] =	ssyncset.done $0x0  }
0x1ab: {  	[sflag:s10] =	ssyncadd.s32 $0xFFFFC000  }
0x1ac: {  	[tilespmem:s13], [sflag:$0x1] =	stream.indirect.gather [hbm4b:s4+s12], $0x80, s30, s12, $0xb8;
	[tilespmem:$0x1D000] =	vst v63  }
0x1ad: {  	_ =	swait.ge [sflag:s16], $0x4000  }
0x1ae: {  	[sflag:s16] =	ssyncset.done $0x0  }
0x1af: {  	[sflag:s16] =	ssyncadd.s32 $0xFFFFC000  }
0x1b0: {  	[spmem:s2] =	stream.indirect.scatter.add.f32 [tilespmem:s14], [sflag:$0x3], $0x80, s31, s12, $0xb8;
	[tilespmem:$0x1D000] =	vst v63  }
0x1b1: {  	_ =	swait.ge [sflag:s10], $0x4000  }
0x1b2: {  	[sflag:s10] =	ssyncset.done $0x0  }
0x1b3: {  	[sflag:s10] =	ssyncadd.s32 $0xFFFFC000  }
0x1b4: {  	[tilespmem:s14], [sflag:$0x2] =	stream.indirect.gather [hbm4b:s4+s12], $0x80, s1, s12, $0xb8;
	[tilespmem:$0x1D000] =	vst v63  }
0x1b5: {  	_ =	swait.ge [sflag:s15], $0x4000  }
0x1b6: {  	[sflag:s15] =	ssyncset.done $0x0  }
0x1b7: {  	[sflag:s15] =	ssyncadd.s32 $0xFFFFC000  }
0x1b8: {  	[spmem:s2] =	stream.indirect.scatter.add.f32 [tilespmem:s13], [sflag:$0x3], $0x80, s0, s12, $0xb8;
	[tilespmem:$0x1D000] =	vst v63  }
0x1b9: {  	_ =	swait.ge [sflag:s10], $0x4000  }
0x1ba: {  	[sflag:s10] =	ssyncset.done $0x0  }
0x1bb: {  	[sflag:s10] =	ssyncadd.s32 $0xFFFFC000  }
0x1bc: {  	_ =	swait.ge [sflag:s16], $0x4000  }
0x1bd: {  	[sflag:s16] =	ssyncset.done $0x0  }
0x1be: {  	[sflag:s16] =	ssyncadd.s32 $0xFFFFC000  }
0x1bf: {  	[spmem:s2] =	stream.indirect.scatter.add.f32 [tilespmem:s14], [sflag:$0x3], $0x80, s5, s12, $0xb8;
	[tilespmem:$0x1D000] =	vst v63  }
0x1c0: {  	_ =	swait.ge [sflag:s10], $0x4000  }
0x1c1: {  	[sflag:s10] =	ssyncset.done $0x0  }
0x1c2: {  	[sflag:s10] =	ssyncadd.s32 $0xFFFFC000  }
0x1c3: {  	[bflag:$0x0] =	sbarrier.arrive $0xFFFF  }
0x1c4: {  	s8 =	rddreg [dreg:$0x12]  }
0x1c5: {  	s9 =	rddreg [dreg:$0x13]  }
0x1c6: {  	s7 =	rddreg [dreg:$0x15]  }
0x1c7: {  	[hbm:s9], [sflag:s8] =	dma.local [spmem:s7], $0x2800  }
0x1c8: {  	_ =	swait.ge [sflag:s10], $0x2800  }
0x1c9: {  	s6 =	rddreg [dreg:$0x16]  }
0x1ca: {  	s9 =	sadd.s32 $0x1, s6;
	s6 =	rddreg [dreg:$0x14]  }
0x1cb: {  	p0 =	sne.s32 s9, s6  }
.Ltmp1:
0x1cc: {  	_ = 	snop;
	(pc) =	sbr.rel @p0 .LBB2_1-.Ltmp1, $3  }
0x1cd: {  	_ =	sdelay $0x1  }
0x1ce: {  	[sflag:s10] =	ssyncset.done $0x0  }
0x1cf: {  	[sflag:s10] =	ssyncadd.s32 $0xFFFFD800  }
0x1d0: {  	_ =	sfence.sel $0x180000  }
0x1d1: {  	[bflag:$0x0] =	sbarrier.arrive $0xFFFF  }
0x1d2: {  	_ =	strace $0x9000004A  }
0x1d3: {  	s0 =	stileid.u32;
	[bflag:$0x2] =	sbarrier.arrive $0xFFFF  }
0x1d4: {  	p0 =	sne.s32 s0, $0x0;
	s0 =	rddreg [dreg:$0x2]  }
0x1d5: {  	s0 =	sadd.s32 @!p0 $0x100000, s0  }
0x1d6: {  	[sflag:s0] =	ssyncadd.tile.s32 @!p0 $0x1;
	_ =	shalt  }
.Lfunc_end2:
_tile_overlayer_lowered:
.L_overlay_start_2:
0x1d7: {  	(tag) =	ssettag $0x2  }
0x1d8: {  	s0 =	rddreg [dreg:$0x0];
	s2 =	stileid.u32  }
0x1d9: {  	s1 =	rddreg [dreg:$0x1];
	p0 =	sne.s32 s2, $0x0  }
0x1da: {  	s3 =	rddreg [dreg:$0x2];
	[bflag:$0x3] =	sbarrier.arrive $0xFFFF;
	s2 =	simm.s32 @!p0 $0x1C03  }
0x1db: {  	[timem:s3], [sflag:s2] =	dma.local @!p0 [hbm:s0], s1  }
0x1dc: {  	s0 =	simm.s32 @!p0 $0x3  }
0x1dd: {  	_ =	swait.ge @!p0 [sflag:s0], s1  }
0x1de: {  	s1 =	ssub.s32 @!p0 $0x0, s1;
	[sflag:s0] =	ssyncset.done @!p0 $0x0  }
0x1df: {  	[sflag:s0] =	ssyncadd.s32 @!p0 s1  }
0x1e0: {  	[bflag:$0x3] =	sbarrier.arrive $0xFFFF  }
0x1e1: {  	_ =	shalt  }

// kernel: kernel.18.cloned.1.call-start
scs
__scs_entry_jumppad:
0x0: {  	(pc) =	sbr.rel $0x88, $3  }
0x1: {  	(tag) =	ssettag $0x0;
	lr =	simm.s32 $0x1  }
0x2: {  	[smem:$0x3F83] =	sst lr;
	_ =	strace $0xD0000000  }
0x3: {  	_ = 	snop  }
0x4: {  	_ = 	snop  }
0x5: {  	_ = 	snop  }
0x6: {  	_ = 	snop  }
0x7: {  	_ = 	snop  }
__scs_overlays_trampoline_lowered:
0x8: {  	[smem:$0x3F92] =	sst s0  }
0x9: {  	[smem:$0x3F93] =	sst s1  }
0xa: {  	[smem:$0x3F94] =	sst s2  }
0xb: {  	[smem:$0x3F95] =	sst s3  }
0xc: {  	[smem:$0x3F96] =	sst s4  }
0xd: {  	[smem:$0x3F97] =	sst s5  }
0xe: {  	[smem:$0x3F98] =	sst s6  }
0xf: {  	[smem:$0x3F99] =	sst s7  }
0x10: {  	[smem:$0x3F9A] =	sst s8  }
0x11: {  	[smem:$0x3F9B] =	sst s9;
	s0 =	simm.s32 @!p0 $0x0  }
0x12: {  	s1 =	sld [smem:$0x3F81];
	s0 =	simm.s32 @p0 $0x1  }
0x13: {  	[smem:$0x3F9C] =	sst s0;
	s0 =	simm.s32 @!p1 $0x0  }
0x14: {  	s2 =	sld [smem:$0x3F80];
	s0 =	simm.s32 @p1 $0x1  }
0x15: {  	[smem:$0x3F9D] =	sst s0;
	s0 =	simm.s32 @!p2 $0x0  }
0x16: {  	s3 =	sld [smem:$0x3FDB];
	s0 =	simm.s32 @p2 $0x1  }
0x17: {  	s4 =	simm.s32 $0x1BF5;
	[smem:$0x3F9F] =	sst s0  }
0x18: {  	s0 =	sld [smem:$0x3F82];
	_ =	swait.ge [sflag:s4], $0x0  }
0x19: {  	s7 =	sld [smem:$0x3F83]  }
0x1a: {  	s8 =	sadd.s32 $0xFFFFE003, lr  }
0x1b: {  	s9 =	sadd.s32 $0xFFFFFEF7, lr;
	s5 =	simm.s32 $0xFFFFFFFF;
	p2 =	slt.u32 s8, $0xFFFFF086  }
0x1c: {  	p1 =	slt.u32 s9, $0xF7A;
	s5 =	simm.s32 @!p2 $0x0  }
0x1d: {  	s5 =	simm.s32 @p1 $0x1;
	p0 =	seq.s32 s7, s2  }
0x1e: {  	s7 =	smul.u32 @!p0 $0xF7A, s2;
	p2 =	seq.s32 @!p0 s5, $0x0  }
0x1f: {  	s9 =	smul.u32 $0xF7A, s1;
	s8 =	simm.s32 @!p0 $0x1BF5;
	p2 =	por !p2, p0  }
0x20: {  	[sflag:s8] =	ssyncset.s32 @!p0 $0xFFFFF086;
	s6 =	sadd.s32 @!p0 s3, s7;
	s7 =	simm.s32 @!p0 $0x108  }
0x21: {  	s3 =	sadd.s32 s3, s9;
	s6 =	sadd.s32 @!p0 $0x88, s6;
	s7 =	simm.s32 @p2 $0x1082  }
0x22: {  	[simem:s7], [sflag:s8] =	dma.local @!p0 [hbm:s6], $0xF7A  }
0x23: {  	s9 =	sor.u32 $0xD0000000, s2;
	s6 =	simm.s32 $0x108;
	_ =	swait.ge @!p0 [sflag:s8], $0x0  }
0x24: {  	s3 =	sadd.s32 $0x88, s3;
	s6 =	simm.s32 @!p1 $0x1082;
	[sflag:s4] =	ssyncset.s32 $0xFFFFF086  }
0x25: {  	[simem:s6], [sflag:s4] =	dma.local [hbm:s3], $0xF7A  }
0x26: {  	[smem:$0x3F83] =	sst s1;
	(tag) =	ssettag s2;
	_ =	strace s9  }
0x27: {  	s1 =	sld [smem:$0x3F93]  }
0x28: {  	s2 =	sld [smem:$0x3F94]  }
0x29: {  	s4 =	sld [smem:$0x3F96]  }
0x2a: {  	p0 =	seq.s32 s5, $0x0;
	s5 =	sld [smem:$0x3F97]  }
0x2b: {  	s6 =	sld [smem:$0x3F98]  }
0x2c: {  	s7 =	sld [smem:$0x3F99]  }
0x2d: {  	s3 =	simm.s32 $0x108;
	s8 =	sld [smem:$0x3F9A]  }
0x2e: {  	s3 =	simm.s32 @!p0 $0x1082;
	s9 =	sld [smem:$0x3F9B]  }
0x2f: {  	lr =	sadd.s32 s0, s3;
	s0 =	sld [smem:$0x3F92]  }
0x30: {  	s3 =	sld [smem:$0x3F95]  }
0x31: {  	[smem:$0x3F9E] =	sst s10  }
0x32: {  	s10 =	sld [smem:$0x3F9C];
	_ =	sdelay $0x3  }
0x33: {  	p0 =	seq.s32 s10, $0x1;
	s10 =	sld [smem:$0x3F9E];
	_ =	sdelay $0x3  }
0x34: {  	[smem:$0x3F9E] =	sst s10  }
0x35: {  	s10 =	sld [smem:$0x3F9D];
	_ =	sdelay $0x3  }
0x36: {  	p1 =	seq.s32 s10, $0x1;
	s10 =	sld [smem:$0x3F9E];
	_ =	sdelay $0x3  }
0x37: {  	[smem:$0x3F9E] =	sst s10  }
0x38: {  	s10 =	sld [smem:$0x3F9F]  }
0x39: {  	_ = 	snop;
	(pc) =	sbr.ind lr, $3  }
0x3a: {  	_ = 	snop  }
0x3b: {  	_ = 	snop  }
0x3c: {  	p2 =	seq.s32 s10, $0x1;
	s10 =	sld [smem:$0x3F9E]  }
0x3d: {  	_ =	shalt  }
0x3e: {  	_ =	shalt  }
0x3f: {  	_ =	shalt  }
0x40: {  	_ =	shalt  }
0x41: {  	_ =	shalt  }
0x42: {  	_ =	shalt  }
0x43: {  	_ =	shalt  }
0x44: {  	_ =	shalt  }
0x45: {  	_ =	shalt  }
0x46: {  	_ =	shalt  }
0x47: {  	_ =	shalt  }
0x48: {  	_ =	shalt  }
0x49: {  	_ =	shalt  }
0x4a: {  	_ =	shalt  }
0x4b: {  	_ =	shalt  }
0x4c: {  	_ =	shalt  }
0x4d: {  	_ =	shalt  }
0x4e: {  	_ =	shalt  }
0x4f: {  	_ =	shalt  }
0x50: {  	_ =	shalt  }
0x51: {  	_ =	shalt  }
0x52: {  	_ =	shalt  }
0x53: {  	_ =	shalt  }
0x54: {  	_ =	shalt  }
0x55: {  	_ =	shalt  }
0x56: {  	_ =	shalt  }
0x57: {  	_ =	shalt  }
0x58: {  	_ =	shalt  }
0x59: {  	_ =	shalt  }
0x5a: {  	_ =	shalt  }
0x5b: {  	_ =	shalt  }
0x5c: {  	_ =	shalt  }
0x5d: {  	_ =	shalt  }
0x5e: {  	_ =	shalt  }
0x5f: {  	_ =	shalt  }
0x60: {  	_ =	shalt  }
0x61: {  	_ =	shalt  }
0x62: {  	_ =	shalt  }
0x63: {  	_ =	shalt  }
0x64: {  	_ =	shalt  }
0x65: {  	_ =	shalt  }
0x66: {  	_ =	shalt  }
0x67: {  	_ =	shalt  }
0x68: {  	_ =	shalt  }
0x69: {  	_ =	shalt  }
0x6a: {  	_ =	shalt  }
0x6b: {  	_ =	shalt  }
0x6c: {  	_ =	shalt  }
0x6d: {  	_ =	shalt  }
0x6e: {  	_ =	shalt  }
0x6f: {  	_ =	shalt  }
0x70: {  	_ =	shalt  }
0x71: {  	_ =	shalt  }
0x72: {  	_ =	shalt  }
0x73: {  	_ =	shalt  }
0x74: {  	_ =	shalt  }
0x75: {  	_ =	shalt  }
0x76: {  	_ =	shalt  }
0x77: {  	_ =	shalt  }
0x78: {  	_ =	shalt  }
0x79: {  	_ =	shalt  }
0x7a: {  	_ =	shalt  }
0x7b: {  	_ =	shalt  }
0x7c: {  	_ =	shalt  }
0x7d: {  	_ =	shalt  }
0x7e: {  	_ =	shalt  }
0x7f: {  	_ =	shalt  }
0x80: {  	_ =	shalt  }
0x81: {  	_ =	shalt  }
0x82: {  	_ =	shalt  }
0x83: {  	_ =	shalt  }
0x84: {  	_ =	shalt  }
0x85: {  	_ =	shalt  }
0x86: {  	_ =	shalt  }
0x87: {  	_ =	shalt  }
.Lfunc_end0:
.L_simem_size_0:
called_computation.2_lowered:
.L_overlay_start_0:
0x88: {  	s2 =	sld [smem:$0x3FD9]  }
0x89: {  	s3 =	sld [smem:$0x3FFE];
	_ =	sdelay $0x1  }
0x8a: {  	s1 =	srdreg.scid  }
0x8b: {  	s0 =	sand.u32 $0x1, s1  }
0x8c: {  	s16 =	sshll.u32 s0, $0xA;
	s2 =	sadd.s32 s3, s2  }
0x8d: {  	s2 =	sadd.s32 s2, s16  }
0x8e: {  	[smem:$0x3FAA] =	sst s2  }
0x8f: {  	_ = 	snop  }
0x90: {  	(tm) =	ssettm $0x1  }
0x91: {  	s17 =	sld [smem:$0x3FFB];
	_ =	sdelay $0x3  }
0x92: {  	_ =	strace s17  }
0x93: {  	s2 =	sld [smem:$0x3FFC];
	_ =	sdelay $0x3  }
0x94: {  	_ =	strace s2  }
0x95: {  	s2 =	sld [smem:$0x3FFD];
	_ =	sdelay $0x3  }
0x96: {  	_ =	strace s2  }
0x97: {  	_ =	strace $0x8FFFFFFF  }
0x98: {  	s18 =	sld [smem:$0x3FDB];
	_ =	sdelay $0x1  }
0x99: {  	s19 =	simm.s32 $_scs_section_size  }
0x9a: {  	s4 =	simm.s32 $_size__tile_overlayer_lowered;
	s5 =	simm.s32 $_tile_overlayer_lowered  }
0x9b: {  	s22 =	simm.s32 $0x1BFF;
	s21 =	sshll.u32 s5, $0x1;
	s2 =	sadd.s32 s19, s18  }
0x9c: {  	s6 =	simm.s32 $0x0;
	s20 =	sshll.u32 s4, $0x1;
	s4 =	sadd.s32 s21, s2  }
0x9d: {  	[timem:s6], [sflag:s22] =	dma.local [hbm:s4], s20  }
0x9e: {  	_ =	swait.ge [sflag:s22], s20  }
0x9f: {  	s3 =	ssub.s32 $0x0, s20;
	[sflag:s22] =	ssyncset.done $0x0  }
0xa0: {  	[sflag:s22] =	ssyncadd.s32 s3;
	_ =	sdelay $0x1  }
0xa1: {  	s23 =	simm.s32 $0x1B8B  }
0xa2: {  	_ =	swait.ge [sflag:s23], $0x1  }
0xa3: {  	[sflag:s23] =	ssyncset.done $0x0  }
0xa4: {  	s25 =	simm.s32 $0x1B8E;
	s24 =	sld [smem:$0x3FFE];
	[sflag:s23] =	ssyncadd.s32 $0xFFFFFFFF  }
0xa5: {  	s26 =	simm.s32 $execute0_lowered;
	[smem:$0x3FD2] =	sst s25  }
0xa6: {  	s4 =	sshll.u32 s26, $0x1;
	_ =	strace $0x8000004C;
	[dreg:$0x1] =	wrdreg $0xFFFFFFFF  }
0xa7: {  	s28 =	simm.s32 $_size_execute0_lowered;
	s2 =	sadd.s32 s2, s4;
	[dreg:$0x0] =	wrdreg $0x0  }
0xa8: {  	s4 =	sshll.u32 s28, $0x1;
	[dreg:$0x2] =	wrdreg s2  }
0xa9: {  	[dreg:$0x3] =	wrdreg s4  }
0xaa: {  	[dreg:$0x4] =	wrdreg $0xC0  }
0xab: {  	_ =	task [dreg:s6], $0x5FFFF  }
0xac: {  	[dreg:$0x1] =	wrdreg $0xFFFFFFFF  }
0xad: {  	[dreg:$0x0] =	wrdreg $0x60  }
0xae: {  	[dreg:$0x2] =	wrdreg s24  }
0xaf: {  	[dreg:$0x3] =	wrdreg $0x90000  }
0xb0: {  	[dreg:$0x4] =	wrdreg $0x9  }
0xb1: {  	_ =	task.clear_ibuf [dreg:s6], $0x5FFFF;
	_ =	strace $0x9000004C  }
0xb2: {  	s29 =	simm.s32 $0x9;
	_ =	strace $0x8000004E  }
0xb3: {  	_ =	swait.ge [sflag:s29], $0x1  }
0xb4: {  	[sflag:s29] =	ssyncadd.s32 $0xFFFFFFFF  }
0xb5: {  	_ =	strace $0x9000004E  }
0xb6: {  	_ =	sfence  }
0xb7: {  	s30 =	sld [smem:$0x0];
	_ =	sdelay $0x2  }
0xb8: {  	s31 =	sshll.u32 s1, $0xD;
	s1 =	sshrl.u32 s1, $0x2  }
0xb9: {  	s3 =	sand.u32 $0x4000, s31;
	s1 =	sadd.s32 s1, s30  }
0xba: {  	s0 =	sor.u32 s3, s0;
	s1 =	sshll.u32 s1, $0x11  }
0xbb: {  	s0 =	sor.u32 s1, s0  }
0xbc: {  	s0 =	sadd.s32 $0x8F2B, s0  }
0xbd: {  	[sflag:s0] =	ssyncadd.remote.s32 $0x1  }
0xbe: {  	_ =	sfence.sel $0xFFFF  }
0xbf: {  	[dreg:$0x0] =	wrdreg $0xFFFFFFFF;
	(pc) =	sbr.abs _section_cstart, $3  }
0xc0: {  	[dreg:$0x1] =	wrdreg $0xFFFFFFFF  }
0xc1: {  	_ =	task.clear_ibuf [dreg:s6], $0x2FFFF;
	_ =	strace $0x9FFFFFFF  }
0xc2: {  	(tm) =	ssettm $0x7FFFFFFF  }
0xc3: {  	_ =	shalt  }
tec
execute0_lowered:
.L_overlay_start_1:
0x0: {  	(tag) =	ssettag $0x1  }
0x1: {  	s0 =	srdreg.scid;
	s1 =	rddreg [dreg:$0x0]  }
0x2: {  	s9 =	stileid.u32;
	s2 =	rddreg [dreg:$0x1];
	s3 =	simm.s32 $0x0  }
0x3: {  	s14 =	simm.s32 $0x100;
	s15 =	simm.s32 $0x880;
	s17 =	simm.s32 $0x180  }
0x4: {  	s18 =	simm.s32 $0x900;
	s19 =	simm.s32 $0x200;
	[smem:$0x7FF] =	sst s3  }
0x5: {  	s20 =	simm.s32 $0x980;
	_ =	strace $0x8000004D;
	[dreg:$0x5] =	wrdreg s14  }
0x6: {  	s21 =	simm.s32 $0x280;
	s10 =	simm.s32 $0x3;
	[dreg:$0x6] =	wrdreg s15  }
0x7: {  	s22 =	simm.s32 $0xA00;
	s23 =	simm.s32 $0x300;
	[dreg:$0x7] =	wrdreg s17  }
0x8: {  	s24 =	simm.s32 $0xA80;
	s25 =	simm.s32 $0x380;
	[dreg:$0x8] =	wrdreg s18  }
0x9: {  	s26 =	simm.s32 $0xB00;
	s28 =	simm.s32 $0x680;
	[dreg:$0x9] =	wrdreg s19  }
0xa: {  	s29 =	simm.s32 $0xE00;
	s30 =	simm.s32 $0x700;
	[dreg:$0xa] =	wrdreg s20  }
0xb: {  	s31 =	simm.s32 $0xE80;
	s5 =	smul.u32 $0x2800, s9;
	[dreg:$0xb] =	wrdreg s21  }
0xc: {  	s0 =	sand.u32 $0x1, s0;
	s7 =	smul.u32 $0x280, s9;
	[dreg:$0xc] =	wrdreg s22  }
0xd: {  	s8 =	smul.u32 $0x50000, s9;
	s16 =	sshll.u32 s9, $0x6;
	[dreg:$0xd] =	wrdreg s23  }
0xe: {  	s9 =	simm.s32 $0x0;
	s4 =	smul.u32 $0x28000, s0;
	[dreg:$0xe] =	wrdreg s24  }
0xf: {  	s6 =	smul.u32 $0x2800, s0;
	s0 =	ssub.s32 $0x2, s0;
	[dreg:$0xf] =	wrdreg s25  }
0x10: {  	s14 =	simm.s32 $0x5000;
	s15 =	simm.s32 $0x1;
	[dreg:$0x10] =	wrdreg s26  }
0x11: {  	s17 =	simm.s32 $0x400;
	s18 =	simm.s32 $0xB80;
	s19 =	simm.s32 $0x480  }
0x12: {  	s20 =	simm.s32 $0xC00;
	s21 =	simm.s32 $0x500;
	s22 =	simm.s32 $0xC80  }
0x13: {  	s23 =	simm.s32 $0x580;
	s24 =	simm.s32 $0xD00;
	s25 =	simm.s32 $0x600  }
0x14: {  	s11 =	sshrl.u32 s0, $0x1;
	s8 =	sshrl.u32 s8, $0x2;
	s5 =	sadd.s32 s5, s4  }
0x15: {  	s4 =	sadd.s32 $0x1AE00, s1;
	s6 =	sadd.s32 s7, s6;
	s0 =	ssub.s32 s0, s11  }
0x16: {  	s13 =	sadd.s32 s8, s2;
	s8 =	sor.u32 $0x1C03, s16;
	s5 =	sshrl.u32 s5, $0x3  }
0x17: {  	s6 =	sshll.u32 s6, $0x4;
	s0 =	smax.u32 s0, $0x1;
	[dreg:$0x12] =	wrdreg s8  }
0x18: {  	s7 =	sshrl.u32 s13, $0x3;
	s5 =	sadd.s32 s5, s1;
	[dreg:$0x14] =	wrdreg s0  }
0x19: {  	s1 =	sadd.s32 s6, s1;
	s6 =	sadd.s32 s4, s6;
	[dreg:$0x15] =	wrdreg s7  }
0x1a: {  	s26 =	simm.s32 $0xD80;
	s12 =	sadd.s32 $0x6E00, s5;
	[dreg:$0x11] =	wrdreg s6  }
0x1b: {  	s11 =	simm.s32 $0x800;
	s5 =	sadd.s32 $0x10E00, s5;
	[dreg:$0x3] =	wrdreg s12  }
0x1c: {  	s16 =	simm.s32 $0x2;
	s1 =	sadd.s32 $0xBAE00, s1;
	[dreg:$0x4] =	wrdreg s5  }
0x1d: {  	s13 =	simm.s32 $0x1000;
	s0 =	simm.s32 $0xF00;
	[dreg:$0x13] =	wrdreg s1  }
0x1e: {  	s12 =	simm.s32 $0x80;
	s1 =	simm.s32 $0x780;
	s5 =	simm.s32 $0xF80  }
.LBB2_1:
0x1f: {  	[dreg:$0x16] =	wrdreg s9  }
0x20: {  	s6 =	rddreg [dreg:$0x11]  }
0x21: {  	[spmem:s7], [sflag:s8] =	dma.local [hbm:s6], $0x2800  }
0x22: {  	_ =	swait.ge [sflag:s10], $0x2800  }
0x23: {  	[sflag:s10] =	ssyncset.done $0x0  }
0x24: {  	[sflag:s10] =	ssyncadd.s32 $0xFFFFD800  }
0x25: {  	[bflag:$0x0] =	sbarrier.arrive $0xFFFF  }
0x26: {  	s8 =	rddreg [dreg:$0x4]  }
0x27: {  	s6 =	sadd.s32 $0x0, s8  }
0x28: {  	[tilespmem:s3], [sflag:$0x3] =	stream.linear.gather [hbm4b:s6+s3], $0x800, $0x38;
	[tilespmem:$0x1D000] =	vst v63  }
0x29: {  	_ =	swait.ge [sflag:s10], $0x800  }
0x2a: {  	s9 =	rddreg [dreg:$0x3];
	[sflag:s10] =	ssyncset.done $0x0  }
0x2b: {  	[sflag:s10] =	ssyncadd.s32 $0xFFFFF800;
	s6 =	sadd.s32 $0x0, s9  }
0x2c: {  	[tilespmem:s11], [sflag:$0x3] =	stream.linear.gather [hbm4b:s6+s3], $0x800, $0x38;
	[tilespmem:$0x1D000] =	vst v63  }
0x2d: {  	_ =	swait.ge [sflag:s10], $0x800  }
0x2e: {  	[sflag:s10] =	ssyncset.done $0x0  }
0x2f: {  	[sflag:s10] =	ssyncadd.s32 $0xFFFFF800  }
0x30: {  	[tilespmem:s13], [sflag:$0x1] =	stream.indirect.gather [hbm4b:s4+s12], $0x80, s3, s12, $0xb8;
	[tilespmem:$0x1D000] =	vst v63  }
0x31: {  	_ = 	snop  }
0x32: {  	[tilespmem:s14], [sflag:$0x2] =	stream.indirect.gather [hbm4b:s4+s12], $0x80, s12, s12, $0xb8;
	[tilespmem:$0x1D000] =	vst v63  }
0x33: {  	_ =	swait.ge [sflag:s15], $0x4000  }
0x34: {  	[sflag:s15] =	ssyncset.done $0x0  }
0x35: {  	[sflag:s15] =	ssyncadd.s32 $0xFFFFC000  }
0x36: {  	[spmem:s2] =	stream.indirect.scatter.add.f32 [tilespmem:s13], [sflag:$0x3], $0x80, s11, s12, $0xb8;
	[tilespmem:$0x1D000] =	vst v63  }
0x37: {  	_ =	swait.ge [sflag:s10], $0x4000  }
0x38: {  	[sflag:s10] =	ssyncset.done $0x0  }
0x39: {  	s7 =	rddreg [dreg:$0x5];
	[sflag:s10] =	ssyncadd.s32 $0xFFFFC000  }
0x3a: {  	[tilespmem:s13], [sflag:$0x1] =	stream.indirect.gather [hbm4b:s4+s12], $0x80, s7, s12, $0xb8;
	[tilespmem:$0x1D000] =	vst v63  }
0x3b: {  	_ =	swait.ge [sflag:s16], $0x4000  }
0x3c: {  	[sflag:s16] =	ssyncset.done $0x0  }
0x3d: {  	s8 =	rddreg [dreg:$0x6];
	[sflag:s16] =	ssyncadd.s32 $0xFFFFC000  }
0x3e: {  	[spmem:s2] =	stream.indirect.scatter.add.f32 [tilespmem:s14], [sflag:$0x3], $0x80, s8, s12, $0xb8;
	[tilespmem:$0x1D000] =	vst v63  }
0x3f: {  	_ =	swait.ge [sflag:s10], $0x4000  }
0x40: {  	[sflag:s10] =	ssyncset.done $0x0  }
0x41: {  	s9 =	rddreg [dreg:$0x7];
	[sflag:s10] =	ssyncadd.s32 $0xFFFFC000  }
0x42: {  	[tilespmem:s14], [sflag:$0x2] =	stream.indirect.gather [hbm4b:s4+s12], $0x80, s9, s12, $0xb8;
	[tilespmem:$0x1D000] =	vst v63  }
0x43: {  	_ =	swait.ge [sflag:s15], $0x4000  }
0x44: {  	[sflag:s15] =	ssyncset.done $0x0  }
0x45: {  	s7 =	rddreg [dreg:$0x8];
	[sflag:s15] =	ssyncadd.s32 $0xFFFFC000  }
0x46: {  	[spmem:s2] =	stream.indirect.scatter.add.f32 [tilespmem:s13], [sflag:$0x3], $0x80, s7, s12, $0xb8;
	[tilespmem:$0x1D000] =	vst v63  }
0x47: {  	_ =	swait.ge [sflag:s10], $0x4000  }
0x48: {  	[sflag:s10] =	ssyncset.done $0x0  }
0x49: {  	s8 =	rddreg [dreg:$0x9];
	[sflag:s10] =	ssyncadd.s32 $0xFFFFC000  }
0x4a: {  	[tilespmem:s13], [sflag:$0x1] =	stream.indirect.gather [hbm4b:s4+s12], $0x80, s8, s12, $0xb8;
	[tilespmem:$0x1D000] =	vst v63  }
0x4b: {  	_ =	swait.ge [sflag:s16], $0x4000  }
0x4c: {  	[sflag:s16] =	ssyncset.done $0x0  }
0x4d: {  	s9 =	rddreg [dreg:$0xa];
	[sflag:s16] =	ssyncadd.s32 $0xFFFFC000  }
0x4e: {  	[spmem:s2] =	stream.indirect.scatter.add.f32 [tilespmem:s14], [sflag:$0x3], $0x80, s9, s12, $0xb8;
	[tilespmem:$0x1D000] =	vst v63  }
0x4f: {  	_ =	swait.ge [sflag:s10], $0x4000  }
0x50: {  	[sflag:s10] =	ssyncset.done $0x0  }
0x51: {  	s7 =	rddreg [dreg:$0xb];
	[sflag:s10] =	ssyncadd.s32 $0xFFFFC000  }
0x52: {  	[tilespmem:s14], [sflag:$0x2] =	stream.indirect.gather [hbm4b:s4+s12], $0x80, s7, s12, $0xb8;
	[tilespmem:$0x1D000] =	vst v63  }
0x53: {  	_ =	swait.ge [sflag:s15], $0x4000  }
0x54: {  	[sflag:s15] =	ssyncset.done $0x0  }
0x55: {  	s8 =	rddreg [dreg:$0xc];
	[sflag:s15] =	ssyncadd.s32 $0xFFFFC000  }
0x56: {  	[spmem:s2] =	stream.indirect.scatter.add.f32 [tilespmem:s13], [sflag:$0x3], $0x80, s8, s12, $0xb8;
	[tilespmem:$0x1D000] =	vst v63  }
0x57: {  	_ =	swait.ge [sflag:s10], $0x4000  }
0x58: {  	[sflag:s10] =	ssyncset.done $0x0  }
0x59: {  	s9 =	rddreg [dreg:$0xd];
	[sflag:s10] =	ssyncadd.s32 $0xFFFFC000  }
0x5a: {  	[tilespmem:s13], [sflag:$0x1] =	stream.indirect.gather [hbm4b:s4+s12], $0x80, s9, s12, $0xb8;
	[tilespmem:$0x1D000] =	vst v63  }
0x5b: {  	_ =	swait.ge [sflag:s16], $0x4000  }
0x5c: {  	[sflag:s16] =	ssyncset.done $0x0  }
0x5d: {  	s7 =	rddreg [dreg:$0xe];
	[sflag:s16] =	ssyncadd.s32 $0xFFFFC000  }
0x5e: {  	[spmem:s2] =	stream.indirect.scatter.add.f32 [tilespmem:s14], [sflag:$0x3], $0x80, s7, s12, $0xb8;
	[tilespmem:$0x1D000] =	vst v63  }
0x5f: {  	_ =	swait.ge [sflag:s10], $0x4000  }
0x60: {  	[sflag:s10] =	ssyncset.done $0x0  }
0x61: {  	s8 =	rddreg [dreg:$0xf];
	[sflag:s10] =	ssyncadd.s32 $0xFFFFC000  }
0x62: {  	[tilespmem:s14], [sflag:$0x2] =	stream.indirect.gather [hbm4b:s4+s12], $0x80, s8, s12, $0xb8;
	[tilespmem:$0x1D000] =	vst v63  }
0x63: {  	_ =	swait.ge [sflag:s15], $0x4000  }
0x64: {  	[sflag:s15] =	ssyncset.done $0x0  }
0x65: {  	s9 =	rddreg [dreg:$0x10];
	[sflag:s15] =	ssyncadd.s32 $0xFFFFC000  }
0x66: {  	[spmem:s2] =	stream.indirect.scatter.add.f32 [tilespmem:s13], [sflag:$0x3], $0x80, s9, s12, $0xb8;
	[tilespmem:$0x1D000] =	vst v63  }
0x67: {  	_ =	swait.ge [sflag:s10], $0x4000  }
0x68: {  	[sflag:s10] =	ssyncset.done $0x0  }
0x69: {  	[sflag:s10] =	ssyncadd.s32 $0xFFFFC000  }
0x6a: {  	[tilespmem:s13], [sflag:$0x1] =	stream.indirect.gather [hbm4b:s4+s12], $0x80, s17, s12, $0xb8;
	[tilespmem:$0x1D000] =	vst v63  }
0x6b: {  	_ =	swait.ge [sflag:s16], $0x4000  }
0x6c: {  	[sflag:s16] =	ssyncset.done $0x0  }
0x6d: {  	[sflag:s16] =	ssyncadd.s32 $0xFFFFC000  }
0x6e: {  	[spmem:s2] =	stream.indirect.scatter.add.f32 [tilespmem:s14], [sflag:$0x3], $0x80, s18, s12, $0xb8;
	[tilespmem:$0x1D000] =	vst v63  }
0x6f: {  	_ =	swait.ge [sflag:s10], $0x4000  }
0x70: {  	[sflag:s10] =	ssyncset.done $0x0  }
0x71: {  	[sflag:s10] =	ssyncadd.s32 $0xFFFFC000  }
0x72: {  	[tilespmem:s14], [sflag:$0x2] =	stream.indirect.gather [hbm4b:s4+s12], $0x80, s19, s12, $0xb8;
	[tilespmem:$0x1D000] =	vst v63  }
0x73: {  	_ =	swait.ge [sflag:s15], $0x4000  }
0x74: {  	[sflag:s15] =	ssyncset.done $0x0  }
0x75: {  	[sflag:s15] =	ssyncadd.s32 $0xFFFFC000  }
0x76: {  	[spmem:s2] =	stream.indirect.scatter.add.f32 [tilespmem:s13], [sflag:$0x3], $0x80, s20, s12, $0xb8;
	[tilespmem:$0x1D000] =	vst v63  }
0x77: {  	_ =	swait.ge [sflag:s10], $0x4000  }
0x78: {  	[sflag:s10] =	ssyncset.done $0x0  }
0x79: {  	[sflag:s10] =	ssyncadd.s32 $0xFFFFC000  }
0x7a: {  	[tilespmem:s13], [sflag:$0x1] =	stream.indirect.gather [hbm4b:s4+s12], $0x80, s21, s12, $0xb8;
	[tilespmem:$0x1D000] =	vst v63  }
0x7b: {  	_ =	swait.ge [sflag:s16], $0x4000  }
0x7c: {  	[sflag:s16] =	ssyncset.done $0x0  }
0x7d: {  	[sflag:s16] =	ssyncadd.s32 $0xFFFFC000  }
0x7e: {  	[spmem:s2] =	stream.indirect.scatter.add.f32 [tilespmem:s14], [sflag:$0x3], $0x80, s22, s12, $0xb8;
	[tilespmem:$0x1D000] =	vst v63  }
0x7f: {  	_ =	swait.ge [sflag:s10], $0x4000  }
0x80: {  	[sflag:s10] =	ssyncset.done $0x0  }
0x81: {  	[sflag:s10] =	ssyncadd.s32 $0xFFFFC000  }
0x82: {  	[tilespmem:s14], [sflag:$0x2] =	stream.indirect.gather [hbm4b:s4+s12], $0x80, s23, s12, $0xb8;
	[tilespmem:$0x1D000] =	vst v63  }
0x83: {  	_ =	swait.ge [sflag:s15], $0x4000  }
0x84: {  	[sflag:s15] =	ssyncset.done $0x0  }
0x85: {  	[sflag:s15] =	ssyncadd.s32 $0xFFFFC000  }
0x86: {  	[spmem:s2] =	stream.indirect.scatter.add.f32 [tilespmem:s13], [sflag:$0x3], $0x80, s24, s12, $0xb8;
	[tilespmem:$0x1D000] =	vst v63  }
0x87: {  	_ =	swait.ge [sflag:s10], $0x4000  }
0x88: {  	[sflag:s10] =	ssyncset.done $0x0  }
0x89: {  	[sflag:s10] =	ssyncadd.s32 $0xFFFFC000  }
0x8a: {  	[tilespmem:s13], [sflag:$0x1] =	stream.indirect.gather [hbm4b:s4+s12], $0x80, s25, s12, $0xb8;
	[tilespmem:$0x1D000] =	vst v63  }
0x8b: {  	_ =	swait.ge [sflag:s16], $0x4000  }
0x8c: {  	[sflag:s16] =	ssyncset.done $0x0  }
0x8d: {  	[sflag:s16] =	ssyncadd.s32 $0xFFFFC000  }
0x8e: {  	[spmem:s2] =	stream.indirect.scatter.add.f32 [tilespmem:s14], [sflag:$0x3], $0x80, s26, s12, $0xb8;
	[tilespmem:$0x1D000] =	vst v63  }
0x8f: {  	_ =	swait.ge [sflag:s10], $0x4000  }
0x90: {  	[sflag:s10] =	ssyncset.done $0x0  }
0x91: {  	[sflag:s10] =	ssyncadd.s32 $0xFFFFC000  }
0x92: {  	[tilespmem:s14], [sflag:$0x2] =	stream.indirect.gather [hbm4b:s4+s12], $0x80, s28, s12, $0xb8;
	[tilespmem:$0x1D000] =	vst v63  }
0x93: {  	_ =	swait.ge [sflag:s15], $0x4000  }
0x94: {  	[sflag:s15] =	ssyncset.done $0x0  }
0x95: {  	[sflag:s15] =	ssyncadd.s32 $0xFFFFC000  }
0x96: {  	[spmem:s2] =	stream.indirect.scatter.add.f32 [tilespmem:s13], [sflag:$0x3], $0x80, s29, s12, $0xb8;
	[tilespmem:$0x1D000] =	vst v63  }
0x97: {  	_ =	swait.ge [sflag:s10], $0x4000  }
0x98: {  	[sflag:s10] =	ssyncset.done $0x0  }
0x99: {  	[sflag:s10] =	ssyncadd.s32 $0xFFFFC000  }
0x9a: {  	[tilespmem:s13], [sflag:$0x1] =	stream.indirect.gather [hbm4b:s4+s12], $0x80, s30, s12, $0xb8;
	[tilespmem:$0x1D000] =	vst v63  }
0x9b: {  	_ =	swait.ge [sflag:s16], $0x4000  }
0x9c: {  	[sflag:s16] =	ssyncset.done $0x0  }
0x9d: {  	[sflag:s16] =	ssyncadd.s32 $0xFFFFC000  }
0x9e: {  	[spmem:s2] =	stream.indirect.scatter.add.f32 [tilespmem:s14], [sflag:$0x3], $0x80, s31, s12, $0xb8;
	[tilespmem:$0x1D000] =	vst v63  }
0x9f: {  	_ =	swait.ge [sflag:s10], $0x4000  }
0xa0: {  	[sflag:s10] =	ssyncset.done $0x0  }
0xa1: {  	[sflag:s10] =	ssyncadd.s32 $0xFFFFC000  }
0xa2: {  	[tilespmem:s14], [sflag:$0x2] =	stream.indirect.gather [hbm4b:s4+s12], $0x80, s1, s12, $0xb8;
	[tilespmem:$0x1D000] =	vst v63  }
0xa3: {  	_ =	swait.ge [sflag:s15], $0x4000  }
0xa4: {  	[sflag:s15] =	ssyncset.done $0x0  }
0xa5: {  	[sflag:s15] =	ssyncadd.s32 $0xFFFFC000  }
0xa6: {  	[spmem:s2] =	stream.indirect.scatter.add.f32 [tilespmem:s13], [sflag:$0x3], $0x80, s0, s12, $0xb8;
	[tilespmem:$0x1D000] =	vst v63  }
0xa7: {  	_ =	swait.ge [sflag:s10], $0x4000  }
0xa8: {  	[sflag:s10] =	ssyncset.done $0x0  }
0xa9: {  	[sflag:s10] =	ssyncadd.s32 $0xFFFFC000  }
0xaa: {  	_ =	swait.ge [sflag:s16], $0x4000  }
0xab: {  	[sflag:s16] =	ssyncset.done $0x0  }
0xac: {  	[sflag:s16] =	ssyncadd.s32 $0xFFFFC000  }
0xad: {  	[spmem:s2] =	stream.indirect.scatter.add.f32 [tilespmem:s14], [sflag:$0x3], $0x80, s5, s12, $0xb8;
	[tilespmem:$0x1D000] =	vst v63  }
0xae: {  	s6 =	simm.s32 $0x200;
	_ =	swait.ge [sflag:s10], $0x4000  }
0xaf: {  	s8 =	simm.s32 $0x100;
	s9 =	rddreg [dreg:$0x4];
	[sflag:s10] =	ssyncset.done $0x0  }
.LBB2_2:
0xb0: {  	[sflag:s10] =	ssyncadd.s32 $0xFFFFC000;
	s9 =	sadd.s32 s8, s9  }
0xb1: {  	[tilespmem:s3], [sflag:$0x3] =	stream.linear.gather [hbm4b:s9+s3], $0x800, $0x38;
	[tilespmem:$0x1D000] =	vst v63  }
0xb2: {  	_ =	swait.ge [sflag:s10], $0x800  }
0xb3: {  	s9 =	rddreg [dreg:$0x3];
	[sflag:s10] =	ssyncset.done $0x0  }
0xb4: {  	[sflag:s10] =	ssyncadd.s32 $0xFFFFF800;
	s9 =	sadd.s32 s8, s9  }
0xb5: {  	[tilespmem:s11], [sflag:$0x3] =	stream.linear.gather [hbm4b:s9+s3], $0x800, $0x38;
	[tilespmem:$0x1D000] =	vst v63  }
0xb6: {  	_ =	swait.ge [sflag:s10], $0x800  }
0xb7: {  	[sflag:s10] =	ssyncset.done $0x0  }
0xb8: {  	[sflag:s10] =	ssyncadd.s32 $0xFFFFF800  }
0xb9: {  	[tilespmem:s13], [sflag:$0x1] =	stream.indirect.gather [hbm4b:s4+s12], $0x80, s3, s12, $0xb8;
	[tilespmem:$0x1D000] =	vst v63  }
0xba: {  	_ = 	snop  }
0xbb: {  	[tilespmem:s14], [sflag:$0x2] =	stream.indirect.gather [hbm4b:s4+s12], $0x80, s12, s12, $0xb8;
	[tilespmem:$0x1D000] =	vst v63  }
0xbc: {  	_ =	swait.ge [sflag:s15], $0x4000  }
0xbd: {  	[sflag:s15] =	ssyncset.done $0x0  }
0xbe: {  	[sflag:s15] =	ssyncadd.s32 $0xFFFFC000  }
0xbf: {  	[spmem:s2] =	stream.indirect.scatter.add.f32 [tilespmem:s13], [sflag:$0x3], $0x80, s11, s12, $0xb8;
	[tilespmem:$0x1D000] =	vst v63  }
0xc0: {  	_ =	swait.ge [sflag:s10], $0x4000  }
0xc1: {  	[sflag:s10] =	ssyncset.done $0x0  }
0xc2: {  	s9 =	rddreg [dreg:$0x5];
	[sflag:s10] =	ssyncadd.s32 $0xFFFFC000  }
0xc3: {  	[tilespmem:s13], [sflag:$0x1] =	stream.indirect.gather [hbm4b:s4+s12], $0x80, s9, s12, $0xb8;
	[tilespmem:$0x1D000] =	vst v63  }
0xc4: {  	_ =	swait.ge [sflag:s16], $0x4000  }
0xc5: {  	[sflag:s16] =	ssyncset.done $0x0  }
0xc6: {  	s9 =	rddreg [dreg:$0x6];
	[sflag:s16] =	ssyncadd.s32 $0xFFFFC000  }
0xc7: {  	[spmem:s2] =	stream.indirect.scatter.add.f32 [tilespmem:s14], [sflag:$0x3], $0x80, s9, s12, $0xb8;
	[tilespmem:$0x1D000] =	vst v63  }
0xc8: {  	_ =	swait.ge [sflag:s10], $0x4000  }
0xc9: {  	[sflag:s10] =	ssyncset.done $0x0  }
0xca: {  	s9 =	rddreg [dreg:$0x7];
	[sflag:s10] =	ssyncadd.s32 $0xFFFFC000  }
0xcb: {  	[tilespmem:s14], [sflag:$0x2] =	stream.indirect.gather [hbm4b:s4+s12], $0x80, s9, s12, $0xb8;
	[tilespmem:$0x1D000] =	vst v63  }
0xcc: {  	_ =	swait.ge [sflag:s15], $0x4000  }
0xcd: {  	[sflag:s15] =	ssyncset.done $0x0  }
0xce: {  	s9 =	rddreg [dreg:$0x8];
	[sflag:s15] =	ssyncadd.s32 $0xFFFFC000  }
0xcf: {  	[spmem:s2] =	stream.indirect.scatter.add.f32 [tilespmem:s13], [sflag:$0x3], $0x80, s9, s12, $0xb8;
	[tilespmem:$0x1D000] =	vst v63  }
0xd0: {  	_ =	swait.ge [sflag:s10], $0x4000  }
0xd1: {  	[sflag:s10] =	ssyncset.done $0x0  }
0xd2: {  	s9 =	rddreg [dreg:$0x9];
	[sflag:s10] =	ssyncadd.s32 $0xFFFFC000  }
0xd3: {  	[tilespmem:s13], [sflag:$0x1] =	stream.indirect.gather [hbm4b:s4+s12], $0x80, s9, s12, $0xb8;
	[tilespmem:$0x1D000] =	vst v63  }
0xd4: {  	_ =	swait.ge [sflag:s16], $0x4000  }
0xd5: {  	[sflag:s16] =	ssyncset.done $0x0  }
0xd6: {  	s9 =	rddreg [dreg:$0xa];
	[sflag:s16] =	ssyncadd.s32 $0xFFFFC000  }
0xd7: {  	[spmem:s2] =	stream.indirect.scatter.add.f32 [tilespmem:s14], [sflag:$0x3], $0x80, s9, s12, $0xb8;
	[tilespmem:$0x1D000] =	vst v63  }
0xd8: {  	_ =	swait.ge [sflag:s10], $0x4000  }
0xd9: {  	[sflag:s10] =	ssyncset.done $0x0  }
0xda: {  	s9 =	rddreg [dreg:$0xb];
	[sflag:s10] =	ssyncadd.s32 $0xFFFFC000  }
0xdb: {  	[tilespmem:s14], [sflag:$0x2] =	stream.indirect.gather [hbm4b:s4+s12], $0x80, s9, s12, $0xb8;
	[tilespmem:$0x1D000] =	vst v63  }
0xdc: {  	_ =	swait.ge [sflag:s15], $0x4000  }
0xdd: {  	[sflag:s15] =	ssyncset.done $0x0  }
0xde: {  	s9 =	rddreg [dreg:$0xc];
	[sflag:s15] =	ssyncadd.s32 $0xFFFFC000  }
0xdf: {  	[spmem:s2] =	stream.indirect.scatter.add.f32 [tilespmem:s13], [sflag:$0x3], $0x80, s9, s12, $0xb8;
	[tilespmem:$0x1D000] =	vst v63  }
0xe0: {  	_ =	swait.ge [sflag:s10], $0x4000  }
0xe1: {  	[sflag:s10] =	ssyncset.done $0x0  }
0xe2: {  	s9 =	rddreg [dreg:$0xd];
	[sflag:s10] =	ssyncadd.s32 $0xFFFFC000  }
0xe3: {  	[tilespmem:s13], [sflag:$0x1] =	stream.indirect.gather [hbm4b:s4+s12], $0x80, s9, s12, $0xb8;
	[tilespmem:$0x1D000] =	vst v63  }
0xe4: {  	_ =	swait.ge [sflag:s16], $0x4000  }
0xe5: {  	[sflag:s16] =	ssyncset.done $0x0  }
0xe6: {  	s9 =	rddreg [dreg:$0xe];
	[sflag:s16] =	ssyncadd.s32 $0xFFFFC000  }
0xe7: {  	[spmem:s2] =	stream.indirect.scatter.add.f32 [tilespmem:s14], [sflag:$0x3], $0x80, s9, s12, $0xb8;
	[tilespmem:$0x1D000] =	vst v63  }
0xe8: {  	_ =	swait.ge [sflag:s10], $0x4000  }
0xe9: {  	[sflag:s10] =	ssyncset.done $0x0  }
0xea: {  	s9 =	rddreg [dreg:$0xf];
	[sflag:s10] =	ssyncadd.s32 $0xFFFFC000  }
0xeb: {  	[tilespmem:s14], [sflag:$0x2] =	stream.indirect.gather [hbm4b:s4+s12], $0x80, s9, s12, $0xb8;
	[tilespmem:$0x1D000] =	vst v63  }
0xec: {  	_ =	swait.ge [sflag:s15], $0x4000  }
0xed: {  	[sflag:s15] =	ssyncset.done $0x0  }
0xee: {  	s9 =	rddreg [dreg:$0x10];
	[sflag:s15] =	ssyncadd.s32 $0xFFFFC000  }
0xef: {  	[spmem:s2] =	stream.indirect.scatter.add.f32 [tilespmem:s13], [sflag:$0x3], $0x80, s9, s12, $0xb8;
	[tilespmem:$0x1D000] =	vst v63  }
0xf0: {  	_ =	swait.ge [sflag:s10], $0x4000  }
0xf1: {  	[sflag:s10] =	ssyncset.done $0x0  }
0xf2: {  	[sflag:s10] =	ssyncadd.s32 $0xFFFFC000  }
0xf3: {  	[tilespmem:s13], [sflag:$0x1] =	stream.indirect.gather [hbm4b:s4+s12], $0x80, s17, s12, $0xb8;
	[tilespmem:$0x1D000] =	vst v63  }
0xf4: {  	_ =	swait.ge [sflag:s16], $0x4000  }
0xf5: {  	[sflag:s16] =	ssyncset.done $0x0  }
0xf6: {  	[sflag:s16] =	ssyncadd.s32 $0xFFFFC000  }
0xf7: {  	[spmem:s2] =	stream.indirect.scatter.add.f32 [tilespmem:s14], [sflag:$0x3], $0x80, s18, s12, $0xb8;
	[tilespmem:$0x1D000] =	vst v63  }
0xf8: {  	_ =	swait.ge [sflag:s10], $0x4000  }
0xf9: {  	[sflag:s10] =	ssyncset.done $0x0  }
0xfa: {  	[sflag:s10] =	ssyncadd.s32 $0xFFFFC000  }
0xfb: {  	[tilespmem:s14], [sflag:$0x2] =	stream.indirect.gather [hbm4b:s4+s12], $0x80, s19, s12, $0xb8;
	[tilespmem:$0x1D000] =	vst v63  }
0xfc: {  	_ =	swait.ge [sflag:s15], $0x4000  }
0xfd: {  	[sflag:s15] =	ssyncset.done $0x0  }
0xfe: {  	[sflag:s15] =	ssyncadd.s32 $0xFFFFC000  }
0xff: {  	[spmem:s2] =	stream.indirect.scatter.add.f32 [tilespmem:s13], [sflag:$0x3], $0x80, s20, s12, $0xb8;
	[tilespmem:$0x1D000] =	vst v63  }
0x100: {  	_ =	swait.ge [sflag:s10], $0x4000  }
0x101: {  	[sflag:s10] =	ssyncset.done $0x0  }
0x102: {  	[sflag:s10] =	ssyncadd.s32 $0xFFFFC000  }
0x103: {  	[tilespmem:s13], [sflag:$0x1] =	stream.indirect.gather [hbm4b:s4+s12], $0x80, s21, s12, $0xb8;
	[tilespmem:$0x1D000] =	vst v63  }
0x104: {  	_ =	swait.ge [sflag:s16], $0x4000  }
0x105: {  	[sflag:s16] =	ssyncset.done $0x0  }
0x106: {  	[sflag:s16] =	ssyncadd.s32 $0xFFFFC000  }
0x107: {  	[spmem:s2] =	stream.indirect.scatter.add.f32 [tilespmem:s14], [sflag:$0x3], $0x80, s22, s12, $0xb8;
	[tilespmem:$0x1D000] =	vst v63  }
0x108: {  	_ =	swait.ge [sflag:s10], $0x4000  }
0x109: {  	[sflag:s10] =	ssyncset.done $0x0  }
0x10a: {  	[sflag:s10] =	ssyncadd.s32 $0xFFFFC000  }
0x10b: {  	[tilespmem:s14], [sflag:$0x2] =	stream.indirect.gather [hbm4b:s4+s12], $0x80, s23, s12, $0xb8;
	[tilespmem:$0x1D000] =	vst v63  }
0x10c: {  	_ =	swait.ge [sflag:s15], $0x4000  }
0x10d: {  	[sflag:s15] =	ssyncset.done $0x0  }
0x10e: {  	[sflag:s15] =	ssyncadd.s32 $0xFFFFC000  }
0x10f: {  	[spmem:s2] =	stream.indirect.scatter.add.f32 [tilespmem:s13], [sflag:$0x3], $0x80, s24, s12, $0xb8;
	[tilespmem:$0x1D000] =	vst v63  }
0x110: {  	_ =	swait.ge [sflag:s10], $0x4000  }
0x111: {  	[sflag:s10] =	ssyncset.done $0x0  }
0x112: {  	[sflag:s10] =	ssyncadd.s32 $0xFFFFC000  }
0x113: {  	[tilespmem:s13], [sflag:$0x1] =	stream.indirect.gather [hbm4b:s4+s12], $0x80, s25, s12, $0xb8;
	[tilespmem:$0x1D000] =	vst v63  }
0x114: {  	_ =	swait.ge [sflag:s16], $0x4000  }
0x115: {  	[sflag:s16] =	ssyncset.done $0x0  }
0x116: {  	[sflag:s16] =	ssyncadd.s32 $0xFFFFC000  }
0x117: {  	[spmem:s2] =	stream.indirect.scatter.add.f32 [tilespmem:s14], [sflag:$0x3], $0x80, s26, s12, $0xb8;
	[tilespmem:$0x1D000] =	vst v63  }
0x118: {  	_ =	swait.ge [sflag:s10], $0x4000  }
0x119: {  	[sflag:s10] =	ssyncset.done $0x0  }
0x11a: {  	[sflag:s10] =	ssyncadd.s32 $0xFFFFC000  }
0x11b: {  	[tilespmem:s14], [sflag:$0x2] =	stream.indirect.gather [hbm4b:s4+s12], $0x80, s28, s12, $0xb8;
	[tilespmem:$0x1D000] =	vst v63  }
0x11c: {  	_ =	swait.ge [sflag:s15], $0x4000  }
0x11d: {  	[sflag:s15] =	ssyncset.done $0x0  }
0x11e: {  	[sflag:s15] =	ssyncadd.s32 $0xFFFFC000  }
0x11f: {  	[spmem:s2] =	stream.indirect.scatter.add.f32 [tilespmem:s13], [sflag:$0x3], $0x80, s29, s12, $0xb8;
	[tilespmem:$0x1D000] =	vst v63  }
0x120: {  	_ =	swait.ge [sflag:s10], $0x4000  }
0x121: {  	[sflag:s10] =	ssyncset.done $0x0  }
0x122: {  	[sflag:s10] =	ssyncadd.s32 $0xFFFFC000  }
0x123: {  	[tilespmem:s13], [sflag:$0x1] =	stream.indirect.gather [hbm4b:s4+s12], $0x80, s30, s12, $0xb8;
	[tilespmem:$0x1D000] =	vst v63  }
0x124: {  	_ =	swait.ge [sflag:s16], $0x4000  }
0x125: {  	[sflag:s16] =	ssyncset.done $0x0  }
0x126: {  	[sflag:s16] =	ssyncadd.s32 $0xFFFFC000  }
0x127: {  	[spmem:s2] =	stream.indirect.scatter.add.f32 [tilespmem:s14], [sflag:$0x3], $0x80, s31, s12, $0xb8;
	[tilespmem:$0x1D000] =	vst v63  }
0x128: {  	_ =	swait.ge [sflag:s10], $0x4000  }
0x129: {  	[sflag:s10] =	ssyncset.done $0x0  }
0x12a: {  	[sflag:s10] =	ssyncadd.s32 $0xFFFFC000  }
0x12b: {  	[tilespmem:s14], [sflag:$0x2] =	stream.indirect.gather [hbm4b:s4+s12], $0x80, s1, s12, $0xb8;
	[tilespmem:$0x1D000] =	vst v63  }
0x12c: {  	_ =	swait.ge [sflag:s15], $0x4000  }
0x12d: {  	[sflag:s15] =	ssyncset.done $0x0  }
0x12e: {  	[sflag:s15] =	ssyncadd.s32 $0xFFFFC000  }
0x12f: {  	[spmem:s2] =	stream.indirect.scatter.add.f32 [tilespmem:s13], [sflag:$0x3], $0x80, s0, s12, $0xb8;
	[tilespmem:$0x1D000] =	vst v63  }
0x130: {  	_ =	swait.ge [sflag:s10], $0x4000  }
0x131: {  	[sflag:s10] =	ssyncset.done $0x0  }
0x132: {  	[sflag:s10] =	ssyncadd.s32 $0xFFFFC000  }
0x133: {  	p0 =	sne.s32 s6, $0x400;
	_ =	swait.ge [sflag:s16], $0x4000  }
.Ltmp0:
0x134: {  	[sflag:s16] =	ssyncset.done $0x0;
	(pc) =	sbr.rel @p0 .LBB2_2-.Ltmp0, $4  }
0x135: {  	[sflag:s16] =	ssyncadd.s32 $0xFFFFC000  }
0x136: {  	[spmem:s2] =	stream.indirect.scatter.add.f32 [tilespmem:s14], [sflag:$0x3], $0x80, s5, s12, $0xb8;
	[tilespmem:$0x1D000] =	vst v63  }
0x137: {  	s7 =	smov.u32 s6;
	s6 =	sadd.s32 $0x100, s6;
	_ =	swait.ge [sflag:s10], $0x4000  }
0x138: {  	s8 =	smov.u32 s7;
	s9 =	rddreg [dreg:$0x4];
	[sflag:s10] =	ssyncset.done $0x0  }
0x139: {  	[sflag:s10] =	ssyncadd.s32 $0xFFFFC000;
	s6 =	sadd.s32 s8, s9  }
0x13a: {  	[tilespmem:s3], [sflag:$0x3] =	stream.linear.gather [hbm4b:s6+s3], $0x800, $0x38;
	[tilespmem:$0x1D000] =	vst v63  }
0x13b: {  	_ =	swait.ge [sflag:s10], $0x800  }
0x13c: {  	s7 =	rddreg [dreg:$0x3];
	[sflag:s10] =	ssyncset.done $0x0  }
0x13d: {  	s6 =	sadd.s32 s8, s7;
	[sflag:s10] =	ssyncadd.s32 $0xFFFFF800  }
0x13e: {  	[tilespmem:s11], [sflag:$0x3] =	stream.linear.gather [hbm4b:s6+s3], $0x800, $0x38;
	[tilespmem:$0x1D000] =	vst v63  }
0x13f: {  	_ =	swait.ge [sflag:s10], $0x800  }
0x140: {  	[sflag:s10] =	ssyncset.done $0x0  }
0x141: {  	[sflag:s10] =	ssyncadd.s32 $0xFFFFF800  }
0x142: {  	[tilespmem:s13], [sflag:$0x1] =	stream.indirect.gather [hbm4b:s4+s12], $0x80, s3, s12, $0xb8;
	[tilespmem:$0x1D000] =	vst v63  }
0x143: {  	_ = 	snop  }
0x144: {  	[tilespmem:s14], [sflag:$0x2] =	stream.indirect.gather [hbm4b:s4+s12], $0x80, s12, s12, $0xb8;
	[tilespmem:$0x1D000] =	vst v63  }
0x145: {  	_ =	swait.ge [sflag:s15], $0x4000  }
0x146: {  	[sflag:s15] =	ssyncset.done $0x0  }
0x147: {  	[sflag:s15] =	ssyncadd.s32 $0xFFFFC000  }
0x148: {  	[spmem:s2] =	stream.indirect.scatter.add.f32 [tilespmem:s13], [sflag:$0x3], $0x80, s11, s12, $0xb8;
	[tilespmem:$0x1D000] =	vst v63  }
0x149: {  	_ =	swait.ge [sflag:s10], $0x4000  }
0x14a: {  	[sflag:s10] =	ssyncset.done $0x0  }
0x14b: {  	s9 =	rddreg [dreg:$0x5];
	[sflag:s10] =	ssyncadd.s32 $0xFFFFC000  }
0x14c: {  	[tilespmem:s13], [sflag:$0x1] =	stream.indirect.gather [hbm4b:s4+s12], $0x80, s9, s12, $0xb8;
	[tilespmem:$0x1D000] =	vst v63  }
0x14d: {  	_ =	swait.ge [sflag:s16], $0x4000  }
0x14e: {  	[sflag:s16] =	ssyncset.done $0x0  }
0x14f: {  	s7 =	rddreg [dreg:$0x6];
	[sflag:s16] =	ssyncadd.s32 $0xFFFFC000  }
0x150: {  	[spmem:s2] =	stream.indirect.scatter.add.f32 [tilespmem:s14], [sflag:$0x3], $0x80, s7, s12, $0xb8;
	[tilespmem:$0x1D000] =	vst v63  }
0x151: {  	_ =	swait.ge [sflag:s10], $0x4000  }
0x152: {  	[sflag:s10] =	ssyncset.done $0x0  }
0x153: {  	s8 =	rddreg [dreg:$0x7];
	[sflag:s10] =	ssyncadd.s32 $0xFFFFC000  }
0x154: {  	[tilespmem:s14], [sflag:$0x2] =	stream.indirect.gather [hbm4b:s4+s12], $0x80, s8, s12, $0xb8;
	[tilespmem:$0x1D000] =	vst v63  }
0x155: {  	_ =	swait.ge [sflag:s15], $0x4000  }
0x156: {  	[sflag:s15] =	ssyncset.done $0x0  }
0x157: {  	s9 =	rddreg [dreg:$0x8];
	[sflag:s15] =	ssyncadd.s32 $0xFFFFC000  }
0x158: {  	[spmem:s2] =	stream.indirect.scatter.add.f32 [tilespmem:s13], [sflag:$0x3], $0x80, s9, s12, $0xb8;
	[tilespmem:$0x1D000] =	vst v63  }
0x159: {  	_ =	swait.ge [sflag:s10], $0x4000  }
0x15a: {  	[sflag:s10] =	ssyncset.done $0x0  }
0x15b: {  	s7 =	rddreg [dreg:$0x9];
	[sflag:s10] =	ssyncadd.s32 $0xFFFFC000  }
0x15c: {  	[tilespmem:s13], [sflag:$0x1] =	stream.indirect.gather [hbm4b:s4+s12], $0x80, s7, s12, $0xb8;
	[tilespmem:$0x1D000] =	vst v63  }
0x15d: {  	_ =	swait.ge [sflag:s16], $0x4000  }
0x15e: {  	[sflag:s16] =	ssyncset.done $0x0  }
0x15f: {  	s8 =	rddreg [dreg:$0xa];
	[sflag:s16] =	ssyncadd.s32 $0xFFFFC000  }
0x160: {  	[spmem:s2] =	stream.indirect.scatter.add.f32 [tilespmem:s14], [sflag:$0x3], $0x80, s8, s12, $0xb8;
	[tilespmem:$0x1D000] =	vst v63  }
0x161: {  	_ =	swait.ge [sflag:s10], $0x4000  }
0x162: {  	[sflag:s10] =	ssyncset.done $0x0  }
0x163: {  	s9 =	rddreg [dreg:$0xb];
	[sflag:s10] =	ssyncadd.s32 $0xFFFFC000  }
0x164: {  	[tilespmem:s14], [sflag:$0x2] =	stream.indirect.gather [hbm4b:s4+s12], $0x80, s9, s12, $0xb8;
	[tilespmem:$0x1D000] =	vst v63  }
0x165: {  	_ =	swait.ge [sflag:s15], $0x4000  }
0x166: {  	[sflag:s15] =	ssyncset.done $0x0  }
0x167: {  	s7 =	rddreg [dreg:$0xc];
	[sflag:s15] =	ssyncadd.s32 $0xFFFFC000  }
0x168: {  	[spmem:s2] =	stream.indirect.scatter.add.f32 [tilespmem:s13], [sflag:$0x3], $0x80, s7, s12, $0xb8;
	[tilespmem:$0x1D000] =	vst v63  }
0x169: {  	_ =	swait.ge [sflag:s10], $0x4000  }
0x16a: {  	[sflag:s10] =	ssyncset.done $0x0  }
0x16b: {  	s8 =	rddreg [dreg:$0xd];
	[sflag:s10] =	ssyncadd.s32 $0xFFFFC000  }
0x16c: {  	[tilespmem:s13], [sflag:$0x1] =	stream.indirect.gather [hbm4b:s4+s12], $0x80, s8, s12, $0xb8;
	[tilespmem:$0x1D000] =	vst v63  }
0x16d: {  	_ =	swait.ge [sflag:s16], $0x4000  }
0x16e: {  	[sflag:s16] =	ssyncset.done $0x0  }
0x16f: {  	s9 =	rddreg [dreg:$0xe];
	[sflag:s16] =	ssyncadd.s32 $0xFFFFC000  }
0x170: {  	[spmem:s2] =	stream.indirect.scatter.add.f32 [tilespmem:s14], [sflag:$0x3], $0x80, s9, s12, $0xb8;
	[tilespmem:$0x1D000] =	vst v63  }
0x171: {  	_ =	swait.ge [sflag:s10], $0x4000  }
0x172: {  	[sflag:s10] =	ssyncset.done $0x0  }
0x173: {  	s7 =	rddreg [dreg:$0xf];
	[sflag:s10] =	ssyncadd.s32 $0xFFFFC000  }
0x174: {  	[tilespmem:s14], [sflag:$0x2] =	stream.indirect.gather [hbm4b:s4+s12], $0x80, s7, s12, $0xb8;
	[tilespmem:$0x1D000] =	vst v63  }
0x175: {  	_ =	swait.ge [sflag:s15], $0x4000  }
0x176: {  	[sflag:s15] =	ssyncset.done $0x0  }
0x177: {  	s8 =	rddreg [dreg:$0x10];
	[sflag:s15] =	ssyncadd.s32 $0xFFFFC000  }
0x178: {  	[spmem:s2] =	stream.indirect.scatter.add.f32 [tilespmem:s13], [sflag:$0x3], $0x80, s8, s12, $0xb8;
	[tilespmem:$0x1D000] =	vst v63  }
0x179: {  	_ =	swait.ge [sflag:s10], $0x4000  }
0x17a: {  	[sflag:s10] =	ssyncset.done $0x0  }
0x17b: {  	[sflag:s10] =	ssyncadd.s32 $0xFFFFC000  }
0x17c: {  	[tilespmem:s13], [sflag:$0x1] =	stream.indirect.gather [hbm4b:s4+s12], $0x80, s17, s12, $0xb8;
	[tilespmem:$0x1D000] =	vst v63  }
0x17d: {  	_ =	swait.ge [sflag:s16], $0x4000  }
0x17e: {  	[sflag:s16] =	ssyncset.done $0x0  }
0x17f: {  	[sflag:s16] =	ssyncadd.s32 $0xFFFFC000  }
0x180: {  	[spmem:s2] =	stream.indirect.scatter.add.f32 [tilespmem:s14], [sflag:$0x3], $0x80, s18, s12, $0xb8;
	[tilespmem:$0x1D000] =	vst v63  }
0x181: {  	_ =	swait.ge [sflag:s10], $0x4000  }
0x182: {  	[sflag:s10] =	ssyncset.done $0x0  }
0x183: {  	[sflag:s10] =	ssyncadd.s32 $0xFFFFC000  }
0x184: {  	[tilespmem:s14], [sflag:$0x2] =	stream.indirect.gather [hbm4b:s4+s12], $0x80, s19, s12, $0xb8;
	[tilespmem:$0x1D000] =	vst v63  }
0x185: {  	_ =	swait.ge [sflag:s15], $0x4000  }
0x186: {  	[sflag:s15] =	ssyncset.done $0x0  }
0x187: {  	[sflag:s15] =	ssyncadd.s32 $0xFFFFC000  }
0x188: {  	[spmem:s2] =	stream.indirect.scatter.add.f32 [tilespmem:s13], [sflag:$0x3], $0x80, s20, s12, $0xb8;
	[tilespmem:$0x1D000] =	vst v63  }
0x189: {  	_ =	swait.ge [sflag:s10], $0x4000  }
0x18a: {  	[sflag:s10] =	ssyncset.done $0x0  }
0x18b: {  	[sflag:s10] =	ssyncadd.s32 $0xFFFFC000  }
0x18c: {  	[tilespmem:s13], [sflag:$0x1] =	stream.indirect.gather [hbm4b:s4+s12], $0x80, s21, s12, $0xb8;
	[tilespmem:$0x1D000] =	vst v63  }
0x18d: {  	_ =	swait.ge [sflag:s16], $0x4000  }
0x18e: {  	[sflag:s16] =	ssyncset.done $0x0  }
0x18f: {  	[sflag:s16] =	ssyncadd.s32 $0xFFFFC000  }
0x190: {  	[spmem:s2] =	stream.indirect.scatter.add.f32 [tilespmem:s14], [sflag:$0x3], $0x80, s22, s12, $0xb8;
	[tilespmem:$0x1D000] =	vst v63  }
0x191: {  	_ =	swait.ge [sflag:s10], $0x4000  }
0x192: {  	[sflag:s10] =	ssyncset.done $0x0  }
0x193: {  	[sflag:s10] =	ssyncadd.s32 $0xFFFFC000  }
0x194: {  	[tilespmem:s14], [sflag:$0x2] =	stream.indirect.gather [hbm4b:s4+s12], $0x80, s23, s12, $0xb8;
	[tilespmem:$0x1D000] =	vst v63  }
0x195: {  	_ =	swait.ge [sflag:s15], $0x4000  }
0x196: {  	[sflag:s15] =	ssyncset.done $0x0  }
0x197: {  	[sflag:s15] =	ssyncadd.s32 $0xFFFFC000  }
0x198: {  	[spmem:s2] =	stream.indirect.scatter.add.f32 [tilespmem:s13], [sflag:$0x3], $0x80, s24, s12, $0xb8;
	[tilespmem:$0x1D000] =	vst v63  }
0x199: {  	_ =	swait.ge [sflag:s10], $0x4000  }
0x19a: {  	[sflag:s10] =	ssyncset.done $0x0  }
0x19b: {  	[sflag:s10] =	ssyncadd.s32 $0xFFFFC000  }
0x19c: {  	[tilespmem:s13], [sflag:$0x1] =	stream.indirect.gather [hbm4b:s4+s12], $0x80, s25, s12, $0xb8;
	[tilespmem:$0x1D000] =	vst v63  }
0x19d: {  	_ =	swait.ge [sflag:s16], $0x4000  }
0x19e: {  	[sflag:s16] =	ssyncset.done $0x0  }
0x19f: {  	[sflag:s16] =	ssyncadd.s32 $0xFFFFC000  }
0x1a0: {  	[spmem:s2] =	stream.indirect.scatter.add.f32 [tilespmem:s14], [sflag:$0x3], $0x80, s26, s12, $0xb8;
	[tilespmem:$0x1D000] =	vst v63  }
0x1a1: {  	_ =	swait.ge [sflag:s10], $0x4000  }
0x1a2: {  	[sflag:s10] =	ssyncset.done $0x0  }
0x1a3: {  	[sflag:s10] =	ssyncadd.s32 $0xFFFFC000  }
0x1a4: {  	[tilespmem:s14], [sflag:$0x2] =	stream.indirect.gather [hbm4b:s4+s12], $0x80, s28, s12, $0xb8;
	[tilespmem:$0x1D000] =	vst v63  }
0x1a5: {  	_ =	swait.ge [sflag:s15], $0x4000  }
0x1a6: {  	[sflag:s15] =	ssyncset.done $0x0  }
0x1a7: {  	[sflag:s15] =	ssyncadd.s32 $0xFFFFC000  }
0x1a8: {  	[spmem:s2] =	stream.indirect.scatter.add.f32 [tilespmem:s13], [sflag:$0x3], $0x80, s29, s12, $0xb8;
	[tilespmem:$0x1D000] =	vst v63  }
0x1a9: {  	_ =	swait.ge [sflag:s10], $0x4000  }
0x1aa: {  	[sflag:s10] =	ssyncset.done $0x0  }
0x1ab: {  	[sflag:s10] =	ssyncadd.s32 $0xFFFFC000  }
0x1ac: {  	[tilespmem:s13], [sflag:$0x1] =	stream.indirect.gather [hbm4b:s4+s12], $0x80, s30, s12, $0xb8;
	[tilespmem:$0x1D000] =	vst v63  }
0x1ad: {  	_ =	swait.ge [sflag:s16], $0x4000  }
0x1ae: {  	[sflag:s16] =	ssyncset.done $0x0  }
0x1af: {  	[sflag:s16] =	ssyncadd.s32 $0xFFFFC000  }
0x1b0: {  	[spmem:s2] =	stream.indirect.scatter.add.f32 [tilespmem:s14], [sflag:$0x3], $0x80, s31, s12, $0xb8;
	[tilespmem:$0x1D000] =	vst v63  }
0x1b1: {  	_ =	swait.ge [sflag:s10], $0x4000  }
0x1b2: {  	[sflag:s10] =	ssyncset.done $0x0  }
0x1b3: {  	[sflag:s10] =	ssyncadd.s32 $0xFFFFC000  }
0x1b4: {  	[tilespmem:s14], [sflag:$0x2] =	stream.indirect.gather [hbm4b:s4+s12], $0x80, s1, s12, $0xb8;
	[tilespmem:$0x1D000] =	vst v63  }
0x1b5: {  	_ =	swait.ge [sflag:s15], $0x4000  }
0x1b6: {  	[sflag:s15] =	ssyncset.done $0x0  }
0x1b7: {  	[sflag:s15] =	ssyncadd.s32 $0xFFFFC000  }
0x1b8: {  	[spmem:s2] =	stream.indirect.scatter.add.f32 [tilespmem:s13], [sflag:$0x3], $0x80, s0, s12, $0xb8;
	[tilespmem:$0x1D000] =	vst v63  }
0x1b9: {  	_ =	swait.ge [sflag:s10], $0x4000  }
0x1ba: {  	[sflag:s10] =	ssyncset.done $0x0  }
0x1bb: {  	[sflag:s10] =	ssyncadd.s32 $0xFFFFC000  }
0x1bc: {  	_ =	swait.ge [sflag:s16], $0x4000  }
0x1bd: {  	[sflag:s16] =	ssyncset.done $0x0  }
0x1be: {  	[sflag:s16] =	ssyncadd.s32 $0xFFFFC000  }
0x1bf: {  	[spmem:s2] =	stream.indirect.scatter.add.f32 [tilespmem:s14], [sflag:$0x3], $0x80, s5, s12, $0xb8;
	[tilespmem:$0x1D000] =	vst v63  }
0x1c0: {  	_ =	swait.ge [sflag:s10], $0x4000  }
0x1c1: {  	[sflag:s10] =	ssyncset.done $0x0  }
0x1c2: {  	[sflag:s10] =	ssyncadd.s32 $0xFFFFC000  }
0x1c3: {  	[bflag:$0x0] =	sbarrier.arrive $0xFFFF  }
0x1c4: {  	s8 =	rddreg [dreg:$0x12]  }
0x1c5: {  	s9 =	rddreg [dreg:$0x13]  }
0x1c6: {  	s7 =	rddreg [dreg:$0x15]  }
0x1c7: {  	[hbm:s9], [sflag:s8] =	dma.local [spmem:s7], $0x2800  }
0x1c8: {  	_ =	swait.ge [sflag:s10], $0x2800  }
0x1c9: {  	s6 =	rddreg [dreg:$0x16]  }
0x1ca: {  	s9 =	sadd.s32 $0x1, s6;
	s6 =	rddreg [dreg:$0x14]  }
0x1cb: {  	p0 =	sne.s32 s9, s6  }
.Ltmp1:
0x1cc: {  	_ = 	snop;
	(pc) =	sbr.rel @p0 .LBB2_1-.Ltmp1, $3  }
0x1cd: {  	_ =	sdelay $0x1  }
0x1ce: {  	[sflag:s10] =	ssyncset.done $0x0  }
0x1cf: {  	[sflag:s10] =	ssyncadd.s32 $0xFFFFD800  }
0x1d0: {  	_ =	sfence.sel $0x180000  }
0x1d1: {  	[bflag:$0x0] =	sbarrier.arrive $0xFFFF  }
0x1d2: {  	_ =	strace $0x9000004D  }
0x1d3: {  	s0 =	stileid.u32;
	[bflag:$0x2] =	sbarrier.arrive $0xFFFF  }
0x1d4: {  	p0 =	sne.s32 s0, $0x0;
	s0 =	rddreg [dreg:$0x2]  }
0x1d5: {  	s0 =	sadd.s32 @!p0 $0x100000, s0  }
0x1d6: {  	[sflag:s0] =	ssyncadd.tile.s32 @!p0 $0x1;
	_ =	shalt  }
.Lfunc_end2:
_tile_overlayer_lowered:
.L_overlay_start_2:
0x1d7: {  	(tag) =	ssettag $0x2  }
0x1d8: {  	s0 =	rddreg [dreg:$0x0];
	s2 =	stileid.u32  }
0x1d9: {  	s1 =	rddreg [dreg:$0x1];
	p0 =	sne.s32 s2, $0x0  }
0x1da: {  	s3 =	rddreg [dreg:$0x2];
	[bflag:$0x3] =	sbarrier.arrive $0xFFFF;
	s2 =	simm.s32 @!p0 $0x1C03  }
0x1db: {  	[timem:s3], [sflag:s2] =	dma.local @!p0 [hbm:s0], s1  }
0x1dc: {  	s0 =	simm.s32 @!p0 $0x3  }
0x1dd: {  	_ =	swait.ge @!p0 [sflag:s0], s1  }
0x1de: {  	s1 =	ssub.s32 @!p0 $0x0, s1;
	[sflag:s0] =	ssyncset.done @!p0 $0x0  }
0x1df: {  	[sflag:s0] =	ssyncadd.s32 @!p0 s1  }
0x1e0: {  	[bflag:$0x3] =	sbarrier.arrive $0xFFFF  }
0x1e1: {  	_ =	shalt  }

// kernel: kernel.21.cloned.1.call-start
scs
__scs_entry_jumppad:
0x0: {  	(pc) =	sbr.rel $0x88, $3  }
0x1: {  	(tag) =	ssettag $0x0;
	lr =	simm.s32 $0x1  }
0x2: {  	[smem:$0x3F83] =	sst lr;
	_ =	strace $0xD0000000  }
0x3: {  	_ = 	snop  }
0x4: {  	_ = 	snop  }
0x5: {  	_ = 	snop  }
0x6: {  	_ = 	snop  }
0x7: {  	_ = 	snop  }
__scs_overlays_trampoline_lowered:
0x8: {  	[smem:$0x3F92] =	sst s0  }
0x9: {  	[smem:$0x3F93] =	sst s1  }
0xa: {  	[smem:$0x3F94] =	sst s2  }
0xb: {  	[smem:$0x3F95] =	sst s3  }
0xc: {  	[smem:$0x3F96] =	sst s4  }
0xd: {  	[smem:$0x3F97] =	sst s5  }
0xe: {  	[smem:$0x3F98] =	sst s6  }
0xf: {  	[smem:$0x3F99] =	sst s7  }
0x10: {  	[smem:$0x3F9A] =	sst s8  }
0x11: {  	[smem:$0x3F9B] =	sst s9;
	s0 =	simm.s32 @!p0 $0x0  }
0x12: {  	s1 =	sld [smem:$0x3F81];
	s0 =	simm.s32 @p0 $0x1  }
0x13: {  	[smem:$0x3F9C] =	sst s0;
	s0 =	simm.s32 @!p1 $0x0  }
0x14: {  	s2 =	sld [smem:$0x3F80];
	s0 =	simm.s32 @p1 $0x1  }
0x15: {  	[smem:$0x3F9D] =	sst s0;
	s0 =	simm.s32 @!p2 $0x0  }
0x16: {  	s3 =	sld [smem:$0x3FDB];
	s0 =	simm.s32 @p2 $0x1  }
0x17: {  	s4 =	simm.s32 $0x1BF5;
	[smem:$0x3F9F] =	sst s0  }
0x18: {  	s0 =	sld [smem:$0x3F82];
	_ =	swait.ge [sflag:s4], $0x0  }
0x19: {  	s7 =	sld [smem:$0x3F83]  }
0x1a: {  	s8 =	sadd.s32 $0xFFFFE003, lr  }
0x1b: {  	s9 =	sadd.s32 $0xFFFFFEF7, lr;
	s5 =	simm.s32 $0xFFFFFFFF;
	p2 =	slt.u32 s8, $0xFFFFF086  }
0x1c: {  	p1 =	slt.u32 s9, $0xF7A;
	s5 =	simm.s32 @!p2 $0x0  }
0x1d: {  	s5 =	simm.s32 @p1 $0x1;
	p0 =	seq.s32 s7, s2  }
0x1e: {  	s7 =	smul.u32 @!p0 $0xF7A, s2;
	p2 =	seq.s32 @!p0 s5, $0x0  }
0x1f: {  	s9 =	smul.u32 $0xF7A, s1;
	s8 =	simm.s32 @!p0 $0x1BF5;
	p2 =	por !p2, p0  }
0x20: {  	[sflag:s8] =	ssyncset.s32 @!p0 $0xFFFFF086;
	s6 =	sadd.s32 @!p0 s3, s7;
	s7 =	simm.s32 @!p0 $0x108  }
0x21: {  	s3 =	sadd.s32 s3, s9;
	s6 =	sadd.s32 @!p0 $0x88, s6;
	s7 =	simm.s32 @p2 $0x1082  }
0x22: {  	[simem:s7], [sflag:s8] =	dma.local @!p0 [hbm:s6], $0xF7A  }
0x23: {  	s9 =	sor.u32 $0xD0000000, s2;
	s6 =	simm.s32 $0x108;
	_ =	swait.ge @!p0 [sflag:s8], $0x0  }
0x24: {  	s3 =	sadd.s32 $0x88, s3;
	s6 =	simm.s32 @!p1 $0x1082;
	[sflag:s4] =	ssyncset.s32 $0xFFFFF086  }
0x25: {  	[simem:s6], [sflag:s4] =	dma.local [hbm:s3], $0xF7A  }
0x26: {  	[smem:$0x3F83] =	sst s1;
	(tag) =	ssettag s2;
	_ =	strace s9  }
0x27: {  	s1 =	sld [smem:$0x3F93]  }
0x28: {  	s2 =	sld [smem:$0x3F94]  }
0x29: {  	s4 =	sld [smem:$0x3F96]  }
0x2a: {  	p0 =	seq.s32 s5, $0x0;
	s5 =	sld [smem:$0x3F97]  }
0x2b: {  	s6 =	sld [smem:$0x3F98]  }
0x2c: {  	s7 =	sld [smem:$0x3F99]  }
0x2d: {  	s3 =	simm.s32 $0x108;
	s8 =	sld [smem:$0x3F9A]  }
0x2e: {  	s3 =	simm.s32 @!p0 $0x1082;
	s9 =	sld [smem:$0x3F9B]  }
0x2f: {  	lr =	sadd.s32 s0, s3;
	s0 =	sld [smem:$0x3F92]  }
0x30: {  	s3 =	sld [smem:$0x3F95]  }
0x31: {  	[smem:$0x3F9E] =	sst s10  }
0x32: {  	s10 =	sld [smem:$0x3F9C];
	_ =	sdelay $0x3  }
0x33: {  	p0 =	seq.s32 s10, $0x1;
	s10 =	sld [smem:$0x3F9E];
	_ =	sdelay $0x3  }
0x34: {  	[smem:$0x3F9E] =	sst s10  }
0x35: {  	s10 =	sld [smem:$0x3F9D];
	_ =	sdelay $0x3  }
0x36: {  	p1 =	seq.s32 s10, $0x1;
	s10 =	sld [smem:$0x3F9E];
	_ =	sdelay $0x3  }
0x37: {  	[smem:$0x3F9E] =	sst s10  }
0x38: {  	s10 =	sld [smem:$0x3F9F]  }
0x39: {  	_ = 	snop;
	(pc) =	sbr.ind lr, $3  }
0x3a: {  	_ = 	snop  }
0x3b: {  	_ = 	snop  }
0x3c: {  	p2 =	seq.s32 s10, $0x1;
	s10 =	sld [smem:$0x3F9E]  }
0x3d: {  	_ =	shalt  }
0x3e: {  	_ =	shalt  }
0x3f: {  	_ =	shalt  }
0x40: {  	_ =	shalt  }
0x41: {  	_ =	shalt  }
0x42: {  	_ =	shalt  }
0x43: {  	_ =	shalt  }
0x44: {  	_ =	shalt  }
0x45: {  	_ =	shalt  }
0x46: {  	_ =	shalt  }
0x47: {  	_ =	shalt  }
0x48: {  	_ =	shalt  }
0x49: {  	_ =	shalt  }
0x4a: {  	_ =	shalt  }
0x4b: {  	_ =	shalt  }
0x4c: {  	_ =	shalt  }
0x4d: {  	_ =	shalt  }
0x4e: {  	_ =	shalt  }
0x4f: {  	_ =	shalt  }
0x50: {  	_ =	shalt  }
0x51: {  	_ =	shalt  }
0x52: {  	_ =	shalt  }
0x53: {  	_ =	shalt  }
0x54: {  	_ =	shalt  }
0x55: {  	_ =	shalt  }
0x56: {  	_ =	shalt  }
0x57: {  	_ =	shalt  }
0x58: {  	_ =	shalt  }
0x59: {  	_ =	shalt  }
0x5a: {  	_ =	shalt  }
0x5b: {  	_ =	shalt  }
0x5c: {  	_ =	shalt  }
0x5d: {  	_ =	shalt  }
0x5e: {  	_ =	shalt  }
0x5f: {  	_ =	shalt  }
0x60: {  	_ =	shalt  }
0x61: {  	_ =	shalt  }
0x62: {  	_ =	shalt  }
0x63: {  	_ =	shalt  }
0x64: {  	_ =	shalt  }
0x65: {  	_ =	shalt  }
0x66: {  	_ =	shalt  }
0x67: {  	_ =	shalt  }
0x68: {  	_ =	shalt  }
0x69: {  	_ =	shalt  }
0x6a: {  	_ =	shalt  }
0x6b: {  	_ =	shalt  }
0x6c: {  	_ =	shalt  }
0x6d: {  	_ =	shalt  }
0x6e: {  	_ =	shalt  }
0x6f: {  	_ =	shalt  }
0x70: {  	_ =	shalt  }
0x71: {  	_ =	shalt  }
0x72: {  	_ =	shalt  }
0x73: {  	_ =	shalt  }
0x74: {  	_ =	shalt  }
0x75: {  	_ =	shalt  }
0x76: {  	_ =	shalt  }
0x77: {  	_ =	shalt  }
0x78: {  	_ =	shalt  }
0x79: {  	_ =	shalt  }
0x7a: {  	_ =	shalt  }
0x7b: {  	_ =	shalt  }
0x7c: {  	_ =	shalt  }
0x7d: {  	_ =	shalt  }
0x7e: {  	_ =	shalt  }
0x7f: {  	_ =	shalt  }
0x80: {  	_ =	shalt  }
0x81: {  	_ =	shalt  }
0x82: {  	_ =	shalt  }
0x83: {  	_ =	shalt  }
0x84: {  	_ =	shalt  }
0x85: {  	_ =	shalt  }
0x86: {  	_ =	shalt  }
0x87: {  	_ =	shalt  }
.Lfunc_end0:
.L_simem_size_0:
called_computation.3_lowered:
.L_overlay_start_0:
0x88: {  	s2 =	sld [smem:$0x3FD9]  }
0x89: {  	s3 =	sld [smem:$0x3FFE];
	_ =	sdelay $0x1  }
0x8a: {  	s1 =	srdreg.scid  }
0x8b: {  	s0 =	sand.u32 $0x1, s1  }
0x8c: {  	s16 =	sshll.u32 s0, $0xA;
	s2 =	sadd.s32 s3, s2  }
0x8d: {  	s2 =	sadd.s32 s2, s16  }
0x8e: {  	[smem:$0x3FAA] =	sst s2  }
0x8f: {  	_ = 	snop  }
0x90: {  	(tm) =	ssettm $0x1  }
0x91: {  	s17 =	sld [smem:$0x3FFB];
	_ =	sdelay $0x3  }
0x92: {  	_ =	strace s17  }
0x93: {  	s2 =	sld [smem:$0x3FFC];
	_ =	sdelay $0x3  }
0x94: {  	_ =	strace s2  }
0x95: {  	s2 =	sld [smem:$0x3FFD];
	_ =	sdelay $0x3  }
0x96: {  	_ =	strace s2  }
0x97: {  	_ =	strace $0x8FFFFFFF  }
0x98: {  	s18 =	sld [smem:$0x3FDB];
	_ =	sdelay $0x1  }
0x99: {  	s19 =	simm.s32 $_scs_section_size  }
0x9a: {  	s4 =	simm.s32 $_size__tile_overlayer_lowered;
	s5 =	simm.s32 $_tile_overlayer_lowered  }
0x9b: {  	s22 =	simm.s32 $0x1BFF;
	s21 =	sshll.u32 s5, $0x1;
	s2 =	sadd.s32 s19, s18  }
0x9c: {  	s6 =	simm.s32 $0x0;
	s20 =	sshll.u32 s4, $0x1;
	s4 =	sadd.s32 s21, s2  }
0x9d: {  	[timem:s6], [sflag:s22] =	dma.local [hbm:s4], s20  }
0x9e: {  	_ =	swait.ge [sflag:s22], s20  }
0x9f: {  	s3 =	ssub.s32 $0x0, s20;
	[sflag:s22] =	ssyncset.done $0x0  }
0xa0: {  	[sflag:s22] =	ssyncadd.s32 s3;
	_ =	sdelay $0x1  }
0xa1: {  	s23 =	simm.s32 $0x1B8B  }
0xa2: {  	_ =	swait.ge [sflag:s23], $0x1  }
0xa3: {  	[sflag:s23] =	ssyncset.done $0x0  }
0xa4: {  	s25 =	simm.s32 $0x1B8E;
	s24 =	sld [smem:$0x3FFE];
	[sflag:s23] =	ssyncadd.s32 $0xFFFFFFFF  }
0xa5: {  	s26 =	simm.s32 $execute0_lowered;
	[smem:$0x3FD2] =	sst s25  }
0xa6: {  	s4 =	sshll.u32 s26, $0x1;
	_ =	strace $0x8000004F;
	[dreg:$0x1] =	wrdreg $0xFFFFFFFF  }
0xa7: {  	s28 =	simm.s32 $_size_execute0_lowered;
	s2 =	sadd.s32 s2, s4;
	[dreg:$0x0] =	wrdreg $0x0  }
0xa8: {  	s4 =	sshll.u32 s28, $0x1;
	[dreg:$0x2] =	wrdreg s2  }
0xa9: {  	[dreg:$0x3] =	wrdreg s4  }
0xaa: {  	[dreg:$0x4] =	wrdreg $0xC0  }
0xab: {  	_ =	task [dreg:s6], $0x5FFFF  }
0xac: {  	[dreg:$0x1] =	wrdreg $0xFFFFFFFF  }
0xad: {  	[dreg:$0x0] =	wrdreg $0x60  }
0xae: {  	[dreg:$0x2] =	wrdreg s24  }
0xaf: {  	[dreg:$0x3] =	wrdreg $0x90000  }
0xb0: {  	[dreg:$0x4] =	wrdreg $0x9  }
0xb1: {  	_ =	task.clear_ibuf [dreg:s6], $0x5FFFF;
	_ =	strace $0x9000004F  }
0xb2: {  	s29 =	simm.s32 $0x9;
	_ =	strace $0x80000051  }
0xb3: {  	_ =	swait.ge [sflag:s29], $0x1  }
0xb4: {  	[sflag:s29] =	ssyncadd.s32 $0xFFFFFFFF  }
0xb5: {  	_ =	strace $0x90000051  }
0xb6: {  	_ =	sfence  }
0xb7: {  	s30 =	sld [smem:$0x0];
	_ =	sdelay $0x2  }
0xb8: {  	s31 =	sshll.u32 s1, $0xD;
	s1 =	sshrl.u32 s1, $0x2  }
0xb9: {  	s3 =	sand.u32 $0x4000, s31;
	s1 =	sadd.s32 s1, s30  }
0xba: {  	s0 =	sor.u32 s3, s0;
	s1 =	sshll.u32 s1, $0x11  }
0xbb: {  	s0 =	sor.u32 s1, s0  }
0xbc: {  	s0 =	sadd.s32 $0x8F2B, s0  }
0xbd: {  	[sflag:s0] =	ssyncadd.remote.s32 $0x1  }
0xbe: {  	_ =	sfence.sel $0xFFFF  }
0xbf: {  	[dreg:$0x0] =	wrdreg $0xFFFFFFFF;
	(pc) =	sbr.abs _section_cstart, $3  }
0xc0: {  	[dreg:$0x1] =	wrdreg $0xFFFFFFFF  }
0xc1: {  	_ =	task.clear_ibuf [dreg:s6], $0x2FFFF;
	_ =	strace $0x9FFFFFFF  }
0xc2: {  	(tm) =	ssettm $0x7FFFFFFF  }
0xc3: {  	_ =	shalt  }
tec
execute0_lowered:
.L_overlay_start_1:
0x0: {  	(tag) =	ssettag $0x1  }
0x1: {  	s0 =	srdreg.scid;
	s1 =	rddreg [dreg:$0x0]  }
0x2: {  	s9 =	stileid.u32;
	s2 =	rddreg [dreg:$0x1];
	s3 =	simm.s32 $0x0  }
0x3: {  	s14 =	simm.s32 $0x100;
	s15 =	simm.s32 $0x880;
	s17 =	simm.s32 $0x180  }
0x4: {  	s18 =	simm.s32 $0x900;
	s19 =	simm.s32 $0x200;
	[smem:$0x7FF] =	sst s3  }
0x5: {  	s20 =	simm.s32 $0x980;
	_ =	strace $0x80000050;
	[dreg:$0x5] =	wrdreg s14  }
0x6: {  	s21 =	simm.s32 $0x280;
	s10 =	simm.s32 $0x3;
	[dreg:$0x6] =	wrdreg s15  }
0x7: {  	s22 =	simm.s32 $0xA00;
	s23 =	simm.s32 $0x300;
	[dreg:$0x7] =	wrdreg s17  }
0x8: {  	s24 =	simm.s32 $0xA80;
	s25 =	simm.s32 $0x380;
	[dreg:$0x8] =	wrdreg s18  }
0x9: {  	s26 =	simm.s32 $0xB00;
	s28 =	simm.s32 $0x680;
	[dreg:$0x9] =	wrdreg s19  }
0xa: {  	s29 =	simm.s32 $0xE00;
	s30 =	simm.s32 $0x700;
	[dreg:$0xa] =	wrdreg s20  }
0xb: {  	s31 =	simm.s32 $0xE80;
	s5 =	smul.u32 $0x2800, s9;
	[dreg:$0xb] =	wrdreg s21  }
0xc: {  	s0 =	sand.u32 $0x1, s0;
	s7 =	smul.u32 $0x280, s9;
	[dreg:$0xc] =	wrdreg s22  }
0xd: {  	s8 =	smul.u32 $0x50000, s9;
	s16 =	sshll.u32 s9, $0x6;
	[dreg:$0xd] =	wrdreg s23  }
0xe: {  	s9 =	simm.s32 $0x0;
	s4 =	smul.u32 $0x28000, s0;
	[dreg:$0xe] =	wrdreg s24  }
0xf: {  	s6 =	smul.u32 $0x2800, s0;
	s0 =	ssub.s32 $0x2, s0;
	[dreg:$0xf] =	wrdreg s25  }
0x10: {  	s14 =	simm.s32 $0x5000;
	s15 =	simm.s32 $0x1;
	[dreg:$0x10] =	wrdreg s26  }
0x11: {  	s17 =	simm.s32 $0x400;
	s18 =	simm.s32 $0xB80;
	s19 =	simm.s32 $0x480  }
0x12: {  	s20 =	simm.s32 $0xC00;
	s21 =	simm.s32 $0x500;
	s22 =	simm.s32 $0xC80  }
0x13: {  	s23 =	simm.s32 $0x580;
	s24 =	simm.s32 $0xD00;
	s25 =	simm.s32 $0x600  }
0x14: {  	s11 =	sshrl.u32 s0, $0x1;
	s8 =	sshrl.u32 s8, $0x2;
	s5 =	sadd.s32 s5, s4  }
0x15: {  	s4 =	sadd.s32 $0x1AE00, s1;
	s6 =	sadd.s32 s7, s6;
	s0 =	ssub.s32 s0, s11  }
0x16: {  	s13 =	sadd.s32 s8, s2;
	s8 =	sor.u32 $0x1C03, s16;
	s5 =	sshrl.u32 s5, $0x3  }
0x17: {  	s6 =	sshll.u32 s6, $0x4;
	s0 =	smax.u32 s0, $0x1;
	[dreg:$0x12] =	wrdreg s8  }
0x18: {  	s7 =	sshrl.u32 s13, $0x3;
	s5 =	sadd.s32 s5, s1;
	[dreg:$0x14] =	wrdreg s0  }
0x19: {  	s1 =	sadd.s32 s6, s1;
	s6 =	sadd.s32 s4, s6;
	[dreg:$0x15] =	wrdreg s7  }
0x1a: {  	s26 =	simm.s32 $0xD80;
	s12 =	sadd.s32 $0x6E00, s5;
	[dreg:$0x11] =	wrdreg s6  }
0x1b: {  	s11 =	simm.s32 $0x800;
	s5 =	sadd.s32 $0x10E00, s5;
	[dreg:$0x3] =	wrdreg s12  }
0x1c: {  	s16 =	simm.s32 $0x2;
	s1 =	sadd.s32 $0xBAE00, s1;
	[dreg:$0x4] =	wrdreg s5  }
0x1d: {  	s13 =	simm.s32 $0x1000;
	s0 =	simm.s32 $0xF00;
	[dreg:$0x13] =	wrdreg s1  }
0x1e: {  	s12 =	simm.s32 $0x80;
	s1 =	simm.s32 $0x780;
	s5 =	simm.s32 $0xF80  }
.LBB2_1:
0x1f: {  	[dreg:$0x16] =	wrdreg s9  }
0x20: {  	s6 =	rddreg [dreg:$0x11]  }
0x21: {  	[spmem:s7], [sflag:s8] =	dma.local [hbm:s6], $0x2800  }
0x22: {  	_ =	swait.ge [sflag:s10], $0x2800  }
0x23: {  	[sflag:s10] =	ssyncset.done $0x0  }
0x24: {  	[sflag:s10] =	ssyncadd.s32 $0xFFFFD800  }
0x25: {  	[bflag:$0x0] =	sbarrier.arrive $0xFFFF  }
0x26: {  	s8 =	rddreg [dreg:$0x4]  }
0x27: {  	s6 =	sadd.s32 $0x0, s8  }
0x28: {  	[tilespmem:s3], [sflag:$0x3] =	stream.linear.gather [hbm4b:s6+s3], $0x800, $0x38;
	[tilespmem:$0x1D000] =	vst v63  }
0x29: {  	_ =	swait.ge [sflag:s10], $0x800  }
0x2a: {  	s9 =	rddreg [dreg:$0x3];
	[sflag:s10] =	ssyncset.done $0x0  }
0x2b: {  	[sflag:s10] =	ssyncadd.s32 $0xFFFFF800;
	s6 =	sadd.s32 $0x0, s9  }
0x2c: {  	[tilespmem:s11], [sflag:$0x3] =	stream.linear.gather [hbm4b:s6+s3], $0x800, $0x38;
	[tilespmem:$0x1D000] =	vst v63  }
0x2d: {  	_ =	swait.ge [sflag:s10], $0x800  }
0x2e: {  	[sflag:s10] =	ssyncset.done $0x0  }
0x2f: {  	[sflag:s10] =	ssyncadd.s32 $0xFFFFF800  }
0x30: {  	[tilespmem:s13], [sflag:$0x1] =	stream.indirect.gather [hbm4b:s4+s12], $0x80, s3, s12, $0xb8;
	[tilespmem:$0x1D000] =	vst v63  }
0x31: {  	_ = 	snop  }
0x32: {  	[tilespmem:s14], [sflag:$0x2] =	stream.indirect.gather [hbm4b:s4+s12], $0x80, s12, s12, $0xb8;
	[tilespmem:$0x1D000] =	vst v63  }
0x33: {  	_ =	swait.ge [sflag:s15], $0x4000  }
0x34: {  	[sflag:s15] =	ssyncset.done $0x0  }
0x35: {  	[sflag:s15] =	ssyncadd.s32 $0xFFFFC000  }
0x36: {  	[spmem:s2] =	stream.indirect.scatter.add.f32 [tilespmem:s13], [sflag:$0x3], $0x80, s11, s12, $0xb8;
	[tilespmem:$0x1D000] =	vst v63  }
0x37: {  	_ =	swait.ge [sflag:s10], $0x4000  }
0x38: {  	[sflag:s10] =	ssyncset.done $0x0  }
0x39: {  	s7 =	rddreg [dreg:$0x5];
	[sflag:s10] =	ssyncadd.s32 $0xFFFFC000  }
0x3a: {  	[tilespmem:s13], [sflag:$0x1] =	stream.indirect.gather [hbm4b:s4+s12], $0x80, s7, s12, $0xb8;
	[tilespmem:$0x1D000] =	vst v63  }
0x3b: {  	_ =	swait.ge [sflag:s16], $0x4000  }
0x3c: {  	[sflag:s16] =	ssyncset.done $0x0  }
0x3d: {  	s8 =	rddreg [dreg:$0x6];
	[sflag:s16] =	ssyncadd.s32 $0xFFFFC000  }
0x3e: {  	[spmem:s2] =	stream.indirect.scatter.add.f32 [tilespmem:s14], [sflag:$0x3], $0x80, s8, s12, $0xb8;
	[tilespmem:$0x1D000] =	vst v63  }
0x3f: {  	_ =	swait.ge [sflag:s10], $0x4000  }
0x40: {  	[sflag:s10] =	ssyncset.done $0x0  }
0x41: {  	s9 =	rddreg [dreg:$0x7];
	[sflag:s10] =	ssyncadd.s32 $0xFFFFC000  }
0x42: {  	[tilespmem:s14], [sflag:$0x2] =	stream.indirect.gather [hbm4b:s4+s12], $0x80, s9, s12, $0xb8;
	[tilespmem:$0x1D000] =	vst v63  }
0x43: {  	_ =	swait.ge [sflag:s15], $0x4000  }
0x44: {  	[sflag:s15] =	ssyncset.done $0x0  }
0x45: {  	s7 =	rddreg [dreg:$0x8];
	[sflag:s15] =	ssyncadd.s32 $0xFFFFC000  }
0x46: {  	[spmem:s2] =	stream.indirect.scatter.add.f32 [tilespmem:s13], [sflag:$0x3], $0x80, s7, s12, $0xb8;
	[tilespmem:$0x1D000] =	vst v63  }
0x47: {  	_ =	swait.ge [sflag:s10], $0x4000  }
0x48: {  	[sflag:s10] =	ssyncset.done $0x0  }
0x49: {  	s8 =	rddreg [dreg:$0x9];
	[sflag:s10] =	ssyncadd.s32 $0xFFFFC000  }
0x4a: {  	[tilespmem:s13], [sflag:$0x1] =	stream.indirect.gather [hbm4b:s4+s12], $0x80, s8, s12, $0xb8;
	[tilespmem:$0x1D000] =	vst v63  }
0x4b: {  	_ =	swait.ge [sflag:s16], $0x4000  }
0x4c: {  	[sflag:s16] =	ssyncset.done $0x0  }
0x4d: {  	s9 =	rddreg [dreg:$0xa];
	[sflag:s16] =	ssyncadd.s32 $0xFFFFC000  }
0x4e: {  	[spmem:s2] =	stream.indirect.scatter.add.f32 [tilespmem:s14], [sflag:$0x3], $0x80, s9, s12, $0xb8;
	[tilespmem:$0x1D000] =	vst v63  }
0x4f: {  	_ =	swait.ge [sflag:s10], $0x4000  }
0x50: {  	[sflag:s10] =	ssyncset.done $0x0  }
0x51: {  	s7 =	rddreg [dreg:$0xb];
	[sflag:s10] =	ssyncadd.s32 $0xFFFFC000  }
0x52: {  	[tilespmem:s14], [sflag:$0x2] =	stream.indirect.gather [hbm4b:s4+s12], $0x80, s7, s12, $0xb8;
	[tilespmem:$0x1D000] =	vst v63  }
0x53: {  	_ =	swait.ge [sflag:s15], $0x4000  }
0x54: {  	[sflag:s15] =	ssyncset.done $0x0  }
0x55: {  	s8 =	rddreg [dreg:$0xc];
	[sflag:s15] =	ssyncadd.s32 $0xFFFFC000  }
0x56: {  	[spmem:s2] =	stream.indirect.scatter.add.f32 [tilespmem:s13], [sflag:$0x3], $0x80, s8, s12, $0xb8;
	[tilespmem:$0x1D000] =	vst v63  }
0x57: {  	_ =	swait.ge [sflag:s10], $0x4000  }
0x58: {  	[sflag:s10] =	ssyncset.done $0x0  }
0x59: {  	s9 =	rddreg [dreg:$0xd];
	[sflag:s10] =	ssyncadd.s32 $0xFFFFC000  }
0x5a: {  	[tilespmem:s13], [sflag:$0x1] =	stream.indirect.gather [hbm4b:s4+s12], $0x80, s9, s12, $0xb8;
	[tilespmem:$0x1D000] =	vst v63  }
0x5b: {  	_ =	swait.ge [sflag:s16], $0x4000  }
0x5c: {  	[sflag:s16] =	ssyncset.done $0x0  }
0x5d: {  	s7 =	rddreg [dreg:$0xe];
	[sflag:s16] =	ssyncadd.s32 $0xFFFFC000  }
0x5e: {  	[spmem:s2] =	stream.indirect.scatter.add.f32 [tilespmem:s14], [sflag:$0x3], $0x80, s7, s12, $0xb8;
	[tilespmem:$0x1D000] =	vst v63  }
0x5f: {  	_ =	swait.ge [sflag:s10], $0x4000  }
0x60: {  	[sflag:s10] =	ssyncset.done $0x0  }
0x61: {  	s8 =	rddreg [dreg:$0xf];
	[sflag:s10] =	ssyncadd.s32 $0xFFFFC000  }
0x62: {  	[tilespmem:s14], [sflag:$0x2] =	stream.indirect.gather [hbm4b:s4+s12], $0x80, s8, s12, $0xb8;
	[tilespmem:$0x1D000] =	vst v63  }
0x63: {  	_ =	swait.ge [sflag:s15], $0x4000  }
0x64: {  	[sflag:s15] =	ssyncset.done $0x0  }
0x65: {  	s9 =	rddreg [dreg:$0x10];
	[sflag:s15] =	ssyncadd.s32 $0xFFFFC000  }
0x66: {  	[spmem:s2] =	stream.indirect.scatter.add.f32 [tilespmem:s13], [sflag:$0x3], $0x80, s9, s12, $0xb8;
	[tilespmem:$0x1D000] =	vst v63  }
0x67: {  	_ =	swait.ge [sflag:s10], $0x4000  }
0x68: {  	[sflag:s10] =	ssyncset.done $0x0  }
0x69: {  	[sflag:s10] =	ssyncadd.s32 $0xFFFFC000  }
0x6a: {  	[tilespmem:s13], [sflag:$0x1] =	stream.indirect.gather [hbm4b:s4+s12], $0x80, s17, s12, $0xb8;
	[tilespmem:$0x1D000] =	vst v63  }
0x6b: {  	_ =	swait.ge [sflag:s16], $0x4000  }
0x6c: {  	[sflag:s16] =	ssyncset.done $0x0  }
0x6d: {  	[sflag:s16] =	ssyncadd.s32 $0xFFFFC000  }
0x6e: {  	[spmem:s2] =	stream.indirect.scatter.add.f32 [tilespmem:s14], [sflag:$0x3], $0x80, s18, s12, $0xb8;
	[tilespmem:$0x1D000] =	vst v63  }
0x6f: {  	_ =	swait.ge [sflag:s10], $0x4000  }
0x70: {  	[sflag:s10] =	ssyncset.done $0x0  }
0x71: {  	[sflag:s10] =	ssyncadd.s32 $0xFFFFC000  }
0x72: {  	[tilespmem:s14], [sflag:$0x2] =	stream.indirect.gather [hbm4b:s4+s12], $0x80, s19, s12, $0xb8;
	[tilespmem:$0x1D000] =	vst v63  }
0x73: {  	_ =	swait.ge [sflag:s15], $0x4000  }
0x74: {  	[sflag:s15] =	ssyncset.done $0x0  }
0x75: {  	[sflag:s15] =	ssyncadd.s32 $0xFFFFC000  }
0x76: {  	[spmem:s2] =	stream.indirect.scatter.add.f32 [tilespmem:s13], [sflag:$0x3], $0x80, s20, s12, $0xb8;
	[tilespmem:$0x1D000] =	vst v63  }
0x77: {  	_ =	swait.ge [sflag:s10], $0x4000  }
0x78: {  	[sflag:s10] =	ssyncset.done $0x0  }
0x79: {  	[sflag:s10] =	ssyncadd.s32 $0xFFFFC000  }
0x7a: {  	[tilespmem:s13], [sflag:$0x1] =	stream.indirect.gather [hbm4b:s4+s12], $0x80, s21, s12, $0xb8;
	[tilespmem:$0x1D000] =	vst v63  }
0x7b: {  	_ =	swait.ge [sflag:s16], $0x4000  }
0x7c: {  	[sflag:s16] =	ssyncset.done $0x0  }
0x7d: {  	[sflag:s16] =	ssyncadd.s32 $0xFFFFC000  }
0x7e: {  	[spmem:s2] =	stream.indirect.scatter.add.f32 [tilespmem:s14], [sflag:$0x3], $0x80, s22, s12, $0xb8;
	[tilespmem:$0x1D000] =	vst v63  }
0x7f: {  	_ =	swait.ge [sflag:s10], $0x4000  }
0x80: {  	[sflag:s10] =	ssyncset.done $0x0  }
0x81: {  	[sflag:s10] =	ssyncadd.s32 $0xFFFFC000  }
0x82: {  	[tilespmem:s14], [sflag:$0x2] =	stream.indirect.gather [hbm4b:s4+s12], $0x80, s23, s12, $0xb8;
	[tilespmem:$0x1D000] =	vst v63  }
0x83: {  	_ =	swait.ge [sflag:s15], $0x4000  }
0x84: {  	[sflag:s15] =	ssyncset.done $0x0  }
0x85: {  	[sflag:s15] =	ssyncadd.s32 $0xFFFFC000  }
0x86: {  	[spmem:s2] =	stream.indirect.scatter.add.f32 [tilespmem:s13], [sflag:$0x3], $0x80, s24, s12, $0xb8;
	[tilespmem:$0x1D000] =	vst v63  }
0x87: {  	_ =	swait.ge [sflag:s10], $0x4000  }
0x88: {  	[sflag:s10] =	ssyncset.done $0x0  }
0x89: {  	[sflag:s10] =	ssyncadd.s32 $0xFFFFC000  }
0x8a: {  	[tilespmem:s13], [sflag:$0x1] =	stream.indirect.gather [hbm4b:s4+s12], $0x80, s25, s12, $0xb8;
	[tilespmem:$0x1D000] =	vst v63  }
0x8b: {  	_ =	swait.ge [sflag:s16], $0x4000  }
0x8c: {  	[sflag:s16] =	ssyncset.done $0x0  }
0x8d: {  	[sflag:s16] =	ssyncadd.s32 $0xFFFFC000  }
0x8e: {  	[spmem:s2] =	stream.indirect.scatter.add.f32 [tilespmem:s14], [sflag:$0x3], $0x80, s26, s12, $0xb8;
	[tilespmem:$0x1D000] =	vst v63  }
0x8f: {  	_ =	swait.ge [sflag:s10], $0x4000  }
0x90: {  	[sflag:s10] =	ssyncset.done $0x0  }
0x91: {  	[sflag:s10] =	ssyncadd.s32 $0xFFFFC000  }
0x92: {  	[tilespmem:s14], [sflag:$0x2] =	stream.indirect.gather [hbm4b:s4+s12], $0x80, s28, s12, $0xb8;
	[tilespmem:$0x1D000] =	vst v63  }
0x93: {  	_ =	swait.ge [sflag:s15], $0x4000  }
0x94: {  	[sflag:s15] =	ssyncset.done $0x0  }
0x95: {  	[sflag:s15] =	ssyncadd.s32 $0xFFFFC000  }
0x96: {  	[spmem:s2] =	stream.indirect.scatter.add.f32 [tilespmem:s13], [sflag:$0x3], $0x80, s29, s12, $0xb8;
	[tilespmem:$0x1D000] =	vst v63  }
0x97: {  	_ =	swait.ge [sflag:s10], $0x4000  }
0x98: {  	[sflag:s10] =	ssyncset.done $0x0  }
0x99: {  	[sflag:s10] =	ssyncadd.s32 $0xFFFFC000  }
0x9a: {  	[tilespmem:s13], [sflag:$0x1] =	stream.indirect.gather [hbm4b:s4+s12], $0x80, s30, s12, $0xb8;
	[tilespmem:$0x1D000] =	vst v63  }
0x9b: {  	_ =	swait.ge [sflag:s16], $0x4000  }
0x9c: {  	[sflag:s16] =	ssyncset.done $0x0  }
0x9d: {  	[sflag:s16] =	ssyncadd.s32 $0xFFFFC000  }
0x9e: {  	[spmem:s2] =	stream.indirect.scatter.add.f32 [tilespmem:s14], [sflag:$0x3], $0x80, s31, s12, $0xb8;
	[tilespmem:$0x1D000] =	vst v63  }
0x9f: {  	_ =	swait.ge [sflag:s10], $0x4000  }
0xa0: {  	[sflag:s10] =	ssyncset.done $0x0  }
0xa1: {  	[sflag:s10] =	ssyncadd.s32 $0xFFFFC000  }
0xa2: {  	[tilespmem:s14], [sflag:$0x2] =	stream.indirect.gather [hbm4b:s4+s12], $0x80, s1, s12, $0xb8;
	[tilespmem:$0x1D000] =	vst v63  }
0xa3: {  	_ =	swait.ge [sflag:s15], $0x4000  }
0xa4: {  	[sflag:s15] =	ssyncset.done $0x0  }
0xa5: {  	[sflag:s15] =	ssyncadd.s32 $0xFFFFC000  }
0xa6: {  	[spmem:s2] =	stream.indirect.scatter.add.f32 [tilespmem:s13], [sflag:$0x3], $0x80, s0, s12, $0xb8;
	[tilespmem:$0x1D000] =	vst v63  }
0xa7: {  	_ =	swait.ge [sflag:s10], $0x4000  }
0xa8: {  	[sflag:s10] =	ssyncset.done $0x0  }
0xa9: {  	[sflag:s10] =	ssyncadd.s32 $0xFFFFC000  }
0xaa: {  	_ =	swait.ge [sflag:s16], $0x4000  }
0xab: {  	[sflag:s16] =	ssyncset.done $0x0  }
0xac: {  	[sflag:s16] =	ssyncadd.s32 $0xFFFFC000  }
0xad: {  	[spmem:s2] =	stream.indirect.scatter.add.f32 [tilespmem:s14], [sflag:$0x3], $0x80, s5, s12, $0xb8;
	[tilespmem:$0x1D000] =	vst v63  }
0xae: {  	s6 =	simm.s32 $0x200;
	_ =	swait.ge [sflag:s10], $0x4000  }
0xaf: {  	s8 =	simm.s32 $0x100;
	s9 =	rddreg [dreg:$0x4];
	[sflag:s10] =	ssyncset.done $0x0  }
.LBB2_2:
0xb0: {  	[sflag:s10] =	ssyncadd.s32 $0xFFFFC000;
	s9 =	sadd.s32 s8, s9  }
0xb1: {  	[tilespmem:s3], [sflag:$0x3] =	stream.linear.gather [hbm4b:s9+s3], $0x800, $0x38;
	[tilespmem:$0x1D000] =	vst v63  }
0xb2: {  	_ =	swait.ge [sflag:s10], $0x800  }
0xb3: {  	s9 =	rddreg [dreg:$0x3];
	[sflag:s10] =	ssyncset.done $0x0  }
0xb4: {  	[sflag:s10] =	ssyncadd.s32 $0xFFFFF800;
	s9 =	sadd.s32 s8, s9  }
0xb5: {  	[tilespmem:s11], [sflag:$0x3] =	stream.linear.gather [hbm4b:s9+s3], $0x800, $0x38;
	[tilespmem:$0x1D000] =	vst v63  }
0xb6: {  	_ =	swait.ge [sflag:s10], $0x800  }
0xb7: {  	[sflag:s10] =	ssyncset.done $0x0  }
0xb8: {  	[sflag:s10] =	ssyncadd.s32 $0xFFFFF800  }
0xb9: {  	[tilespmem:s13], [sflag:$0x1] =	stream.indirect.gather [hbm4b:s4+s12], $0x80, s3, s12, $0xb8;
	[tilespmem:$0x1D000] =	vst v63  }
0xba: {  	_ = 	snop  }
0xbb: {  	[tilespmem:s14], [sflag:$0x2] =	stream.indirect.gather [hbm4b:s4+s12], $0x80, s12, s12, $0xb8;
	[tilespmem:$0x1D000] =	vst v63  }
0xbc: {  	_ =	swait.ge [sflag:s15], $0x4000  }
0xbd: {  	[sflag:s15] =	ssyncset.done $0x0  }
0xbe: {  	[sflag:s15] =	ssyncadd.s32 $0xFFFFC000  }
0xbf: {  	[spmem:s2] =	stream.indirect.scatter.add.f32 [tilespmem:s13], [sflag:$0x3], $0x80, s11, s12, $0xb8;
	[tilespmem:$0x1D000] =	vst v63  }
0xc0: {  	_ =	swait.ge [sflag:s10], $0x4000  }
0xc1: {  	[sflag:s10] =	ssyncset.done $0x0  }
0xc2: {  	s9 =	rddreg [dreg:$0x5];
	[sflag:s10] =	ssyncadd.s32 $0xFFFFC000  }
0xc3: {  	[tilespmem:s13], [sflag:$0x1] =	stream.indirect.gather [hbm4b:s4+s12], $0x80, s9, s12, $0xb8;
	[tilespmem:$0x1D000] =	vst v63  }
0xc4: {  	_ =	swait.ge [sflag:s16], $0x4000  }
0xc5: {  	[sflag:s16] =	ssyncset.done $0x0  }
0xc6: {  	s9 =	rddreg [dreg:$0x6];
	[sflag:s16] =	ssyncadd.s32 $0xFFFFC000  }
0xc7: {  	[spmem:s2] =	stream.indirect.scatter.add.f32 [tilespmem:s14], [sflag:$0x3], $0x80, s9, s12, $0xb8;
	[tilespmem:$0x1D000] =	vst v63  }
0xc8: {  	_ =	swait.ge [sflag:s10], $0x4000  }
0xc9: {  	[sflag:s10] =	ssyncset.done $0x0  }
0xca: {  	s9 =	rddreg [dreg:$0x7];
	[sflag:s10] =	ssyncadd.s32 $0xFFFFC000  }
0xcb: {  	[tilespmem:s14], [sflag:$0x2] =	stream.indirect.gather [hbm4b:s4+s12], $0x80, s9, s12, $0xb8;
	[tilespmem:$0x1D000] =	vst v63  }
0xcc: {  	_ =	swait.ge [sflag:s15], $0x4000  }
0xcd: {  	[sflag:s15] =	ssyncset.done $0x0  }
0xce: {  	s9 =	rddreg [dreg:$0x8];
	[sflag:s15] =	ssyncadd.s32 $0xFFFFC000  }
0xcf: {  	[spmem:s2] =	stream.indirect.scatter.add.f32 [tilespmem:s13], [sflag:$0x3], $0x80, s9, s12, $0xb8;
	[tilespmem:$0x1D000] =	vst v63  }
0xd0: {  	_ =	swait.ge [sflag:s10], $0x4000  }
0xd1: {  	[sflag:s10] =	ssyncset.done $0x0  }
0xd2: {  	s9 =	rddreg [dreg:$0x9];
	[sflag:s10] =	ssyncadd.s32 $0xFFFFC000  }
0xd3: {  	[tilespmem:s13], [sflag:$0x1] =	stream.indirect.gather [hbm4b:s4+s12], $0x80, s9, s12, $0xb8;
	[tilespmem:$0x1D000] =	vst v63  }
0xd4: {  	_ =	swait.ge [sflag:s16], $0x4000  }
0xd5: {  	[sflag:s16] =	ssyncset.done $0x0  }
0xd6: {  	s9 =	rddreg [dreg:$0xa];
	[sflag:s16] =	ssyncadd.s32 $0xFFFFC000  }
0xd7: {  	[spmem:s2] =	stream.indirect.scatter.add.f32 [tilespmem:s14], [sflag:$0x3], $0x80, s9, s12, $0xb8;
	[tilespmem:$0x1D000] =	vst v63  }
0xd8: {  	_ =	swait.ge [sflag:s10], $0x4000  }
0xd9: {  	[sflag:s10] =	ssyncset.done $0x0  }
0xda: {  	s9 =	rddreg [dreg:$0xb];
	[sflag:s10] =	ssyncadd.s32 $0xFFFFC000  }
0xdb: {  	[tilespmem:s14], [sflag:$0x2] =	stream.indirect.gather [hbm4b:s4+s12], $0x80, s9, s12, $0xb8;
	[tilespmem:$0x1D000] =	vst v63  }
0xdc: {  	_ =	swait.ge [sflag:s15], $0x4000  }
0xdd: {  	[sflag:s15] =	ssyncset.done $0x0  }
0xde: {  	s9 =	rddreg [dreg:$0xc];
	[sflag:s15] =	ssyncadd.s32 $0xFFFFC000  }
0xdf: {  	[spmem:s2] =	stream.indirect.scatter.add.f32 [tilespmem:s13], [sflag:$0x3], $0x80, s9, s12, $0xb8;
	[tilespmem:$0x1D000] =	vst v63  }
0xe0: {  	_ =	swait.ge [sflag:s10], $0x4000  }
0xe1: {  	[sflag:s10] =	ssyncset.done $0x0  }
0xe2: {  	s9 =	rddreg [dreg:$0xd];
	[sflag:s10] =	ssyncadd.s32 $0xFFFFC000  }
0xe3: {  	[tilespmem:s13], [sflag:$0x1] =	stream.indirect.gather [hbm4b:s4+s12], $0x80, s9, s12, $0xb8;
	[tilespmem:$0x1D000] =	vst v63  }
0xe4: {  	_ =	swait.ge [sflag:s16], $0x4000  }
0xe5: {  	[sflag:s16] =	ssyncset.done $0x0  }
0xe6: {  	s9 =	rddreg [dreg:$0xe];
	[sflag:s16] =	ssyncadd.s32 $0xFFFFC000  }
0xe7: {  	[spmem:s2] =	stream.indirect.scatter.add.f32 [tilespmem:s14], [sflag:$0x3], $0x80, s9, s12, $0xb8;
	[tilespmem:$0x1D000] =	vst v63  }
0xe8: {  	_ =	swait.ge [sflag:s10], $0x4000  }
0xe9: {  	[sflag:s10] =	ssyncset.done $0x0  }
0xea: {  	s9 =	rddreg [dreg:$0xf];
	[sflag:s10] =	ssyncadd.s32 $0xFFFFC000  }
0xeb: {  	[tilespmem:s14], [sflag:$0x2] =	stream.indirect.gather [hbm4b:s4+s12], $0x80, s9, s12, $0xb8;
	[tilespmem:$0x1D000] =	vst v63  }
0xec: {  	_ =	swait.ge [sflag:s15], $0x4000  }
0xed: {  	[sflag:s15] =	ssyncset.done $0x0  }
0xee: {  	s9 =	rddreg [dreg:$0x10];
	[sflag:s15] =	ssyncadd.s32 $0xFFFFC000  }
0xef: {  	[spmem:s2] =	stream.indirect.scatter.add.f32 [tilespmem:s13], [sflag:$0x3], $0x80, s9, s12, $0xb8;
	[tilespmem:$0x1D000] =	vst v63  }
0xf0: {  	_ =	swait.ge [sflag:s10], $0x4000  }
0xf1: {  	[sflag:s10] =	ssyncset.done $0x0  }
0xf2: {  	[sflag:s10] =	ssyncadd.s32 $0xFFFFC000  }
0xf3: {  	[tilespmem:s13], [sflag:$0x1] =	stream.indirect.gather [hbm4b:s4+s12], $0x80, s17, s12, $0xb8;
	[tilespmem:$0x1D000] =	vst v63  }
0xf4: {  	_ =	swait.ge [sflag:s16], $0x4000  }
0xf5: {  	[sflag:s16] =	ssyncset.done $0x0  }
0xf6: {  	[sflag:s16] =	ssyncadd.s32 $0xFFFFC000  }
0xf7: {  	[spmem:s2] =	stream.indirect.scatter.add.f32 [tilespmem:s14], [sflag:$0x3], $0x80, s18, s12, $0xb8;
	[tilespmem:$0x1D000] =	vst v63  }
0xf8: {  	_ =	swait.ge [sflag:s10], $0x4000  }
0xf9: {  	[sflag:s10] =	ssyncset.done $0x0  }
0xfa: {  	[sflag:s10] =	ssyncadd.s32 $0xFFFFC000  }
0xfb: {  	[tilespmem:s14], [sflag:$0x2] =	stream.indirect.gather [hbm4b:s4+s12], $0x80, s19, s12, $0xb8;
	[tilespmem:$0x1D000] =	vst v63  }
0xfc: {  	_ =	swait.ge [sflag:s15], $0x4000  }
0xfd: {  	[sflag:s15] =	ssyncset.done $0x0  }
0xfe: {  	[sflag:s15] =	ssyncadd.s32 $0xFFFFC000  }
0xff: {  	[spmem:s2] =	stream.indirect.scatter.add.f32 [tilespmem:s13], [sflag:$0x3], $0x80, s20, s12, $0xb8;
	[tilespmem:$0x1D000] =	vst v63  }
0x100: {  	_ =	swait.ge [sflag:s10], $0x4000  }
0x101: {  	[sflag:s10] =	ssyncset.done $0x0  }
0x102: {  	[sflag:s10] =	ssyncadd.s32 $0xFFFFC000  }
0x103: {  	[tilespmem:s13], [sflag:$0x1] =	stream.indirect.gather [hbm4b:s4+s12], $0x80, s21, s12, $0xb8;
	[tilespmem:$0x1D000] =	vst v63  }
0x104: {  	_ =	swait.ge [sflag:s16], $0x4000  }
0x105: {  	[sflag:s16] =	ssyncset.done $0x0  }
0x106: {  	[sflag:s16] =	ssyncadd.s32 $0xFFFFC000  }
0x107: {  	[spmem:s2] =	stream.indirect.scatter.add.f32 [tilespmem:s14], [sflag:$0x3], $0x80, s22, s12, $0xb8;
	[tilespmem:$0x1D000] =	vst v63  }
0x108: {  	_ =	swait.ge [sflag:s10], $0x4000  }
0x109: {  	[sflag:s10] =	ssyncset.done $0x0  }
0x10a: {  	[sflag:s10] =	ssyncadd.s32 $0xFFFFC000  }
0x10b: {  	[tilespmem:s14], [sflag:$0x2] =	stream.indirect.gather [hbm4b:s4+s12], $0x80, s23, s12, $0xb8;
	[tilespmem:$0x1D000] =	vst v63  }
0x10c: {  	_ =	swait.ge [sflag:s15], $0x4000  }
0x10d: {  	[sflag:s15] =	ssyncset.done $0x0  }
0x10e: {  	[sflag:s15] =	ssyncadd.s32 $0xFFFFC000  }
0x10f: {  	[spmem:s2] =	stream.indirect.scatter.add.f32 [tilespmem:s13], [sflag:$0x3], $0x80, s24, s12, $0xb8;
	[tilespmem:$0x1D000] =	vst v63  }
0x110: {  	_ =	swait.ge [sflag:s10], $0x4000  }
0x111: {  	[sflag:s10] =	ssyncset.done $0x0  }
0x112: {  	[sflag:s10] =	ssyncadd.s32 $0xFFFFC000  }
0x113: {  	[tilespmem:s13], [sflag:$0x1] =	stream.indirect.gather [hbm4b:s4+s12], $0x80, s25, s12, $0xb8;
	[tilespmem:$0x1D000] =	vst v63  }
0x114: {  	_ =	swait.ge [sflag:s16], $0x4000  }
0x115: {  	[sflag:s16] =	ssyncset.done $0x0  }
0x116: {  	[sflag:s16] =	ssyncadd.s32 $0xFFFFC000  }
0x117: {  	[spmem:s2] =	stream.indirect.scatter.add.f32 [tilespmem:s14], [sflag:$0x3], $0x80, s26, s12, $0xb8;
	[tilespmem:$0x1D000] =	vst v63  }
0x118: {  	_ =	swait.ge [sflag:s10], $0x4000  }
0x119: {  	[sflag:s10] =	ssyncset.done $0x0  }
0x11a: {  	[sflag:s10] =	ssyncadd.s32 $0xFFFFC000  }
0x11b: {  	[tilespmem:s14], [sflag:$0x2] =	stream.indirect.gather [hbm4b:s4+s12], $0x80, s28, s12, $0xb8;
	[tilespmem:$0x1D000] =	vst v63  }
0x11c: {  	_ =	swait.ge [sflag:s15], $0x4000  }
0x11d: {  	[sflag:s15] =	ssyncset.done $0x0  }
0x11e: {  	[sflag:s15] =	ssyncadd.s32 $0xFFFFC000  }
0x11f: {  	[spmem:s2] =	stream.indirect.scatter.add.f32 [tilespmem:s13], [sflag:$0x3], $0x80, s29, s12, $0xb8;
	[tilespmem:$0x1D000] =	vst v63  }
0x120: {  	_ =	swait.ge [sflag:s10], $0x4000  }
0x121: {  	[sflag:s10] =	ssyncset.done $0x0  }
0x122: {  	[sflag:s10] =	ssyncadd.s32 $0xFFFFC000  }
0x123: {  	[tilespmem:s13], [sflag:$0x1] =	stream.indirect.gather [hbm4b:s4+s12], $0x80, s30, s12, $0xb8;
	[tilespmem:$0x1D000] =	vst v63  }
0x124: {  	_ =	swait.ge [sflag:s16], $0x4000  }
0x125: {  	[sflag:s16] =	ssyncset.done $0x0  }
0x126: {  	[sflag:s16] =	ssyncadd.s32 $0xFFFFC000  }
0x127: {  	[spmem:s2] =	stream.indirect.scatter.add.f32 [tilespmem:s14], [sflag:$0x3], $0x80, s31, s12, $0xb8;
	[tilespmem:$0x1D000] =	vst v63  }
0x128: {  	_ =	swait.ge [sflag:s10], $0x4000  }
0x129: {  	[sflag:s10] =	ssyncset.done $0x0  }
0x12a: {  	[sflag:s10] =	ssyncadd.s32 $0xFFFFC000  }
0x12b: {  	[tilespmem:s14], [sflag:$0x2] =	stream.indirect.gather [hbm4b:s4+s12], $0x80, s1, s12, $0xb8;
	[tilespmem:$0x1D000] =	vst v63  }
0x12c: {  	_ =	swait.ge [sflag:s15], $0x4000  }
0x12d: {  	[sflag:s15] =	ssyncset.done $0x0  }
0x12e: {  	[sflag:s15] =	ssyncadd.s32 $0xFFFFC000  }
0x12f: {  	[spmem:s2] =	stream.indirect.scatter.add.f32 [tilespmem:s13], [sflag:$0x3], $0x80, s0, s12, $0xb8;
	[tilespmem:$0x1D000] =	vst v63  }
0x130: {  	_ =	swait.ge [sflag:s10], $0x4000  }
0x131: {  	[sflag:s10] =	ssyncset.done $0x0  }
0x132: {  	[sflag:s10] =	ssyncadd.s32 $0xFFFFC000  }
0x133: {  	p0 =	sne.s32 s6, $0x400;
	_ =	swait.ge [sflag:s16], $0x4000  }
.Ltmp0:
0x134: {  	[sflag:s16] =	ssyncset.done $0x0;
	(pc) =	sbr.rel @p0 .LBB2_2-.Ltmp0, $4  }
0x135: {  	[sflag:s16] =	ssyncadd.s32 $0xFFFFC000  }
0x136: {  	[spmem:s2] =	stream.indirect.scatter.add.f32 [tilespmem:s14], [sflag:$0x3], $0x80, s5, s12, $0xb8;
	[tilespmem:$0x1D000] =	vst v63  }
0x137: {  	s7 =	smov.u32 s6;
	s6 =	sadd.s32 $0x100, s6;
	_ =	swait.ge [sflag:s10], $0x4000  }
0x138: {  	s8 =	smov.u32 s7;
	s9 =	rddreg [dreg:$0x4];
	[sflag:s10] =	ssyncset.done $0x0  }
0x139: {  	[sflag:s10] =	ssyncadd.s32 $0xFFFFC000;
	s6 =	sadd.s32 s8, s9  }
0x13a: {  	[tilespmem:s3], [sflag:$0x3] =	stream.linear.gather [hbm4b:s6+s3], $0x800, $0x38;
	[tilespmem:$0x1D000] =	vst v63  }
0x13b: {  	_ =	swait.ge [sflag:s10], $0x800  }
0x13c: {  	s7 =	rddreg [dreg:$0x3];
	[sflag:s10] =	ssyncset.done $0x0  }
0x13d: {  	s6 =	sadd.s32 s8, s7;
	[sflag:s10] =	ssyncadd.s32 $0xFFFFF800  }
0x13e: {  	[tilespmem:s11], [sflag:$0x3] =	stream.linear.gather [hbm4b:s6+s3], $0x800, $0x38;
	[tilespmem:$0x1D000] =	vst v63  }
0x13f: {  	_ =	swait.ge [sflag:s10], $0x800  }
0x140: {  	[sflag:s10] =	ssyncset.done $0x0  }
0x141: {  	[sflag:s10] =	ssyncadd.s32 $0xFFFFF800  }
0x142: {  	[tilespmem:s13], [sflag:$0x1] =	stream.indirect.gather [hbm4b:s4+s12], $0x80, s3, s12, $0xb8;
	[tilespmem:$0x1D000] =	vst v63  }
0x143: {  	_ = 	snop  }
0x144: {  	[tilespmem:s14], [sflag:$0x2] =	stream.indirect.gather [hbm4b:s4+s12], $0x80, s12, s12, $0xb8;
	[tilespmem:$0x1D000] =	vst v63  }
0x145: {  	_ =	swait.ge [sflag:s15], $0x4000  }
0x146: {  	[sflag:s15] =	ssyncset.done $0x0  }
0x147: {  	[sflag:s15] =	ssyncadd.s32 $0xFFFFC000  }
0x148: {  	[spmem:s2] =	stream.indirect.scatter.add.f32 [tilespmem:s13], [sflag:$0x3], $0x80, s11, s12, $0xb8;
	[tilespmem:$0x1D000] =	vst v63  }
0x149: {  	_ =	swait.ge [sflag:s10], $0x4000  }
0x14a: {  	[sflag:s10] =	ssyncset.done $0x0  }
0x14b: {  	s9 =	rddreg [dreg:$0x5];
	[sflag:s10] =	ssyncadd.s32 $0xFFFFC000  }
0x14c: {  	[tilespmem:s13], [sflag:$0x1] =	stream.indirect.gather [hbm4b:s4+s12], $0x80, s9, s12, $0xb8;
	[tilespmem:$0x1D000] =	vst v63  }
0x14d: {  	_ =	swait.ge [sflag:s16], $0x4000  }
0x14e: {  	[sflag:s16] =	ssyncset.done $0x0  }
0x14f: {  	s7 =	rddreg [dreg:$0x6];
	[sflag:s16] =	ssyncadd.s32 $0xFFFFC000  }
0x150: {  	[spmem:s2] =	stream.indirect.scatter.add.f32 [tilespmem:s14], [sflag:$0x3], $0x80, s7, s12, $0xb8;
	[tilespmem:$0x1D000] =	vst v63  }
0x151: {  	_ =	swait.ge [sflag:s10], $0x4000  }
0x152: {  	[sflag:s10] =	ssyncset.done $0x0  }
0x153: {  	s8 =	rddreg [dreg:$0x7];
	[sflag:s10] =	ssyncadd.s32 $0xFFFFC000  }
0x154: {  	[tilespmem:s14], [sflag:$0x2] =	stream.indirect.gather [hbm4b:s4+s12], $0x80, s8, s12, $0xb8;
	[tilespmem:$0x1D000] =	vst v63  }
0x155: {  	_ =	swait.ge [sflag:s15], $0x4000  }
0x156: {  	[sflag:s15] =	ssyncset.done $0x0  }
0x157: {  	s9 =	rddreg [dreg:$0x8];
	[sflag:s15] =	ssyncadd.s32 $0xFFFFC000  }
0x158: {  	[spmem:s2] =	stream.indirect.scatter.add.f32 [tilespmem:s13], [sflag:$0x3], $0x80, s9, s12, $0xb8;
	[tilespmem:$0x1D000] =	vst v63  }
0x159: {  	_ =	swait.ge [sflag:s10], $0x4000  }
0x15a: {  	[sflag:s10] =	ssyncset.done $0x0  }
0x15b: {  	s7 =	rddreg [dreg:$0x9];
	[sflag:s10] =	ssyncadd.s32 $0xFFFFC000  }
0x15c: {  	[tilespmem:s13], [sflag:$0x1] =	stream.indirect.gather [hbm4b:s4+s12], $0x80, s7, s12, $0xb8;
	[tilespmem:$0x1D000] =	vst v63  }
0x15d: {  	_ =	swait.ge [sflag:s16], $0x4000  }
0x15e: {  	[sflag:s16] =	ssyncset.done $0x0  }
0x15f: {  	s8 =	rddreg [dreg:$0xa];
	[sflag:s16] =	ssyncadd.s32 $0xFFFFC000  }
0x160: {  	[spmem:s2] =	stream.indirect.scatter.add.f32 [tilespmem:s14], [sflag:$0x3], $0x80, s8, s12, $0xb8;
	[tilespmem:$0x1D000] =	vst v63  }
0x161: {  	_ =	swait.ge [sflag:s10], $0x4000  }
0x162: {  	[sflag:s10] =	ssyncset.done $0x0  }
0x163: {  	s9 =	rddreg [dreg:$0xb];
	[sflag:s10] =	ssyncadd.s32 $0xFFFFC000  }
0x164: {  	[tilespmem:s14], [sflag:$0x2] =	stream.indirect.gather [hbm4b:s4+s12], $0x80, s9, s12, $0xb8;
	[tilespmem:$0x1D000] =	vst v63  }
0x165: {  	_ =	swait.ge [sflag:s15], $0x4000  }
0x166: {  	[sflag:s15] =	ssyncset.done $0x0  }
0x167: {  	s7 =	rddreg [dreg:$0xc];
	[sflag:s15] =	ssyncadd.s32 $0xFFFFC000  }
0x168: {  	[spmem:s2] =	stream.indirect.scatter.add.f32 [tilespmem:s13], [sflag:$0x3], $0x80, s7, s12, $0xb8;
	[tilespmem:$0x1D000] =	vst v63  }
0x169: {  	_ =	swait.ge [sflag:s10], $0x4000  }
0x16a: {  	[sflag:s10] =	ssyncset.done $0x0  }
0x16b: {  	s8 =	rddreg [dreg:$0xd];
	[sflag:s10] =	ssyncadd.s32 $0xFFFFC000  }
0x16c: {  	[tilespmem:s13], [sflag:$0x1] =	stream.indirect.gather [hbm4b:s4+s12], $0x80, s8, s12, $0xb8;
	[tilespmem:$0x1D000] =	vst v63  }
0x16d: {  	_ =	swait.ge [sflag:s16], $0x4000  }
0x16e: {  	[sflag:s16] =	ssyncset.done $0x0  }
0x16f: {  	s9 =	rddreg [dreg:$0xe];
	[sflag:s16] =	ssyncadd.s32 $0xFFFFC000  }
0x170: {  	[spmem:s2] =	stream.indirect.scatter.add.f32 [tilespmem:s14], [sflag:$0x3], $0x80, s9, s12, $0xb8;
	[tilespmem:$0x1D000] =	vst v63  }
0x171: {  	_ =	swait.ge [sflag:s10], $0x4000  }
0x172: {  	[sflag:s10] =	ssyncset.done $0x0  }
0x173: {  	s7 =	rddreg [dreg:$0xf];
	[sflag:s10] =	ssyncadd.s32 $0xFFFFC000  }
0x174: {  	[tilespmem:s14], [sflag:$0x2] =	stream.indirect.gather [hbm4b:s4+s12], $0x80, s7, s12, $0xb8;
	[tilespmem:$0x1D000] =	vst v63  }
0x175: {  	_ =	swait.ge [sflag:s15], $0x4000  }
0x176: {  	[sflag:s15] =	ssyncset.done $0x0  }
0x177: {  	s8 =	rddreg [dreg:$0x10];
	[sflag:s15] =	ssyncadd.s32 $0xFFFFC000  }
0x178: {  	[spmem:s2] =	stream.indirect.scatter.add.f32 [tilespmem:s13], [sflag:$0x3], $0x80, s8, s12, $0xb8;
	[tilespmem:$0x1D000] =	vst v63  }
0x179: {  	_ =	swait.ge [sflag:s10], $0x4000  }
0x17a: {  	[sflag:s10] =	ssyncset.done $0x0  }
0x17b: {  	[sflag:s10] =	ssyncadd.s32 $0xFFFFC000  }
0x17c: {  	[tilespmem:s13], [sflag:$0x1] =	stream.indirect.gather [hbm4b:s4+s12], $0x80, s17, s12, $0xb8;
	[tilespmem:$0x1D000] =	vst v63  }
0x17d: {  	_ =	swait.ge [sflag:s16], $0x4000  }
0x17e: {  	[sflag:s16] =	ssyncset.done $0x0  }
0x17f: {  	[sflag:s16] =	ssyncadd.s32 $0xFFFFC000  }
0x180: {  	[spmem:s2] =	stream.indirect.scatter.add.f32 [tilespmem:s14], [sflag:$0x3], $0x80, s18, s12, $0xb8;
	[tilespmem:$0x1D000] =	vst v63  }
0x181: {  	_ =	swait.ge [sflag:s10], $0x4000  }
0x182: {  	[sflag:s10] =	ssyncset.done $0x0  }
0x183: {  	[sflag:s10] =	ssyncadd.s32 $0xFFFFC000  }
0x184: {  	[tilespmem:s14], [sflag:$0x2] =	stream.indirect.gather [hbm4b:s4+s12], $0x80, s19, s12, $0xb8;
	[tilespmem:$0x1D000] =	vst v63  }
0x185: {  	_ =	swait.ge [sflag:s15], $0x4000  }
0x186: {  	[sflag:s15] =	ssyncset.done $0x0  }
0x187: {  	[sflag:s15] =	ssyncadd.s32 $0xFFFFC000  }
0x188: {  	[spmem:s2] =	stream.indirect.scatter.add.f32 [tilespmem:s13], [sflag:$0x3], $0x80, s20, s12, $0xb8;
	[tilespmem:$0x1D000] =	vst v63  }
0x189: {  	_ =	swait.ge [sflag:s10], $0x4000  }
0x18a: {  	[sflag:s10] =	ssyncset.done $0x0  }
0x18b: {  	[sflag:s10] =	ssyncadd.s32 $0xFFFFC000  }
0x18c: {  	[tilespmem:s13], [sflag:$0x1] =	stream.indirect.gather [hbm4b:s4+s12], $0x80, s21, s12, $0xb8;
	[tilespmem:$0x1D000] =	vst v63  }
0x18d: {  	_ =	swait.ge [sflag:s16], $0x4000  }
0x18e: {  	[sflag:s16] =	ssyncset.done $0x0  }
0x18f: {  	[sflag:s16] =	ssyncadd.s32 $0xFFFFC000  }
0x190: {  	[spmem:s2] =	stream.indirect.scatter.add.f32 [tilespmem:s14], [sflag:$0x3], $0x80, s22, s12, $0xb8;
	[tilespmem:$0x1D000] =	vst v63  }
0x191: {  	_ =	swait.ge [sflag:s10], $0x4000  }
0x192: {  	[sflag:s10] =	ssyncset.done $0x0  }
0x193: {  	[sflag:s10] =	ssyncadd.s32 $0xFFFFC000  }
0x194: {  	[tilespmem:s14], [sflag:$0x2] =	stream.indirect.gather [hbm4b:s4+s12], $0x80, s23, s12, $0xb8;
	[tilespmem:$0x1D000] =	vst v63  }
0x195: {  	_ =	swait.ge [sflag:s15], $0x4000  }
0x196: {  	[sflag:s15] =	ssyncset.done $0x0  }
0x197: {  	[sflag:s15] =	ssyncadd.s32 $0xFFFFC000  }
0x198: {  	[spmem:s2] =	stream.indirect.scatter.add.f32 [tilespmem:s13], [sflag:$0x3], $0x80, s24, s12, $0xb8;
	[tilespmem:$0x1D000] =	vst v63  }
0x199: {  	_ =	swait.ge [sflag:s10], $0x4000  }
0x19a: {  	[sflag:s10] =	ssyncset.done $0x0  }
0x19b: {  	[sflag:s10] =	ssyncadd.s32 $0xFFFFC000  }
0x19c: {  	[tilespmem:s13], [sflag:$0x1] =	stream.indirect.gather [hbm4b:s4+s12], $0x80, s25, s12, $0xb8;
	[tilespmem:$0x1D000] =	vst v63  }
0x19d: {  	_ =	swait.ge [sflag:s16], $0x4000  }
0x19e: {  	[sflag:s16] =	ssyncset.done $0x0  }
0x19f: {  	[sflag:s16] =	ssyncadd.s32 $0xFFFFC000  }
0x1a0: {  	[spmem:s2] =	stream.indirect.scatter.add.f32 [tilespmem:s14], [sflag:$0x3], $0x80, s26, s12, $0xb8;
	[tilespmem:$0x1D000] =	vst v63  }
0x1a1: {  	_ =	swait.ge [sflag:s10], $0x4000  }
0x1a2: {  	[sflag:s10] =	ssyncset.done $0x0  }
0x1a3: {  	[sflag:s10] =	ssyncadd.s32 $0xFFFFC000  }
0x1a4: {  	[tilespmem:s14], [sflag:$0x2] =	stream.indirect.gather [hbm4b:s4+s12], $0x80, s28, s12, $0xb8;
	[tilespmem:$0x1D000] =	vst v63  }
0x1a5: {  	_ =	swait.ge [sflag:s15], $0x4000  }
0x1a6: {  	[sflag:s15] =	ssyncset.done $0x0  }
0x1a7: {  	[sflag:s15] =	ssyncadd.s32 $0xFFFFC000  }
0x1a8: {  	[spmem:s2] =	stream.indirect.scatter.add.f32 [tilespmem:s13], [sflag:$0x3], $0x80, s29, s12, $0xb8;
	[tilespmem:$0x1D000] =	vst v63  }
0x1a9: {  	_ =	swait.ge [sflag:s10], $0x4000  }
0x1aa: {  	[sflag:s10] =	ssyncset.done $0x0  }
0x1ab: {  	[sflag:s10] =	ssyncadd.s32 $0xFFFFC000  }
0x1ac: {  	[tilespmem:s13], [sflag:$0x1] =	stream.indirect.gather [hbm4b:s4+s12], $0x80, s30, s12, $0xb8;
	[tilespmem:$0x1D000] =	vst v63  }
0x1ad: {  	_ =	swait.ge [sflag:s16], $0x4000  }
0x1ae: {  	[sflag:s16] =	ssyncset.done $0x0  }
0x1af: {  	[sflag:s16] =	ssyncadd.s32 $0xFFFFC000  }
0x1b0: {  	[spmem:s2] =	stream.indirect.scatter.add.f32 [tilespmem:s14], [sflag:$0x3], $0x80, s31, s12, $0xb8;
	[tilespmem:$0x1D000] =	vst v63  }
0x1b1: {  	_ =	swait.ge [sflag:s10], $0x4000  }
0x1b2: {  	[sflag:s10] =	ssyncset.done $0x0  }
0x1b3: {  	[sflag:s10] =	ssyncadd.s32 $0xFFFFC000  }
0x1b4: {  	[tilespmem:s14], [sflag:$0x2] =	stream.indirect.gather [hbm4b:s4+s12], $0x80, s1, s12, $0xb8;
	[tilespmem:$0x1D000] =	vst v63  }
0x1b5: {  	_ =	swait.ge [sflag:s15], $0x4000  }
0x1b6: {  	[sflag:s15] =	ssyncset.done $0x0  }
0x1b7: {  	[sflag:s15] =	ssyncadd.s32 $0xFFFFC000  }
0x1b8: {  	[spmem:s2] =	stream.indirect.scatter.add.f32 [tilespmem:s13], [sflag:$0x3], $0x80, s0, s12, $0xb8;
	[tilespmem:$0x1D000] =	vst v63  }
0x1b9: {  	_ =	swait.ge [sflag:s10], $0x4000  }
0x1ba: {  	[sflag:s10] =	ssyncset.done $0x0  }
0x1bb: {  	[sflag:s10] =	ssyncadd.s32 $0xFFFFC000  }
0x1bc: {  	_ =	swait.ge [sflag:s16], $0x4000  }
0x1bd: {  	[sflag:s16] =	ssyncset.done $0x0  }
0x1be: {  	[sflag:s16] =	ssyncadd.s32 $0xFFFFC000  }
0x1bf: {  	[spmem:s2] =	stream.indirect.scatter.add.f32 [tilespmem:s14], [sflag:$0x3], $0x80, s5, s12, $0xb8;
	[tilespmem:$0x1D000] =	vst v63  }
0x1c0: {  	_ =	swait.ge [sflag:s10], $0x4000  }
0x1c1: {  	[sflag:s10] =	ssyncset.done $0x0  }
0x1c2: {  	[sflag:s10] =	ssyncadd.s32 $0xFFFFC000  }
0x1c3: {  	[bflag:$0x0] =	sbarrier.arrive $0xFFFF  }
0x1c4: {  	s8 =	rddreg [dreg:$0x12]  }
0x1c5: {  	s9 =	rddreg [dreg:$0x13]  }
0x1c6: {  	s7 =	rddreg [dreg:$0x15]  }
0x1c7: {  	[hbm:s9], [sflag:s8] =	dma.local [spmem:s7], $0x2800  }
0x1c8: {  	_ =	swait.ge [sflag:s10], $0x2800  }
0x1c9: {  	s6 =	rddreg [dreg:$0x16]  }
0x1ca: {  	s9 =	sadd.s32 $0x1, s6;
	s6 =	rddreg [dreg:$0x14]  }
0x1cb: {  	p0 =	sne.s32 s9, s6  }
.Ltmp1:
0x1cc: {  	_ = 	snop;
	(pc) =	sbr.rel @p0 .LBB2_1-.Ltmp1, $3  }
0x1cd: {  	_ =	sdelay $0x1  }
0x1ce: {  	[sflag:s10] =	ssyncset.done $0x0  }
0x1cf: {  	[sflag:s10] =	ssyncadd.s32 $0xFFFFD800  }
0x1d0: {  	_ =	sfence.sel $0x180000  }
0x1d1: {  	[bflag:$0x0] =	sbarrier.arrive $0xFFFF  }
0x1d2: {  	_ =	strace $0x90000050  }
0x1d3: {  	s0 =	stileid.u32;
	[bflag:$0x2] =	sbarrier.arrive $0xFFFF  }
0x1d4: {  	p0 =	sne.s32 s0, $0x0;
	s0 =	rddreg [dreg:$0x2]  }
0x1d5: {  	s0 =	sadd.s32 @!p0 $0x100000, s0  }
0x1d6: {  	[sflag:s0] =	ssyncadd.tile.s32 @!p0 $0x1;
	_ =	shalt  }
.Lfunc_end2:
_tile_overlayer_lowered:
.L_overlay_start_2:
0x1d7: {  	(tag) =	ssettag $0x2  }
0x1d8: {  	s0 =	rddreg [dreg:$0x0];
	s2 =	stileid.u32  }
0x1d9: {  	s1 =	rddreg [dreg:$0x1];
	p0 =	sne.s32 s2, $0x0  }
0x1da: {  	s3 =	rddreg [dreg:$0x2];
	[bflag:$0x3] =	sbarrier.arrive $0xFFFF;
	s2 =	simm.s32 @!p0 $0x1C03  }
0x1db: {  	[timem:s3], [sflag:s2] =	dma.local @!p0 [hbm:s0], s1  }
0x1dc: {  	s0 =	simm.s32 @!p0 $0x3  }
0x1dd: {  	_ =	swait.ge @!p0 [sflag:s0], s1  }
0x1de: {  	s1 =	ssub.s32 @!p0 $0x0, s1;
	[sflag:s0] =	ssyncset.done @!p0 $0x0  }
0x1df: {  	[sflag:s0] =	ssyncadd.s32 @!p0 s1  }
0x1e0: {  	[bflag:$0x3] =	sbarrier.arrive $0xFFFF  }
0x1e1: {  	_ =	shalt  }

</sc_bundles>
